<compile_context>
chip_gen: v7x
topology: tpu7x:2x2x1
jax: 0.10.2.dev20260603
libtpu: 0.0.44.dev20260713+nightly
codegen_flags: <defaults>
</compile_context>

<pallas_src>
import jax
import jax.numpy as jnp
from jax import lax
from jax.experimental import pallas as pl
from jax.experimental.pallas import tpu as pltpu
from jax.experimental.pallas import tpu_sc as plsc

DIM = 64
NC, NS = 2, 16
NW = NC * NS
CHUNK = 128
GB = 2
PAD = CHUNK + 1


def _gather_body(bpw, NB):
    ngroups = bpw // GB
    npairs = ngroups // 2

    def body(x_hbm, w_hbm, out_hbm, idx_v, raw_a, raw_b, t_a, t_b,
             gsem_a, gsem_b, wsem_a, wsem_b):
        wid = lax.axis_index("s") * NC + lax.axis_index("c")
        b0 = wid * bpw
        pltpu.sync_copy(x_hbm.at[pl.ds(b0, bpw)], idx_v)

        def fire(raw, gsem, g):
            for j in range(GB):
                pltpu.async_copy(
                    w_hbm.at[idx_v.at[g * GB + j]],
                    raw.at[pl.ds(j * CHUNK, CHUNK)], gsem)

        def drain_gather(raw, gsem):
            pltpu.make_async_copy(
                w_hbm.at[pl.ds(0, GB * CHUNK)], raw, gsem).wait()

        iota = lax.iota(jnp.int32, 16)
        patterns = [
            ((iota + dd) >> 3) * (GB * 8) + ((iota + dd) & 7)
            for dd in range(0, DIM, 16)
        ]

        def transpose(raw, t):
            RB = 8

            def batch(q):
                out = []
                for rr in range(RB):
                    r = q * RB + rr
                    j8 = (r // CHUNK) * 8
                    l = r % CHUNK
                    for k in range(DIM // 16):
                        vec = raw[r, pl.ds(k * 16, 16)]
                        out.append((patterns[k] + j8, jnp.full((16,), l,
                                                               jnp.int32), vec))
                return out

            def flush(items):
                for rows, lanes, vec in items:
                    plsc.store_scatter(t, [rows, lanes], vec)

            def step(q, carry):
                prev = batch(2 * q)
                cur = batch(2 * q + 1)
                flush(prev)
                flush(cur)
                return carry
            lax.fori_loop(0, GB * CHUNK // (2 * RB), step, 0)

        def start_writes(t, wsem, g):
            blk = b0 + g * GB
            h = blk // NB
            tc = blk % NB
            for tr in range(8):
                pltpu.async_copy(
                    t.at[pl.ds(tr * GB * 8, GB * 8), pl.ds(0, CHUNK)],
                    out_hbm.at[pl.ds((h * 1024 + tr * NB + tc) * 8, GB * 8)],
                    wsem)

        def wait_writes(t, wsem):
            for tr in range(8):
                pltpu.make_async_copy(
                    t.at[pl.ds(tr * GB * 8, GB * 8), pl.ds(0, CHUNK)],
                    out_hbm.at[pl.ds(0, GB * 8)], wsem).wait()

        fire(raw_a, gsem_a, 0)

        def pair(p, carry):
            ga = 2 * p
            gb = 2 * p + 1
            drain_gather(raw_a, gsem_a)
            fire(raw_b, gsem_b, gb)

            @pl.when(p > 0)
            def _():
                wait_writes(t_a, wsem_a)

            transpose(raw_a, t_a)

            @pl.when(p < npairs - 1)
            def _():
                fire(raw_a, gsem_a, ga + 2)

            start_writes(t_a, wsem_a, ga)

            drain_gather(raw_b, gsem_b)

            @pl.when(p > 0)
            def _():
                wait_writes(t_b, wsem_b)

            transpose(raw_b, t_b)
            start_writes(t_b, wsem_b, gb)
            return carry

        lax.fori_loop(0, npairs, pair, 0)
        wait_writes(t_a, wsem_a)
        wait_writes(t_b, wsem_b)
    return body


def kernel(x, weight):
    B, H = x.shape
    V, D = weight.shape
    assert D == DIM and B % CHUNK == 0
    NB = B // CHUNK
    nblocks = H * NB
    assert nblocks % (NW * 2 * GB) == 0
    bpw = nblocks // NW
    xf = x.T.reshape(nblocks, CHUNK).astype(jnp.int32)
    wp = jnp.pad(weight, ((0, 0), (0, DIM)))
    mesh = plsc.VectorSubcoreMesh(
        core_axis_name="c", subcore_axis_name="s", num_cores=NC, num_subcores=NS
    )
    out = pl.kernel(
        _gather_body(bpw, NB),
        out_type=jax.ShapeDtypeStruct((nblocks * 64, CHUNK), jnp.float32),
        mesh=mesh,
        compiler_params=pltpu.CompilerParams(
            use_tc_tiling_on_sc=False, needs_layout_passes=False),
        scratch_types=[
            pltpu.VMEM((bpw, CHUNK), jnp.int32),
            pltpu.VMEM((GB * CHUNK, 2 * DIM), jnp.float32),
            pltpu.VMEM((GB * CHUNK, 2 * DIM), jnp.float32),
            pltpu.VMEM((8 * GB * 8, PAD), jnp.float32),
            pltpu.VMEM((8 * GB * 8, PAD), jnp.float32),
            pltpu.SemaphoreType.DMA,
            pltpu.SemaphoreType.DMA,
            pltpu.SemaphoreType.DMA,
            pltpu.SemaphoreType.DMA,
        ],
    )(xf, wp)
    return (out.reshape(H, 8, NB, 8, CHUNK)
               .transpose(2, 4, 0, 1, 3)
               .reshape(B, H, DIM))

# --- scband reference (transcript-rebuilt; emitter-appended) ---
"""Pipeline reference for scband-parallel-embedding-deep-seek-v3-6330781794366 (READ-ONLY COPY).

The authoritative reference and input builder live on the scoring server;
editing this copy changes nothing except your own understanding.
"""

import jax, jax.numpy as jnp
import numpy as np

VOCAB = 1000000
DIM = 64
BATCH = 16384
HIST = 50

def setup_inputs(seed: int = 0) -> dict:
    key = jax.random.key(seed)
    k_idx, k_w = jax.random.split(key)
    x = jax.random.randint(k_idx, (BATCH, HIST), 0, VOCAB, dtype=jnp.int64 if jax.config.jax_enable_x64 else jnp.int32)
    weight = jax.random.normal(k_w, (VOCAB, DIM), dtype=jnp.float32) * 0.02
    return {"x": x, "weight": weight}

def reference(x, weight):
    # model_parallel_size == 1 path: plain embedding lookup
    # F.embedding(x, weight) == weight[x]
    y = jnp.take(weight, x, axis=0)
    return y

if __name__ == "__main__":
    import jax
    _d = setup_inputs()
    print(jax.jit(kernel)(*tuple(_d.values())))

</pallas_src>

<mosaic_0001>
#map = affine_map<(d0, d1) -> (0, 0)>
module attributes {stable_mosaic.version = 14 : i64} {
  func.func @body(%arg0: i32, %arg1: i32, %arg2: memref<6400x128xi32, #tpu.memory_space<hbm>>, %arg3: memref<1000000x128xf32, #tpu.memory_space<hbm>>, %arg4: memref<409600x128xf32, #tpu.memory_space<hbm>>, %arg5: memref<200x128xi32, #tpu.memory_space<vmem>>, %arg6: memref<256x128xf32, #tpu.memory_space<vmem>>, %arg7: memref<256x128xf32, #tpu.memory_space<vmem>>, %arg8: memref<128x129xf32, #tpu.memory_space<vmem>>, %arg9: memref<128x129xf32, #tpu.memory_space<vmem>>, %arg10: memref<!tpu.dma_semaphore, #tpu.memory_space<semaphore_mem>>, %arg11: memref<!tpu.dma_semaphore, #tpu.memory_space<semaphore_mem>>, %arg12: memref<!tpu.dma_semaphore, #tpu.memory_space<semaphore_mem>>, %arg13: memref<!tpu.dma_semaphore, #tpu.memory_space<semaphore_mem>>) attributes {dimension_semantics = [#tpu.dimension_semantics<core_parallel>, #tpu.dimension_semantics<subcore_parallel>], iteration_bounds = array<i64: 2, 16>, scalar_prefetch = 0 : i64, scratch_operands = 9 : i64, tpu.core_type = #tpu.core_type<sc_vector_subcore>, window_params = [{transform_indices = #map}, {transform_indices = #map}, {transform_indices = #map}]} {
    %mul3A = arith.constant 2 : i32
    %mul3A_0 = arith.muli %arg1, %mul3A : i32
    %add3A = arith.addi %mul3A_0, %arg0 : i32
    %mul3A_1 = arith.constant 200 : i32
    %mul3A_2 = arith.muli %add3A, %mul3A_1 : i32
    "tpu.region"() ({
      %run_scoped3A = tpu.sem_alloc : memref<!tpu.dma_semaphore, #tpu.memory_space<semaphore_mem>>
      %dma_start3A_280 = arith.constant 0 : i32
      %dma_start3A_281 = tpu.memref_slice %arg2[%mul3A_2, %dma_start3A_280] : memref<6400x128xi32, #tpu.memory_space<hbm>> -> memref<200x128xi32, #tpu.memory_space<hbm>>
      %dma_start3A_282 = arith.constant 0 : i32
      %dma_start3A_283 = tpu.memref_slice %arg2[%mul3A_2, %dma_start3A_282] : memref<6400x128xi32, #tpu.memory_space<hbm>> -> memref<200x128xi32, #tpu.memory_space<hbm>>
      tpu.enqueue_dma source(%dma_start3A_283 : memref<200x128xi32, #tpu.memory_space<hbm>>) target(%arg5 : memref<200x128xi32, #tpu.memory_space<vmem>>) target_semaphore(%run_scoped3A : memref<!tpu.dma_semaphore, #tpu.memory_space<semaphore_mem>>)
      %dma_wait3A_284 = arith.constant 0 : i32
      %dma_wait3A_285 = tpu.memref_slice %arg2[%mul3A_2, %dma_wait3A_284] : memref<6400x128xi32, #tpu.memory_space<hbm>> -> memref<200x128xi32, #tpu.memory_space<hbm>>
      %dma_wait3A_286 = arith.constant 0 : i32
      %dma_wait3A_287 = tpu.memref_slice %arg2[%mul3A_2, %dma_wait3A_286] : memref<6400x128xi32, #tpu.memory_space<hbm>> -> memref<200x128xi32, #tpu.memory_space<hbm>>
      tpu.wait_dma2 semaphore(%run_scoped3A : memref<!tpu.dma_semaphore, #tpu.memory_space<semaphore_mem>>) src(%dma_wait3A_287 : memref<200x128xi32, #tpu.memory_space<hbm>>) dst(%arg5 : memref<200x128xi32, #tpu.memory_space<vmem>>)
      tpu.yield
    }) : () -> ()
    %iota3A = tpu.iota {dimensions = array<i32: 0>} : vector<16xi32>
    %add3A_3 = arith.constant 0 : i32
    %add3A_4 = vector.broadcast %add3A_3 : i32 to vector<16xi32>
    %add3A_5 = arith.addi %iota3A, %add3A_4 : vector<16xi32>
    %shift_right_arithmetic3A = arith.constant 3 : i32
    %shift_right_arithmetic3A_6 = vector.broadcast %shift_right_arithmetic3A : i32 to vector<16xi32>
    %shift_right_arithmetic3A_7 = arith.shrsi %add3A_5, %shift_right_arithmetic3A_6 : vector<16xi32>
    %mul3A_8 = arith.constant 16 : i32
    %mul3A_9 = vector.broadcast %mul3A_8 : i32 to vector<16xi32>
    %mul3A_10 = arith.muli %shift_right_arithmetic3A_7, %mul3A_9 : vector<16xi32>
    %add3A_11 = arith.constant 0 : i32
    %add3A_12 = vector.broadcast %add3A_11 : i32 to vector<16xi32>
    %add3A_13 = arith.addi %iota3A, %add3A_12 : vector<16xi32>
    %and3A = arith.constant 7 : i32
    %and3A_14 = vector.broadcast %and3A : i32 to vector<16xi32>
    %and3A_15 = arith.andi %add3A_13, %and3A_14 : vector<16xi32>
    %add3A_16 = arith.addi %mul3A_10, %and3A_15 : vector<16xi32>
    %add3A_17 = arith.constant 16 : i32
    %add3A_18 = vector.broadcast %add3A_17 : i32 to vector<16xi32>
    %add3A_19 = arith.addi %iota3A, %add3A_18 : vector<16xi32>
    %shift_right_arithmetic3A_20 = arith.constant 3 : i32
    %shift_right_arithmetic3A_21 = vector.broadcast %shift_right_arithmetic3A_20 : i32 to vector<16xi32>
    %shift_right_arithmetic3A_22 = arith.shrsi %add3A_19, %shift_right_arithmetic3A_21 : vector<16xi32>
    %mul3A_23 = arith.constant 16 : i32
    %mul3A_24 = vector.broadcast %mul3A_23 : i32 to vector<16xi32>
    %mul3A_25 = arith.muli %shift_right_arithmetic3A_22, %mul3A_24 : vector<16xi32>
    %add3A_26 = arith.constant 16 : i32
    %add3A_27 = vector.broadcast %add3A_26 : i32 to vector<16xi32>
    %add3A_28 = arith.addi %iota3A, %add3A_27 : vector<16xi32>
    %and3A_29 = arith.constant 7 : i32
    %and3A_30 = vector.broadcast %and3A_29 : i32 to vector<16xi32>
    %and3A_31 = arith.andi %add3A_28, %and3A_30 : vector<16xi32>
    %add3A_32 = arith.addi %mul3A_25, %and3A_31 : vector<16xi32>
    %add3A_33 = arith.constant 32 : i32
    %add3A_34 = vector.broadcast %add3A_33 : i32 to vector<16xi32>
    %add3A_35 = arith.addi %iota3A, %add3A_34 : vector<16xi32>
    %shift_right_arithmetic3A_36 = arith.constant 3 : i32
    %shift_right_arithmetic3A_37 = vector.broadcast %shift_right_arithmetic3A_36 : i32 to vector<16xi32>
    %shift_right_arithmetic3A_38 = arith.shrsi %add3A_35, %shift_right_arithmetic3A_37 : vector<16xi32>
    %mul3A_39 = arith.constant 16 : i32
    %mul3A_40 = vector.broadcast %mul3A_39 : i32 to vector<16xi32>
    %mul3A_41 = arith.muli %shift_right_arithmetic3A_38, %mul3A_40 : vector<16xi32>
    %add3A_42 = arith.constant 32 : i32
    %add3A_43 = vector.broadcast %add3A_42 : i32 to vector<16xi32>
    %add3A_44 = arith.addi %iota3A, %add3A_43 : vector<16xi32>
    %and3A_45 = arith.constant 7 : i32
    %and3A_46 = vector.broadcast %and3A_45 : i32 to vector<16xi32>
    %and3A_47 = arith.andi %add3A_44, %and3A_46 : vector<16xi32>
    %add3A_48 = arith.addi %mul3A_41, %and3A_47 : vector<16xi32>
    %add3A_49 = arith.constant 48 : i32
    %add3A_50 = vector.broadcast %add3A_49 : i32 to vector<16xi32>
    %add3A_51 = arith.addi %iota3A, %add3A_50 : vector<16xi32>
    %shift_right_arithmetic3A_52 = arith.constant 3 : i32
    %shift_right_arithmetic3A_53 = vector.broadcast %shift_right_arithmetic3A_52 : i32 to vector<16xi32>
    %shift_right_arithmetic3A_54 = arith.shrsi %add3A_51, %shift_right_arithmetic3A_53 : vector<16xi32>
    %mul3A_55 = arith.constant 16 : i32
    %mul3A_56 = vector.broadcast %mul3A_55 : i32 to vector<16xi32>
    %mul3A_57 = arith.muli %shift_right_arithmetic3A_54, %mul3A_56 : vector<16xi32>
    %add3A_58 = arith.constant 48 : i32
    %add3A_59 = vector.broadcast %add3A_58 : i32 to vector<16xi32>
    %add3A_60 = arith.addi %iota3A, %add3A_59 : vector<16xi32>
    %and3A_61 = arith.constant 7 : i32
    %and3A_62 = vector.broadcast %and3A_61 : i32 to vector<16xi32>
    %and3A_63 = arith.andi %add3A_60, %and3A_62 : vector<16xi32>
    %add3A_64 = arith.addi %mul3A_57, %and3A_63 : vector<16xi32>
    %dma_start3A = arith.constant 0 : i32
    %dma_start3A_65 = arith.constant 0 : i32
    %dma_start3A_66 = arith.constant 0 : i32
    %dma_start3A_67 = tpu.memref_slice %arg6[%dma_start3A_65, %dma_start3A_66] : memref<256x128xf32, #tpu.memory_space<vmem>> -> memref<128x128xf32, #tpu.memory_space<vmem>>
    %dma_start3A_68 = arith.constant 0 : i32
    %dma_start3A_69 = tpu.memref_slice %arg5[%dma_start3A, %dma_start3A_68] : memref<200x128xi32, #tpu.memory_space<vmem>> -> memref<1x128xi32, #tpu.memory_space<vmem>>
    %dma_start3A_70 = tpu.memref_squeeze %dma_start3A_69 : memref<1x128xi32, #tpu.memory_space<vmem>> -> memref<128xi32, #tpu.memory_space<vmem>>
    %dma_start3A_71 = arith.constant 0 : i32
    %dma_start3A_72 = arith.constant 0 : i32
    %dma_start3A_73 = tpu.memref_slice %arg3[%dma_start3A_71, %dma_start3A_72] : memref<1000000x128xf32, #tpu.memory_space<hbm>> -> memref<1000000x128xf32, #tpu.memory_space<hbm>>
    tpu.enqueue_indirect_dma source(%dma_start3A_73 : memref<1000000x128xf32, #tpu.memory_space<hbm>>) target(%dma_start3A_67 : memref<128x128xf32, #tpu.memory_space<vmem>>) offsets(%dma_start3A_70 : memref<128xi32, #tpu.memory_space<vmem>>) semaphore(%arg10 : memref<!tpu.dma_semaphore, #tpu.memory_space<semaphore_mem>>)
    %dma_start3A_74 = arith.constant 1 : i32
    %dma_start3A_75 = arith.constant 128 : i32
    %dma_start3A_76 = arith.constant 0 : i32
    %dma_start3A_77 = tpu.memref_slice %arg6[%dma_start3A_75, %dma_start3A_76] : memref<256x128xf32, #tpu.memory_space<vmem>> -> memref<128x128xf32, #tpu.memory_space<vmem>>
    %dma_start3A_78 = arith.constant 0 : i32
    %dma_start3A_79 = tpu.memref_slice %arg5[%dma_start3A_74, %dma_start3A_78] : memref<200x128xi32, #tpu.memory_space<vmem>> -> memref<1x128xi32, #tpu.memory_space<vmem>>
    %dma_start3A_80 = tpu.memref_squeeze %dma_start3A_79 : memref<1x128xi32, #tpu.memory_space<vmem>> -> memref<128xi32, #tpu.memory_space<vmem>>
    %dma_start3A_81 = arith.constant 0 : i32
    %dma_start3A_82 = arith.constant 0 : i32
    %dma_start3A_83 = tpu.memref_slice %arg3[%dma_start3A_81, %dma_start3A_82] : memref<1000000x128xf32, #tpu.memory_space<hbm>> -> memref<1000000x128xf32, #tpu.memory_space<hbm>>
    tpu.enqueue_indirect_dma source(%dma_start3A_83 : memref<1000000x128xf32, #tpu.memory_space<hbm>>) target(%dma_start3A_77 : memref<128x128xf32, #tpu.memory_space<vmem>>) offsets(%dma_start3A_80 : memref<128xi32, #tpu.memory_space<vmem>>) semaphore(%arg10 : memref<!tpu.dma_semaphore, #tpu.memory_space<semaphore_mem>>)
    %scan3A = arith.constant 0 : i32
    %scan3A_84 = arith.constant 0 : i32
    %scan3A_85 = arith.constant 50 : i32
    %scan3A_86 = arith.addi %scan3A_84, %scan3A_85 : i32
    %scan3A_87 = arith.constant 1 : i32
    scf.for %scan3A_280 = %scan3A_84 to %scan3A_86 step %scan3A_87  : i32 {
      %mul3A_281 = arith.constant 2 : i32
      %mul3A_282 = arith.muli %mul3A_281, %scan3A_280 : i32
      %mul3A_283 = arith.constant 2 : i32
      %mul3A_284 = arith.muli %mul3A_283, %scan3A_280 : i32
      %add3A_285 = arith.constant 1 : i32
      %add3A_286 = arith.addi %mul3A_284, %add3A_285 : i32
      %dma_wait3A_287 = arith.constant 0 : i32
      %dma_wait3A_288 = arith.constant 0 : i32
      %dma_wait3A_289 = tpu.memref_slice %arg3[%dma_wait3A_287, %dma_wait3A_288] : memref<1000000x128xf32, #tpu.memory_space<hbm>> -> memref<256x128xf32, #tpu.memory_space<hbm>>
      %dma_wait3A_290 = arith.constant 0 : i32
      %dma_wait3A_291 = arith.constant 0 : i32
      %dma_wait3A_292 = tpu.memref_slice %arg3[%dma_wait3A_290, %dma_wait3A_291] : memref<1000000x128xf32, #tpu.memory_space<hbm>> -> memref<256x128xf32, #tpu.memory_space<hbm>>
      tpu.wait_dma2 semaphore(%arg10 : memref<!tpu.dma_semaphore, #tpu.memory_space<semaphore_mem>>) src(%dma_wait3A_292 : memref<256x128xf32, #tpu.memory_space<hbm>>) dst(%arg6 : memref<256x128xf32, #tpu.memory_space<vmem>>)
      %mul3A_293 = arith.constant 2 : i32
      %mul3A_294 = arith.muli %add3A_286, %mul3A_293 : i32
      %add3A_295 = arith.constant 0 : i32
      %add3A_296 = arith.addi %mul3A_294, %add3A_295 : i32
      %dma_start3A_297 = arith.constant 0 : i32
      %dma_start3A_298 = arith.constant 0 : i32
      %dma_start3A_299 = tpu.memref_slice %arg7[%dma_start3A_297, %dma_start3A_298] : memref<256x128xf32, #tpu.memory_space<vmem>> -> memref<128x128xf32, #tpu.memory_space<vmem>>
      %dma_start3A_300 = arith.constant 0 : i32
      %dma_start3A_301 = tpu.memref_slice %arg5[%add3A_296, %dma_start3A_300] : memref<200x128xi32, #tpu.memory_space<vmem>> -> memref<1x128xi32, #tpu.memory_space<vmem>>
      %dma_start3A_302 = tpu.memref_squeeze %dma_start3A_301 : memref<1x128xi32, #tpu.memory_space<vmem>> -> memref<128xi32, #tpu.memory_space<vmem>>
      %dma_start3A_303 = arith.constant 0 : i32
      %dma_start3A_304 = arith.constant 0 : i32
      %dma_start3A_305 = tpu.memref_slice %arg3[%dma_start3A_303, %dma_start3A_304] : memref<1000000x128xf32, #tpu.memory_space<hbm>> -> memref<1000000x128xf32, #tpu.memory_space<hbm>>
      tpu.enqueue_indirect_dma source(%dma_start3A_305 : memref<1000000x128xf32, #tpu.memory_space<hbm>>) target(%dma_start3A_299 : memref<128x128xf32, #tpu.memory_space<vmem>>) offsets(%dma_start3A_302 : memref<128xi32, #tpu.memory_space<vmem>>) semaphore(%arg11 : memref<!tpu.dma_semaphore, #tpu.memory_space<semaphore_mem>>)
      %mul3A_306 = arith.constant 2 : i32
      %mul3A_307 = arith.muli %add3A_286, %mul3A_306 : i32
      %add3A_308 = arith.constant 1 : i32
      %add3A_309 = arith.addi %mul3A_307, %add3A_308 : i32
      %dma_start3A_310 = arith.constant 128 : i32
      %dma_start3A_311 = arith.constant 0 : i32
      %dma_start3A_312 = tpu.memref_slice %arg7[%dma_start3A_310, %dma_start3A_311] : memref<256x128xf32, #tpu.memory_space<vmem>> -> memref<128x128xf32, #tpu.memory_space<vmem>>
      %dma_start3A_313 = arith.constant 0 : i32
      %dma_start3A_314 = tpu.memref_slice %arg5[%add3A_309, %dma_start3A_313] : memref<200x128xi32, #tpu.memory_space<vmem>> -> memref<1x128xi32, #tpu.memory_space<vmem>>
      %dma_start3A_315 = tpu.memref_squeeze %dma_start3A_314 : memref<1x128xi32, #tpu.memory_space<vmem>> -> memref<128xi32, #tpu.memory_space<vmem>>
      %dma_start3A_316 = arith.constant 0 : i32
      %dma_start3A_317 = arith.constant 0 : i32
      %dma_start3A_318 = tpu.memref_slice %arg3[%dma_start3A_316, %dma_start3A_317] : memref<1000000x128xf32, #tpu.memory_space<hbm>> -> memref<1000000x128xf32, #tpu.memory_space<hbm>>
      tpu.enqueue_indirect_dma source(%dma_start3A_318 : memref<1000000x128xf32, #tpu.memory_space<hbm>>) target(%dma_start3A_312 : memref<128x128xf32, #tpu.memory_space<vmem>>) offsets(%dma_start3A_315 : memref<128xi32, #tpu.memory_space<vmem>>) semaphore(%arg11 : memref<!tpu.dma_semaphore, #tpu.memory_space<semaphore_mem>>)
      %gt3A = arith.constant 0 : i32
      %gt3A_319 = arith.cmpi sgt, %scan3A_280, %gt3A : i32
      %convert_element_type3A = arith.extui %gt3A_319 : i1 to i32
      %cond3A = arith.constant 0 : i32
      %cond3A_320 = arith.cmpi ne, %convert_element_type3A, %cond3A : i32
      scf.if %cond3A_320 {
        %dma_wait3A_698 = arith.constant 0 : i32
        %dma_wait3A_699 = arith.constant 0 : i32
        %dma_wait3A_700 = tpu.memref_slice %arg8[%dma_wait3A_698, %dma_wait3A_699] : memref<128x129xf32, #tpu.memory_space<vmem>> -> memref<16x128xf32, #tpu.memory_space<vmem>>
        %dma_wait3A_701 = arith.constant 0 : i32
        %dma_wait3A_702 = arith.constant 0 : i32
        %dma_wait3A_703 = tpu.memref_slice %arg4[%dma_wait3A_701, %dma_wait3A_702] : memref<409600x128xf32, #tpu.memory_space<hbm>> -> memref<16x128xf32, #tpu.memory_space<hbm>>
        %dma_wait3A_704 = arith.constant 0 : i32
        %dma_wait3A_705 = arith.constant 0 : i32
        %dma_wait3A_706 = tpu.memref_slice %arg4[%dma_wait3A_704, %dma_wait3A_705] : memref<409600x128xf32, #tpu.memory_space<hbm>> -> memref<16x128xf32, #tpu.memory_space<hbm>>
        %dma_wait3A_707 = arith.constant 0 : i32
        %dma_wait3A_708 = arith.constant 0 : i32
        %dma_wait3A_709 = tpu.memref_slice %arg8[%dma_wait3A_707, %dma_wait3A_708] : memref<128x129xf32, #tpu.memory_space<vmem>> -> memref<16x128xf32, #tpu.memory_space<vmem>>
        tpu.wait_dma2 semaphore(%arg12 : memref<!tpu.dma_semaphore, #tpu.memory_space<semaphore_mem>>) src(%dma_wait3A_709 : memref<16x128xf32, #tpu.memory_space<vmem>>) dst(%dma_wait3A_706 : memref<16x128xf32, #tpu.memory_space<hbm>>)
        %dma_wait3A_710 = arith.constant 16 : i32
        %dma_wait3A_711 = arith.constant 0 : i32
        %dma_wait3A_712 = tpu.memref_slice %arg8[%dma_wait3A_710, %dma_wait3A_711] : memref<128x129xf32, #tpu.memory_space<vmem>> -> memref<16x128xf32, #tpu.memory_space<vmem>>
        %dma_wait3A_713 = arith.constant 0 : i32
        %dma_wait3A_714 = arith.constant 0 : i32
        %dma_wait3A_715 = tpu.memref_slice %arg4[%dma_wait3A_713, %dma_wait3A_714] : memref<409600x128xf32, #tpu.memory_space<hbm>> -> memref<16x128xf32, #tpu.memory_space<hbm>>
        %dma_wait3A_716 = arith.constant 0 : i32
        %dma_wait3A_717 = arith.constant 0 : i32
        %dma_wait3A_718 = tpu.memref_slice %arg4[%dma_wait3A_716, %dma_wait3A_717] : memref<409600x128xf32, #tpu.memory_space<hbm>> -> memref<16x128xf32, #tpu.memory_space<hbm>>
        %dma_wait3A_719 = arith.constant 16 : i32
        %dma_wait3A_720 = arith.constant 0 : i32
        %dma_wait3A_721 = tpu.memref_slice %arg8[%dma_wait3A_719, %dma_wait3A_720] : memref<128x129xf32, #tpu.memory_space<vmem>> -> memref<16x128xf32, #tpu.memory_space<vmem>>
        tpu.wait_dma2 semaphore(%arg12 : memref<!tpu.dma_semaphore, #tpu.memory_space<semaphore_mem>>) src(%dma_wait3A_721 : memref<16x128xf32, #tpu.memory_space<vmem>>) dst(%dma_wait3A_718 : memref<16x128xf32, #tpu.memory_space<hbm>>)
        %dma_wait3A_722 = arith.constant 32 : i32
        %dma_wait3A_723 = arith.constant 0 : i32
        %dma_wait3A_724 = tpu.memref_slice %arg8[%dma_wait3A_722, %dma_wait3A_723] : memref<128x129xf32, #tpu.memory_space<vmem>> -> memref<16x128xf32, #tpu.memory_space<vmem>>
        %dma_wait3A_725 = arith.constant 0 : i32
        %dma_wait3A_726 = arith.constant 0 : i32
        %dma_wait3A_727 = tpu.memref_slice %arg4[%dma_wait3A_725, %dma_wait3A_726] : memref<409600x128xf32, #tpu.memory_space<hbm>> -> memref<16x128xf32, #tpu.memory_space<hbm>>
        %dma_wait3A_728 = arith.constant 0 : i32
        %dma_wait3A_729 = arith.constant 0 : i32
        %dma_wait3A_730 = tpu.memref_slice %arg4[%dma_wait3A_728, %dma_wait3A_729] : memref<409600x128xf32, #tpu.memory_space<hbm>> -> memref<16x128xf32, #tpu.memory_space<hbm>>
        %dma_wait3A_731 = arith.constant 32 : i32
        %dma_wait3A_732 = arith.constant 0 : i32
        %dma_wait3A_733 = tpu.memref_slice %arg8[%dma_wait3A_731, %dma_wait3A_732] : memref<128x129xf32, #tpu.memory_space<vmem>> -> memref<16x128xf32, #tpu.memory_space<vmem>>
        tpu.wait_dma2 semaphore(%arg12 : memref<!tpu.dma_semaphore, #tpu.memory_space<semaphore_mem>>) src(%dma_wait3A_733 : memref<16x128xf32, #tpu.memory_space<vmem>>) dst(%dma_wait3A_730 : memref<16x128xf32, #tpu.memory_space<hbm>>)
        %dma_wait3A_734 = arith.constant 48 : i32
        %dma_wait3A_735 = arith.constant 0 : i32
        %dma_wait3A_736 = tpu.memref_slice %arg8[%dma_wait3A_734, %dma_wait3A_735] : memref<128x129xf32, #tpu.memory_space<vmem>> -> memref<16x128xf32, #tpu.memory_space<vmem>>
        %dma_wait3A_737 = arith.constant 0 : i32
        %dma_wait3A_738 = arith.constant 0 : i32
        %dma_wait3A_739 = tpu.memref_slice %arg4[%dma_wait3A_737, %dma_wait3A_738] : memref<409600x128xf32, #tpu.memory_space<hbm>> -> memref<16x128xf32, #tpu.memory_space<hbm>>
        %dma_wait3A_740 = arith.constant 0 : i32
        %dma_wait3A_741 = arith.constant 0 : i32
        %dma_wait3A_742 = tpu.memref_slice %arg4[%dma_wait3A_740, %dma_wait3A_741] : memref<409600x128xf32, #tpu.memory_space<hbm>> -> memref<16x128xf32, #tpu.memory_space<hbm>>
        %dma_wait3A_743 = arith.constant 48 : i32
        %dma_wait3A_744 = arith.constant 0 : i32
        %dma_wait3A_745 = tpu.memref_slice %arg8[%dma_wait3A_743, %dma_wait3A_744] : memref<128x129xf32, #tpu.memory_space<vmem>> -> memref<16x128xf32, #tpu.memory_space<vmem>>
        tpu.wait_dma2 semaphore(%arg12 : memref<!tpu.dma_semaphore, #tpu.memory_space<semaphore_mem>>) src(%dma_wait3A_745 : memref<16x128xf32, #tpu.memory_space<vmem>>) dst(%dma_wait3A_742 : memref<16x128xf32, #tpu.memory_space<hbm>>)
        %dma_wait3A_746 = arith.constant 64 : i32
        %dma_wait3A_747 = arith.constant 0 : i32
        %dma_wait3A_748 = tpu.memref_slice %arg8[%dma_wait3A_746, %dma_wait3A_747] : memref<128x129xf32, #tpu.memory_space<vmem>> -> memref<16x128xf32, #tpu.memory_space<vmem>>
        %dma_wait3A_749 = arith.constant 0 : i32
        %dma_wait3A_750 = arith.constant 0 : i32
        %dma_wait3A_751 = tpu.memref_slice %arg4[%dma_wait3A_749, %dma_wait3A_750] : memref<409600x128xf32, #tpu.memory_space<hbm>> -> memref<16x128xf32, #tpu.memory_space<hbm>>
        %dma_wait3A_752 = arith.constant 0 : i32
        %dma_wait3A_753 = arith.constant 0 : i32
        %dma_wait3A_754 = tpu.memref_slice %arg4[%dma_wait3A_752, %dma_wait3A_753] : memref<409600x128xf32, #tpu.memory_space<hbm>> -> memref<16x128xf32, #tpu.memory_space<hbm>>
        %dma_wait3A_755 = arith.constant 64 : i32
        %dma_wait3A_756 = arith.constant 0 : i32
        %dma_wait3A_757 = tpu.memref_slice %arg8[%dma_wait3A_755, %dma_wait3A_756] : memref<128x129xf32, #tpu.memory_space<vmem>> -> memref<16x128xf32, #tpu.memory_space<vmem>>
        tpu.wait_dma2 semaphore(%arg12 : memref<!tpu.dma_semaphore, #tpu.memory_space<semaphore_mem>>) src(%dma_wait3A_757 : memref<16x128xf32, #tpu.memory_space<vmem>>) dst(%dma_wait3A_754 : memref<16x128xf32, #tpu.memory_space<hbm>>)
        %dma_wait3A_758 = arith.constant 80 : i32
        %dma_wait3A_759 = arith.constant 0 : i32
        %dma_wait3A_760 = tpu.memref_slice %arg8[%dma_wait3A_758, %dma_wait3A_759] : memref<128x129xf32, #tpu.memory_space<vmem>> -> memref<16x128xf32, #tpu.memory_space<vmem>>
        %dma_wait3A_761 = arith.constant 0 : i32
        %dma_wait3A_762 = arith.constant 0 : i32
        %dma_wait3A_763 = tpu.memref_slice %arg4[%dma_wait3A_761, %dma_wait3A_762] : memref<409600x128xf32, #tpu.memory_space<hbm>> -> memref<16x128xf32, #tpu.memory_space<hbm>>
        %dma_wait3A_764 = arith.constant 0 : i32
        %dma_wait3A_765 = arith.constant 0 : i32
        %dma_wait3A_766 = tpu.memref_slice %arg4[%dma_wait3A_764, %dma_wait3A_765] : memref<409600x128xf32, #tpu.memory_space<hbm>> -> memref<16x128xf32, #tpu.memory_space<hbm>>
        %dma_wait3A_767 = arith.constant 80 : i32
        %dma_wait3A_768 = arith.constant 0 : i32
        %dma_wait3A_769 = tpu.memref_slice %arg8[%dma_wait3A_767, %dma_wait3A_768] : memref<128x129xf32, #tpu.memory_space<vmem>> -> memref<16x128xf32, #tpu.memory_space<vmem>>
        tpu.wait_dma2 semaphore(%arg12 : memref<!tpu.dma_semaphore, #tpu.memory_space<semaphore_mem>>) src(%dma_wait3A_769 : memref<16x128xf32, #tpu.memory_space<vmem>>) dst(%dma_wait3A_766 : memref<16x128xf32, #tpu.memory_space<hbm>>)
        %dma_wait3A_770 = arith.constant 96 : i32
        %dma_wait3A_771 = arith.constant 0 : i32
        %dma_wait3A_772 = tpu.memref_slice %arg8[%dma_wait3A_770, %dma_wait3A_771] : memref<128x129xf32, #tpu.memory_space<vmem>> -> memref<16x128xf32, #tpu.memory_space<vmem>>
        %dma_wait3A_773 = arith.constant 0 : i32
        %dma_wait3A_774 = arith.constant 0 : i32
        %dma_wait3A_775 = tpu.memref_slice %arg4[%dma_wait3A_773, %dma_wait3A_774] : memref<409600x128xf32, #tpu.memory_space<hbm>> -> memref<16x128xf32, #tpu.memory_space<hbm>>
        %dma_wait3A_776 = arith.constant 0 : i32
        %dma_wait3A_777 = arith.constant 0 : i32
        %dma_wait3A_778 = tpu.memref_slice %arg4[%dma_wait3A_776, %dma_wait3A_777] : memref<409600x128xf32, #tpu.memory_space<hbm>> -> memref<16x128xf32, #tpu.memory_space<hbm>>
        %dma_wait3A_779 = arith.constant 96 : i32
        %dma_wait3A_780 = arith.constant 0 : i32
        %dma_wait3A_781 = tpu.memref_slice %arg8[%dma_wait3A_779, %dma_wait3A_780] : memref<128x129xf32, #tpu.memory_space<vmem>> -> memref<16x128xf32, #tpu.memory_space<vmem>>
        tpu.wait_dma2 semaphore(%arg12 : memref<!tpu.dma_semaphore, #tpu.memory_space<semaphore_mem>>) src(%dma_wait3A_781 : memref<16x128xf32, #tpu.memory_space<vmem>>) dst(%dma_wait3A_778 : memref<16x128xf32, #tpu.memory_space<hbm>>)
        %dma_wait3A_782 = arith.constant 112 : i32
        %dma_wait3A_783 = arith.constant 0 : i32
        %dma_wait3A_784 = tpu.memref_slice %arg8[%dma_wait3A_782, %dma_wait3A_783] : memref<128x129xf32, #tpu.memory_space<vmem>> -> memref<16x128xf32, #tpu.memory_space<vmem>>
        %dma_wait3A_785 = arith.constant 0 : i32
        %dma_wait3A_786 = arith.constant 0 : i32
        %dma_wait3A_787 = tpu.memref_slice %arg4[%dma_wait3A_785, %dma_wait3A_786] : memref<409600x128xf32, #tpu.memory_space<hbm>> -> memref<16x128xf32, #tpu.memory_space<hbm>>
        %dma_wait3A_788 = arith.constant 0 : i32
        %dma_wait3A_789 = arith.constant 0 : i32
        %dma_wait3A_790 = tpu.memref_slice %arg4[%dma_wait3A_788, %dma_wait3A_789] : memref<409600x128xf32, #tpu.memory_space<hbm>> -> memref<16x128xf32, #tpu.memory_space<hbm>>
        %dma_wait3A_791 = arith.constant 112 : i32
        %dma_wait3A_792 = arith.constant 0 : i32
        %dma_wait3A_793 = tpu.memref_slice %arg8[%dma_wait3A_791, %dma_wait3A_792] : memref<128x129xf32, #tpu.memory_space<vmem>> -> memref<16x128xf32, #tpu.memory_space<vmem>>
        tpu.wait_dma2 semaphore(%arg12 : memref<!tpu.dma_semaphore, #tpu.memory_space<semaphore_mem>>) src(%dma_wait3A_793 : memref<16x128xf32, #tpu.memory_space<vmem>>) dst(%dma_wait3A_790 : memref<16x128xf32, #tpu.memory_space<hbm>>)
      } else {
      }
      %scan3A_321 = arith.constant 0 : i32
      %scan3A_322 = arith.constant 0 : i32
      %scan3A_323 = arith.constant 16 : i32
      %scan3A_324 = arith.addi %scan3A_322, %scan3A_323 : i32
      %scan3A_325 = arith.constant 1 : i32
      scf.for %scan3A_698 = %scan3A_322 to %scan3A_324 step %scan3A_325  : i32 {
        %mul3A_699 = arith.constant 2 : i32
        %mul3A_700 = arith.muli %mul3A_699, %scan3A_698 : i32
        %mul3A_701 = arith.constant 8 : i32
        %mul3A_702 = arith.muli %mul3A_700, %mul3A_701 : i32
        %add3A_703 = arith.constant 0 : i32
        %add3A_704 = arith.addi %mul3A_702, %add3A_703 : i32
        %jit3A_705 = arith.constant 128 : i32
        %div3A_706 = arith.divsi %add3A_704, %jit3A_705 : i32
        %sign3A_707 = arith.constant 0 : i32
        %sign3A_708 = arith.cmpi sgt, %add3A_704, %sign3A_707 : i32
        %sign3A_709 = arith.extui %sign3A_708 : i1 to i32
        %sign3A_710 = arith.constant 0 : i32
        %sign3A_711 = arith.cmpi slt, %add3A_704, %sign3A_710 : i32
        %sign3A_712 = arith.extui %sign3A_711 : i1 to i32
        %sign3A_713 = arith.subi %sign3A_709, %sign3A_712 : i32
        %sign3A_714 = arith.constant 0 : i32
        %sign3A_715 = arith.cmpi sgt, %jit3A_705, %sign3A_714 : i32
        %sign3A_716 = arith.extui %sign3A_715 : i1 to i32
        %sign3A_717 = arith.constant 0 : i32
        %sign3A_718 = arith.cmpi slt, %jit3A_705, %sign3A_717 : i32
        %sign3A_719 = arith.extui %sign3A_718 : i1 to i32
        %sign3A_720 = arith.subi %sign3A_716, %sign3A_719 : i32
        %ne3A_721 = arith.cmpi ne, %sign3A_713, %sign3A_720 : i32
        %rem3A_722 = arith.remsi %add3A_704, %jit3A_705 : i32
        %ne3A_723 = arith.constant 0 : i32
        %ne3A_724 = arith.cmpi ne, %rem3A_722, %ne3A_723 : i32
        %and3A_725 = arith.andi %ne3A_721, %ne3A_724 : i1
        %sub3A_726 = arith.constant 1 : i32
        %sub3A_727 = arith.subi %div3A_706, %sub3A_726 : i32
        %select_n3A_728 = arith.select %and3A_725, %sub3A_727, %div3A_706 : i32
        %mul3A_729 = arith.constant 8 : i32
        %mul3A_730 = arith.muli %select_n3A_728, %mul3A_729 : i32
        %jit3A_731 = arith.constant 128 : i32
        %eq3A_732 = arith.constant 0 : i32
        %eq3A_733 = arith.cmpi eq, %jit3A_731, %eq3A_732 : i32
        %jit3A_734 = arith.constant 1 : i32
        %select_n3A_735 = arith.select %eq3A_733, %jit3A_734, %jit3A_731 : i32
        %rem3A_736 = arith.remsi %add3A_704, %select_n3A_735 : i32
        %ne3A_737 = arith.constant 0 : i32
        %ne3A_738 = arith.cmpi ne, %rem3A_736, %ne3A_737 : i32
        %lt3A_739 = arith.constant 0 : i32
        %lt3A_740 = arith.cmpi slt, %rem3A_736, %lt3A_739 : i32
        %lt3A_741 = arith.constant 0 : i32
        %lt3A_742 = arith.cmpi slt, %select_n3A_735, %lt3A_741 : i32
        %ne3A_743 = arith.xori %lt3A_740, %lt3A_742 : i1
        %and3A_744 = arith.andi %ne3A_743, %ne3A_738 : i1
        %add3A_745 = arith.addi %rem3A_736, %select_n3A_735 : i32
        %select_n3A_746 = arith.select %and3A_744, %add3A_745, %rem3A_736 : i32
        %get3A = arith.index_cast %add3A_704 : i32 to index
        %get3A_747 = arith.constant 0 : index
        %get3A_748 = tpu.vector_load %arg6[%get3A, %get3A_747] {strides = array<i32>} : memref<256x128xf32, #tpu.memory_space<vmem>>, vector<16xf32>,
        %add3A_749 = vector.broadcast %mul3A_730 : i32 to vector<16xi32>
        %add3A_750 = arith.addi %add3A_16, %add3A_749 : vector<16xi32>
        %broadcast_in_dim3A = vector.broadcast %select_n3A_746 : i32 to vector<16xi32>
        %get3A_751 = arith.index_cast %add3A_704 : i32 to index
        %get3A_752 = arith.constant 16 : index
        %get3A_753 = tpu.vector_load %arg6[%get3A_751, %get3A_752] {strides = array<i32>} : memref<256x128xf32, #tpu.memory_space<vmem>>, vector<16xf32>,
        %add3A_754 = vector.broadcast %mul3A_730 : i32 to vector<16xi32>
        %add3A_755 = arith.addi %add3A_32, %add3A_754 : vector<16xi32>
        %broadcast_in_dim3A_756 = vector.broadcast %select_n3A_746 : i32 to vector<16xi32>
        %get3A_757 = arith.index_cast %add3A_704 : i32 to index
        %get3A_758 = arith.constant 32 : index
        %get3A_759 = tpu.vector_load %arg6[%get3A_757, %get3A_758] {strides = array<i32>} : memref<256x128xf32, #tpu.memory_space<vmem>>, vector<16xf32>,
        %add3A_760 = vector.broadcast %mul3A_730 : i32 to vector<16xi32>
        %add3A_761 = arith.addi %add3A_48, %add3A_760 : vector<16xi32>
        %broadcast_in_dim3A_762 = vector.broadcast %select_n3A_746 : i32 to vector<16xi32>
        %get3A_763 = arith.index_cast %add3A_704 : i32 to index
        %get3A_764 = arith.constant 48 : index
        %get3A_765 = tpu.vector_load %arg6[%get3A_763, %get3A_764] {strides = array<i32>} : memref<256x128xf32, #tpu.memory_space<vmem>>, vector<16xf32>,
        %add3A_766 = vector.broadcast %mul3A_730 : i32 to vector<16xi32>
        %add3A_767 = arith.addi %add3A_64, %add3A_766 : vector<16xi32>
        %broadcast_in_dim3A_768 = vector.broadcast %select_n3A_746 : i32 to vector<16xi32>
        %mul3A_769 = arith.constant 8 : i32
        %mul3A_770 = arith.muli %mul3A_700, %mul3A_769 : i32
        %add3A_771 = arith.constant 1 : i32
        %add3A_772 = arith.addi %mul3A_770, %add3A_771 : i32
        %jit3A_773 = arith.constant 128 : i32
        %div3A_774 = arith.divsi %add3A_772, %jit3A_773 : i32
        %sign3A_775 = arith.constant 0 : i32
        %sign3A_776 = arith.cmpi sgt, %add3A_772, %sign3A_775 : i32
        %sign3A_777 = arith.extui %sign3A_776 : i1 to i32
        %sign3A_778 = arith.constant 0 : i32
        %sign3A_779 = arith.cmpi slt, %add3A_772, %sign3A_778 : i32
        %sign3A_780 = arith.extui %sign3A_779 : i1 to i32
        %sign3A_781 = arith.subi %sign3A_777, %sign3A_780 : i32
        %sign3A_782 = arith.constant 0 : i32
        %sign3A_783 = arith.cmpi sgt, %jit3A_773, %sign3A_782 : i32
        %sign3A_784 = arith.extui %sign3A_783 : i1 to i32
        %sign3A_785 = arith.constant 0 : i32
        %sign3A_786 = arith.cmpi slt, %jit3A_773, %sign3A_785 : i32
        %sign3A_787 = arith.extui %sign3A_786 : i1 to i32
        %sign3A_788 = arith.subi %sign3A_784, %sign3A_787 : i32
        %ne3A_789 = arith.cmpi ne, %sign3A_781, %sign3A_788 : i32
        %rem3A_790 = arith.remsi %add3A_772, %jit3A_773 : i32
        %ne3A_791 = arith.constant 0 : i32
        %ne3A_792 = arith.cmpi ne, %rem3A_790, %ne3A_791 : i32
        %and3A_793 = arith.andi %ne3A_789, %ne3A_792 : i1
        %sub3A_794 = arith.constant 1 : i32
        %sub3A_795 = arith.subi %div3A_774, %sub3A_794 : i32
        %select_n3A_796 = arith.select %and3A_793, %sub3A_795, %div3A_774 : i32
        %mul3A_797 = arith.constant 8 : i32
        %mul3A_798 = arith.muli %select_n3A_796, %mul3A_797 : i32
        %jit3A_799 = arith.constant 128 : i32
        %eq3A_800 = arith.constant 0 : i32
        %eq3A_801 = arith.cmpi eq, %jit3A_799, %eq3A_800 : i32
        %jit3A_802 = arith.constant 1 : i32
        %select_n3A_803 = arith.select %eq3A_801, %jit3A_802, %jit3A_799 : i32
        %rem3A_804 = arith.remsi %add3A_772, %select_n3A_803 : i32
        %ne3A_805 = arith.constant 0 : i32
        %ne3A_806 = arith.cmpi ne, %rem3A_804, %ne3A_805 : i32
        %lt3A_807 = arith.constant 0 : i32
        %lt3A_808 = arith.cmpi slt, %rem3A_804, %lt3A_807 : i32
        %lt3A_809 = arith.constant 0 : i32
        %lt3A_810 = arith.cmpi slt, %select_n3A_803, %lt3A_809 : i32
        %ne3A_811 = arith.xori %lt3A_808, %lt3A_810 : i1
        %and3A_812 = arith.andi %ne3A_811, %ne3A_806 : i1
        %add3A_813 = arith.addi %rem3A_804, %select_n3A_803 : i32
        %select_n3A_814 = arith.select %and3A_812, %add3A_813, %rem3A_804 : i32
        %get3A_815 = arith.index_cast %add3A_772 : i32 to index
        %get3A_816 = arith.constant 0 : index
        %get3A_817 = tpu.vector_load %arg6[%get3A_815, %get3A_816] {strides = array<i32>} : memref<256x128xf32, #tpu.memory_space<vmem>>, vector<16xf32>,
        %add3A_818 = vector.broadcast %mul3A_798 : i32 to vector<16xi32>
        %add3A_819 = arith.addi %add3A_16, %add3A_818 : vector<16xi32>
        %broadcast_in_dim3A_820 = vector.broadcast %select_n3A_814 : i32 to vector<16xi32>
        %get3A_821 = arith.index_cast %add3A_772 : i32 to index
        %get3A_822 = arith.constant 16 : index
        %get3A_823 = tpu.vector_load %arg6[%get3A_821, %get3A_822] {strides = array<i32>} : memref<256x128xf32, #tpu.memory_space<vmem>>, vector<16xf32>,
        %add3A_824 = vector.broadcast %mul3A_798 : i32 to vector<16xi32>
        %add3A_825 = arith.addi %add3A_32, %add3A_824 : vector<16xi32>
        %broadcast_in_dim3A_826 = vector.broadcast %select_n3A_814 : i32 to vector<16xi32>
        %get3A_827 = arith.index_cast %add3A_772 : i32 to index
        %get3A_828 = arith.constant 32 : index
        %get3A_829 = tpu.vector_load %arg6[%get3A_827, %get3A_828] {strides = array<i32>} : memref<256x128xf32, #tpu.memory_space<vmem>>, vector<16xf32>,
        %add3A_830 = vector.broadcast %mul3A_798 : i32 to vector<16xi32>
        %add3A_831 = arith.addi %add3A_48, %add3A_830 : vector<16xi32>
        %broadcast_in_dim3A_832 = vector.broadcast %select_n3A_814 : i32 to vector<16xi32>
        %get3A_833 = arith.index_cast %add3A_772 : i32 to index
        %get3A_834 = arith.constant 48 : index
        %get3A_835 = tpu.vector_load %arg6[%get3A_833, %get3A_834] {strides = array<i32>} : memref<256x128xf32, #tpu.memory_space<vmem>>, vector<16xf32>,
        %add3A_836 = vector.broadcast %mul3A_798 : i32 to vector<16xi32>
        %add3A_837 = arith.addi %add3A_64, %add3A_836 : vector<16xi32>
        %broadcast_in_dim3A_838 = vector.broadcast %select_n3A_814 : i32 to vector<16xi32>
        %mul3A_839 = arith.constant 8 : i32
        %mul3A_840 = arith.muli %mul3A_700, %mul3A_839 : i32
        %add3A_841 = arith.constant 2 : i32
        %add3A_842 = arith.addi %mul3A_840, %add3A_841 : i32
        %jit3A_843 = arith.constant 128 : i32
        %div3A_844 = arith.divsi %add3A_842, %jit3A_843 : i32
        %sign3A_845 = arith.constant 0 : i32
        %sign3A_846 = arith.cmpi sgt, %add3A_842, %sign3A_845 : i32
        %sign3A_847 = arith.extui %sign3A_846 : i1 to i32
        %sign3A_848 = arith.constant 0 : i32
        %sign3A_849 = arith.cmpi slt, %add3A_842, %sign3A_848 : i32
        %sign3A_850 = arith.extui %sign3A_849 : i1 to i32
        %sign3A_851 = arith.subi %sign3A_847, %sign3A_850 : i32
        %sign3A_852 = arith.constant 0 : i32
        %sign3A_853 = arith.cmpi sgt, %jit3A_843, %sign3A_852 : i32
        %sign3A_854 = arith.extui %sign3A_853 : i1 to i32
        %sign3A_855 = arith.constant 0 : i32
        %sign3A_856 = arith.cmpi slt, %jit3A_843, %sign3A_855 : i32
        %sign3A_857 = arith.extui %sign3A_856 : i1 to i32
        %sign3A_858 = arith.subi %sign3A_854, %sign3A_857 : i32
        %ne3A_859 = arith.cmpi ne, %sign3A_851, %sign3A_858 : i32
        %rem3A_860 = arith.remsi %add3A_842, %jit3A_843 : i32
        %ne3A_861 = arith.constant 0 : i32
        %ne3A_862 = arith.cmpi ne, %rem3A_860, %ne3A_861 : i32
        %and3A_863 = arith.andi %ne3A_859, %ne3A_862 : i1
        %sub3A_864 = arith.constant 1 : i32
        %sub3A_865 = arith.subi %div3A_844, %sub3A_864 : i32
        %select_n3A_866 = arith.select %and3A_863, %sub3A_865, %div3A_844 : i32
        %mul3A_867 = arith.constant 8 : i32
        %mul3A_868 = arith.muli %select_n3A_866, %mul3A_867 : i32
        %jit3A_869 = arith.constant 128 : i32
        %eq3A_870 = arith.constant 0 : i32
        %eq3A_871 = arith.cmpi eq, %jit3A_869, %eq3A_870 : i32
        %jit3A_872 = arith.constant 1 : i32
        %select_n3A_873 = arith.select %eq3A_871, %jit3A_872, %jit3A_869 : i32
        %rem3A_874 = arith.remsi %add3A_842, %select_n3A_873 : i32
        %ne3A_875 = arith.constant 0 : i32
        %ne3A_876 = arith.cmpi ne, %rem3A_874, %ne3A_875 : i32
        %lt3A_877 = arith.constant 0 : i32
        %lt3A_878 = arith.cmpi slt, %rem3A_874, %lt3A_877 : i32
        %lt3A_879 = arith.constant 0 : i32
        %lt3A_880 = arith.cmpi slt, %select_n3A_873, %lt3A_879 : i32
        %ne3A_881 = arith.xori %lt3A_878, %lt3A_880 : i1
        %and3A_882 = arith.andi %ne3A_881, %ne3A_876 : i1
        %add3A_883 = arith.addi %rem3A_874, %select_n3A_873 : i32
        %select_n3A_884 = arith.select %and3A_882, %add3A_883, %rem3A_874 : i32
        %get3A_885 = arith.index_cast %add3A_842 : i32 to index
        %get3A_886 = arith.constant 0 : index
        %get3A_887 = tpu.vector_load %arg6[%get3A_885, %get3A_886] {strides = array<i32>} : memref<256x128xf32, #tpu.memory_space<vmem>>, vector<16xf32>,
        %add3A_888 = vector.broadcast %mul3A_868 : i32 to vector<16xi32>
        %add3A_889 = arith.addi %add3A_16, %add3A_888 : vector<16xi32>
        %broadcast_in_dim3A_890 = vector.broadcast %select_n3A_884 : i32 to vector<16xi32>
        %get3A_891 = arith.index_cast %add3A_842 : i32 to index
        %get3A_892 = arith.constant 16 : index
        %get3A_893 = tpu.vector_load %arg6[%get3A_891, %get3A_892] {strides = array<i32>} : memref<256x128xf32, #tpu.memory_space<vmem>>, vector<16xf32>,
        %add3A_894 = vector.broadcast %mul3A_868 : i32 to vector<16xi32>
        %add3A_895 = arith.addi %add3A_32, %add3A_894 : vector<16xi32>
        %broadcast_in_dim3A_896 = vector.broadcast %select_n3A_884 : i32 to vector<16xi32>
        %get3A_897 = arith.index_cast %add3A_842 : i32 to index
        %get3A_898 = arith.constant 32 : index
        %get3A_899 = tpu.vector_load %arg6[%get3A_897, %get3A_898] {strides = array<i32>} : memref<256x128xf32, #tpu.memory_space<vmem>>, vector<16xf32>,
        %add3A_900 = vector.broadcast %mul3A_868 : i32 to vector<16xi32>
        %add3A_901 = arith.addi %add3A_48, %add3A_900 : vector<16xi32>
        %broadcast_in_dim3A_902 = vector.broadcast %select_n3A_884 : i32 to vector<16xi32>
        %get3A_903 = arith.index_cast %add3A_842 : i32 to index
        %get3A_904 = arith.constant 48 : index
        %get3A_905 = tpu.vector_load %arg6[%get3A_903, %get3A_904] {strides = array<i32>} : memref<256x128xf32, #tpu.memory_space<vmem>>, vector<16xf32>,
        %add3A_906 = vector.broadcast %mul3A_868 : i32 to vector<16xi32>
        %add3A_907 = arith.addi %add3A_64, %add3A_906 : vector<16xi32>
        %broadcast_in_dim3A_908 = vector.broadcast %select_n3A_884 : i32 to vector<16xi32>
        %mul3A_909 = arith.constant 8 : i32
        %mul3A_910 = arith.muli %mul3A_700, %mul3A_909 : i32
        %add3A_911 = arith.constant 3 : i32
        %add3A_912 = arith.addi %mul3A_910, %add3A_911 : i32
        %jit3A_913 = arith.constant 128 : i32
        %div3A_914 = arith.divsi %add3A_912, %jit3A_913 : i32
        %sign3A_915 = arith.constant 0 : i32
        %sign3A_916 = arith.cmpi sgt, %add3A_912, %sign3A_915 : i32
        %sign3A_917 = arith.extui %sign3A_916 : i1 to i32
        %sign3A_918 = arith.constant 0 : i32
        %sign3A_919 = arith.cmpi slt, %add3A_912, %sign3A_918 : i32
        %sign3A_920 = arith.extui %sign3A_919 : i1 to i32
        %sign3A_921 = arith.subi %sign3A_917, %sign3A_920 : i32
        %sign3A_922 = arith.constant 0 : i32
        %sign3A_923 = arith.cmpi sgt, %jit3A_913, %sign3A_922 : i32
        %sign3A_924 = arith.extui %sign3A_923 : i1 to i32
        %sign3A_925 = arith.constant 0 : i32
        %sign3A_926 = arith.cmpi slt, %jit3A_913, %sign3A_925 : i32
        %sign3A_927 = arith.extui %sign3A_926 : i1 to i32
        %sign3A_928 = arith.subi %sign3A_924, %sign3A_927 : i32
        %ne3A_929 = arith.cmpi ne, %sign3A_921, %sign3A_928 : i32
        %rem3A_930 = arith.remsi %add3A_912, %jit3A_913 : i32
        %ne3A_931 = arith.constant 0 : i32
        %ne3A_932 = arith.cmpi ne, %rem3A_930, %ne3A_931 : i32
        %and3A_933 = arith.andi %ne3A_929, %ne3A_932 : i1
        %sub3A_934 = arith.constant 1 : i32
        %sub3A_935 = arith.subi %div3A_914, %sub3A_934 : i32
        %select_n3A_936 = arith.select %and3A_933, %sub3A_935, %div3A_914 : i32
        %mul3A_937 = arith.constant 8 : i32
        %mul3A_938 = arith.muli %select_n3A_936, %mul3A_937 : i32
        %jit3A_939 = arith.constant 128 : i32
        %eq3A_940 = arith.constant 0 : i32
        %eq3A_941 = arith.cmpi eq, %jit3A_939, %eq3A_940 : i32
        %jit3A_942 = arith.constant 1 : i32
        %select_n3A_943 = arith.select %eq3A_941, %jit3A_942, %jit3A_939 : i32
        %rem3A_944 = arith.remsi %add3A_912, %select_n3A_943 : i32
        %ne3A_945 = arith.constant 0 : i32
        %ne3A_946 = arith.cmpi ne, %rem3A_944, %ne3A_945 : i32
        %lt3A_947 = arith.constant 0 : i32
        %lt3A_948 = arith.cmpi slt, %rem3A_944, %lt3A_947 : i32
        %lt3A_949 = arith.constant 0 : i32
        %lt3A_950 = arith.cmpi slt, %select_n3A_943, %lt3A_949 : i32
        %ne3A_951 = arith.xori %lt3A_948, %lt3A_950 : i1
        %and3A_952 = arith.andi %ne3A_951, %ne3A_946 : i1
        %add3A_953 = arith.addi %rem3A_944, %select_n3A_943 : i32
        %select_n3A_954 = arith.select %and3A_952, %add3A_953, %rem3A_944 : i32
        %get3A_955 = arith.index_cast %add3A_912 : i32 to index
        %get3A_956 = arith.constant 0 : index
        %get3A_957 = tpu.vector_load %arg6[%get3A_955, %get3A_956] {strides = array<i32>} : memref<256x128xf32, #tpu.memory_space<vmem>>, vector<16xf32>,
        %add3A_958 = vector.broadcast %mul3A_938 : i32 to vector<16xi32>
        %add3A_959 = arith.addi %add3A_16, %add3A_958 : vector<16xi32>
        %broadcast_in_dim3A_960 = vector.broadcast %select_n3A_954 : i32 to vector<16xi32>
        %get3A_961 = arith.index_cast %add3A_912 : i32 to index
        %get3A_962 = arith.constant 16 : index
        %get3A_963 = tpu.vector_load %arg6[%get3A_961, %get3A_962] {strides = array<i32>} : memref<256x128xf32, #tpu.memory_space<vmem>>, vector<16xf32>,
        %add3A_964 = vector.broadcast %mul3A_938 : i32 to vector<16xi32>
        %add3A_965 = arith.addi %add3A_32, %add3A_964 : vector<16xi32>
        %broadcast_in_dim3A_966 = vector.broadcast %select_n3A_954 : i32 to vector<16xi32>
        %get3A_967 = arith.index_cast %add3A_912 : i32 to index
        %get3A_968 = arith.constant 32 : index
        %get3A_969 = tpu.vector_load %arg6[%get3A_967, %get3A_968] {strides = array<i32>} : memref<256x128xf32, #tpu.memory_space<vmem>>, vector<16xf32>,
        %add3A_970 = vector.broadcast %mul3A_938 : i32 to vector<16xi32>
        %add3A_971 = arith.addi %add3A_48, %add3A_970 : vector<16xi32>
        %broadcast_in_dim3A_972 = vector.broadcast %select_n3A_954 : i32 to vector<16xi32>
        %get3A_973 = arith.index_cast %add3A_912 : i32 to index
        %get3A_974 = arith.constant 48 : index
        %get3A_975 = tpu.vector_load %arg6[%get3A_973, %get3A_974] {strides = array<i32>} : memref<256x128xf32, #tpu.memory_space<vmem>>, vector<16xf32>,
        %add3A_976 = vector.broadcast %mul3A_938 : i32 to vector<16xi32>
        %add3A_977 = arith.addi %add3A_64, %add3A_976 : vector<16xi32>
        %broadcast_in_dim3A_978 = vector.broadcast %select_n3A_954 : i32 to vector<16xi32>
        %mul3A_979 = arith.constant 8 : i32
        %mul3A_980 = arith.muli %mul3A_700, %mul3A_979 : i32
        %add3A_981 = arith.constant 4 : i32
        %add3A_982 = arith.addi %mul3A_980, %add3A_981 : i32
        %jit3A_983 = arith.constant 128 : i32
        %div3A_984 = arith.divsi %add3A_982, %jit3A_983 : i32
        %sign3A_985 = arith.constant 0 : i32
        %sign3A_986 = arith.cmpi sgt, %add3A_982, %sign3A_985 : i32
        %sign3A_987 = arith.extui %sign3A_986 : i1 to i32
        %sign3A_988 = arith.constant 0 : i32
        %sign3A_989 = arith.cmpi slt, %add3A_982, %sign3A_988 : i32
        %sign3A_990 = arith.extui %sign3A_989 : i1 to i32
        %sign3A_991 = arith.subi %sign3A_987, %sign3A_990 : i32
        %sign3A_992 = arith.constant 0 : i32
        %sign3A_993 = arith.cmpi sgt, %jit3A_983, %sign3A_992 : i32
        %sign3A_994 = arith.extui %sign3A_993 : i1 to i32
        %sign3A_995 = arith.constant 0 : i32
        %sign3A_996 = arith.cmpi slt, %jit3A_983, %sign3A_995 : i32
        %sign3A_997 = arith.extui %sign3A_996 : i1 to i32
        %sign3A_998 = arith.subi %sign3A_994, %sign3A_997 : i32
        %ne3A_999 = arith.cmpi ne, %sign3A_991, %sign3A_998 : i32
        %rem3A_1000 = arith.remsi %add3A_982, %jit3A_983 : i32
        %ne3A_1001 = arith.constant 0 : i32
        %ne3A_1002 = arith.cmpi ne, %rem3A_1000, %ne3A_1001 : i32
        %and3A_1003 = arith.andi %ne3A_999, %ne3A_1002 : i1
        %sub3A_1004 = arith.constant 1 : i32
        %sub3A_1005 = arith.subi %div3A_984, %sub3A_1004 : i32
        %select_n3A_1006 = arith.select %and3A_1003, %sub3A_1005, %div3A_984 : i32
        %mul3A_1007 = arith.constant 8 : i32
        %mul3A_1008 = arith.muli %select_n3A_1006, %mul3A_1007 : i32
        %jit3A_1009 = arith.constant 128 : i32
        %eq3A_1010 = arith.constant 0 : i32
        %eq3A_1011 = arith.cmpi eq, %jit3A_1009, %eq3A_1010 : i32
        %jit3A_1012 = arith.constant 1 : i32
        %select_n3A_1013 = arith.select %eq3A_1011, %jit3A_1012, %jit3A_1009 : i32
        %rem3A_1014 = arith.remsi %add3A_982, %select_n3A_1013 : i32
        %ne3A_1015 = arith.constant 0 : i32
        %ne3A_1016 = arith.cmpi ne, %rem3A_1014, %ne3A_1015 : i32
        %lt3A_1017 = arith.constant 0 : i32
        %lt3A_1018 = arith.cmpi slt, %rem3A_1014, %lt3A_1017 : i32
        %lt3A_1019 = arith.constant 0 : i32
        %lt3A_1020 = arith.cmpi slt, %select_n3A_1013, %lt3A_1019 : i32
        %ne3A_1021 = arith.xori %lt3A_1018, %lt3A_1020 : i1
        %and3A_1022 = arith.andi %ne3A_1021, %ne3A_1016 : i1
        %add3A_1023 = arith.addi %rem3A_1014, %select_n3A_1013 : i32
        %select_n3A_1024 = arith.select %and3A_1022, %add3A_1023, %rem3A_1014 : i32
        %get3A_1025 = arith.index_cast %add3A_982 : i32 to index
        %get3A_1026 = arith.constant 0 : index
        %get3A_1027 = tpu.vector_load %arg6[%get3A_1025, %get3A_1026] {strides = array<i32>} : memref<256x128xf32, #tpu.memory_space<vmem>>, vector<16xf32>,
        %add3A_1028 = vector.broadcast %mul3A_1008 : i32 to vector<16xi32>
        %add3A_1029 = arith.addi %add3A_16, %add3A_1028 : vector<16xi32>
        %broadcast_in_dim3A_1030 = vector.broadcast %select_n3A_1024 : i32 to vector<16xi32>
        %get3A_1031 = arith.index_cast %add3A_982 : i32 to index
        %get3A_1032 = arith.constant 16 : index
        %get3A_1033 = tpu.vector_load %arg6[%get3A_1031, %get3A_1032] {strides = array<i32>} : memref<256x128xf32, #tpu.memory_space<vmem>>, vector<16xf32>,
        %add3A_1034 = vector.broadcast %mul3A_1008 : i32 to vector<16xi32>
        %add3A_1035 = arith.addi %add3A_32, %add3A_1034 : vector<16xi32>
        %broadcast_in_dim3A_1036 = vector.broadcast %select_n3A_1024 : i32 to vector<16xi32>
        %get3A_1037 = arith.index_cast %add3A_982 : i32 to index
        %get3A_1038 = arith.constant 32 : index
        %get3A_1039 = tpu.vector_load %arg6[%get3A_1037, %get3A_1038] {strides = array<i32>} : memref<256x128xf32, #tpu.memory_space<vmem>>, vector<16xf32>,
        %add3A_1040 = vector.broadcast %mul3A_1008 : i32 to vector<16xi32>
        %add3A_1041 = arith.addi %add3A_48, %add3A_1040 : vector<16xi32>
        %broadcast_in_dim3A_1042 = vector.broadcast %select_n3A_1024 : i32 to vector<16xi32>
        %get3A_1043 = arith.index_cast %add3A_982 : i32 to index
        %get3A_1044 = arith.constant 48 : index
        %get3A_1045 = tpu.vector_load %arg6[%get3A_1043, %get3A_1044] {strides = array<i32>} : memref<256x128xf32, #tpu.memory_space<vmem>>, vector<16xf32>,
        %add3A_1046 = vector.broadcast %mul3A_1008 : i32 to vector<16xi32>
        %add3A_1047 = arith.addi %add3A_64, %add3A_1046 : vector<16xi32>
        %broadcast_in_dim3A_1048 = vector.broadcast %select_n3A_1024 : i32 to vector<16xi32>
        %mul3A_1049 = arith.constant 8 : i32
        %mul3A_1050 = arith.muli %mul3A_700, %mul3A_1049 : i32
        %add3A_1051 = arith.constant 5 : i32
        %add3A_1052 = arith.addi %mul3A_1050, %add3A_1051 : i32
        %jit3A_1053 = arith.constant 128 : i32
        %div3A_1054 = arith.divsi %add3A_1052, %jit3A_1053 : i32
        %sign3A_1055 = arith.constant 0 : i32
        %sign3A_1056 = arith.cmpi sgt, %add3A_1052, %sign3A_1055 : i32
        %sign3A_1057 = arith.extui %sign3A_1056 : i1 to i32
        %sign3A_1058 = arith.constant 0 : i32
        %sign3A_1059 = arith.cmpi slt, %add3A_1052, %sign3A_1058 : i32
        %sign3A_1060 = arith.extui %sign3A_1059 : i1 to i32
        %sign3A_1061 = arith.subi %sign3A_1057, %sign3A_1060 : i32
        %sign3A_1062 = arith.constant 0 : i32
        %sign3A_1063 = arith.cmpi sgt, %jit3A_1053, %sign3A_1062 : i32
        %sign3A_1064 = arith.extui %sign3A_1063 : i1 to i32
        %sign3A_1065 = arith.constant 0 : i32
        %sign3A_1066 = arith.cmpi slt, %jit3A_1053, %sign3A_1065 : i32
        %sign3A_1067 = arith.extui %sign3A_1066 : i1 to i32
        %sign3A_1068 = arith.subi %sign3A_1064, %sign3A_1067 : i32
        %ne3A_1069 = arith.cmpi ne, %sign3A_1061, %sign3A_1068 : i32
        %rem3A_1070 = arith.remsi %add3A_1052, %jit3A_1053 : i32
        %ne3A_1071 = arith.constant 0 : i32
        %ne3A_1072 = arith.cmpi ne, %rem3A_1070, %ne3A_1071 : i32
        %and3A_1073 = arith.andi %ne3A_1069, %ne3A_1072 : i1
        %sub3A_1074 = arith.constant 1 : i32
        %sub3A_1075 = arith.subi %div3A_1054, %sub3A_1074 : i32
        %select_n3A_1076 = arith.select %and3A_1073, %sub3A_1075, %div3A_1054 : i32
        %mul3A_1077 = arith.constant 8 : i32
        %mul3A_1078 = arith.muli %select_n3A_1076, %mul3A_1077 : i32
        %jit3A_1079 = arith.constant 128 : i32
        %eq3A_1080 = arith.constant 0 : i32
        %eq3A_1081 = arith.cmpi eq, %jit3A_1079, %eq3A_1080 : i32
        %jit3A_1082 = arith.constant 1 : i32
        %select_n3A_1083 = arith.select %eq3A_1081, %jit3A_1082, %jit3A_1079 : i32
        %rem3A_1084 = arith.remsi %add3A_1052, %select_n3A_1083 : i32
        %ne3A_1085 = arith.constant 0 : i32
        %ne3A_1086 = arith.cmpi ne, %rem3A_1084, %ne3A_1085 : i32
        %lt3A_1087 = arith.constant 0 : i32
        %lt3A_1088 = arith.cmpi slt, %rem3A_1084, %lt3A_1087 : i32
        %lt3A_1089 = arith.constant 0 : i32
        %lt3A_1090 = arith.cmpi slt, %select_n3A_1083, %lt3A_1089 : i32
        %ne3A_1091 = arith.xori %lt3A_1088, %lt3A_1090 : i1
        %and3A_1092 = arith.andi %ne3A_1091, %ne3A_1086 : i1
        %add3A_1093 = arith.addi %rem3A_1084, %select_n3A_1083 : i32
        %select_n3A_1094 = arith.select %and3A_1092, %add3A_1093, %rem3A_1084 : i32
        %get3A_1095 = arith.index_cast %add3A_1052 : i32 to index
        %get3A_1096 = arith.constant 0 : index
        %get3A_1097 = tpu.vector_load %arg6[%get3A_1095, %get3A_1096] {strides = array<i32>} : memref<256x128xf32, #tpu.memory_space<vmem>>, vector<16xf32>,
        %add3A_1098 = vector.broadcast %mul3A_1078 : i32 to vector<16xi32>
        %add3A_1099 = arith.addi %add3A_16, %add3A_1098 : vector<16xi32>
        %broadcast_in_dim3A_1100 = vector.broadcast %select_n3A_1094 : i32 to vector<16xi32>
        %get3A_1101 = arith.index_cast %add3A_1052 : i32 to index
        %get3A_1102 = arith.constant 16 : index
        %get3A_1103 = tpu.vector_load %arg6[%get3A_1101, %get3A_1102] {strides = array<i32>} : memref<256x128xf32, #tpu.memory_space<vmem>>, vector<16xf32>,
        %add3A_1104 = vector.broadcast %mul3A_1078 : i32 to vector<16xi32>
        %add3A_1105 = arith.addi %add3A_32, %add3A_1104 : vector<16xi32>
        %broadcast_in_dim3A_1106 = vector.broadcast %select_n3A_1094 : i32 to vector<16xi32>
        %get3A_1107 = arith.index_cast %add3A_1052 : i32 to index
        %get3A_1108 = arith.constant 32 : index
        %get3A_1109 = tpu.vector_load %arg6[%get3A_1107, %get3A_1108] {strides = array<i32>} : memref<256x128xf32, #tpu.memory_space<vmem>>, vector<16xf32>,
        %add3A_1110 = vector.broadcast %mul3A_1078 : i32 to vector<16xi32>
        %add3A_1111 = arith.addi %add3A_48, %add3A_1110 : vector<16xi32>
        %broadcast_in_dim3A_1112 = vector.broadcast %select_n3A_1094 : i32 to vector<16xi32>
        %get3A_1113 = arith.index_cast %add3A_1052 : i32 to index
        %get3A_1114 = arith.constant 48 : index
        %get3A_1115 = tpu.vector_load %arg6[%get3A_1113, %get3A_1114] {strides = array<i32>} : memref<256x128xf32, #tpu.memory_space<vmem>>, vector<16xf32>,
        %add3A_1116 = vector.broadcast %mul3A_1078 : i32 to vector<16xi32>
        %add3A_1117 = arith.addi %add3A_64, %add3A_1116 : vector<16xi32>
        %broadcast_in_dim3A_1118 = vector.broadcast %select_n3A_1094 : i32 to vector<16xi32>
        %mul3A_1119 = arith.constant 8 : i32
        %mul3A_1120 = arith.muli %mul3A_700, %mul3A_1119 : i32
        %add3A_1121 = arith.constant 6 : i32
        %add3A_1122 = arith.addi %mul3A_1120, %add3A_1121 : i32
        %jit3A_1123 = arith.constant 128 : i32
        %div3A_1124 = arith.divsi %add3A_1122, %jit3A_1123 : i32
        %sign3A_1125 = arith.constant 0 : i32
        %sign3A_1126 = arith.cmpi sgt, %add3A_1122, %sign3A_1125 : i32
        %sign3A_1127 = arith.extui %sign3A_1126 : i1 to i32
        %sign3A_1128 = arith.constant 0 : i32
        %sign3A_1129 = arith.cmpi slt, %add3A_1122, %sign3A_1128 : i32
        %sign3A_1130 = arith.extui %sign3A_1129 : i1 to i32
        %sign3A_1131 = arith.subi %sign3A_1127, %sign3A_1130 : i32
        %sign3A_1132 = arith.constant 0 : i32
        %sign3A_1133 = arith.cmpi sgt, %jit3A_1123, %sign3A_1132 : i32
        %sign3A_1134 = arith.extui %sign3A_1133 : i1 to i32
        %sign3A_1135 = arith.constant 0 : i32
        %sign3A_1136 = arith.cmpi slt, %jit3A_1123, %sign3A_1135 : i32
        %sign3A_1137 = arith.extui %sign3A_1136 : i1 to i32
        %sign3A_1138 = arith.subi %sign3A_1134, %sign3A_1137 : i32
        %ne3A_1139 = arith.cmpi ne, %sign3A_1131, %sign3A_1138 : i32
        %rem3A_1140 = arith.remsi %add3A_1122, %jit3A_1123 : i32
        %ne3A_1141 = arith.constant 0 : i32
        %ne3A_1142 = arith.cmpi ne, %rem3A_1140, %ne3A_1141 : i32
        %and3A_1143 = arith.andi %ne3A_1139, %ne3A_1142 : i1
        %sub3A_1144 = arith.constant 1 : i32
        %sub3A_1145 = arith.subi %div3A_1124, %sub3A_1144 : i32
        %select_n3A_1146 = arith.select %and3A_1143, %sub3A_1145, %div3A_1124 : i32
        %mul3A_1147 = arith.constant 8 : i32
        %mul3A_1148 = arith.muli %select_n3A_1146, %mul3A_1147 : i32
        %jit3A_1149 = arith.constant 128 : i32
        %eq3A_1150 = arith.constant 0 : i32
        %eq3A_1151 = arith.cmpi eq, %jit3A_1149, %eq3A_1150 : i32
        %jit3A_1152 = arith.constant 1 : i32
        %select_n3A_1153 = arith.select %eq3A_1151, %jit3A_1152, %jit3A_1149 : i32
        %rem3A_1154 = arith.remsi %add3A_1122, %select_n3A_1153 : i32
        %ne3A_1155 = arith.constant 0 : i32
        %ne3A_1156 = arith.cmpi ne, %rem3A_1154, %ne3A_1155 : i32
        %lt3A_1157 = arith.constant 0 : i32
        %lt3A_1158 = arith.cmpi slt, %rem3A_1154, %lt3A_1157 : i32
        %lt3A_1159 = arith.constant 0 : i32
        %lt3A_1160 = arith.cmpi slt, %select_n3A_1153, %lt3A_1159 : i32
        %ne3A_1161 = arith.xori %lt3A_1158, %lt3A_1160 : i1
        %and3A_1162 = arith.andi %ne3A_1161, %ne3A_1156 : i1
        %add3A_1163 = arith.addi %rem3A_1154, %select_n3A_1153 : i32
        %select_n3A_1164 = arith.select %and3A_1162, %add3A_1163, %rem3A_1154 : i32
        %get3A_1165 = arith.index_cast %add3A_1122 : i32 to index
        %get3A_1166 = arith.constant 0 : index
        %get3A_1167 = tpu.vector_load %arg6[%get3A_1165, %get3A_1166] {strides = array<i32>} : memref<256x128xf32, #tpu.memory_space<vmem>>, vector<16xf32>,
        %add3A_1168 = vector.broadcast %mul3A_1148 : i32 to vector<16xi32>
        %add3A_1169 = arith.addi %add3A_16, %add3A_1168 : vector<16xi32>
        %broadcast_in_dim3A_1170 = vector.broadcast %select_n3A_1164 : i32 to vector<16xi32>
        %get3A_1171 = arith.index_cast %add3A_1122 : i32 to index
        %get3A_1172 = arith.constant 16 : index
        %get3A_1173 = tpu.vector_load %arg6[%get3A_1171, %get3A_1172] {strides = array<i32>} : memref<256x128xf32, #tpu.memory_space<vmem>>, vector<16xf32>,
        %add3A_1174 = vector.broadcast %mul3A_1148 : i32 to vector<16xi32>
        %add3A_1175 = arith.addi %add3A_32, %add3A_1174 : vector<16xi32>
        %broadcast_in_dim3A_1176 = vector.broadcast %select_n3A_1164 : i32 to vector<16xi32>
        %get3A_1177 = arith.index_cast %add3A_1122 : i32 to index
        %get3A_1178 = arith.constant 32 : index
        %get3A_1179 = tpu.vector_load %arg6[%get3A_1177, %get3A_1178] {strides = array<i32>} : memref<256x128xf32, #tpu.memory_space<vmem>>, vector<16xf32>,
        %add3A_1180 = vector.broadcast %mul3A_1148 : i32 to vector<16xi32>
        %add3A_1181 = arith.addi %add3A_48, %add3A_1180 : vector<16xi32>
        %broadcast_in_dim3A_1182 = vector.broadcast %select_n3A_1164 : i32 to vector<16xi32>
        %get3A_1183 = arith.index_cast %add3A_1122 : i32 to index
        %get3A_1184 = arith.constant 48 : index
        %get3A_1185 = tpu.vector_load %arg6[%get3A_1183, %get3A_1184] {strides = array<i32>} : memref<256x128xf32, #tpu.memory_space<vmem>>, vector<16xf32>,
        %add3A_1186 = vector.broadcast %mul3A_1148 : i32 to vector<16xi32>
        %add3A_1187 = arith.addi %add3A_64, %add3A_1186 : vector<16xi32>
        %broadcast_in_dim3A_1188 = vector.broadcast %select_n3A_1164 : i32 to vector<16xi32>
        %mul3A_1189 = arith.constant 8 : i32
        %mul3A_1190 = arith.muli %mul3A_700, %mul3A_1189 : i32
        %add3A_1191 = arith.constant 7 : i32
        %add3A_1192 = arith.addi %mul3A_1190, %add3A_1191 : i32
        %jit3A_1193 = arith.constant 128 : i32
        %div3A_1194 = arith.divsi %add3A_1192, %jit3A_1193 : i32
        %sign3A_1195 = arith.constant 0 : i32
        %sign3A_1196 = arith.cmpi sgt, %add3A_1192, %sign3A_1195 : i32
        %sign3A_1197 = arith.extui %sign3A_1196 : i1 to i32
        %sign3A_1198 = arith.constant 0 : i32
        %sign3A_1199 = arith.cmpi slt, %add3A_1192, %sign3A_1198 : i32
        %sign3A_1200 = arith.extui %sign3A_1199 : i1 to i32
        %sign3A_1201 = arith.subi %sign3A_1197, %sign3A_1200 : i32
        %sign3A_1202 = arith.constant 0 : i32
        %sign3A_1203 = arith.cmpi sgt, %jit3A_1193, %sign3A_1202 : i32
        %sign3A_1204 = arith.extui %sign3A_1203 : i1 to i32
        %sign3A_1205 = arith.constant 0 : i32
        %sign3A_1206 = arith.cmpi slt, %jit3A_1193, %sign3A_1205 : i32
        %sign3A_1207 = arith.extui %sign3A_1206 : i1 to i32
        %sign3A_1208 = arith.subi %sign3A_1204, %sign3A_1207 : i32
        %ne3A_1209 = arith.cmpi ne, %sign3A_1201, %sign3A_1208 : i32
        %rem3A_1210 = arith.remsi %add3A_1192, %jit3A_1193 : i32
        %ne3A_1211 = arith.constant 0 : i32
        %ne3A_1212 = arith.cmpi ne, %rem3A_1210, %ne3A_1211 : i32
        %and3A_1213 = arith.andi %ne3A_1209, %ne3A_1212 : i1
        %sub3A_1214 = arith.constant 1 : i32
        %sub3A_1215 = arith.subi %div3A_1194, %sub3A_1214 : i32
        %select_n3A_1216 = arith.select %and3A_1213, %sub3A_1215, %div3A_1194 : i32
        %mul3A_1217 = arith.constant 8 : i32
        %mul3A_1218 = arith.muli %select_n3A_1216, %mul3A_1217 : i32
        %jit3A_1219 = arith.constant 128 : i32
        %eq3A_1220 = arith.constant 0 : i32
        %eq3A_1221 = arith.cmpi eq, %jit3A_1219, %eq3A_1220 : i32
        %jit3A_1222 = arith.constant 1 : i32
        %select_n3A_1223 = arith.select %eq3A_1221, %jit3A_1222, %jit3A_1219 : i32
        %rem3A_1224 = arith.remsi %add3A_1192, %select_n3A_1223 : i32
        %ne3A_1225 = arith.constant 0 : i32
        %ne3A_1226 = arith.cmpi ne, %rem3A_1224, %ne3A_1225 : i32
        %lt3A_1227 = arith.constant 0 : i32
        %lt3A_1228 = arith.cmpi slt, %rem3A_1224, %lt3A_1227 : i32
        %lt3A_1229 = arith.constant 0 : i32
        %lt3A_1230 = arith.cmpi slt, %select_n3A_1223, %lt3A_1229 : i32
        %ne3A_1231 = arith.xori %lt3A_1228, %lt3A_1230 : i1
        %and3A_1232 = arith.andi %ne3A_1231, %ne3A_1226 : i1
        %add3A_1233 = arith.addi %rem3A_1224, %select_n3A_1223 : i32
        %select_n3A_1234 = arith.select %and3A_1232, %add3A_1233, %rem3A_1224 : i32
        %get3A_1235 = arith.index_cast %add3A_1192 : i32 to index
        %get3A_1236 = arith.constant 0 : index
        %get3A_1237 = tpu.vector_load %arg6[%get3A_1235, %get3A_1236] {strides = array<i32>} : memref<256x128xf32, #tpu.memory_space<vmem>>, vector<16xf32>,
        %add3A_1238 = vector.broadcast %mul3A_1218 : i32 to vector<16xi32>
        %add3A_1239 = arith.addi %add3A_16, %add3A_1238 : vector<16xi32>
        %broadcast_in_dim3A_1240 = vector.broadcast %select_n3A_1234 : i32 to vector<16xi32>
        %get3A_1241 = arith.index_cast %add3A_1192 : i32 to index
        %get3A_1242 = arith.constant 16 : index
        %get3A_1243 = tpu.vector_load %arg6[%get3A_1241, %get3A_1242] {strides = array<i32>} : memref<256x128xf32, #tpu.memory_space<vmem>>, vector<16xf32>,
        %add3A_1244 = vector.broadcast %mul3A_1218 : i32 to vector<16xi32>
        %add3A_1245 = arith.addi %add3A_32, %add3A_1244 : vector<16xi32>
        %broadcast_in_dim3A_1246 = vector.broadcast %select_n3A_1234 : i32 to vector<16xi32>
        %get3A_1247 = arith.index_cast %add3A_1192 : i32 to index
        %get3A_1248 = arith.constant 32 : index
        %get3A_1249 = tpu.vector_load %arg6[%get3A_1247, %get3A_1248] {strides = array<i32>} : memref<256x128xf32, #tpu.memory_space<vmem>>, vector<16xf32>,
        %add3A_1250 = vector.broadcast %mul3A_1218 : i32 to vector<16xi32>
        %add3A_1251 = arith.addi %add3A_48, %add3A_1250 : vector<16xi32>
        %broadcast_in_dim3A_1252 = vector.broadcast %select_n3A_1234 : i32 to vector<16xi32>
        %get3A_1253 = arith.index_cast %add3A_1192 : i32 to index
        %get3A_1254 = arith.constant 48 : index
        %get3A_1255 = tpu.vector_load %arg6[%get3A_1253, %get3A_1254] {strides = array<i32>} : memref<256x128xf32, #tpu.memory_space<vmem>>, vector<16xf32>,
        %add3A_1256 = vector.broadcast %mul3A_1218 : i32 to vector<16xi32>
        %add3A_1257 = arith.addi %add3A_64, %add3A_1256 : vector<16xi32>
        %broadcast_in_dim3A_1258 = vector.broadcast %select_n3A_1234 : i32 to vector<16xi32>
        %mul3A_1259 = arith.constant 2 : i32
        %mul3A_1260 = arith.muli %mul3A_1259, %scan3A_698 : i32
        %add3A_1261 = arith.constant 1 : i32
        %add3A_1262 = arith.addi %mul3A_1260, %add3A_1261 : i32
        %mul3A_1263 = arith.constant 8 : i32
        %mul3A_1264 = arith.muli %add3A_1262, %mul3A_1263 : i32
        %add3A_1265 = arith.constant 0 : i32
        %add3A_1266 = arith.addi %mul3A_1264, %add3A_1265 : i32
        %jit3A_1267 = arith.constant 128 : i32
        %div3A_1268 = arith.divsi %add3A_1266, %jit3A_1267 : i32
        %sign3A_1269 = arith.constant 0 : i32
        %sign3A_1270 = arith.cmpi sgt, %add3A_1266, %sign3A_1269 : i32
        %sign3A_1271 = arith.extui %sign3A_1270 : i1 to i32
        %sign3A_1272 = arith.constant 0 : i32
        %sign3A_1273 = arith.cmpi slt, %add3A_1266, %sign3A_1272 : i32
        %sign3A_1274 = arith.extui %sign3A_1273 : i1 to i32
        %sign3A_1275 = arith.subi %sign3A_1271, %sign3A_1274 : i32
        %sign3A_1276 = arith.constant 0 : i32
        %sign3A_1277 = arith.cmpi sgt, %jit3A_1267, %sign3A_1276 : i32
        %sign3A_1278 = arith.extui %sign3A_1277 : i1 to i32
        %sign3A_1279 = arith.constant 0 : i32
        %sign3A_1280 = arith.cmpi slt, %jit3A_1267, %sign3A_1279 : i32
        %sign3A_1281 = arith.extui %sign3A_1280 : i1 to i32
        %sign3A_1282 = arith.subi %sign3A_1278, %sign3A_1281 : i32
        %ne3A_1283 = arith.cmpi ne, %sign3A_1275, %sign3A_1282 : i32
        %rem3A_1284 = arith.remsi %add3A_1266, %jit3A_1267 : i32
        %ne3A_1285 = arith.constant 0 : i32
        %ne3A_1286 = arith.cmpi ne, %rem3A_1284, %ne3A_1285 : i32
        %and3A_1287 = arith.andi %ne3A_1283, %ne3A_1286 : i1
        %sub3A_1288 = arith.constant 1 : i32
        %sub3A_1289 = arith.subi %div3A_1268, %sub3A_1288 : i32
        %select_n3A_1290 = arith.select %and3A_1287, %sub3A_1289, %div3A_1268 : i32
        %mul3A_1291 = arith.constant 8 : i32
        %mul3A_1292 = arith.muli %select_n3A_1290, %mul3A_1291 : i32
        %jit3A_1293 = arith.constant 128 : i32
        %eq3A_1294 = arith.constant 0 : i32
        %eq3A_1295 = arith.cmpi eq, %jit3A_1293, %eq3A_1294 : i32
        %jit3A_1296 = arith.constant 1 : i32
        %select_n3A_1297 = arith.select %eq3A_1295, %jit3A_1296, %jit3A_1293 : i32
        %rem3A_1298 = arith.remsi %add3A_1266, %select_n3A_1297 : i32
        %ne3A_1299 = arith.constant 0 : i32
        %ne3A_1300 = arith.cmpi ne, %rem3A_1298, %ne3A_1299 : i32
        %lt3A_1301 = arith.constant 0 : i32
        %lt3A_1302 = arith.cmpi slt, %rem3A_1298, %lt3A_1301 : i32
        %lt3A_1303 = arith.constant 0 : i32
        %lt3A_1304 = arith.cmpi slt, %select_n3A_1297, %lt3A_1303 : i32
        %ne3A_1305 = arith.xori %lt3A_1302, %lt3A_1304 : i1
        %and3A_1306 = arith.andi %ne3A_1305, %ne3A_1300 : i1
        %add3A_1307 = arith.addi %rem3A_1298, %select_n3A_1297 : i32
        %select_n3A_1308 = arith.select %and3A_1306, %add3A_1307, %rem3A_1298 : i32
        %get3A_1309 = arith.index_cast %add3A_1266 : i32 to index
        %get3A_1310 = arith.constant 0 : index
        %get3A_1311 = tpu.vector_load %arg6[%get3A_1309, %get3A_1310] {strides = array<i32>} : memref<256x128xf32, #tpu.memory_space<vmem>>, vector<16xf32>,
        %add3A_1312 = vector.broadcast %mul3A_1292 : i32 to vector<16xi32>
        %add3A_1313 = arith.addi %add3A_16, %add3A_1312 : vector<16xi32>
        %broadcast_in_dim3A_1314 = vector.broadcast %select_n3A_1308 : i32 to vector<16xi32>
        %get3A_1315 = arith.index_cast %add3A_1266 : i32 to index
        %get3A_1316 = arith.constant 16 : index
        %get3A_1317 = tpu.vector_load %arg6[%get3A_1315, %get3A_1316] {strides = array<i32>} : memref<256x128xf32, #tpu.memory_space<vmem>>, vector<16xf32>,
        %add3A_1318 = vector.broadcast %mul3A_1292 : i32 to vector<16xi32>
        %add3A_1319 = arith.addi %add3A_32, %add3A_1318 : vector<16xi32>
        %broadcast_in_dim3A_1320 = vector.broadcast %select_n3A_1308 : i32 to vector<16xi32>
        %get3A_1321 = arith.index_cast %add3A_1266 : i32 to index
        %get3A_1322 = arith.constant 32 : index
        %get3A_1323 = tpu.vector_load %arg6[%get3A_1321, %get3A_1322] {strides = array<i32>} : memref<256x128xf32, #tpu.memory_space<vmem>>, vector<16xf32>,
        %add3A_1324 = vector.broadcast %mul3A_1292 : i32 to vector<16xi32>
        %add3A_1325 = arith.addi %add3A_48, %add3A_1324 : vector<16xi32>
        %broadcast_in_dim3A_1326 = vector.broadcast %select_n3A_1308 : i32 to vector<16xi32>
        %get3A_1327 = arith.index_cast %add3A_1266 : i32 to index
        %get3A_1328 = arith.constant 48 : index
        %get3A_1329 = tpu.vector_load %arg6[%get3A_1327, %get3A_1328] {strides = array<i32>} : memref<256x128xf32, #tpu.memory_space<vmem>>, vector<16xf32>,
        %add3A_1330 = vector.broadcast %mul3A_1292 : i32 to vector<16xi32>
        %add3A_1331 = arith.addi %add3A_64, %add3A_1330 : vector<16xi32>
        %broadcast_in_dim3A_1332 = vector.broadcast %select_n3A_1308 : i32 to vector<16xi32>
        %mul3A_1333 = arith.constant 8 : i32
        %mul3A_1334 = arith.muli %add3A_1262, %mul3A_1333 : i32
        %add3A_1335 = arith.constant 1 : i32
        %add3A_1336 = arith.addi %mul3A_1334, %add3A_1335 : i32
        %jit3A_1337 = arith.constant 128 : i32
        %div3A_1338 = arith.divsi %add3A_1336, %jit3A_1337 : i32
        %sign3A_1339 = arith.constant 0 : i32
        %sign3A_1340 = arith.cmpi sgt, %add3A_1336, %sign3A_1339 : i32
        %sign3A_1341 = arith.extui %sign3A_1340 : i1 to i32
        %sign3A_1342 = arith.constant 0 : i32
        %sign3A_1343 = arith.cmpi slt, %add3A_1336, %sign3A_1342 : i32
        %sign3A_1344 = arith.extui %sign3A_1343 : i1 to i32
        %sign3A_1345 = arith.subi %sign3A_1341, %sign3A_1344 : i32
        %sign3A_1346 = arith.constant 0 : i32
        %sign3A_1347 = arith.cmpi sgt, %jit3A_1337, %sign3A_1346 : i32
        %sign3A_1348 = arith.extui %sign3A_1347 : i1 to i32
        %sign3A_1349 = arith.constant 0 : i32
        %sign3A_1350 = arith.cmpi slt, %jit3A_1337, %sign3A_1349 : i32
        %sign3A_1351 = arith.extui %sign3A_1350 : i1 to i32
        %sign3A_1352 = arith.subi %sign3A_1348, %sign3A_1351 : i32
        %ne3A_1353 = arith.cmpi ne, %sign3A_1345, %sign3A_1352 : i32
        %rem3A_1354 = arith.remsi %add3A_1336, %jit3A_1337 : i32
        %ne3A_1355 = arith.constant 0 : i32
        %ne3A_1356 = arith.cmpi ne, %rem3A_1354, %ne3A_1355 : i32
        %and3A_1357 = arith.andi %ne3A_1353, %ne3A_1356 : i1
        %sub3A_1358 = arith.constant 1 : i32
        %sub3A_1359 = arith.subi %div3A_1338, %sub3A_1358 : i32
        %select_n3A_1360 = arith.select %and3A_1357, %sub3A_1359, %div3A_1338 : i32
        %mul3A_1361 = arith.constant 8 : i32
        %mul3A_1362 = arith.muli %select_n3A_1360, %mul3A_1361 : i32
        %jit3A_1363 = arith.constant 128 : i32
        %eq3A_1364 = arith.constant 0 : i32
        %eq3A_1365 = arith.cmpi eq, %jit3A_1363, %eq3A_1364 : i32
        %jit3A_1366 = arith.constant 1 : i32
        %select_n3A_1367 = arith.select %eq3A_1365, %jit3A_1366, %jit3A_1363 : i32
        %rem3A_1368 = arith.remsi %add3A_1336, %select_n3A_1367 : i32
        %ne3A_1369 = arith.constant 0 : i32
        %ne3A_1370 = arith.cmpi ne, %rem3A_1368, %ne3A_1369 : i32
        %lt3A_1371 = arith.constant 0 : i32
        %lt3A_1372 = arith.cmpi slt, %rem3A_1368, %lt3A_1371 : i32
        %lt3A_1373 = arith.constant 0 : i32
        %lt3A_1374 = arith.cmpi slt, %select_n3A_1367, %lt3A_1373 : i32
        %ne3A_1375 = arith.xori %lt3A_1372, %lt3A_1374 : i1
        %and3A_1376 = arith.andi %ne3A_1375, %ne3A_1370 : i1
        %add3A_1377 = arith.addi %rem3A_1368, %select_n3A_1367 : i32
        %select_n3A_1378 = arith.select %and3A_1376, %add3A_1377, %rem3A_1368 : i32
        %get3A_1379 = arith.index_cast %add3A_1336 : i32 to index
        %get3A_1380 = arith.constant 0 : index
        %get3A_1381 = tpu.vector_load %arg6[%get3A_1379, %get3A_1380] {strides = array<i32>} : memref<256x128xf32, #tpu.memory_space<vmem>>, vector<16xf32>,
        %add3A_1382 = vector.broadcast %mul3A_1362 : i32 to vector<16xi32>
        %add3A_1383 = arith.addi %add3A_16, %add3A_1382 : vector<16xi32>
        %broadcast_in_dim3A_1384 = vector.broadcast %select_n3A_1378 : i32 to vector<16xi32>
        %get3A_1385 = arith.index_cast %add3A_1336 : i32 to index
        %get3A_1386 = arith.constant 16 : index
        %get3A_1387 = tpu.vector_load %arg6[%get3A_1385, %get3A_1386] {strides = array<i32>} : memref<256x128xf32, #tpu.memory_space<vmem>>, vector<16xf32>,
        %add3A_1388 = vector.broadcast %mul3A_1362 : i32 to vector<16xi32>
        %add3A_1389 = arith.addi %add3A_32, %add3A_1388 : vector<16xi32>
        %broadcast_in_dim3A_1390 = vector.broadcast %select_n3A_1378 : i32 to vector<16xi32>
        %get3A_1391 = arith.index_cast %add3A_1336 : i32 to index
        %get3A_1392 = arith.constant 32 : index
        %get3A_1393 = tpu.vector_load %arg6[%get3A_1391, %get3A_1392] {strides = array<i32>} : memref<256x128xf32, #tpu.memory_space<vmem>>, vector<16xf32>,
        %add3A_1394 = vector.broadcast %mul3A_1362 : i32 to vector<16xi32>
        %add3A_1395 = arith.addi %add3A_48, %add3A_1394 : vector<16xi32>
        %broadcast_in_dim3A_1396 = vector.broadcast %select_n3A_1378 : i32 to vector<16xi32>
        %get3A_1397 = arith.index_cast %add3A_1336 : i32 to index
        %get3A_1398 = arith.constant 48 : index
        %get3A_1399 = tpu.vector_load %arg6[%get3A_1397, %get3A_1398] {strides = array<i32>} : memref<256x128xf32, #tpu.memory_space<vmem>>, vector<16xf32>,
        %add3A_1400 = vector.broadcast %mul3A_1362 : i32 to vector<16xi32>
        %add3A_1401 = arith.addi %add3A_64, %add3A_1400 : vector<16xi32>
        %broadcast_in_dim3A_1402 = vector.broadcast %select_n3A_1378 : i32 to vector<16xi32>
        %mul3A_1403 = arith.constant 8 : i32
        %mul3A_1404 = arith.muli %add3A_1262, %mul3A_1403 : i32
        %add3A_1405 = arith.constant 2 : i32
        %add3A_1406 = arith.addi %mul3A_1404, %add3A_1405 : i32
        %jit3A_1407 = arith.constant 128 : i32
        %div3A_1408 = arith.divsi %add3A_1406, %jit3A_1407 : i32
        %sign3A_1409 = arith.constant 0 : i32
        %sign3A_1410 = arith.cmpi sgt, %add3A_1406, %sign3A_1409 : i32
        %sign3A_1411 = arith.extui %sign3A_1410 : i1 to i32
        %sign3A_1412 = arith.constant 0 : i32
        %sign3A_1413 = arith.cmpi slt, %add3A_1406, %sign3A_1412 : i32
        %sign3A_1414 = arith.extui %sign3A_1413 : i1 to i32
        %sign3A_1415 = arith.subi %sign3A_1411, %sign3A_1414 : i32
        %sign3A_1416 = arith.constant 0 : i32
        %sign3A_1417 = arith.cmpi sgt, %jit3A_1407, %sign3A_1416 : i32
        %sign3A_1418 = arith.extui %sign3A_1417 : i1 to i32
        %sign3A_1419 = arith.constant 0 : i32
        %sign3A_1420 = arith.cmpi slt, %jit3A_1407, %sign3A_1419 : i32
        %sign3A_1421 = arith.extui %sign3A_1420 : i1 to i32
        %sign3A_1422 = arith.subi %sign3A_1418, %sign3A_1421 : i32
        %ne3A_1423 = arith.cmpi ne, %sign3A_1415, %sign3A_1422 : i32
        %rem3A_1424 = arith.remsi %add3A_1406, %jit3A_1407 : i32
        %ne3A_1425 = arith.constant 0 : i32
        %ne3A_1426 = arith.cmpi ne, %rem3A_1424, %ne3A_1425 : i32
        %and3A_1427 = arith.andi %ne3A_1423, %ne3A_1426 : i1
        %sub3A_1428 = arith.constant 1 : i32
        %sub3A_1429 = arith.subi %div3A_1408, %sub3A_1428 : i32
        %select_n3A_1430 = arith.select %and3A_1427, %sub3A_1429, %div3A_1408 : i32
        %mul3A_1431 = arith.constant 8 : i32
        %mul3A_1432 = arith.muli %select_n3A_1430, %mul3A_1431 : i32
        %jit3A_1433 = arith.constant 128 : i32
        %eq3A_1434 = arith.constant 0 : i32
        %eq3A_1435 = arith.cmpi eq, %jit3A_1433, %eq3A_1434 : i32
        %jit3A_1436 = arith.constant 1 : i32
        %select_n3A_1437 = arith.select %eq3A_1435, %jit3A_1436, %jit3A_1433 : i32
        %rem3A_1438 = arith.remsi %add3A_1406, %select_n3A_1437 : i32
        %ne3A_1439 = arith.constant 0 : i32
        %ne3A_1440 = arith.cmpi ne, %rem3A_1438, %ne3A_1439 : i32
        %lt3A_1441 = arith.constant 0 : i32
        %lt3A_1442 = arith.cmpi slt, %rem3A_1438, %lt3A_1441 : i32
        %lt3A_1443 = arith.constant 0 : i32
        %lt3A_1444 = arith.cmpi slt, %select_n3A_1437, %lt3A_1443 : i32
        %ne3A_1445 = arith.xori %lt3A_1442, %lt3A_1444 : i1
        %and3A_1446 = arith.andi %ne3A_1445, %ne3A_1440 : i1
        %add3A_1447 = arith.addi %rem3A_1438, %select_n3A_1437 : i32
        %select_n3A_1448 = arith.select %and3A_1446, %add3A_1447, %rem3A_1438 : i32
        %get3A_1449 = arith.index_cast %add3A_1406 : i32 to index
        %get3A_1450 = arith.constant 0 : index
        %get3A_1451 = tpu.vector_load %arg6[%get3A_1449, %get3A_1450] {strides = array<i32>} : memref<256x128xf32, #tpu.memory_space<vmem>>, vector<16xf32>,
        %add3A_1452 = vector.broadcast %mul3A_1432 : i32 to vector<16xi32>
        %add3A_1453 = arith.addi %add3A_16, %add3A_1452 : vector<16xi32>
        %broadcast_in_dim3A_1454 = vector.broadcast %select_n3A_1448 : i32 to vector<16xi32>
        %get3A_1455 = arith.index_cast %add3A_1406 : i32 to index
        %get3A_1456 = arith.constant 16 : index
        %get3A_1457 = tpu.vector_load %arg6[%get3A_1455, %get3A_1456] {strides = array<i32>} : memref<256x128xf32, #tpu.memory_space<vmem>>, vector<16xf32>,
        %add3A_1458 = vector.broadcast %mul3A_1432 : i32 to vector<16xi32>
        %add3A_1459 = arith.addi %add3A_32, %add3A_1458 : vector<16xi32>
        %broadcast_in_dim3A_1460 = vector.broadcast %select_n3A_1448 : i32 to vector<16xi32>
        %get3A_1461 = arith.index_cast %add3A_1406 : i32 to index
        %get3A_1462 = arith.constant 32 : index
        %get3A_1463 = tpu.vector_load %arg6[%get3A_1461, %get3A_1462] {strides = array<i32>} : memref<256x128xf32, #tpu.memory_space<vmem>>, vector<16xf32>,
        %add3A_1464 = vector.broadcast %mul3A_1432 : i32 to vector<16xi32>
        %add3A_1465 = arith.addi %add3A_48, %add3A_1464 : vector<16xi32>
        %broadcast_in_dim3A_1466 = vector.broadcast %select_n3A_1448 : i32 to vector<16xi32>
        %get3A_1467 = arith.index_cast %add3A_1406 : i32 to index
        %get3A_1468 = arith.constant 48 : index
        %get3A_1469 = tpu.vector_load %arg6[%get3A_1467, %get3A_1468] {strides = array<i32>} : memref<256x128xf32, #tpu.memory_space<vmem>>, vector<16xf32>,
        %add3A_1470 = vector.broadcast %mul3A_1432 : i32 to vector<16xi32>
        %add3A_1471 = arith.addi %add3A_64, %add3A_1470 : vector<16xi32>
        %broadcast_in_dim3A_1472 = vector.broadcast %select_n3A_1448 : i32 to vector<16xi32>
        %mul3A_1473 = arith.constant 8 : i32
        %mul3A_1474 = arith.muli %add3A_1262, %mul3A_1473 : i32
        %add3A_1475 = arith.constant 3 : i32
        %add3A_1476 = arith.addi %mul3A_1474, %add3A_1475 : i32
        %jit3A_1477 = arith.constant 128 : i32
        %div3A_1478 = arith.divsi %add3A_1476, %jit3A_1477 : i32
        %sign3A_1479 = arith.constant 0 : i32
        %sign3A_1480 = arith.cmpi sgt, %add3A_1476, %sign3A_1479 : i32
        %sign3A_1481 = arith.extui %sign3A_1480 : i1 to i32
        %sign3A_1482 = arith.constant 0 : i32
        %sign3A_1483 = arith.cmpi slt, %add3A_1476, %sign3A_1482 : i32
        %sign3A_1484 = arith.extui %sign3A_1483 : i1 to i32
        %sign3A_1485 = arith.subi %sign3A_1481, %sign3A_1484 : i32
        %sign3A_1486 = arith.constant 0 : i32
        %sign3A_1487 = arith.cmpi sgt, %jit3A_1477, %sign3A_1486 : i32
        %sign3A_1488 = arith.extui %sign3A_1487 : i1 to i32
        %sign3A_1489 = arith.constant 0 : i32
        %sign3A_1490 = arith.cmpi slt, %jit3A_1477, %sign3A_1489 : i32
        %sign3A_1491 = arith.extui %sign3A_1490 : i1 to i32
        %sign3A_1492 = arith.subi %sign3A_1488, %sign3A_1491 : i32
        %ne3A_1493 = arith.cmpi ne, %sign3A_1485, %sign3A_1492 : i32
        %rem3A_1494 = arith.remsi %add3A_1476, %jit3A_1477 : i32
        %ne3A_1495 = arith.constant 0 : i32
        %ne3A_1496 = arith.cmpi ne, %rem3A_1494, %ne3A_1495 : i32
        %and3A_1497 = arith.andi %ne3A_1493, %ne3A_1496 : i1
        %sub3A_1498 = arith.constant 1 : i32
        %sub3A_1499 = arith.subi %div3A_1478, %sub3A_1498 : i32
        %select_n3A_1500 = arith.select %and3A_1497, %sub3A_1499, %div3A_1478 : i32
        %mul3A_1501 = arith.constant 8 : i32
        %mul3A_1502 = arith.muli %select_n3A_1500, %mul3A_1501 : i32
        %jit3A_1503 = arith.constant 128 : i32
        %eq3A_1504 = arith.constant 0 : i32
        %eq3A_1505 = arith.cmpi eq, %jit3A_1503, %eq3A_1504 : i32
        %jit3A_1506 = arith.constant 1 : i32
        %select_n3A_1507 = arith.select %eq3A_1505, %jit3A_1506, %jit3A_1503 : i32
        %rem3A_1508 = arith.remsi %add3A_1476, %select_n3A_1507 : i32
        %ne3A_1509 = arith.constant 0 : i32
        %ne3A_1510 = arith.cmpi ne, %rem3A_1508, %ne3A_1509 : i32
        %lt3A_1511 = arith.constant 0 : i32
        %lt3A_1512 = arith.cmpi slt, %rem3A_1508, %lt3A_1511 : i32
        %lt3A_1513 = arith.constant 0 : i32
        %lt3A_1514 = arith.cmpi slt, %select_n3A_1507, %lt3A_1513 : i32
        %ne3A_1515 = arith.xori %lt3A_1512, %lt3A_1514 : i1
        %and3A_1516 = arith.andi %ne3A_1515, %ne3A_1510 : i1
        %add3A_1517 = arith.addi %rem3A_1508, %select_n3A_1507 : i32
        %select_n3A_1518 = arith.select %and3A_1516, %add3A_1517, %rem3A_1508 : i32
        %get3A_1519 = arith.index_cast %add3A_1476 : i32 to index
        %get3A_1520 = arith.constant 0 : index
        %get3A_1521 = tpu.vector_load %arg6[%get3A_1519, %get3A_1520] {strides = array<i32>} : memref<256x128xf32, #tpu.memory_space<vmem>>, vector<16xf32>,
        %add3A_1522 = vector.broadcast %mul3A_1502 : i32 to vector<16xi32>
        %add3A_1523 = arith.addi %add3A_16, %add3A_1522 : vector<16xi32>
        %broadcast_in_dim3A_1524 = vector.broadcast %select_n3A_1518 : i32 to vector<16xi32>
        %get3A_1525 = arith.index_cast %add3A_1476 : i32 to index
        %get3A_1526 = arith.constant 16 : index
        %get3A_1527 = tpu.vector_load %arg6[%get3A_1525, %get3A_1526] {strides = array<i32>} : memref<256x128xf32, #tpu.memory_space<vmem>>, vector<16xf32>,
        %add3A_1528 = vector.broadcast %mul3A_1502 : i32 to vector<16xi32>
        %add3A_1529 = arith.addi %add3A_32, %add3A_1528 : vector<16xi32>
        %broadcast_in_dim3A_1530 = vector.broadcast %select_n3A_1518 : i32 to vector<16xi32>
        %get3A_1531 = arith.index_cast %add3A_1476 : i32 to index
        %get3A_1532 = arith.constant 32 : index
        %get3A_1533 = tpu.vector_load %arg6[%get3A_1531, %get3A_1532] {strides = array<i32>} : memref<256x128xf32, #tpu.memory_space<vmem>>, vector<16xf32>,
        %add3A_1534 = vector.broadcast %mul3A_1502 : i32 to vector<16xi32>
        %add3A_1535 = arith.addi %add3A_48, %add3A_1534 : vector<16xi32>
        %broadcast_in_dim3A_1536 = vector.broadcast %select_n3A_1518 : i32 to vector<16xi32>
        %get3A_1537 = arith.index_cast %add3A_1476 : i32 to index
        %get3A_1538 = arith.constant 48 : index
        %get3A_1539 = tpu.vector_load %arg6[%get3A_1537, %get3A_1538] {strides = array<i32>} : memref<256x128xf32, #tpu.memory_space<vmem>>, vector<16xf32>,
        %add3A_1540 = vector.broadcast %mul3A_1502 : i32 to vector<16xi32>
        %add3A_1541 = arith.addi %add3A_64, %add3A_1540 : vector<16xi32>
        %broadcast_in_dim3A_1542 = vector.broadcast %select_n3A_1518 : i32 to vector<16xi32>
        %mul3A_1543 = arith.constant 8 : i32
        %mul3A_1544 = arith.muli %add3A_1262, %mul3A_1543 : i32
        %add3A_1545 = arith.constant 4 : i32
        %add3A_1546 = arith.addi %mul3A_1544, %add3A_1545 : i32
        %jit3A_1547 = arith.constant 128 : i32
        %div3A_1548 = arith.divsi %add3A_1546, %jit3A_1547 : i32
        %sign3A_1549 = arith.constant 0 : i32
        %sign3A_1550 = arith.cmpi sgt, %add3A_1546, %sign3A_1549 : i32
        %sign3A_1551 = arith.extui %sign3A_1550 : i1 to i32
        %sign3A_1552 = arith.constant 0 : i32
        %sign3A_1553 = arith.cmpi slt, %add3A_1546, %sign3A_1552 : i32
        %sign3A_1554 = arith.extui %sign3A_1553 : i1 to i32
        %sign3A_1555 = arith.subi %sign3A_1551, %sign3A_1554 : i32
        %sign3A_1556 = arith.constant 0 : i32
        %sign3A_1557 = arith.cmpi sgt, %jit3A_1547, %sign3A_1556 : i32
        %sign3A_1558 = arith.extui %sign3A_1557 : i1 to i32
        %sign3A_1559 = arith.constant 0 : i32
        %sign3A_1560 = arith.cmpi slt, %jit3A_1547, %sign3A_1559 : i32
        %sign3A_1561 = arith.extui %sign3A_1560 : i1 to i32
        %sign3A_1562 = arith.subi %sign3A_1558, %sign3A_1561 : i32
        %ne3A_1563 = arith.cmpi ne, %sign3A_1555, %sign3A_1562 : i32
        %rem3A_1564 = arith.remsi %add3A_1546, %jit3A_1547 : i32
        %ne3A_1565 = arith.constant 0 : i32
        %ne3A_1566 = arith.cmpi ne, %rem3A_1564, %ne3A_1565 : i32
        %and3A_1567 = arith.andi %ne3A_1563, %ne3A_1566 : i1
        %sub3A_1568 = arith.constant 1 : i32
        %sub3A_1569 = arith.subi %div3A_1548, %sub3A_1568 : i32
        %select_n3A_1570 = arith.select %and3A_1567, %sub3A_1569, %div3A_1548 : i32
        %mul3A_1571 = arith.constant 8 : i32
        %mul3A_1572 = arith.muli %select_n3A_1570, %mul3A_1571 : i32
        %jit3A_1573 = arith.constant 128 : i32
        %eq3A_1574 = arith.constant 0 : i32
        %eq3A_1575 = arith.cmpi eq, %jit3A_1573, %eq3A_1574 : i32
        %jit3A_1576 = arith.constant 1 : i32
        %select_n3A_1577 = arith.select %eq3A_1575, %jit3A_1576, %jit3A_1573 : i32
        %rem3A_1578 = arith.remsi %add3A_1546, %select_n3A_1577 : i32
        %ne3A_1579 = arith.constant 0 : i32
        %ne3A_1580 = arith.cmpi ne, %rem3A_1578, %ne3A_1579 : i32
        %lt3A_1581 = arith.constant 0 : i32
        %lt3A_1582 = arith.cmpi slt, %rem3A_1578, %lt3A_1581 : i32
        %lt3A_1583 = arith.constant 0 : i32
        %lt3A_1584 = arith.cmpi slt, %select_n3A_1577, %lt3A_1583 : i32
        %ne3A_1585 = arith.xori %lt3A_1582, %lt3A_1584 : i1
        %and3A_1586 = arith.andi %ne3A_1585, %ne3A_1580 : i1
        %add3A_1587 = arith.addi %rem3A_1578, %select_n3A_1577 : i32
        %select_n3A_1588 = arith.select %and3A_1586, %add3A_1587, %rem3A_1578 : i32
        %get3A_1589 = arith.index_cast %add3A_1546 : i32 to index
        %get3A_1590 = arith.constant 0 : index
        %get3A_1591 = tpu.vector_load %arg6[%get3A_1589, %get3A_1590] {strides = array<i32>} : memref<256x128xf32, #tpu.memory_space<vmem>>, vector<16xf32>,
        %add3A_1592 = vector.broadcast %mul3A_1572 : i32 to vector<16xi32>
        %add3A_1593 = arith.addi %add3A_16, %add3A_1592 : vector<16xi32>
        %broadcast_in_dim3A_1594 = vector.broadcast %select_n3A_1588 : i32 to vector<16xi32>
        %get3A_1595 = arith.index_cast %add3A_1546 : i32 to index
        %get3A_1596 = arith.constant 16 : index
        %get3A_1597 = tpu.vector_load %arg6[%get3A_1595, %get3A_1596] {strides = array<i32>} : memref<256x128xf32, #tpu.memory_space<vmem>>, vector<16xf32>,
        %add3A_1598 = vector.broadcast %mul3A_1572 : i32 to vector<16xi32>
        %add3A_1599 = arith.addi %add3A_32, %add3A_1598 : vector<16xi32>
        %broadcast_in_dim3A_1600 = vector.broadcast %select_n3A_1588 : i32 to vector<16xi32>
        %get3A_1601 = arith.index_cast %add3A_1546 : i32 to index
        %get3A_1602 = arith.constant 32 : index
        %get3A_1603 = tpu.vector_load %arg6[%get3A_1601, %get3A_1602] {strides = array<i32>} : memref<256x128xf32, #tpu.memory_space<vmem>>, vector<16xf32>,
        %add3A_1604 = vector.broadcast %mul3A_1572 : i32 to vector<16xi32>
        %add3A_1605 = arith.addi %add3A_48, %add3A_1604 : vector<16xi32>
        %broadcast_in_dim3A_1606 = vector.broadcast %select_n3A_1588 : i32 to vector<16xi32>
        %get3A_1607 = arith.index_cast %add3A_1546 : i32 to index
        %get3A_1608 = arith.constant 48 : index
        %get3A_1609 = tpu.vector_load %arg6[%get3A_1607, %get3A_1608] {strides = array<i32>} : memref<256x128xf32, #tpu.memory_space<vmem>>, vector<16xf32>,
        %add3A_1610 = vector.broadcast %mul3A_1572 : i32 to vector<16xi32>
        %add3A_1611 = arith.addi %add3A_64, %add3A_1610 : vector<16xi32>
        %broadcast_in_dim3A_1612 = vector.broadcast %select_n3A_1588 : i32 to vector<16xi32>
        %mul3A_1613 = arith.constant 8 : i32
        %mul3A_1614 = arith.muli %add3A_1262, %mul3A_1613 : i32
        %add3A_1615 = arith.constant 5 : i32
        %add3A_1616 = arith.addi %mul3A_1614, %add3A_1615 : i32
        %jit3A_1617 = arith.constant 128 : i32
        %div3A_1618 = arith.divsi %add3A_1616, %jit3A_1617 : i32
        %sign3A_1619 = arith.constant 0 : i32
        %sign3A_1620 = arith.cmpi sgt, %add3A_1616, %sign3A_1619 : i32
        %sign3A_1621 = arith.extui %sign3A_1620 : i1 to i32
        %sign3A_1622 = arith.constant 0 : i32
        %sign3A_1623 = arith.cmpi slt, %add3A_1616, %sign3A_1622 : i32
        %sign3A_1624 = arith.extui %sign3A_1623 : i1 to i32
        %sign3A_1625 = arith.subi %sign3A_1621, %sign3A_1624 : i32
        %sign3A_1626 = arith.constant 0 : i32
        %sign3A_1627 = arith.cmpi sgt, %jit3A_1617, %sign3A_1626 : i32
        %sign3A_1628 = arith.extui %sign3A_1627 : i1 to i32
        %sign3A_1629 = arith.constant 0 : i32
        %sign3A_1630 = arith.cmpi slt, %jit3A_1617, %sign3A_1629 : i32
        %sign3A_1631 = arith.extui %sign3A_1630 : i1 to i32
        %sign3A_1632 = arith.subi %sign3A_1628, %sign3A_1631 : i32
        %ne3A_1633 = arith.cmpi ne, %sign3A_1625, %sign3A_1632 : i32
        %rem3A_1634 = arith.remsi %add3A_1616, %jit3A_1617 : i32
        %ne3A_1635 = arith.constant 0 : i32
        %ne3A_1636 = arith.cmpi ne, %rem3A_1634, %ne3A_1635 : i32
        %and3A_1637 = arith.andi %ne3A_1633, %ne3A_1636 : i1
        %sub3A_1638 = arith.constant 1 : i32
        %sub3A_1639 = arith.subi %div3A_1618, %sub3A_1638 : i32
        %select_n3A_1640 = arith.select %and3A_1637, %sub3A_1639, %div3A_1618 : i32
        %mul3A_1641 = arith.constant 8 : i32
        %mul3A_1642 = arith.muli %select_n3A_1640, %mul3A_1641 : i32
        %jit3A_1643 = arith.constant 128 : i32
        %eq3A_1644 = arith.constant 0 : i32
        %eq3A_1645 = arith.cmpi eq, %jit3A_1643, %eq3A_1644 : i32
        %jit3A_1646 = arith.constant 1 : i32
        %select_n3A_1647 = arith.select %eq3A_1645, %jit3A_1646, %jit3A_1643 : i32
        %rem3A_1648 = arith.remsi %add3A_1616, %select_n3A_1647 : i32
        %ne3A_1649 = arith.constant 0 : i32
        %ne3A_1650 = arith.cmpi ne, %rem3A_1648, %ne3A_1649 : i32
        %lt3A_1651 = arith.constant 0 : i32
        %lt3A_1652 = arith.cmpi slt, %rem3A_1648, %lt3A_1651 : i32
        %lt3A_1653 = arith.constant 0 : i32
        %lt3A_1654 = arith.cmpi slt, %select_n3A_1647, %lt3A_1653 : i32
        %ne3A_1655 = arith.xori %lt3A_1652, %lt3A_1654 : i1
        %and3A_1656 = arith.andi %ne3A_1655, %ne3A_1650 : i1
        %add3A_1657 = arith.addi %rem3A_1648, %select_n3A_1647 : i32
        %select_n3A_1658 = arith.select %and3A_1656, %add3A_1657, %rem3A_1648 : i32
        %get3A_1659 = arith.index_cast %add3A_1616 : i32 to index
        %get3A_1660 = arith.constant 0 : index
        %get3A_1661 = tpu.vector_load %arg6[%get3A_1659, %get3A_1660] {strides = array<i32>} : memref<256x128xf32, #tpu.memory_space<vmem>>, vector<16xf32>,
        %add3A_1662 = vector.broadcast %mul3A_1642 : i32 to vector<16xi32>
        %add3A_1663 = arith.addi %add3A_16, %add3A_1662 : vector<16xi32>
        %broadcast_in_dim3A_1664 = vector.broadcast %select_n3A_1658 : i32 to vector<16xi32>
        %get3A_1665 = arith.index_cast %add3A_1616 : i32 to index
        %get3A_1666 = arith.constant 16 : index
        %get3A_1667 = tpu.vector_load %arg6[%get3A_1665, %get3A_1666] {strides = array<i32>} : memref<256x128xf32, #tpu.memory_space<vmem>>, vector<16xf32>,
        %add3A_1668 = vector.broadcast %mul3A_1642 : i32 to vector<16xi32>
        %add3A_1669 = arith.addi %add3A_32, %add3A_1668 : vector<16xi32>
        %broadcast_in_dim3A_1670 = vector.broadcast %select_n3A_1658 : i32 to vector<16xi32>
        %get3A_1671 = arith.index_cast %add3A_1616 : i32 to index
        %get3A_1672 = arith.constant 32 : index
        %get3A_1673 = tpu.vector_load %arg6[%get3A_1671, %get3A_1672] {strides = array<i32>} : memref<256x128xf32, #tpu.memory_space<vmem>>, vector<16xf32>,
        %add3A_1674 = vector.broadcast %mul3A_1642 : i32 to vector<16xi32>
        %add3A_1675 = arith.addi %add3A_48, %add3A_1674 : vector<16xi32>
        %broadcast_in_dim3A_1676 = vector.broadcast %select_n3A_1658 : i32 to vector<16xi32>
        %get3A_1677 = arith.index_cast %add3A_1616 : i32 to index
        %get3A_1678 = arith.constant 48 : index
        %get3A_1679 = tpu.vector_load %arg6[%get3A_1677, %get3A_1678] {strides = array<i32>} : memref<256x128xf32, #tpu.memory_space<vmem>>, vector<16xf32>,
        %add3A_1680 = vector.broadcast %mul3A_1642 : i32 to vector<16xi32>
        %add3A_1681 = arith.addi %add3A_64, %add3A_1680 : vector<16xi32>
        %broadcast_in_dim3A_1682 = vector.broadcast %select_n3A_1658 : i32 to vector<16xi32>
        %mul3A_1683 = arith.constant 8 : i32
        %mul3A_1684 = arith.muli %add3A_1262, %mul3A_1683 : i32
        %add3A_1685 = arith.constant 6 : i32
        %add3A_1686 = arith.addi %mul3A_1684, %add3A_1685 : i32
        %jit3A_1687 = arith.constant 128 : i32
        %div3A_1688 = arith.divsi %add3A_1686, %jit3A_1687 : i32
        %sign3A_1689 = arith.constant 0 : i32
        %sign3A_1690 = arith.cmpi sgt, %add3A_1686, %sign3A_1689 : i32
        %sign3A_1691 = arith.extui %sign3A_1690 : i1 to i32
        %sign3A_1692 = arith.constant 0 : i32
        %sign3A_1693 = arith.cmpi slt, %add3A_1686, %sign3A_1692 : i32
        %sign3A_1694 = arith.extui %sign3A_1693 : i1 to i32
        %sign3A_1695 = arith.subi %sign3A_1691, %sign3A_1694 : i32
        %sign3A_1696 = arith.constant 0 : i32
        %sign3A_1697 = arith.cmpi sgt, %jit3A_1687, %sign3A_1696 : i32
        %sign3A_1698 = arith.extui %sign3A_1697 : i1 to i32
        %sign3A_1699 = arith.constant 0 : i32
        %sign3A_1700 = arith.cmpi slt, %jit3A_1687, %sign3A_1699 : i32
        %sign3A_1701 = arith.extui %sign3A_1700 : i1 to i32
        %sign3A_1702 = arith.subi %sign3A_1698, %sign3A_1701 : i32
        %ne3A_1703 = arith.cmpi ne, %sign3A_1695, %sign3A_1702 : i32
        %rem3A_1704 = arith.remsi %add3A_1686, %jit3A_1687 : i32
        %ne3A_1705 = arith.constant 0 : i32
        %ne3A_1706 = arith.cmpi ne, %rem3A_1704, %ne3A_1705 : i32
        %and3A_1707 = arith.andi %ne3A_1703, %ne3A_1706 : i1
        %sub3A_1708 = arith.constant 1 : i32
        %sub3A_1709 = arith.subi %div3A_1688, %sub3A_1708 : i32
        %select_n3A_1710 = arith.select %and3A_1707, %sub3A_1709, %div3A_1688 : i32
        %mul3A_1711 = arith.constant 8 : i32
        %mul3A_1712 = arith.muli %select_n3A_1710, %mul3A_1711 : i32
        %jit3A_1713 = arith.constant 128 : i32
        %eq3A_1714 = arith.constant 0 : i32
        %eq3A_1715 = arith.cmpi eq, %jit3A_1713, %eq3A_1714 : i32
        %jit3A_1716 = arith.constant 1 : i32
        %select_n3A_1717 = arith.select %eq3A_1715, %jit3A_1716, %jit3A_1713 : i32
        %rem3A_1718 = arith.remsi %add3A_1686, %select_n3A_1717 : i32
        %ne3A_1719 = arith.constant 0 : i32
        %ne3A_1720 = arith.cmpi ne, %rem3A_1718, %ne3A_1719 : i32
        %lt3A_1721 = arith.constant 0 : i32
        %lt3A_1722 = arith.cmpi slt, %rem3A_1718, %lt3A_1721 : i32
        %lt3A_1723 = arith.constant 0 : i32
        %lt3A_1724 = arith.cmpi slt, %select_n3A_1717, %lt3A_1723 : i32
        %ne3A_1725 = arith.xori %lt3A_1722, %lt3A_1724 : i1
        %and3A_1726 = arith.andi %ne3A_1725, %ne3A_1720 : i1
        %add3A_1727 = arith.addi %rem3A_1718, %select_n3A_1717 : i32
        %select_n3A_1728 = arith.select %and3A_1726, %add3A_1727, %rem3A_1718 : i32
        %get3A_1729 = arith.index_cast %add3A_1686 : i32 to index
        %get3A_1730 = arith.constant 0 : index
        %get3A_1731 = tpu.vector_load %arg6[%get3A_1729, %get3A_1730] {strides = array<i32>} : memref<256x128xf32, #tpu.memory_space<vmem>>, vector<16xf32>,
        %add3A_1732 = vector.broadcast %mul3A_1712 : i32 to vector<16xi32>
        %add3A_1733 = arith.addi %add3A_16, %add3A_1732 : vector<16xi32>
        %broadcast_in_dim3A_1734 = vector.broadcast %select_n3A_1728 : i32 to vector<16xi32>
        %get3A_1735 = arith.index_cast %add3A_1686 : i32 to index
        %get3A_1736 = arith.constant 16 : index
        %get3A_1737 = tpu.vector_load %arg6[%get3A_1735, %get3A_1736] {strides = array<i32>} : memref<256x128xf32, #tpu.memory_space<vmem>>, vector<16xf32>,
        %add3A_1738 = vector.broadcast %mul3A_1712 : i32 to vector<16xi32>
        %add3A_1739 = arith.addi %add3A_32, %add3A_1738 : vector<16xi32>
        %broadcast_in_dim3A_1740 = vector.broadcast %select_n3A_1728 : i32 to vector<16xi32>
        %get3A_1741 = arith.index_cast %add3A_1686 : i32 to index
        %get3A_1742 = arith.constant 32 : index
        %get3A_1743 = tpu.vector_load %arg6[%get3A_1741, %get3A_1742] {strides = array<i32>} : memref<256x128xf32, #tpu.memory_space<vmem>>, vector<16xf32>,
        %add3A_1744 = vector.broadcast %mul3A_1712 : i32 to vector<16xi32>
        %add3A_1745 = arith.addi %add3A_48, %add3A_1744 : vector<16xi32>
        %broadcast_in_dim3A_1746 = vector.broadcast %select_n3A_1728 : i32 to vector<16xi32>
        %get3A_1747 = arith.index_cast %add3A_1686 : i32 to index
        %get3A_1748 = arith.constant 48 : index
        %get3A_1749 = tpu.vector_load %arg6[%get3A_1747, %get3A_1748] {strides = array<i32>} : memref<256x128xf32, #tpu.memory_space<vmem>>, vector<16xf32>,
        %add3A_1750 = vector.broadcast %mul3A_1712 : i32 to vector<16xi32>
        %add3A_1751 = arith.addi %add3A_64, %add3A_1750 : vector<16xi32>
        %broadcast_in_dim3A_1752 = vector.broadcast %select_n3A_1728 : i32 to vector<16xi32>
        %mul3A_1753 = arith.constant 8 : i32
        %mul3A_1754 = arith.muli %add3A_1262, %mul3A_1753 : i32
        %add3A_1755 = arith.constant 7 : i32
        %add3A_1756 = arith.addi %mul3A_1754, %add3A_1755 : i32
        %jit3A_1757 = arith.constant 128 : i32
        %div3A_1758 = arith.divsi %add3A_1756, %jit3A_1757 : i32
        %sign3A_1759 = arith.constant 0 : i32
        %sign3A_1760 = arith.cmpi sgt, %add3A_1756, %sign3A_1759 : i32
        %sign3A_1761 = arith.extui %sign3A_1760 : i1 to i32
        %sign3A_1762 = arith.constant 0 : i32
        %sign3A_1763 = arith.cmpi slt, %add3A_1756, %sign3A_1762 : i32
        %sign3A_1764 = arith.extui %sign3A_1763 : i1 to i32
        %sign3A_1765 = arith.subi %sign3A_1761, %sign3A_1764 : i32
        %sign3A_1766 = arith.constant 0 : i32
        %sign3A_1767 = arith.cmpi sgt, %jit3A_1757, %sign3A_1766 : i32
        %sign3A_1768 = arith.extui %sign3A_1767 : i1 to i32
        %sign3A_1769 = arith.constant 0 : i32
        %sign3A_1770 = arith.cmpi slt, %jit3A_1757, %sign3A_1769 : i32
        %sign3A_1771 = arith.extui %sign3A_1770 : i1 to i32
        %sign3A_1772 = arith.subi %sign3A_1768, %sign3A_1771 : i32
        %ne3A_1773 = arith.cmpi ne, %sign3A_1765, %sign3A_1772 : i32
        %rem3A_1774 = arith.remsi %add3A_1756, %jit3A_1757 : i32
        %ne3A_1775 = arith.constant 0 : i32
        %ne3A_1776 = arith.cmpi ne, %rem3A_1774, %ne3A_1775 : i32
        %and3A_1777 = arith.andi %ne3A_1773, %ne3A_1776 : i1
        %sub3A_1778 = arith.constant 1 : i32
        %sub3A_1779 = arith.subi %div3A_1758, %sub3A_1778 : i32
        %select_n3A_1780 = arith.select %and3A_1777, %sub3A_1779, %div3A_1758 : i32
        %mul3A_1781 = arith.constant 8 : i32
        %mul3A_1782 = arith.muli %select_n3A_1780, %mul3A_1781 : i32
        %jit3A_1783 = arith.constant 128 : i32
        %eq3A_1784 = arith.constant 0 : i32
        %eq3A_1785 = arith.cmpi eq, %jit3A_1783, %eq3A_1784 : i32
        %jit3A_1786 = arith.constant 1 : i32
        %select_n3A_1787 = arith.select %eq3A_1785, %jit3A_1786, %jit3A_1783 : i32
        %rem3A_1788 = arith.remsi %add3A_1756, %select_n3A_1787 : i32
        %ne3A_1789 = arith.constant 0 : i32
        %ne3A_1790 = arith.cmpi ne, %rem3A_1788, %ne3A_1789 : i32
        %lt3A_1791 = arith.constant 0 : i32
        %lt3A_1792 = arith.cmpi slt, %rem3A_1788, %lt3A_1791 : i32
        %lt3A_1793 = arith.constant 0 : i32
        %lt3A_1794 = arith.cmpi slt, %select_n3A_1787, %lt3A_1793 : i32
        %ne3A_1795 = arith.xori %lt3A_1792, %lt3A_1794 : i1
        %and3A_1796 = arith.andi %ne3A_1795, %ne3A_1790 : i1
        %add3A_1797 = arith.addi %rem3A_1788, %select_n3A_1787 : i32
        %select_n3A_1798 = arith.select %and3A_1796, %add3A_1797, %rem3A_1788 : i32
        %get3A_1799 = arith.index_cast %add3A_1756 : i32 to index
        %get3A_1800 = arith.constant 0 : index
        %get3A_1801 = tpu.vector_load %arg6[%get3A_1799, %get3A_1800] {strides = array<i32>} : memref<256x128xf32, #tpu.memory_space<vmem>>, vector<16xf32>,
        %add3A_1802 = vector.broadcast %mul3A_1782 : i32 to vector<16xi32>
        %add3A_1803 = arith.addi %add3A_16, %add3A_1802 : vector<16xi32>
        %broadcast_in_dim3A_1804 = vector.broadcast %select_n3A_1798 : i32 to vector<16xi32>
        %get3A_1805 = arith.index_cast %add3A_1756 : i32 to index
        %get3A_1806 = arith.constant 16 : index
        %get3A_1807 = tpu.vector_load %arg6[%get3A_1805, %get3A_1806] {strides = array<i32>} : memref<256x128xf32, #tpu.memory_space<vmem>>, vector<16xf32>,
        %add3A_1808 = vector.broadcast %mul3A_1782 : i32 to vector<16xi32>
        %add3A_1809 = arith.addi %add3A_32, %add3A_1808 : vector<16xi32>
        %broadcast_in_dim3A_1810 = vector.broadcast %select_n3A_1798 : i32 to vector<16xi32>
        %get3A_1811 = arith.index_cast %add3A_1756 : i32 to index
        %get3A_1812 = arith.constant 32 : index
        %get3A_1813 = tpu.vector_load %arg6[%get3A_1811, %get3A_1812] {strides = array<i32>} : memref<256x128xf32, #tpu.memory_space<vmem>>, vector<16xf32>,
        %add3A_1814 = vector.broadcast %mul3A_1782 : i32 to vector<16xi32>
        %add3A_1815 = arith.addi %add3A_48, %add3A_1814 : vector<16xi32>
        %broadcast_in_dim3A_1816 = vector.broadcast %select_n3A_1798 : i32 to vector<16xi32>
        %get3A_1817 = arith.index_cast %add3A_1756 : i32 to index
        %get3A_1818 = arith.constant 48 : index
        %get3A_1819 = tpu.vector_load %arg6[%get3A_1817, %get3A_1818] {strides = array<i32>} : memref<256x128xf32, #tpu.memory_space<vmem>>, vector<16xf32>,
        %add3A_1820 = vector.broadcast %mul3A_1782 : i32 to vector<16xi32>
        %add3A_1821 = arith.addi %add3A_64, %add3A_1820 : vector<16xi32>
        %broadcast_in_dim3A_1822 = vector.broadcast %select_n3A_1798 : i32 to vector<16xi32>
        tpu.vector_store_idx %arg8[%add3A_750, %broadcast_in_dim3A], %get3A_748 : memref<128x129xf32, #tpu.memory_space<vmem>>[vector<16xi32>, vector<16xi32>], vector<16xf32>,
        tpu.vector_store_idx %arg8[%add3A_755, %broadcast_in_dim3A_756], %get3A_753 : memref<128x129xf32, #tpu.memory_space<vmem>>[vector<16xi32>, vector<16xi32>], vector<16xf32>,
        tpu.vector_store_idx %arg8[%add3A_761, %broadcast_in_dim3A_762], %get3A_759 : memref<128x129xf32, #tpu.memory_space<vmem>>[vector<16xi32>, vector<16xi32>], vector<16xf32>,
        tpu.vector_store_idx %arg8[%add3A_767, %broadcast_in_dim3A_768], %get3A_765 : memref<128x129xf32, #tpu.memory_space<vmem>>[vector<16xi32>, vector<16xi32>], vector<16xf32>,
        tpu.vector_store_idx %arg8[%add3A_819, %broadcast_in_dim3A_820], %get3A_817 : memref<128x129xf32, #tpu.memory_space<vmem>>[vector<16xi32>, vector<16xi32>], vector<16xf32>,
        tpu.vector_store_idx %arg8[%add3A_825, %broadcast_in_dim3A_826], %get3A_823 : memref<128x129xf32, #tpu.memory_space<vmem>>[vector<16xi32>, vector<16xi32>], vector<16xf32>,
        tpu.vector_store_idx %arg8[%add3A_831, %broadcast_in_dim3A_832], %get3A_829 : memref<128x129xf32, #tpu.memory_space<vmem>>[vector<16xi32>, vector<16xi32>], vector<16xf32>,
        tpu.vector_store_idx %arg8[%add3A_837, %broadcast_in_dim3A_838], %get3A_835 : memref<128x129xf32, #tpu.memory_space<vmem>>[vector<16xi32>, vector<16xi32>], vector<16xf32>,
        tpu.vector_store_idx %arg8[%add3A_889, %broadcast_in_dim3A_890], %get3A_887 : memref<128x129xf32, #tpu.memory_space<vmem>>[vector<16xi32>, vector<16xi32>], vector<16xf32>,
        tpu.vector_store_idx %arg8[%add3A_895, %broadcast_in_dim3A_896], %get3A_893 : memref<128x129xf32, #tpu.memory_space<vmem>>[vector<16xi32>, vector<16xi32>], vector<16xf32>,
        tpu.vector_store_idx %arg8[%add3A_901, %broadcast_in_dim3A_902], %get3A_899 : memref<128x129xf32, #tpu.memory_space<vmem>>[vector<16xi32>, vector<16xi32>], vector<16xf32>,
        tpu.vector_store_idx %arg8[%add3A_907, %broadcast_in_dim3A_908], %get3A_905 : memref<128x129xf32, #tpu.memory_space<vmem>>[vector<16xi32>, vector<16xi32>], vector<16xf32>,
        tpu.vector_store_idx %arg8[%add3A_959, %broadcast_in_dim3A_960], %get3A_957 : memref<128x129xf32, #tpu.memory_space<vmem>>[vector<16xi32>, vector<16xi32>], vector<16xf32>,
        tpu.vector_store_idx %arg8[%add3A_965, %broadcast_in_dim3A_966], %get3A_963 : memref<128x129xf32, #tpu.memory_space<vmem>>[vector<16xi32>, vector<16xi32>], vector<16xf32>,
        tpu.vector_store_idx %arg8[%add3A_971, %broadcast_in_dim3A_972], %get3A_969 : memref<128x129xf32, #tpu.memory_space<vmem>>[vector<16xi32>, vector<16xi32>], vector<16xf32>,
        tpu.vector_store_idx %arg8[%add3A_977, %broadcast_in_dim3A_978], %get3A_975 : memref<128x129xf32, #tpu.memory_space<vmem>>[vector<16xi32>, vector<16xi32>], vector<16xf32>,
        tpu.vector_store_idx %arg8[%add3A_1029, %broadcast_in_dim3A_1030], %get3A_1027 : memref<128x129xf32, #tpu.memory_space<vmem>>[vector<16xi32>, vector<16xi32>], vector<16xf32>,
        tpu.vector_store_idx %arg8[%add3A_1035, %broadcast_in_dim3A_1036], %get3A_1033 : memref<128x129xf32, #tpu.memory_space<vmem>>[vector<16xi32>, vector<16xi32>], vector<16xf32>,
        tpu.vector_store_idx %arg8[%add3A_1041, %broadcast_in_dim3A_1042], %get3A_1039 : memref<128x129xf32, #tpu.memory_space<vmem>>[vector<16xi32>, vector<16xi32>], vector<16xf32>,
        tpu.vector_store_idx %arg8[%add3A_1047, %broadcast_in_dim3A_1048], %get3A_1045 : memref<128x129xf32, #tpu.memory_space<vmem>>[vector<16xi32>, vector<16xi32>], vector<16xf32>,
        tpu.vector_store_idx %arg8[%add3A_1099, %broadcast_in_dim3A_1100], %get3A_1097 : memref<128x129xf32, #tpu.memory_space<vmem>>[vector<16xi32>, vector<16xi32>], vector<16xf32>,
        tpu.vector_store_idx %arg8[%add3A_1105, %broadcast_in_dim3A_1106], %get3A_1103 : memref<128x129xf32, #tpu.memory_space<vmem>>[vector<16xi32>, vector<16xi32>], vector<16xf32>,
        tpu.vector_store_idx %arg8[%add3A_1111, %broadcast_in_dim3A_1112], %get3A_1109 : memref<128x129xf32, #tpu.memory_space<vmem>>[vector<16xi32>, vector<16xi32>], vector<16xf32>,
        tpu.vector_store_idx %arg8[%add3A_1117, %broadcast_in_dim3A_1118], %get3A_1115 : memref<128x129xf32, #tpu.memory_space<vmem>>[vector<16xi32>, vector<16xi32>], vector<16xf32>,
        tpu.vector_store_idx %arg8[%add3A_1169, %broadcast_in_dim3A_1170], %get3A_1167 : memref<128x129xf32, #tpu.memory_space<vmem>>[vector<16xi32>, vector<16xi32>], vector<16xf32>,
        tpu.vector_store_idx %arg8[%add3A_1175, %broadcast_in_dim3A_1176], %get3A_1173 : memref<128x129xf32, #tpu.memory_space<vmem>>[vector<16xi32>, vector<16xi32>], vector<16xf32>,
        tpu.vector_store_idx %arg8[%add3A_1181, %broadcast_in_dim3A_1182], %get3A_1179 : memref<128x129xf32, #tpu.memory_space<vmem>>[vector<16xi32>, vector<16xi32>], vector<16xf32>,
        tpu.vector_store_idx %arg8[%add3A_1187, %broadcast_in_dim3A_1188], %get3A_1185 : memref<128x129xf32, #tpu.memory_space<vmem>>[vector<16xi32>, vector<16xi32>], vector<16xf32>,
        tpu.vector_store_idx %arg8[%add3A_1239, %broadcast_in_dim3A_1240], %get3A_1237 : memref<128x129xf32, #tpu.memory_space<vmem>>[vector<16xi32>, vector<16xi32>], vector<16xf32>,
        tpu.vector_store_idx %arg8[%add3A_1245, %broadcast_in_dim3A_1246], %get3A_1243 : memref<128x129xf32, #tpu.memory_space<vmem>>[vector<16xi32>, vector<16xi32>], vector<16xf32>,
        tpu.vector_store_idx %arg8[%add3A_1251, %broadcast_in_dim3A_1252], %get3A_1249 : memref<128x129xf32, #tpu.memory_space<vmem>>[vector<16xi32>, vector<16xi32>], vector<16xf32>,
        tpu.vector_store_idx %arg8[%add3A_1257, %broadcast_in_dim3A_1258], %get3A_1255 : memref<128x129xf32, #tpu.memory_space<vmem>>[vector<16xi32>, vector<16xi32>], vector<16xf32>,
        tpu.vector_store_idx %arg8[%add3A_1313, %broadcast_in_dim3A_1314], %get3A_1311 : memref<128x129xf32, #tpu.memory_space<vmem>>[vector<16xi32>, vector<16xi32>], vector<16xf32>,
        tpu.vector_store_idx %arg8[%add3A_1319, %broadcast_in_dim3A_1320], %get3A_1317 : memref<128x129xf32, #tpu.memory_space<vmem>>[vector<16xi32>, vector<16xi32>], vector<16xf32>,
        tpu.vector_store_idx %arg8[%add3A_1325, %broadcast_in_dim3A_1326], %get3A_1323 : memref<128x129xf32, #tpu.memory_space<vmem>>[vector<16xi32>, vector<16xi32>], vector<16xf32>,
        tpu.vector_store_idx %arg8[%add3A_1331, %broadcast_in_dim3A_1332], %get3A_1329 : memref<128x129xf32, #tpu.memory_space<vmem>>[vector<16xi32>, vector<16xi32>], vector<16xf32>,
        tpu.vector_store_idx %arg8[%add3A_1383, %broadcast_in_dim3A_1384], %get3A_1381 : memref<128x129xf32, #tpu.memory_space<vmem>>[vector<16xi32>, vector<16xi32>], vector<16xf32>,
        tpu.vector_store_idx %arg8[%add3A_1389, %broadcast_in_dim3A_1390], %get3A_1387 : memref<128x129xf32, #tpu.memory_space<vmem>>[vector<16xi32>, vector<16xi32>], vector<16xf32>,
        tpu.vector_store_idx %arg8[%add3A_1395, %broadcast_in_dim3A_1396], %get3A_1393 : memref<128x129xf32, #tpu.memory_space<vmem>>[vector<16xi32>, vector<16xi32>], vector<16xf32>,
        tpu.vector_store_idx %arg8[%add3A_1401, %broadcast_in_dim3A_1402], %get3A_1399 : memref<128x129xf32, #tpu.memory_space<vmem>>[vector<16xi32>, vector<16xi32>], vector<16xf32>,
        tpu.vector_store_idx %arg8[%add3A_1453, %broadcast_in_dim3A_1454], %get3A_1451 : memref<128x129xf32, #tpu.memory_space<vmem>>[vector<16xi32>, vector<16xi32>], vector<16xf32>,
        tpu.vector_store_idx %arg8[%add3A_1459, %broadcast_in_dim3A_1460], %get3A_1457 : memref<128x129xf32, #tpu.memory_space<vmem>>[vector<16xi32>, vector<16xi32>], vector<16xf32>,
        tpu.vector_store_idx %arg8[%add3A_1465, %broadcast_in_dim3A_1466], %get3A_1463 : memref<128x129xf32, #tpu.memory_space<vmem>>[vector<16xi32>, vector<16xi32>], vector<16xf32>,
        tpu.vector_store_idx %arg8[%add3A_1471, %broadcast_in_dim3A_1472], %get3A_1469 : memref<128x129xf32, #tpu.memory_space<vmem>>[vector<16xi32>, vector<16xi32>], vector<16xf32>,
        tpu.vector_store_idx %arg8[%add3A_1523, %broadcast_in_dim3A_1524], %get3A_1521 : memref<128x129xf32, #tpu.memory_space<vmem>>[vector<16xi32>, vector<16xi32>], vector<16xf32>,
        tpu.vector_store_idx %arg8[%add3A_1529, %broadcast_in_dim3A_1530], %get3A_1527 : memref<128x129xf32, #tpu.memory_space<vmem>>[vector<16xi32>, vector<16xi32>], vector<16xf32>,
        tpu.vector_store_idx %arg8[%add3A_1535, %broadcast_in_dim3A_1536], %get3A_1533 : memref<128x129xf32, #tpu.memory_space<vmem>>[vector<16xi32>, vector<16xi32>], vector<16xf32>,
        tpu.vector_store_idx %arg8[%add3A_1541, %broadcast_in_dim3A_1542], %get3A_1539 : memref<128x129xf32, #tpu.memory_space<vmem>>[vector<16xi32>, vector<16xi32>], vector<16xf32>,
        tpu.vector_store_idx %arg8[%add3A_1593, %broadcast_in_dim3A_1594], %get3A_1591 : memref<128x129xf32, #tpu.memory_space<vmem>>[vector<16xi32>, vector<16xi32>], vector<16xf32>,
        tpu.vector_store_idx %arg8[%add3A_1599, %broadcast_in_dim3A_1600], %get3A_1597 : memref<128x129xf32, #tpu.memory_space<vmem>>[vector<16xi32>, vector<16xi32>], vector<16xf32>,
        tpu.vector_store_idx %arg8[%add3A_1605, %broadcast_in_dim3A_1606], %get3A_1603 : memref<128x129xf32, #tpu.memory_space<vmem>>[vector<16xi32>, vector<16xi32>], vector<16xf32>,
        tpu.vector_store_idx %arg8[%add3A_1611, %broadcast_in_dim3A_1612], %get3A_1609 : memref<128x129xf32, #tpu.memory_space<vmem>>[vector<16xi32>, vector<16xi32>], vector<16xf32>,
        tpu.vector_store_idx %arg8[%add3A_1663, %broadcast_in_dim3A_1664], %get3A_1661 : memref<128x129xf32, #tpu.memory_space<vmem>>[vector<16xi32>, vector<16xi32>], vector<16xf32>,
        tpu.vector_store_idx %arg8[%add3A_1669, %broadcast_in_dim3A_1670], %get3A_1667 : memref<128x129xf32, #tpu.memory_space<vmem>>[vector<16xi32>, vector<16xi32>], vector<16xf32>,
        tpu.vector_store_idx %arg8[%add3A_1675, %broadcast_in_dim3A_1676], %get3A_1673 : memref<128x129xf32, #tpu.memory_space<vmem>>[vector<16xi32>, vector<16xi32>], vector<16xf32>,
        tpu.vector_store_idx %arg8[%add3A_1681, %broadcast_in_dim3A_1682], %get3A_1679 : memref<128x129xf32, #tpu.memory_space<vmem>>[vector<16xi32>, vector<16xi32>], vector<16xf32>,
        tpu.vector_store_idx %arg8[%add3A_1733, %broadcast_in_dim3A_1734], %get3A_1731 : memref<128x129xf32, #tpu.memory_space<vmem>>[vector<16xi32>, vector<16xi32>], vector<16xf32>,
        tpu.vector_store_idx %arg8[%add3A_1739, %broadcast_in_dim3A_1740], %get3A_1737 : memref<128x129xf32, #tpu.memory_space<vmem>>[vector<16xi32>, vector<16xi32>], vector<16xf32>,
        tpu.vector_store_idx %arg8[%add3A_1745, %broadcast_in_dim3A_1746], %get3A_1743 : memref<128x129xf32, #tpu.memory_space<vmem>>[vector<16xi32>, vector<16xi32>], vector<16xf32>,
        tpu.vector_store_idx %arg8[%add3A_1751, %broadcast_in_dim3A_1752], %get3A_1749 : memref<128x129xf32, #tpu.memory_space<vmem>>[vector<16xi32>, vector<16xi32>], vector<16xf32>,
        tpu.vector_store_idx %arg8[%add3A_1803, %broadcast_in_dim3A_1804], %get3A_1801 : memref<128x129xf32, #tpu.memory_space<vmem>>[vector<16xi32>, vector<16xi32>], vector<16xf32>,
        tpu.vector_store_idx %arg8[%add3A_1809, %broadcast_in_dim3A_1810], %get3A_1807 : memref<128x129xf32, #tpu.memory_space<vmem>>[vector<16xi32>, vector<16xi32>], vector<16xf32>,
        tpu.vector_store_idx %arg8[%add3A_1815, %broadcast_in_dim3A_1816], %get3A_1813 : memref<128x129xf32, #tpu.memory_space<vmem>>[vector<16xi32>, vector<16xi32>], vector<16xf32>,
        tpu.vector_store_idx %arg8[%add3A_1821, %broadcast_in_dim3A_1822], %get3A_1819 : memref<128x129xf32, #tpu.memory_space<vmem>>[vector<16xi32>, vector<16xi32>], vector<16xf32>,
      }
      %scan3A_326 = arith.constant 16 : i32
      %lt3A = arith.constant 49 : i32
      %lt3A_327 = arith.cmpi slt, %scan3A_280, %lt3A : i32
      %convert_element_type3A_328 = arith.extui %lt3A_327 : i1 to i32
      %cond3A_329 = arith.constant 0 : i32
      %cond3A_330 = arith.cmpi ne, %convert_element_type3A_328, %cond3A_329 : i32
      scf.if %cond3A_330 {
        %add3A_698 = arith.constant 2 : i32
        %add3A_699 = arith.addi %mul3A_282, %add3A_698 : i32
        %mul3A_700 = arith.constant 2 : i32
        %mul3A_701 = arith.muli %add3A_699, %mul3A_700 : i32
        %add3A_702 = arith.constant 0 : i32
        %add3A_703 = arith.addi %mul3A_701, %add3A_702 : i32
        %dma_start3A_704 = arith.constant 0 : i32
        %dma_start3A_705 = arith.constant 0 : i32
        %dma_start3A_706 = tpu.memref_slice %arg6[%dma_start3A_704, %dma_start3A_705] : memref<256x128xf32, #tpu.memory_space<vmem>> -> memref<128x128xf32, #tpu.memory_space<vmem>>
        %dma_start3A_707 = arith.constant 0 : i32
        %dma_start3A_708 = tpu.memref_slice %arg5[%add3A_703, %dma_start3A_707] : memref<200x128xi32, #tpu.memory_space<vmem>> -> memref<1x128xi32, #tpu.memory_space<vmem>>
        %dma_start3A_709 = tpu.memref_squeeze %dma_start3A_708 : memref<1x128xi32, #tpu.memory_space<vmem>> -> memref<128xi32, #tpu.memory_space<vmem>>
        %dma_start3A_710 = arith.constant 0 : i32
        %dma_start3A_711 = arith.constant 0 : i32
        %dma_start3A_712 = tpu.memref_slice %arg3[%dma_start3A_710, %dma_start3A_711] : memref<1000000x128xf32, #tpu.memory_space<hbm>> -> memref<1000000x128xf32, #tpu.memory_space<hbm>>
        tpu.enqueue_indirect_dma source(%dma_start3A_712 : memref<1000000x128xf32, #tpu.memory_space<hbm>>) target(%dma_start3A_706 : memref<128x128xf32, #tpu.memory_space<vmem>>) offsets(%dma_start3A_709 : memref<128xi32, #tpu.memory_space<vmem>>) semaphore(%arg10 : memref<!tpu.dma_semaphore, #tpu.memory_space<semaphore_mem>>)
        %mul3A_713 = arith.constant 2 : i32
        %mul3A_714 = arith.muli %add3A_699, %mul3A_713 : i32
        %add3A_715 = arith.constant 1 : i32
        %add3A_716 = arith.addi %mul3A_714, %add3A_715 : i32
        %dma_start3A_717 = arith.constant 128 : i32
        %dma_start3A_718 = arith.constant 0 : i32
        %dma_start3A_719 = tpu.memref_slice %arg6[%dma_start3A_717, %dma_start3A_718] : memref<256x128xf32, #tpu.memory_space<vmem>> -> memref<128x128xf32, #tpu.memory_space<vmem>>
        %dma_start3A_720 = arith.constant 0 : i32
        %dma_start3A_721 = tpu.memref_slice %arg5[%add3A_716, %dma_start3A_720] : memref<200x128xi32, #tpu.memory_space<vmem>> -> memref<1x128xi32, #tpu.memory_space<vmem>>
        %dma_start3A_722 = tpu.memref_squeeze %dma_start3A_721 : memref<1x128xi32, #tpu.memory_space<vmem>> -> memref<128xi32, #tpu.memory_space<vmem>>
        %dma_start3A_723 = arith.constant 0 : i32
        %dma_start3A_724 = arith.constant 0 : i32
        %dma_start3A_725 = tpu.memref_slice %arg3[%dma_start3A_723, %dma_start3A_724] : memref<1000000x128xf32, #tpu.memory_space<hbm>> -> memref<1000000x128xf32, #tpu.memory_space<hbm>>
        tpu.enqueue_indirect_dma source(%dma_start3A_725 : memref<1000000x128xf32, #tpu.memory_space<hbm>>) target(%dma_start3A_719 : memref<128x128xf32, #tpu.memory_space<vmem>>) offsets(%dma_start3A_722 : memref<128xi32, #tpu.memory_space<vmem>>) semaphore(%arg10 : memref<!tpu.dma_semaphore, #tpu.memory_space<semaphore_mem>>)
      } else {
      }
      %mul3A_331 = arith.constant 2 : i32
      %mul3A_332 = arith.muli %mul3A_282, %mul3A_331 : i32
      %add3A_333 = arith.addi %mul3A_2, %mul3A_332 : i32
      %jit3A = arith.constant 128 : i32
      %div3A = arith.divsi %add3A_333, %jit3A : i32
      %sign3A = arith.constant 0 : i32
      %sign3A_334 = arith.cmpi sgt, %add3A_333, %sign3A : i32
      %sign3A_335 = arith.extui %sign3A_334 : i1 to i32
      %sign3A_336 = arith.constant 0 : i32
      %sign3A_337 = arith.cmpi slt, %add3A_333, %sign3A_336 : i32
      %sign3A_338 = arith.extui %sign3A_337 : i1 to i32
      %sign3A_339 = arith.subi %sign3A_335, %sign3A_338 : i32
      %sign3A_340 = arith.constant 0 : i32
      %sign3A_341 = arith.cmpi sgt, %jit3A, %sign3A_340 : i32
      %sign3A_342 = arith.extui %sign3A_341 : i1 to i32
      %sign3A_343 = arith.constant 0 : i32
      %sign3A_344 = arith.cmpi slt, %jit3A, %sign3A_343 : i32
      %sign3A_345 = arith.extui %sign3A_344 : i1 to i32
      %sign3A_346 = arith.subi %sign3A_342, %sign3A_345 : i32
      %ne3A = arith.cmpi ne, %sign3A_339, %sign3A_346 : i32
      %rem3A = arith.remsi %add3A_333, %jit3A : i32
      %ne3A_347 = arith.constant 0 : i32
      %ne3A_348 = arith.cmpi ne, %rem3A, %ne3A_347 : i32
      %and3A_349 = arith.andi %ne3A, %ne3A_348 : i1
      %sub3A = arith.constant 1 : i32
      %sub3A_350 = arith.subi %div3A, %sub3A : i32
      %select_n3A = arith.select %and3A_349, %sub3A_350, %div3A : i32
      %jit3A_351 = arith.constant 128 : i32
      %eq3A = arith.constant 0 : i32
      %eq3A_352 = arith.cmpi eq, %jit3A_351, %eq3A : i32
      %jit3A_353 = arith.constant 1 : i32
      %select_n3A_354 = arith.select %eq3A_352, %jit3A_353, %jit3A_351 : i32
      %rem3A_355 = arith.remsi %add3A_333, %select_n3A_354 : i32
      %ne3A_356 = arith.constant 0 : i32
      %ne3A_357 = arith.cmpi ne, %rem3A_355, %ne3A_356 : i32
      %lt3A_358 = arith.constant 0 : i32
      %lt3A_359 = arith.cmpi slt, %rem3A_355, %lt3A_358 : i32
      %lt3A_360 = arith.constant 0 : i32
      %lt3A_361 = arith.cmpi slt, %select_n3A_354, %lt3A_360 : i32
      %ne3A_362 = arith.xori %lt3A_359, %lt3A_361 : i1
      %and3A_363 = arith.andi %ne3A_362, %ne3A_357 : i1
      %add3A_364 = arith.addi %rem3A_355, %select_n3A_354 : i32
      %select_n3A_365 = arith.select %and3A_363, %add3A_364, %rem3A_355 : i32
      %mul3A_366 = arith.constant 1024 : i32
      %mul3A_367 = arith.muli %select_n3A, %mul3A_366 : i32
      %add3A_368 = arith.constant 0 : i32
      %add3A_369 = arith.addi %mul3A_367, %add3A_368 : i32
      %add3A_370 = arith.addi %add3A_369, %select_n3A_365 : i32
      %mul3A_371 = arith.constant 8 : i32
      %mul3A_372 = arith.muli %add3A_370, %mul3A_371 : i32
      %dma_start3A_373 = arith.constant 0 : i32
      %dma_start3A_374 = arith.constant 0 : i32
      %dma_start3A_375 = tpu.memref_slice %arg8[%dma_start3A_373, %dma_start3A_374] : memref<128x129xf32, #tpu.memory_space<vmem>> -> memref<16x128xf32, #tpu.memory_space<vmem>>
      %dma_start3A_376 = arith.constant 0 : i32
      %dma_start3A_377 = tpu.memref_slice %arg4[%mul3A_372, %dma_start3A_376] : memref<409600x128xf32, #tpu.memory_space<hbm>> -> memref<16x128xf32, #tpu.memory_space<hbm>>
      %dma_start3A_378 = arith.constant 0 : i32
      %dma_start3A_379 = tpu.memref_slice %arg4[%mul3A_372, %dma_start3A_378] : memref<409600x128xf32, #tpu.memory_space<hbm>> -> memref<16x128xf32, #tpu.memory_space<hbm>>
      %dma_start3A_380 = arith.constant 0 : i32
      %dma_start3A_381 = arith.constant 0 : i32
      %dma_start3A_382 = tpu.memref_slice %arg8[%dma_start3A_380, %dma_start3A_381] : memref<128x129xf32, #tpu.memory_space<vmem>> -> memref<16x128xf32, #tpu.memory_space<vmem>>
      tpu.enqueue_dma source(%dma_start3A_382 : memref<16x128xf32, #tpu.memory_space<vmem>>) target(%dma_start3A_379 : memref<16x128xf32, #tpu.memory_space<hbm>>) target_semaphore(%arg12 : memref<!tpu.dma_semaphore, #tpu.memory_space<semaphore_mem>>)
      %mul3A_383 = arith.constant 1024 : i32
      %mul3A_384 = arith.muli %select_n3A, %mul3A_383 : i32
      %add3A_385 = arith.constant 128 : i32
      %add3A_386 = arith.addi %mul3A_384, %add3A_385 : i32
      %add3A_387 = arith.addi %add3A_386, %select_n3A_365 : i32
      %mul3A_388 = arith.constant 8 : i32
      %mul3A_389 = arith.muli %add3A_387, %mul3A_388 : i32
      %dma_start3A_390 = arith.constant 16 : i32
      %dma_start3A_391 = arith.constant 0 : i32
      %dma_start3A_392 = tpu.memref_slice %arg8[%dma_start3A_390, %dma_start3A_391] : memref<128x129xf32, #tpu.memory_space<vmem>> -> memref<16x128xf32, #tpu.memory_space<vmem>>
      %dma_start3A_393 = arith.constant 0 : i32
      %dma_start3A_394 = tpu.memref_slice %arg4[%mul3A_389, %dma_start3A_393] : memref<409600x128xf32, #tpu.memory_space<hbm>> -> memref<16x128xf32, #tpu.memory_space<hbm>>
      %dma_start3A_395 = arith.constant 0 : i32
      %dma_start3A_396 = tpu.memref_slice %arg4[%mul3A_389, %dma_start3A_395] : memref<409600x128xf32, #tpu.memory_space<hbm>> -> memref<16x128xf32, #tpu.memory_space<hbm>>
      %dma_start3A_397 = arith.constant 16 : i32
      %dma_start3A_398 = arith.constant 0 : i32
      %dma_start3A_399 = tpu.memref_slice %arg8[%dma_start3A_397, %dma_start3A_398] : memref<128x129xf32, #tpu.memory_space<vmem>> -> memref<16x128xf32, #tpu.memory_space<vmem>>
      tpu.enqueue_dma source(%dma_start3A_399 : memref<16x128xf32, #tpu.memory_space<vmem>>) target(%dma_start3A_396 : memref<16x128xf32, #tpu.memory_space<hbm>>) target_semaphore(%arg12 : memref<!tpu.dma_semaphore, #tpu.memory_space<semaphore_mem>>)
      %mul3A_400 = arith.constant 1024 : i32
      %mul3A_401 = arith.muli %select_n3A, %mul3A_400 : i32
      %add3A_402 = arith.constant 256 : i32
      %add3A_403 = arith.addi %mul3A_401, %add3A_402 : i32
      %add3A_404 = arith.addi %add3A_403, %select_n3A_365 : i32
      %mul3A_405 = arith.constant 8 : i32
      %mul3A_406 = arith.muli %add3A_404, %mul3A_405 : i32
      %dma_start3A_407 = arith.constant 32 : i32
      %dma_start3A_408 = arith.constant 0 : i32
      %dma_start3A_409 = tpu.memref_slice %arg8[%dma_start3A_407, %dma_start3A_408] : memref<128x129xf32, #tpu.memory_space<vmem>> -> memref<16x128xf32, #tpu.memory_space<vmem>>
      %dma_start3A_410 = arith.constant 0 : i32
      %dma_start3A_411 = tpu.memref_slice %arg4[%mul3A_406, %dma_start3A_410] : memref<409600x128xf32, #tpu.memory_space<hbm>> -> memref<16x128xf32, #tpu.memory_space<hbm>>
      %dma_start3A_412 = arith.constant 0 : i32
      %dma_start3A_413 = tpu.memref_slice %arg4[%mul3A_406, %dma_start3A_412] : memref<409600x128xf32, #tpu.memory_space<hbm>> -> memref<16x128xf32, #tpu.memory_space<hbm>>
      %dma_start3A_414 = arith.constant 32 : i32
      %dma_start3A_415 = arith.constant 0 : i32
      %dma_start3A_416 = tpu.memref_slice %arg8[%dma_start3A_414, %dma_start3A_415] : memref<128x129xf32, #tpu.memory_space<vmem>> -> memref<16x128xf32, #tpu.memory_space<vmem>>
      tpu.enqueue_dma source(%dma_start3A_416 : memref<16x128xf32, #tpu.memory_space<vmem>>) target(%dma_start3A_413 : memref<16x128xf32, #tpu.memory_space<hbm>>) target_semaphore(%arg12 : memref<!tpu.dma_semaphore, #tpu.memory_space<semaphore_mem>>)
      %mul3A_417 = arith.constant 1024 : i32
      %mul3A_418 = arith.muli %select_n3A, %mul3A_417 : i32
      %add3A_419 = arith.constant 384 : i32
      %add3A_420 = arith.addi %mul3A_418, %add3A_419 : i32
      %add3A_421 = arith.addi %add3A_420, %select_n3A_365 : i32
      %mul3A_422 = arith.constant 8 : i32
      %mul3A_423 = arith.muli %add3A_421, %mul3A_422 : i32
      %dma_start3A_424 = arith.constant 48 : i32
      %dma_start3A_425 = arith.constant 0 : i32
      %dma_start3A_426 = tpu.memref_slice %arg8[%dma_start3A_424, %dma_start3A_425] : memref<128x129xf32, #tpu.memory_space<vmem>> -> memref<16x128xf32, #tpu.memory_space<vmem>>
      %dma_start3A_427 = arith.constant 0 : i32
      %dma_start3A_428 = tpu.memref_slice %arg4[%mul3A_423, %dma_start3A_427] : memref<409600x128xf32, #tpu.memory_space<hbm>> -> memref<16x128xf32, #tpu.memory_space<hbm>>
      %dma_start3A_429 = arith.constant 0 : i32
      %dma_start3A_430 = tpu.memref_slice %arg4[%mul3A_423, %dma_start3A_429] : memref<409600x128xf32, #tpu.memory_space<hbm>> -> memref<16x128xf32, #tpu.memory_space<hbm>>
      %dma_start3A_431 = arith.constant 48 : i32
      %dma_start3A_432 = arith.constant 0 : i32
      %dma_start3A_433 = tpu.memref_slice %arg8[%dma_start3A_431, %dma_start3A_432] : memref<128x129xf32, #tpu.memory_space<vmem>> -> memref<16x128xf32, #tpu.memory_space<vmem>>
      tpu.enqueue_dma source(%dma_start3A_433 : memref<16x128xf32, #tpu.memory_space<vmem>>) target(%dma_start3A_430 : memref<16x128xf32, #tpu.memory_space<hbm>>) target_semaphore(%arg12 : memref<!tpu.dma_semaphore, #tpu.memory_space<semaphore_mem>>)
      %mul3A_434 = arith.constant 1024 : i32
      %mul3A_435 = arith.muli %select_n3A, %mul3A_434 : i32
      %add3A_436 = arith.constant 512 : i32
      %add3A_437 = arith.addi %mul3A_435, %add3A_436 : i32
      %add3A_438 = arith.addi %add3A_437, %select_n3A_365 : i32
      %mul3A_439 = arith.constant 8 : i32
      %mul3A_440 = arith.muli %add3A_438, %mul3A_439 : i32
      %dma_start3A_441 = arith.constant 64 : i32
      %dma_start3A_442 = arith.constant 0 : i32
      %dma_start3A_443 = tpu.memref_slice %arg8[%dma_start3A_441, %dma_start3A_442] : memref<128x129xf32, #tpu.memory_space<vmem>> -> memref<16x128xf32, #tpu.memory_space<vmem>>
      %dma_start3A_444 = arith.constant 0 : i32
      %dma_start3A_445 = tpu.memref_slice %arg4[%mul3A_440, %dma_start3A_444] : memref<409600x128xf32, #tpu.memory_space<hbm>> -> memref<16x128xf32, #tpu.memory_space<hbm>>
      %dma_start3A_446 = arith.constant 0 : i32
      %dma_start3A_447 = tpu.memref_slice %arg4[%mul3A_440, %dma_start3A_446] : memref<409600x128xf32, #tpu.memory_space<hbm>> -> memref<16x128xf32, #tpu.memory_space<hbm>>
      %dma_start3A_448 = arith.constant 64 : i32
      %dma_start3A_449 = arith.constant 0 : i32
      %dma_start3A_450 = tpu.memref_slice %arg8[%dma_start3A_448, %dma_start3A_449] : memref<128x129xf32, #tpu.memory_space<vmem>> -> memref<16x128xf32, #tpu.memory_space<vmem>>
      tpu.enqueue_dma source(%dma_start3A_450 : memref<16x128xf32, #tpu.memory_space<vmem>>) target(%dma_start3A_447 : memref<16x128xf32, #tpu.memory_space<hbm>>) target_semaphore(%arg12 : memref<!tpu.dma_semaphore, #tpu.memory_space<semaphore_mem>>)
      %mul3A_451 = arith.constant 1024 : i32
      %mul3A_452 = arith.muli %select_n3A, %mul3A_451 : i32
      %add3A_453 = arith.constant 640 : i32
      %add3A_454 = arith.addi %mul3A_452, %add3A_453 : i32
      %add3A_455 = arith.addi %add3A_454, %select_n3A_365 : i32
      %mul3A_456 = arith.constant 8 : i32
      %mul3A_457 = arith.muli %add3A_455, %mul3A_456 : i32
      %dma_start3A_458 = arith.constant 80 : i32
      %dma_start3A_459 = arith.constant 0 : i32
      %dma_start3A_460 = tpu.memref_slice %arg8[%dma_start3A_458, %dma_start3A_459] : memref<128x129xf32, #tpu.memory_space<vmem>> -> memref<16x128xf32, #tpu.memory_space<vmem>>
      %dma_start3A_461 = arith.constant 0 : i32
      %dma_start3A_462 = tpu.memref_slice %arg4[%mul3A_457, %dma_start3A_461] : memref<409600x128xf32, #tpu.memory_space<hbm>> -> memref<16x128xf32, #tpu.memory_space<hbm>>
      %dma_start3A_463 = arith.constant 0 : i32
      %dma_start3A_464 = tpu.memref_slice %arg4[%mul3A_457, %dma_start3A_463] : memref<409600x128xf32, #tpu.memory_space<hbm>> -> memref<16x128xf32, #tpu.memory_space<hbm>>
      %dma_start3A_465 = arith.constant 80 : i32
      %dma_start3A_466 = arith.constant 0 : i32
      %dma_start3A_467 = tpu.memref_slice %arg8[%dma_start3A_465, %dma_start3A_466] : memref<128x129xf32, #tpu.memory_space<vmem>> -> memref<16x128xf32, #tpu.memory_space<vmem>>
      tpu.enqueue_dma source(%dma_start3A_467 : memref<16x128xf32, #tpu.memory_space<vmem>>) target(%dma_start3A_464 : memref<16x128xf32, #tpu.memory_space<hbm>>) target_semaphore(%arg12 : memref<!tpu.dma_semaphore, #tpu.memory_space<semaphore_mem>>)
      %mul3A_468 = arith.constant 1024 : i32
      %mul3A_469 = arith.muli %select_n3A, %mul3A_468 : i32
      %add3A_470 = arith.constant 768 : i32
      %add3A_471 = arith.addi %mul3A_469, %add3A_470 : i32
      %add3A_472 = arith.addi %add3A_471, %select_n3A_365 : i32
      %mul3A_473 = arith.constant 8 : i32
      %mul3A_474 = arith.muli %add3A_472, %mul3A_473 : i32
      %dma_start3A_475 = arith.constant 96 : i32
      %dma_start3A_476 = arith.constant 0 : i32
      %dma_start3A_477 = tpu.memref_slice %arg8[%dma_start3A_475, %dma_start3A_476] : memref<128x129xf32, #tpu.memory_space<vmem>> -> memref<16x128xf32, #tpu.memory_space<vmem>>
      %dma_start3A_478 = arith.constant 0 : i32
      %dma_start3A_479 = tpu.memref_slice %arg4[%mul3A_474, %dma_start3A_478] : memref<409600x128xf32, #tpu.memory_space<hbm>> -> memref<16x128xf32, #tpu.memory_space<hbm>>
      %dma_start3A_480 = arith.constant 0 : i32
      %dma_start3A_481 = tpu.memref_slice %arg4[%mul3A_474, %dma_start3A_480] : memref<409600x128xf32, #tpu.memory_space<hbm>> -> memref<16x128xf32, #tpu.memory_space<hbm>>
      %dma_start3A_482 = arith.constant 96 : i32
      %dma_start3A_483 = arith.constant 0 : i32
      %dma_start3A_484 = tpu.memref_slice %arg8[%dma_start3A_482, %dma_start3A_483] : memref<128x129xf32, #tpu.memory_space<vmem>> -> memref<16x128xf32, #tpu.memory_space<vmem>>
      tpu.enqueue_dma source(%dma_start3A_484 : memref<16x128xf32, #tpu.memory_space<vmem>>) target(%dma_start3A_481 : memref<16x128xf32, #tpu.memory_space<hbm>>) target_semaphore(%arg12 : memref<!tpu.dma_semaphore, #tpu.memory_space<semaphore_mem>>)
      %mul3A_485 = arith.constant 1024 : i32
      %mul3A_486 = arith.muli %select_n3A, %mul3A_485 : i32
      %add3A_487 = arith.constant 896 : i32
      %add3A_488 = arith.addi %mul3A_486, %add3A_487 : i32
      %add3A_489 = arith.addi %add3A_488, %select_n3A_365 : i32
      %mul3A_490 = arith.constant 8 : i32
      %mul3A_491 = arith.muli %add3A_489, %mul3A_490 : i32
      %dma_start3A_492 = arith.constant 112 : i32
      %dma_start3A_493 = arith.constant 0 : i32
      %dma_start3A_494 = tpu.memref_slice %arg8[%dma_start3A_492, %dma_start3A_493] : memref<128x129xf32, #tpu.memory_space<vmem>> -> memref<16x128xf32, #tpu.memory_space<vmem>>
      %dma_start3A_495 = arith.constant 0 : i32
      %dma_start3A_496 = tpu.memref_slice %arg4[%mul3A_491, %dma_start3A_495] : memref<409600x128xf32, #tpu.memory_space<hbm>> -> memref<16x128xf32, #tpu.memory_space<hbm>>
      %dma_start3A_497 = arith.constant 0 : i32
      %dma_start3A_498 = tpu.memref_slice %arg4[%mul3A_491, %dma_start3A_497] : memref<409600x128xf32, #tpu.memory_space<hbm>> -> memref<16x128xf32, #tpu.memory_space<hbm>>
      %dma_start3A_499 = arith.constant 112 : i32
      %dma_start3A_500 = arith.constant 0 : i32
      %dma_start3A_501 = tpu.memref_slice %arg8[%dma_start3A_499, %dma_start3A_500] : memref<128x129xf32, #tpu.memory_space<vmem>> -> memref<16x128xf32, #tpu.memory_space<vmem>>
      tpu.enqueue_dma source(%dma_start3A_501 : memref<16x128xf32, #tpu.memory_space<vmem>>) target(%dma_start3A_498 : memref<16x128xf32, #tpu.memory_space<hbm>>) target_semaphore(%arg12 : memref<!tpu.dma_semaphore, #tpu.memory_space<semaphore_mem>>)
      %dma_wait3A_502 = arith.constant 0 : i32
      %dma_wait3A_503 = arith.constant 0 : i32
      %dma_wait3A_504 = tpu.memref_slice %arg3[%dma_wait3A_502, %dma_wait3A_503] : memref<1000000x128xf32, #tpu.memory_space<hbm>> -> memref<256x128xf32, #tpu.memory_space<hbm>>
      %dma_wait3A_505 = arith.constant 0 : i32
      %dma_wait3A_506 = arith.constant 0 : i32
      %dma_wait3A_507 = tpu.memref_slice %arg3[%dma_wait3A_505, %dma_wait3A_506] : memref<1000000x128xf32, #tpu.memory_space<hbm>> -> memref<256x128xf32, #tpu.memory_space<hbm>>
      tpu.wait_dma2 semaphore(%arg11 : memref<!tpu.dma_semaphore, #tpu.memory_space<semaphore_mem>>) src(%dma_wait3A_507 : memref<256x128xf32, #tpu.memory_space<hbm>>) dst(%arg7 : memref<256x128xf32, #tpu.memory_space<vmem>>)
      %gt3A_508 = arith.constant 0 : i32
      %gt3A_509 = arith.cmpi sgt, %scan3A_280, %gt3A_508 : i32
      %convert_element_type3A_510 = arith.extui %gt3A_509 : i1 to i32
      %cond3A_511 = arith.constant 0 : i32
      %cond3A_512 = arith.cmpi ne, %convert_element_type3A_510, %cond3A_511 : i32
      scf.if %cond3A_512 {
        %dma_wait3A_698 = arith.constant 0 : i32
        %dma_wait3A_699 = arith.constant 0 : i32
        %dma_wait3A_700 = tpu.memref_slice %arg9[%dma_wait3A_698, %dma_wait3A_699] : memref<128x129xf32, #tpu.memory_space<vmem>> -> memref<16x128xf32, #tpu.memory_space<vmem>>
        %dma_wait3A_701 = arith.constant 0 : i32
        %dma_wait3A_702 = arith.constant 0 : i32
        %dma_wait3A_703 = tpu.memref_slice %arg4[%dma_wait3A_701, %dma_wait3A_702] : memref<409600x128xf32, #tpu.memory_space<hbm>> -> memref<16x128xf32, #tpu.memory_space<hbm>>
        %dma_wait3A_704 = arith.constant 0 : i32
        %dma_wait3A_705 = arith.constant 0 : i32
        %dma_wait3A_706 = tpu.memref_slice %arg4[%dma_wait3A_704, %dma_wait3A_705] : memref<409600x128xf32, #tpu.memory_space<hbm>> -> memref<16x128xf32, #tpu.memory_space<hbm>>
        %dma_wait3A_707 = arith.constant 0 : i32
        %dma_wait3A_708 = arith.constant 0 : i32
        %dma_wait3A_709 = tpu.memref_slice %arg9[%dma_wait3A_707, %dma_wait3A_708] : memref<128x129xf32, #tpu.memory_space<vmem>> -> memref<16x128xf32, #tpu.memory_space<vmem>>
        tpu.wait_dma2 semaphore(%arg13 : memref<!tpu.dma_semaphore, #tpu.memory_space<semaphore_mem>>) src(%dma_wait3A_709 : memref<16x128xf32, #tpu.memory_space<vmem>>) dst(%dma_wait3A_706 : memref<16x128xf32, #tpu.memory_space<hbm>>)
        %dma_wait3A_710 = arith.constant 16 : i32
        %dma_wait3A_711 = arith.constant 0 : i32
        %dma_wait3A_712 = tpu.memref_slice %arg9[%dma_wait3A_710, %dma_wait3A_711] : memref<128x129xf32, #tpu.memory_space<vmem>> -> memref<16x128xf32, #tpu.memory_space<vmem>>
        %dma_wait3A_713 = arith.constant 0 : i32
        %dma_wait3A_714 = arith.constant 0 : i32
        %dma_wait3A_715 = tpu.memref_slice %arg4[%dma_wait3A_713, %dma_wait3A_714] : memref<409600x128xf32, #tpu.memory_space<hbm>> -> memref<16x128xf32, #tpu.memory_space<hbm>>
        %dma_wait3A_716 = arith.constant 0 : i32
        %dma_wait3A_717 = arith.constant 0 : i32
        %dma_wait3A_718 = tpu.memref_slice %arg4[%dma_wait3A_716, %dma_wait3A_717] : memref<409600x128xf32, #tpu.memory_space<hbm>> -> memref<16x128xf32, #tpu.memory_space<hbm>>
        %dma_wait3A_719 = arith.constant 16 : i32
        %dma_wait3A_720 = arith.constant 0 : i32
        %dma_wait3A_721 = tpu.memref_slice %arg9[%dma_wait3A_719, %dma_wait3A_720] : memref<128x129xf32, #tpu.memory_space<vmem>> -> memref<16x128xf32, #tpu.memory_space<vmem>>
        tpu.wait_dma2 semaphore(%arg13 : memref<!tpu.dma_semaphore, #tpu.memory_space<semaphore_mem>>) src(%dma_wait3A_721 : memref<16x128xf32, #tpu.memory_space<vmem>>) dst(%dma_wait3A_718 : memref<16x128xf32, #tpu.memory_space<hbm>>)
        %dma_wait3A_722 = arith.constant 32 : i32
        %dma_wait3A_723 = arith.constant 0 : i32
        %dma_wait3A_724 = tpu.memref_slice %arg9[%dma_wait3A_722, %dma_wait3A_723] : memref<128x129xf32, #tpu.memory_space<vmem>> -> memref<16x128xf32, #tpu.memory_space<vmem>>
        %dma_wait3A_725 = arith.constant 0 : i32
        %dma_wait3A_726 = arith.constant 0 : i32
        %dma_wait3A_727 = tpu.memref_slice %arg4[%dma_wait3A_725, %dma_wait3A_726] : memref<409600x128xf32, #tpu.memory_space<hbm>> -> memref<16x128xf32, #tpu.memory_space<hbm>>
        %dma_wait3A_728 = arith.constant 0 : i32
        %dma_wait3A_729 = arith.constant 0 : i32
        %dma_wait3A_730 = tpu.memref_slice %arg4[%dma_wait3A_728, %dma_wait3A_729] : memref<409600x128xf32, #tpu.memory_space<hbm>> -> memref<16x128xf32, #tpu.memory_space<hbm>>
        %dma_wait3A_731 = arith.constant 32 : i32
        %dma_wait3A_732 = arith.constant 0 : i32
        %dma_wait3A_733 = tpu.memref_slice %arg9[%dma_wait3A_731, %dma_wait3A_732] : memref<128x129xf32, #tpu.memory_space<vmem>> -> memref<16x128xf32, #tpu.memory_space<vmem>>
        tpu.wait_dma2 semaphore(%arg13 : memref<!tpu.dma_semaphore, #tpu.memory_space<semaphore_mem>>) src(%dma_wait3A_733 : memref<16x128xf32, #tpu.memory_space<vmem>>) dst(%dma_wait3A_730 : memref<16x128xf32, #tpu.memory_space<hbm>>)
        %dma_wait3A_734 = arith.constant 48 : i32
        %dma_wait3A_735 = arith.constant 0 : i32
        %dma_wait3A_736 = tpu.memref_slice %arg9[%dma_wait3A_734, %dma_wait3A_735] : memref<128x129xf32, #tpu.memory_space<vmem>> -> memref<16x128xf32, #tpu.memory_space<vmem>>
        %dma_wait3A_737 = arith.constant 0 : i32
        %dma_wait3A_738 = arith.constant 0 : i32
        %dma_wait3A_739 = tpu.memref_slice %arg4[%dma_wait3A_737, %dma_wait3A_738] : memref<409600x128xf32, #tpu.memory_space<hbm>> -> memref<16x128xf32, #tpu.memory_space<hbm>>
        %dma_wait3A_740 = arith.constant 0 : i32
        %dma_wait3A_741 = arith.constant 0 : i32
        %dma_wait3A_742 = tpu.memref_slice %arg4[%dma_wait3A_740, %dma_wait3A_741] : memref<409600x128xf32, #tpu.memory_space<hbm>> -> memref<16x128xf32, #tpu.memory_space<hbm>>
        %dma_wait3A_743 = arith.constant 48 : i32
        %dma_wait3A_744 = arith.constant 0 : i32
        %dma_wait3A_745 = tpu.memref_slice %arg9[%dma_wait3A_743, %dma_wait3A_744] : memref<128x129xf32, #tpu.memory_space<vmem>> -> memref<16x128xf32, #tpu.memory_space<vmem>>
        tpu.wait_dma2 semaphore(%arg13 : memref<!tpu.dma_semaphore, #tpu.memory_space<semaphore_mem>>) src(%dma_wait3A_745 : memref<16x128xf32, #tpu.memory_space<vmem>>) dst(%dma_wait3A_742 : memref<16x128xf32, #tpu.memory_space<hbm>>)
        %dma_wait3A_746 = arith.constant 64 : i32
        %dma_wait3A_747 = arith.constant 0 : i32
        %dma_wait3A_748 = tpu.memref_slice %arg9[%dma_wait3A_746, %dma_wait3A_747] : memref<128x129xf32, #tpu.memory_space<vmem>> -> memref<16x128xf32, #tpu.memory_space<vmem>>
        %dma_wait3A_749 = arith.constant 0 : i32
        %dma_wait3A_750 = arith.constant 0 : i32
        %dma_wait3A_751 = tpu.memref_slice %arg4[%dma_wait3A_749, %dma_wait3A_750] : memref<409600x128xf32, #tpu.memory_space<hbm>> -> memref<16x128xf32, #tpu.memory_space<hbm>>
        %dma_wait3A_752 = arith.constant 0 : i32
        %dma_wait3A_753 = arith.constant 0 : i32
        %dma_wait3A_754 = tpu.memref_slice %arg4[%dma_wait3A_752, %dma_wait3A_753] : memref<409600x128xf32, #tpu.memory_space<hbm>> -> memref<16x128xf32, #tpu.memory_space<hbm>>
        %dma_wait3A_755 = arith.constant 64 : i32
        %dma_wait3A_756 = arith.constant 0 : i32
        %dma_wait3A_757 = tpu.memref_slice %arg9[%dma_wait3A_755, %dma_wait3A_756] : memref<128x129xf32, #tpu.memory_space<vmem>> -> memref<16x128xf32, #tpu.memory_space<vmem>>
        tpu.wait_dma2 semaphore(%arg13 : memref<!tpu.dma_semaphore, #tpu.memory_space<semaphore_mem>>) src(%dma_wait3A_757 : memref<16x128xf32, #tpu.memory_space<vmem>>) dst(%dma_wait3A_754 : memref<16x128xf32, #tpu.memory_space<hbm>>)
        %dma_wait3A_758 = arith.constant 80 : i32
        %dma_wait3A_759 = arith.constant 0 : i32
        %dma_wait3A_760 = tpu.memref_slice %arg9[%dma_wait3A_758, %dma_wait3A_759] : memref<128x129xf32, #tpu.memory_space<vmem>> -> memref<16x128xf32, #tpu.memory_space<vmem>>
        %dma_wait3A_761 = arith.constant 0 : i32
        %dma_wait3A_762 = arith.constant 0 : i32
        %dma_wait3A_763 = tpu.memref_slice %arg4[%dma_wait3A_761, %dma_wait3A_762] : memref<409600x128xf32, #tpu.memory_space<hbm>> -> memref<16x128xf32, #tpu.memory_space<hbm>>
        %dma_wait3A_764 = arith.constant 0 : i32
        %dma_wait3A_765 = arith.constant 0 : i32
        %dma_wait3A_766 = tpu.memref_slice %arg4[%dma_wait3A_764, %dma_wait3A_765] : memref<409600x128xf32, #tpu.memory_space<hbm>> -> memref<16x128xf32, #tpu.memory_space<hbm>>
        %dma_wait3A_767 = arith.constant 80 : i32
        %dma_wait3A_768 = arith.constant 0 : i32
        %dma_wait3A_769 = tpu.memref_slice %arg9[%dma_wait3A_767, %dma_wait3A_768] : memref<128x129xf32, #tpu.memory_space<vmem>> -> memref<16x128xf32, #tpu.memory_space<vmem>>
        tpu.wait_dma2 semaphore(%arg13 : memref<!tpu.dma_semaphore, #tpu.memory_space<semaphore_mem>>) src(%dma_wait3A_769 : memref<16x128xf32, #tpu.memory_space<vmem>>) dst(%dma_wait3A_766 : memref<16x128xf32, #tpu.memory_space<hbm>>)
        %dma_wait3A_770 = arith.constant 96 : i32
        %dma_wait3A_771 = arith.constant 0 : i32
        %dma_wait3A_772 = tpu.memref_slice %arg9[%dma_wait3A_770, %dma_wait3A_771] : memref<128x129xf32, #tpu.memory_space<vmem>> -> memref<16x128xf32, #tpu.memory_space<vmem>>
        %dma_wait3A_773 = arith.constant 0 : i32
        %dma_wait3A_774 = arith.constant 0 : i32
        %dma_wait3A_775 = tpu.memref_slice %arg4[%dma_wait3A_773, %dma_wait3A_774] : memref<409600x128xf32, #tpu.memory_space<hbm>> -> memref<16x128xf32, #tpu.memory_space<hbm>>
        %dma_wait3A_776 = arith.constant 0 : i32
        %dma_wait3A_777 = arith.constant 0 : i32
        %dma_wait3A_778 = tpu.memref_slice %arg4[%dma_wait3A_776, %dma_wait3A_777] : memref<409600x128xf32, #tpu.memory_space<hbm>> -> memref<16x128xf32, #tpu.memory_space<hbm>>
        %dma_wait3A_779 = arith.constant 96 : i32
        %dma_wait3A_780 = arith.constant 0 : i32
        %dma_wait3A_781 = tpu.memref_slice %arg9[%dma_wait3A_779, %dma_wait3A_780] : memref<128x129xf32, #tpu.memory_space<vmem>> -> memref<16x128xf32, #tpu.memory_space<vmem>>
        tpu.wait_dma2 semaphore(%arg13 : memref<!tpu.dma_semaphore, #tpu.memory_space<semaphore_mem>>) src(%dma_wait3A_781 : memref<16x128xf32, #tpu.memory_space<vmem>>) dst(%dma_wait3A_778 : memref<16x128xf32, #tpu.memory_space<hbm>>)
        %dma_wait3A_782 = arith.constant 112 : i32
        %dma_wait3A_783 = arith.constant 0 : i32
        %dma_wait3A_784 = tpu.memref_slice %arg9[%dma_wait3A_782, %dma_wait3A_783] : memref<128x129xf32, #tpu.memory_space<vmem>> -> memref<16x128xf32, #tpu.memory_space<vmem>>
        %dma_wait3A_785 = arith.constant 0 : i32
        %dma_wait3A_786 = arith.constant 0 : i32
        %dma_wait3A_787 = tpu.memref_slice %arg4[%dma_wait3A_785, %dma_wait3A_786] : memref<409600x128xf32, #tpu.memory_space<hbm>> -> memref<16x128xf32, #tpu.memory_space<hbm>>
        %dma_wait3A_788 = arith.constant 0 : i32
        %dma_wait3A_789 = arith.constant 0 : i32
        %dma_wait3A_790 = tpu.memref_slice %arg4[%dma_wait3A_788, %dma_wait3A_789] : memref<409600x128xf32, #tpu.memory_space<hbm>> -> memref<16x128xf32, #tpu.memory_space<hbm>>
        %dma_wait3A_791 = arith.constant 112 : i32
        %dma_wait3A_792 = arith.constant 0 : i32
        %dma_wait3A_793 = tpu.memref_slice %arg9[%dma_wait3A_791, %dma_wait3A_792] : memref<128x129xf32, #tpu.memory_space<vmem>> -> memref<16x128xf32, #tpu.memory_space<vmem>>
        tpu.wait_dma2 semaphore(%arg13 : memref<!tpu.dma_semaphore, #tpu.memory_space<semaphore_mem>>) src(%dma_wait3A_793 : memref<16x128xf32, #tpu.memory_space<vmem>>) dst(%dma_wait3A_790 : memref<16x128xf32, #tpu.memory_space<hbm>>)
      } else {
      }
      %scan3A_513 = arith.constant 0 : i32
      %scan3A_514 = arith.constant 0 : i32
      %scan3A_515 = arith.constant 16 : i32
      %scan3A_516 = arith.addi %scan3A_514, %scan3A_515 : i32
      %scan3A_517 = arith.constant 1 : i32
      scf.for %scan3A_698 = %scan3A_514 to %scan3A_516 step %scan3A_517  : i32 {
        %mul3A_699 = arith.constant 2 : i32
        %mul3A_700 = arith.muli %mul3A_699, %scan3A_698 : i32
        %mul3A_701 = arith.constant 8 : i32
        %mul3A_702 = arith.muli %mul3A_700, %mul3A_701 : i32
        %add3A_703 = arith.constant 0 : i32
        %add3A_704 = arith.addi %mul3A_702, %add3A_703 : i32
        %jit3A_705 = arith.constant 128 : i32
        %div3A_706 = arith.divsi %add3A_704, %jit3A_705 : i32
        %sign3A_707 = arith.constant 0 : i32
        %sign3A_708 = arith.cmpi sgt, %add3A_704, %sign3A_707 : i32
        %sign3A_709 = arith.extui %sign3A_708 : i1 to i32
        %sign3A_710 = arith.constant 0 : i32
        %sign3A_711 = arith.cmpi slt, %add3A_704, %sign3A_710 : i32
        %sign3A_712 = arith.extui %sign3A_711 : i1 to i32
        %sign3A_713 = arith.subi %sign3A_709, %sign3A_712 : i32
        %sign3A_714 = arith.constant 0 : i32
        %sign3A_715 = arith.cmpi sgt, %jit3A_705, %sign3A_714 : i32
        %sign3A_716 = arith.extui %sign3A_715 : i1 to i32
        %sign3A_717 = arith.constant 0 : i32
        %sign3A_718 = arith.cmpi slt, %jit3A_705, %sign3A_717 : i32
        %sign3A_719 = arith.extui %sign3A_718 : i1 to i32
        %sign3A_720 = arith.subi %sign3A_716, %sign3A_719 : i32
        %ne3A_721 = arith.cmpi ne, %sign3A_713, %sign3A_720 : i32
        %rem3A_722 = arith.remsi %add3A_704, %jit3A_705 : i32
        %ne3A_723 = arith.constant 0 : i32
        %ne3A_724 = arith.cmpi ne, %rem3A_722, %ne3A_723 : i32
        %and3A_725 = arith.andi %ne3A_721, %ne3A_724 : i1
        %sub3A_726 = arith.constant 1 : i32
        %sub3A_727 = arith.subi %div3A_706, %sub3A_726 : i32
        %select_n3A_728 = arith.select %and3A_725, %sub3A_727, %div3A_706 : i32
        %mul3A_729 = arith.constant 8 : i32
        %mul3A_730 = arith.muli %select_n3A_728, %mul3A_729 : i32
        %jit3A_731 = arith.constant 128 : i32
        %eq3A_732 = arith.constant 0 : i32
        %eq3A_733 = arith.cmpi eq, %jit3A_731, %eq3A_732 : i32
        %jit3A_734 = arith.constant 1 : i32
        %select_n3A_735 = arith.select %eq3A_733, %jit3A_734, %jit3A_731 : i32
        %rem3A_736 = arith.remsi %add3A_704, %select_n3A_735 : i32
        %ne3A_737 = arith.constant 0 : i32
        %ne3A_738 = arith.cmpi ne, %rem3A_736, %ne3A_737 : i32
        %lt3A_739 = arith.constant 0 : i32
        %lt3A_740 = arith.cmpi slt, %rem3A_736, %lt3A_739 : i32
        %lt3A_741 = arith.constant 0 : i32
        %lt3A_742 = arith.cmpi slt, %select_n3A_735, %lt3A_741 : i32
        %ne3A_743 = arith.xori %lt3A_740, %lt3A_742 : i1
        %and3A_744 = arith.andi %ne3A_743, %ne3A_738 : i1
        %add3A_745 = arith.addi %rem3A_736, %select_n3A_735 : i32
        %select_n3A_746 = arith.select %and3A_744, %add3A_745, %rem3A_736 : i32
        %get3A = arith.index_cast %add3A_704 : i32 to index
        %get3A_747 = arith.constant 0 : index
        %get3A_748 = tpu.vector_load %arg7[%get3A, %get3A_747] {strides = array<i32>} : memref<256x128xf32, #tpu.memory_space<vmem>>, vector<16xf32>,
        %add3A_749 = vector.broadcast %mul3A_730 : i32 to vector<16xi32>
        %add3A_750 = arith.addi %add3A_16, %add3A_749 : vector<16xi32>
        %broadcast_in_dim3A = vector.broadcast %select_n3A_746 : i32 to vector<16xi32>
        %get3A_751 = arith.index_cast %add3A_704 : i32 to index
        %get3A_752 = arith.constant 16 : index
        %get3A_753 = tpu.vector_load %arg7[%get3A_751, %get3A_752] {strides = array<i32>} : memref<256x128xf32, #tpu.memory_space<vmem>>, vector<16xf32>,
        %add3A_754 = vector.broadcast %mul3A_730 : i32 to vector<16xi32>
        %add3A_755 = arith.addi %add3A_32, %add3A_754 : vector<16xi32>
        %broadcast_in_dim3A_756 = vector.broadcast %select_n3A_746 : i32 to vector<16xi32>
        %get3A_757 = arith.index_cast %add3A_704 : i32 to index
        %get3A_758 = arith.constant 32 : index
        %get3A_759 = tpu.vector_load %arg7[%get3A_757, %get3A_758] {strides = array<i32>} : memref<256x128xf32, #tpu.memory_space<vmem>>, vector<16xf32>,
        %add3A_760 = vector.broadcast %mul3A_730 : i32 to vector<16xi32>
        %add3A_761 = arith.addi %add3A_48, %add3A_760 : vector<16xi32>
        %broadcast_in_dim3A_762 = vector.broadcast %select_n3A_746 : i32 to vector<16xi32>
        %get3A_763 = arith.index_cast %add3A_704 : i32 to index
        %get3A_764 = arith.constant 48 : index
        %get3A_765 = tpu.vector_load %arg7[%get3A_763, %get3A_764] {strides = array<i32>} : memref<256x128xf32, #tpu.memory_space<vmem>>, vector<16xf32>,
        %add3A_766 = vector.broadcast %mul3A_730 : i32 to vector<16xi32>
        %add3A_767 = arith.addi %add3A_64, %add3A_766 : vector<16xi32>
        %broadcast_in_dim3A_768 = vector.broadcast %select_n3A_746 : i32 to vector<16xi32>
        %mul3A_769 = arith.constant 8 : i32
        %mul3A_770 = arith.muli %mul3A_700, %mul3A_769 : i32
        %add3A_771 = arith.constant 1 : i32
        %add3A_772 = arith.addi %mul3A_770, %add3A_771 : i32
        %jit3A_773 = arith.constant 128 : i32
        %div3A_774 = arith.divsi %add3A_772, %jit3A_773 : i32
        %sign3A_775 = arith.constant 0 : i32
        %sign3A_776 = arith.cmpi sgt, %add3A_772, %sign3A_775 : i32
        %sign3A_777 = arith.extui %sign3A_776 : i1 to i32
        %sign3A_778 = arith.constant 0 : i32
        %sign3A_779 = arith.cmpi slt, %add3A_772, %sign3A_778 : i32
        %sign3A_780 = arith.extui %sign3A_779 : i1 to i32
        %sign3A_781 = arith.subi %sign3A_777, %sign3A_780 : i32
        %sign3A_782 = arith.constant 0 : i32
        %sign3A_783 = arith.cmpi sgt, %jit3A_773, %sign3A_782 : i32
        %sign3A_784 = arith.extui %sign3A_783 : i1 to i32
        %sign3A_785 = arith.constant 0 : i32
        %sign3A_786 = arith.cmpi slt, %jit3A_773, %sign3A_785 : i32
        %sign3A_787 = arith.extui %sign3A_786 : i1 to i32
        %sign3A_788 = arith.subi %sign3A_784, %sign3A_787 : i32
        %ne3A_789 = arith.cmpi ne, %sign3A_781, %sign3A_788 : i32
        %rem3A_790 = arith.remsi %add3A_772, %jit3A_773 : i32
        %ne3A_791 = arith.constant 0 : i32
        %ne3A_792 = arith.cmpi ne, %rem3A_790, %ne3A_791 : i32
        %and3A_793 = arith.andi %ne3A_789, %ne3A_792 : i1
        %sub3A_794 = arith.constant 1 : i32
        %sub3A_795 = arith.subi %div3A_774, %sub3A_794 : i32
        %select_n3A_796 = arith.select %and3A_793, %sub3A_795, %div3A_774 : i32
        %mul3A_797 = arith.constant 8 : i32
        %mul3A_798 = arith.muli %select_n3A_796, %mul3A_797 : i32
        %jit3A_799 = arith.constant 128 : i32
        %eq3A_800 = arith.constant 0 : i32
        %eq3A_801 = arith.cmpi eq, %jit3A_799, %eq3A_800 : i32
        %jit3A_802 = arith.constant 1 : i32
        %select_n3A_803 = arith.select %eq3A_801, %jit3A_802, %jit3A_799 : i32
        %rem3A_804 = arith.remsi %add3A_772, %select_n3A_803 : i32
        %ne3A_805 = arith.constant 0 : i32
        %ne3A_806 = arith.cmpi ne, %rem3A_804, %ne3A_805 : i32
        %lt3A_807 = arith.constant 0 : i32
        %lt3A_808 = arith.cmpi slt, %rem3A_804, %lt3A_807 : i32
        %lt3A_809 = arith.constant 0 : i32
        %lt3A_810 = arith.cmpi slt, %select_n3A_803, %lt3A_809 : i32
        %ne3A_811 = arith.xori %lt3A_808, %lt3A_810 : i1
        %and3A_812 = arith.andi %ne3A_811, %ne3A_806 : i1
        %add3A_813 = arith.addi %rem3A_804, %select_n3A_803 : i32
        %select_n3A_814 = arith.select %and3A_812, %add3A_813, %rem3A_804 : i32
        %get3A_815 = arith.index_cast %add3A_772 : i32 to index
        %get3A_816 = arith.constant 0 : index
        %get3A_817 = tpu.vector_load %arg7[%get3A_815, %get3A_816] {strides = array<i32>} : memref<256x128xf32, #tpu.memory_space<vmem>>, vector<16xf32>,
        %add3A_818 = vector.broadcast %mul3A_798 : i32 to vector<16xi32>
        %add3A_819 = arith.addi %add3A_16, %add3A_818 : vector<16xi32>
        %broadcast_in_dim3A_820 = vector.broadcast %select_n3A_814 : i32 to vector<16xi32>
        %get3A_821 = arith.index_cast %add3A_772 : i32 to index
        %get3A_822 = arith.constant 16 : index
        %get3A_823 = tpu.vector_load %arg7[%get3A_821, %get3A_822] {strides = array<i32>} : memref<256x128xf32, #tpu.memory_space<vmem>>, vector<16xf32>,
        %add3A_824 = vector.broadcast %mul3A_798 : i32 to vector<16xi32>
        %add3A_825 = arith.addi %add3A_32, %add3A_824 : vector<16xi32>
        %broadcast_in_dim3A_826 = vector.broadcast %select_n3A_814 : i32 to vector<16xi32>
        %get3A_827 = arith.index_cast %add3A_772 : i32 to index
        %get3A_828 = arith.constant 32 : index
        %get3A_829 = tpu.vector_load %arg7[%get3A_827, %get3A_828] {strides = array<i32>} : memref<256x128xf32, #tpu.memory_space<vmem>>, vector<16xf32>,
        %add3A_830 = vector.broadcast %mul3A_798 : i32 to vector<16xi32>
        %add3A_831 = arith.addi %add3A_48, %add3A_830 : vector<16xi32>
        %broadcast_in_dim3A_832 = vector.broadcast %select_n3A_814 : i32 to vector<16xi32>
        %get3A_833 = arith.index_cast %add3A_772 : i32 to index
        %get3A_834 = arith.constant 48 : index
        %get3A_835 = tpu.vector_load %arg7[%get3A_833, %get3A_834] {strides = array<i32>} : memref<256x128xf32, #tpu.memory_space<vmem>>, vector<16xf32>,
        %add3A_836 = vector.broadcast %mul3A_798 : i32 to vector<16xi32>
        %add3A_837 = arith.addi %add3A_64, %add3A_836 : vector<16xi32>
        %broadcast_in_dim3A_838 = vector.broadcast %select_n3A_814 : i32 to vector<16xi32>
        %mul3A_839 = arith.constant 8 : i32
        %mul3A_840 = arith.muli %mul3A_700, %mul3A_839 : i32
        %add3A_841 = arith.constant 2 : i32
        %add3A_842 = arith.addi %mul3A_840, %add3A_841 : i32
        %jit3A_843 = arith.constant 128 : i32
        %div3A_844 = arith.divsi %add3A_842, %jit3A_843 : i32
        %sign3A_845 = arith.constant 0 : i32
        %sign3A_846 = arith.cmpi sgt, %add3A_842, %sign3A_845 : i32
        %sign3A_847 = arith.extui %sign3A_846 : i1 to i32
        %sign3A_848 = arith.constant 0 : i32
        %sign3A_849 = arith.cmpi slt, %add3A_842, %sign3A_848 : i32
        %sign3A_850 = arith.extui %sign3A_849 : i1 to i32
        %sign3A_851 = arith.subi %sign3A_847, %sign3A_850 : i32
        %sign3A_852 = arith.constant 0 : i32
        %sign3A_853 = arith.cmpi sgt, %jit3A_843, %sign3A_852 : i32
        %sign3A_854 = arith.extui %sign3A_853 : i1 to i32
        %sign3A_855 = arith.constant 0 : i32
        %sign3A_856 = arith.cmpi slt, %jit3A_843, %sign3A_855 : i32
        %sign3A_857 = arith.extui %sign3A_856 : i1 to i32
        %sign3A_858 = arith.subi %sign3A_854, %sign3A_857 : i32
        %ne3A_859 = arith.cmpi ne, %sign3A_851, %sign3A_858 : i32
        %rem3A_860 = arith.remsi %add3A_842, %jit3A_843 : i32
        %ne3A_861 = arith.constant 0 : i32
        %ne3A_862 = arith.cmpi ne, %rem3A_860, %ne3A_861 : i32
        %and3A_863 = arith.andi %ne3A_859, %ne3A_862 : i1
        %sub3A_864 = arith.constant 1 : i32
        %sub3A_865 = arith.subi %div3A_844, %sub3A_864 : i32
        %select_n3A_866 = arith.select %and3A_863, %sub3A_865, %div3A_844 : i32
        %mul3A_867 = arith.constant 8 : i32
        %mul3A_868 = arith.muli %select_n3A_866, %mul3A_867 : i32
        %jit3A_869 = arith.constant 128 : i32
        %eq3A_870 = arith.constant 0 : i32
        %eq3A_871 = arith.cmpi eq, %jit3A_869, %eq3A_870 : i32
        %jit3A_872 = arith.constant 1 : i32
        %select_n3A_873 = arith.select %eq3A_871, %jit3A_872, %jit3A_869 : i32
        %rem3A_874 = arith.remsi %add3A_842, %select_n3A_873 : i32
        %ne3A_875 = arith.constant 0 : i32
        %ne3A_876 = arith.cmpi ne, %rem3A_874, %ne3A_875 : i32
        %lt3A_877 = arith.constant 0 : i32
        %lt3A_878 = arith.cmpi slt, %rem3A_874, %lt3A_877 : i32
        %lt3A_879 = arith.constant 0 : i32
        %lt3A_880 = arith.cmpi slt, %select_n3A_873, %lt3A_879 : i32
        %ne3A_881 = arith.xori %lt3A_878, %lt3A_880 : i1
        %and3A_882 = arith.andi %ne3A_881, %ne3A_876 : i1
        %add3A_883 = arith.addi %rem3A_874, %select_n3A_873 : i32
        %select_n3A_884 = arith.select %and3A_882, %add3A_883, %rem3A_874 : i32
        %get3A_885 = arith.index_cast %add3A_842 : i32 to index
        %get3A_886 = arith.constant 0 : index
        %get3A_887 = tpu.vector_load %arg7[%get3A_885, %get3A_886] {strides = array<i32>} : memref<256x128xf32, #tpu.memory_space<vmem>>, vector<16xf32>,
        %add3A_888 = vector.broadcast %mul3A_868 : i32 to vector<16xi32>
        %add3A_889 = arith.addi %add3A_16, %add3A_888 : vector<16xi32>
        %broadcast_in_dim3A_890 = vector.broadcast %select_n3A_884 : i32 to vector<16xi32>
        %get3A_891 = arith.index_cast %add3A_842 : i32 to index
        %get3A_892 = arith.constant 16 : index
        %get3A_893 = tpu.vector_load %arg7[%get3A_891, %get3A_892] {strides = array<i32>} : memref<256x128xf32, #tpu.memory_space<vmem>>, vector<16xf32>,
        %add3A_894 = vector.broadcast %mul3A_868 : i32 to vector<16xi32>
        %add3A_895 = arith.addi %add3A_32, %add3A_894 : vector<16xi32>
        %broadcast_in_dim3A_896 = vector.broadcast %select_n3A_884 : i32 to vector<16xi32>
        %get3A_897 = arith.index_cast %add3A_842 : i32 to index
        %get3A_898 = arith.constant 32 : index
        %get3A_899 = tpu.vector_load %arg7[%get3A_897, %get3A_898] {strides = array<i32>} : memref<256x128xf32, #tpu.memory_space<vmem>>, vector<16xf32>,
        %add3A_900 = vector.broadcast %mul3A_868 : i32 to vector<16xi32>
        %add3A_901 = arith.addi %add3A_48, %add3A_900 : vector<16xi32>
        %broadcast_in_dim3A_902 = vector.broadcast %select_n3A_884 : i32 to vector<16xi32>
        %get3A_903 = arith.index_cast %add3A_842 : i32 to index
        %get3A_904 = arith.constant 48 : index
        %get3A_905 = tpu.vector_load %arg7[%get3A_903, %get3A_904] {strides = array<i32>} : memref<256x128xf32, #tpu.memory_space<vmem>>, vector<16xf32>,
        %add3A_906 = vector.broadcast %mul3A_868 : i32 to vector<16xi32>
        %add3A_907 = arith.addi %add3A_64, %add3A_906 : vector<16xi32>
        %broadcast_in_dim3A_908 = vector.broadcast %select_n3A_884 : i32 to vector<16xi32>
        %mul3A_909 = arith.constant 8 : i32
        %mul3A_910 = arith.muli %mul3A_700, %mul3A_909 : i32
        %add3A_911 = arith.constant 3 : i32
        %add3A_912 = arith.addi %mul3A_910, %add3A_911 : i32
        %jit3A_913 = arith.constant 128 : i32
        %div3A_914 = arith.divsi %add3A_912, %jit3A_913 : i32
        %sign3A_915 = arith.constant 0 : i32
        %sign3A_916 = arith.cmpi sgt, %add3A_912, %sign3A_915 : i32
        %sign3A_917 = arith.extui %sign3A_916 : i1 to i32
        %sign3A_918 = arith.constant 0 : i32
        %sign3A_919 = arith.cmpi slt, %add3A_912, %sign3A_918 : i32
        %sign3A_920 = arith.extui %sign3A_919 : i1 to i32
        %sign3A_921 = arith.subi %sign3A_917, %sign3A_920 : i32
        %sign3A_922 = arith.constant 0 : i32
        %sign3A_923 = arith.cmpi sgt, %jit3A_913, %sign3A_922 : i32
        %sign3A_924 = arith.extui %sign3A_923 : i1 to i32
        %sign3A_925 = arith.constant 0 : i32
        %sign3A_926 = arith.cmpi slt, %jit3A_913, %sign3A_925 : i32
        %sign3A_927 = arith.extui %sign3A_926 : i1 to i32
        %sign3A_928 = arith.subi %sign3A_924, %sign3A_927 : i32
        %ne3A_929 = arith.cmpi ne, %sign3A_921, %sign3A_928 : i32
        %rem3A_930 = arith.remsi %add3A_912, %jit3A_913 : i32
        %ne3A_931 = arith.constant 0 : i32
        %ne3A_932 = arith.cmpi ne, %rem3A_930, %ne3A_931 : i32
        %and3A_933 = arith.andi %ne3A_929, %ne3A_932 : i1
        %sub3A_934 = arith.constant 1 : i32
        %sub3A_935 = arith.subi %div3A_914, %sub3A_934 : i32
        %select_n3A_936 = arith.select %and3A_933, %sub3A_935, %div3A_914 : i32
        %mul3A_937 = arith.constant 8 : i32
        %mul3A_938 = arith.muli %select_n3A_936, %mul3A_937 : i32
        %jit3A_939 = arith.constant 128 : i32
        %eq3A_940 = arith.constant 0 : i32
        %eq3A_941 = arith.cmpi eq, %jit3A_939, %eq3A_940 : i32
        %jit3A_942 = arith.constant 1 : i32
        %select_n3A_943 = arith.select %eq3A_941, %jit3A_942, %jit3A_939 : i32
        %rem3A_944 = arith.remsi %add3A_912, %select_n3A_943 : i32
        %ne3A_945 = arith.constant 0 : i32
        %ne3A_946 = arith.cmpi ne, %rem3A_944, %ne3A_945 : i32
        %lt3A_947 = arith.constant 0 : i32
        %lt3A_948 = arith.cmpi slt, %rem3A_944, %lt3A_947 : i32
        %lt3A_949 = arith.constant 0 : i32
        %lt3A_950 = arith.cmpi slt, %select_n3A_943, %lt3A_949 : i32
        %ne3A_951 = arith.xori %lt3A_948, %lt3A_950 : i1
        %and3A_952 = arith.andi %ne3A_951, %ne3A_946 : i1
        %add3A_953 = arith.addi %rem3A_944, %select_n3A_943 : i32
        %select_n3A_954 = arith.select %and3A_952, %add3A_953, %rem3A_944 : i32
        %get3A_955 = arith.index_cast %add3A_912 : i32 to index
        %get3A_956 = arith.constant 0 : index
        %get3A_957 = tpu.vector_load %arg7[%get3A_955, %get3A_956] {strides = array<i32>} : memref<256x128xf32, #tpu.memory_space<vmem>>, vector<16xf32>,
        %add3A_958 = vector.broadcast %mul3A_938 : i32 to vector<16xi32>
        %add3A_959 = arith.addi %add3A_16, %add3A_958 : vector<16xi32>
        %broadcast_in_dim3A_960 = vector.broadcast %select_n3A_954 : i32 to vector<16xi32>
        %get3A_961 = arith.index_cast %add3A_912 : i32 to index
        %get3A_962 = arith.constant 16 : index
        %get3A_963 = tpu.vector_load %arg7[%get3A_961, %get3A_962] {strides = array<i32>} : memref<256x128xf32, #tpu.memory_space<vmem>>, vector<16xf32>,
        %add3A_964 = vector.broadcast %mul3A_938 : i32 to vector<16xi32>
        %add3A_965 = arith.addi %add3A_32, %add3A_964 : vector<16xi32>
        %broadcast_in_dim3A_966 = vector.broadcast %select_n3A_954 : i32 to vector<16xi32>
        %get3A_967 = arith.index_cast %add3A_912 : i32 to index
        %get3A_968 = arith.constant 32 : index
        %get3A_969 = tpu.vector_load %arg7[%get3A_967, %get3A_968] {strides = array<i32>} : memref<256x128xf32, #tpu.memory_space<vmem>>, vector<16xf32>,
        %add3A_970 = vector.broadcast %mul3A_938 : i32 to vector<16xi32>
        %add3A_971 = arith.addi %add3A_48, %add3A_970 : vector<16xi32>
        %broadcast_in_dim3A_972 = vector.broadcast %select_n3A_954 : i32 to vector<16xi32>
        %get3A_973 = arith.index_cast %add3A_912 : i32 to index
        %get3A_974 = arith.constant 48 : index
        %get3A_975 = tpu.vector_load %arg7[%get3A_973, %get3A_974] {strides = array<i32>} : memref<256x128xf32, #tpu.memory_space<vmem>>, vector<16xf32>,
        %add3A_976 = vector.broadcast %mul3A_938 : i32 to vector<16xi32>
        %add3A_977 = arith.addi %add3A_64, %add3A_976 : vector<16xi32>
        %broadcast_in_dim3A_978 = vector.broadcast %select_n3A_954 : i32 to vector<16xi32>
        %mul3A_979 = arith.constant 8 : i32
        %mul3A_980 = arith.muli %mul3A_700, %mul3A_979 : i32
        %add3A_981 = arith.constant 4 : i32
        %add3A_982 = arith.addi %mul3A_980, %add3A_981 : i32
        %jit3A_983 = arith.constant 128 : i32
        %div3A_984 = arith.divsi %add3A_982, %jit3A_983 : i32
        %sign3A_985 = arith.constant 0 : i32
        %sign3A_986 = arith.cmpi sgt, %add3A_982, %sign3A_985 : i32
        %sign3A_987 = arith.extui %sign3A_986 : i1 to i32
        %sign3A_988 = arith.constant 0 : i32
        %sign3A_989 = arith.cmpi slt, %add3A_982, %sign3A_988 : i32
        %sign3A_990 = arith.extui %sign3A_989 : i1 to i32
        %sign3A_991 = arith.subi %sign3A_987, %sign3A_990 : i32
        %sign3A_992 = arith.constant 0 : i32
        %sign3A_993 = arith.cmpi sgt, %jit3A_983, %sign3A_992 : i32
        %sign3A_994 = arith.extui %sign3A_993 : i1 to i32
        %sign3A_995 = arith.constant 0 : i32
        %sign3A_996 = arith.cmpi slt, %jit3A_983, %sign3A_995 : i32
        %sign3A_997 = arith.extui %sign3A_996 : i1 to i32
        %sign3A_998 = arith.subi %sign3A_994, %sign3A_997 : i32
        %ne3A_999 = arith.cmpi ne, %sign3A_991, %sign3A_998 : i32
        %rem3A_1000 = arith.remsi %add3A_982, %jit3A_983 : i32
        %ne3A_1001 = arith.constant 0 : i32
        %ne3A_1002 = arith.cmpi ne, %rem3A_1000, %ne3A_1001 : i32
        %and3A_1003 = arith.andi %ne3A_999, %ne3A_1002 : i1
        %sub3A_1004 = arith.constant 1 : i32
        %sub3A_1005 = arith.subi %div3A_984, %sub3A_1004 : i32
        %select_n3A_1006 = arith.select %and3A_1003, %sub3A_1005, %div3A_984 : i32
        %mul3A_1007 = arith.constant 8 : i32
        %mul3A_1008 = arith.muli %select_n3A_1006, %mul3A_1007 : i32
        %jit3A_1009 = arith.constant 128 : i32
        %eq3A_1010 = arith.constant 0 : i32
        %eq3A_1011 = arith.cmpi eq, %jit3A_1009, %eq3A_1010 : i32
        %jit3A_1012 = arith.constant 1 : i32
        %select_n3A_1013 = arith.select %eq3A_1011, %jit3A_1012, %jit3A_1009 : i32
        %rem3A_1014 = arith.remsi %add3A_982, %select_n3A_1013 : i32
        %ne3A_1015 = arith.constant 0 : i32
        %ne3A_1016 = arith.cmpi ne, %rem3A_1014, %ne3A_1015 : i32
        %lt3A_1017 = arith.constant 0 : i32
        %lt3A_1018 = arith.cmpi slt, %rem3A_1014, %lt3A_1017 : i32
        %lt3A_1019 = arith.constant 0 : i32
        %lt3A_1020 = arith.cmpi slt, %select_n3A_1013, %lt3A_1019 : i32
        %ne3A_1021 = arith.xori %lt3A_1018, %lt3A_1020 : i1
        %and3A_1022 = arith.andi %ne3A_1021, %ne3A_1016 : i1
        %add3A_1023 = arith.addi %rem3A_1014, %select_n3A_1013 : i32
        %select_n3A_1024 = arith.select %and3A_1022, %add3A_1023, %rem3A_1014 : i32
        %get3A_1025 = arith.index_cast %add3A_982 : i32 to index
        %get3A_1026 = arith.constant 0 : index
        %get3A_1027 = tpu.vector_load %arg7[%get3A_1025, %get3A_1026] {strides = array<i32>} : memref<256x128xf32, #tpu.memory_space<vmem>>, vector<16xf32>,
        %add3A_1028 = vector.broadcast %mul3A_1008 : i32 to vector<16xi32>
        %add3A_1029 = arith.addi %add3A_16, %add3A_1028 : vector<16xi32>
        %broadcast_in_dim3A_1030 = vector.broadcast %select_n3A_1024 : i32 to vector<16xi32>
        %get3A_1031 = arith.index_cast %add3A_982 : i32 to index
        %get3A_1032 = arith.constant 16 : index
        %get3A_1033 = tpu.vector_load %arg7[%get3A_1031, %get3A_1032] {strides = array<i32>} : memref<256x128xf32, #tpu.memory_space<vmem>>, vector<16xf32>,
        %add3A_1034 = vector.broadcast %mul3A_1008 : i32 to vector<16xi32>
        %add3A_1035 = arith.addi %add3A_32, %add3A_1034 : vector<16xi32>
        %broadcast_in_dim3A_1036 = vector.broadcast %select_n3A_1024 : i32 to vector<16xi32>
        %get3A_1037 = arith.index_cast %add3A_982 : i32 to index
        %get3A_1038 = arith.constant 32 : index
        %get3A_1039 = tpu.vector_load %arg7[%get3A_1037, %get3A_1038] {strides = array<i32>} : memref<256x128xf32, #tpu.memory_space<vmem>>, vector<16xf32>,
        %add3A_1040 = vector.broadcast %mul3A_1008 : i32 to vector<16xi32>
        %add3A_1041 = arith.addi %add3A_48, %add3A_1040 : vector<16xi32>
        %broadcast_in_dim3A_1042 = vector.broadcast %select_n3A_1024 : i32 to vector<16xi32>
        %get3A_1043 = arith.index_cast %add3A_982 : i32 to index
        %get3A_1044 = arith.constant 48 : index
        %get3A_1045 = tpu.vector_load %arg7[%get3A_1043, %get3A_1044] {strides = array<i32>} : memref<256x128xf32, #tpu.memory_space<vmem>>, vector<16xf32>,
        %add3A_1046 = vector.broadcast %mul3A_1008 : i32 to vector<16xi32>
        %add3A_1047 = arith.addi %add3A_64, %add3A_1046 : vector<16xi32>
        %broadcast_in_dim3A_1048 = vector.broadcast %select_n3A_1024 : i32 to vector<16xi32>
        %mul3A_1049 = arith.constant 8 : i32
        %mul3A_1050 = arith.muli %mul3A_700, %mul3A_1049 : i32
        %add3A_1051 = arith.constant 5 : i32
        %add3A_1052 = arith.addi %mul3A_1050, %add3A_1051 : i32
        %jit3A_1053 = arith.constant 128 : i32
        %div3A_1054 = arith.divsi %add3A_1052, %jit3A_1053 : i32
        %sign3A_1055 = arith.constant 0 : i32
        %sign3A_1056 = arith.cmpi sgt, %add3A_1052, %sign3A_1055 : i32
        %sign3A_1057 = arith.extui %sign3A_1056 : i1 to i32
        %sign3A_1058 = arith.constant 0 : i32
        %sign3A_1059 = arith.cmpi slt, %add3A_1052, %sign3A_1058 : i32
        %sign3A_1060 = arith.extui %sign3A_1059 : i1 to i32
        %sign3A_1061 = arith.subi %sign3A_1057, %sign3A_1060 : i32
        %sign3A_1062 = arith.constant 0 : i32
        %sign3A_1063 = arith.cmpi sgt, %jit3A_1053, %sign3A_1062 : i32
        %sign3A_1064 = arith.extui %sign3A_1063 : i1 to i32
        %sign3A_1065 = arith.constant 0 : i32
        %sign3A_1066 = arith.cmpi slt, %jit3A_1053, %sign3A_1065 : i32
        %sign3A_1067 = arith.extui %sign3A_1066 : i1 to i32
        %sign3A_1068 = arith.subi %sign3A_1064, %sign3A_1067 : i32
        %ne3A_1069 = arith.cmpi ne, %sign3A_1061, %sign3A_1068 : i32
        %rem3A_1070 = arith.remsi %add3A_1052, %jit3A_1053 : i32
        %ne3A_1071 = arith.constant 0 : i32
        %ne3A_1072 = arith.cmpi ne, %rem3A_1070, %ne3A_1071 : i32
        %and3A_1073 = arith.andi %ne3A_1069, %ne3A_1072 : i1
        %sub3A_1074 = arith.constant 1 : i32
        %sub3A_1075 = arith.subi %div3A_1054, %sub3A_1074 : i32
        %select_n3A_1076 = arith.select %and3A_1073, %sub3A_1075, %div3A_1054 : i32
        %mul3A_1077 = arith.constant 8 : i32
        %mul3A_1078 = arith.muli %select_n3A_1076, %mul3A_1077 : i32
        %jit3A_1079 = arith.constant 128 : i32
        %eq3A_1080 = arith.constant 0 : i32
        %eq3A_1081 = arith.cmpi eq, %jit3A_1079, %eq3A_1080 : i32
        %jit3A_1082 = arith.constant 1 : i32
        %select_n3A_1083 = arith.select %eq3A_1081, %jit3A_1082, %jit3A_1079 : i32
        %rem3A_1084 = arith.remsi %add3A_1052, %select_n3A_1083 : i32
        %ne3A_1085 = arith.constant 0 : i32
        %ne3A_1086 = arith.cmpi ne, %rem3A_1084, %ne3A_1085 : i32
        %lt3A_1087 = arith.constant 0 : i32
        %lt3A_1088 = arith.cmpi slt, %rem3A_1084, %lt3A_1087 : i32
        %lt3A_1089 = arith.constant 0 : i32
        %lt3A_1090 = arith.cmpi slt, %select_n3A_1083, %lt3A_1089 : i32
        %ne3A_1091 = arith.xori %lt3A_1088, %lt3A_1090 : i1
        %and3A_1092 = arith.andi %ne3A_1091, %ne3A_1086 : i1
        %add3A_1093 = arith.addi %rem3A_1084, %select_n3A_1083 : i32
        %select_n3A_1094 = arith.select %and3A_1092, %add3A_1093, %rem3A_1084 : i32
        %get3A_1095 = arith.index_cast %add3A_1052 : i32 to index
        %get3A_1096 = arith.constant 0 : index
        %get3A_1097 = tpu.vector_load %arg7[%get3A_1095, %get3A_1096] {strides = array<i32>} : memref<256x128xf32, #tpu.memory_space<vmem>>, vector<16xf32>,
        %add3A_1098 = vector.broadcast %mul3A_1078 : i32 to vector<16xi32>
        %add3A_1099 = arith.addi %add3A_16, %add3A_1098 : vector<16xi32>
        %broadcast_in_dim3A_1100 = vector.broadcast %select_n3A_1094 : i32 to vector<16xi32>
        %get3A_1101 = arith.index_cast %add3A_1052 : i32 to index
        %get3A_1102 = arith.constant 16 : index
        %get3A_1103 = tpu.vector_load %arg7[%get3A_1101, %get3A_1102] {strides = array<i32>} : memref<256x128xf32, #tpu.memory_space<vmem>>, vector<16xf32>,
        %add3A_1104 = vector.broadcast %mul3A_1078 : i32 to vector<16xi32>
        %add3A_1105 = arith.addi %add3A_32, %add3A_1104 : vector<16xi32>
        %broadcast_in_dim3A_1106 = vector.broadcast %select_n3A_1094 : i32 to vector<16xi32>
        %get3A_1107 = arith.index_cast %add3A_1052 : i32 to index
        %get3A_1108 = arith.constant 32 : index
        %get3A_1109 = tpu.vector_load %arg7[%get3A_1107, %get3A_1108] {strides = array<i32>} : memref<256x128xf32, #tpu.memory_space<vmem>>, vector<16xf32>,
        %add3A_1110 = vector.broadcast %mul3A_1078 : i32 to vector<16xi32>
        %add3A_1111 = arith.addi %add3A_48, %add3A_1110 : vector<16xi32>
        %broadcast_in_dim3A_1112 = vector.broadcast %select_n3A_1094 : i32 to vector<16xi32>
        %get3A_1113 = arith.index_cast %add3A_1052 : i32 to index
        %get3A_1114 = arith.constant 48 : index
        %get3A_1115 = tpu.vector_load %arg7[%get3A_1113, %get3A_1114] {strides = array<i32>} : memref<256x128xf32, #tpu.memory_space<vmem>>, vector<16xf32>,
        %add3A_1116 = vector.broadcast %mul3A_1078 : i32 to vector<16xi32>
        %add3A_1117 = arith.addi %add3A_64, %add3A_1116 : vector<16xi32>
        %broadcast_in_dim3A_1118 = vector.broadcast %select_n3A_1094 : i32 to vector<16xi32>
        %mul3A_1119 = arith.constant 8 : i32
        %mul3A_1120 = arith.muli %mul3A_700, %mul3A_1119 : i32
        %add3A_1121 = arith.constant 6 : i32
        %add3A_1122 = arith.addi %mul3A_1120, %add3A_1121 : i32
        %jit3A_1123 = arith.constant 128 : i32
        %div3A_1124 = arith.divsi %add3A_1122, %jit3A_1123 : i32
        %sign3A_1125 = arith.constant 0 : i32
        %sign3A_1126 = arith.cmpi sgt, %add3A_1122, %sign3A_1125 : i32
        %sign3A_1127 = arith.extui %sign3A_1126 : i1 to i32
        %sign3A_1128 = arith.constant 0 : i32
        %sign3A_1129 = arith.cmpi slt, %add3A_1122, %sign3A_1128 : i32
        %sign3A_1130 = arith.extui %sign3A_1129 : i1 to i32
        %sign3A_1131 = arith.subi %sign3A_1127, %sign3A_1130 : i32
        %sign3A_1132 = arith.constant 0 : i32
        %sign3A_1133 = arith.cmpi sgt, %jit3A_1123, %sign3A_1132 : i32
        %sign3A_1134 = arith.extui %sign3A_1133 : i1 to i32
        %sign3A_1135 = arith.constant 0 : i32
        %sign3A_1136 = arith.cmpi slt, %jit3A_1123, %sign3A_1135 : i32
        %sign3A_1137 = arith.extui %sign3A_1136 : i1 to i32
        %sign3A_1138 = arith.subi %sign3A_1134, %sign3A_1137 : i32
        %ne3A_1139 = arith.cmpi ne, %sign3A_1131, %sign3A_1138 : i32
        %rem3A_1140 = arith.remsi %add3A_1122, %jit3A_1123 : i32
        %ne3A_1141 = arith.constant 0 : i32
        %ne3A_1142 = arith.cmpi ne, %rem3A_1140, %ne3A_1141 : i32
        %and3A_1143 = arith.andi %ne3A_1139, %ne3A_1142 : i1
        %sub3A_1144 = arith.constant 1 : i32
        %sub3A_1145 = arith.subi %div3A_1124, %sub3A_1144 : i32
        %select_n3A_1146 = arith.select %and3A_1143, %sub3A_1145, %div3A_1124 : i32
        %mul3A_1147 = arith.constant 8 : i32
        %mul3A_1148 = arith.muli %select_n3A_1146, %mul3A_1147 : i32
        %jit3A_1149 = arith.constant 128 : i32
        %eq3A_1150 = arith.constant 0 : i32
        %eq3A_1151 = arith.cmpi eq, %jit3A_1149, %eq3A_1150 : i32
        %jit3A_1152 = arith.constant 1 : i32
        %select_n3A_1153 = arith.select %eq3A_1151, %jit3A_1152, %jit3A_1149 : i32
        %rem3A_1154 = arith.remsi %add3A_1122, %select_n3A_1153 : i32
        %ne3A_1155 = arith.constant 0 : i32
        %ne3A_1156 = arith.cmpi ne, %rem3A_1154, %ne3A_1155 : i32
        %lt3A_1157 = arith.constant 0 : i32
        %lt3A_1158 = arith.cmpi slt, %rem3A_1154, %lt3A_1157 : i32
        %lt3A_1159 = arith.constant 0 : i32
        %lt3A_1160 = arith.cmpi slt, %select_n3A_1153, %lt3A_1159 : i32
        %ne3A_1161 = arith.xori %lt3A_1158, %lt3A_1160 : i1
        %and3A_1162 = arith.andi %ne3A_1161, %ne3A_1156 : i1
        %add3A_1163 = arith.addi %rem3A_1154, %select_n3A_1153 : i32
        %select_n3A_1164 = arith.select %and3A_1162, %add3A_1163, %rem3A_1154 : i32
        %get3A_1165 = arith.index_cast %add3A_1122 : i32 to index
        %get3A_1166 = arith.constant 0 : index
        %get3A_1167 = tpu.vector_load %arg7[%get3A_1165, %get3A_1166] {strides = array<i32>} : memref<256x128xf32, #tpu.memory_space<vmem>>, vector<16xf32>,
        %add3A_1168 = vector.broadcast %mul3A_1148 : i32 to vector<16xi32>
        %add3A_1169 = arith.addi %add3A_16, %add3A_1168 : vector<16xi32>
        %broadcast_in_dim3A_1170 = vector.broadcast %select_n3A_1164 : i32 to vector<16xi32>
        %get3A_1171 = arith.index_cast %add3A_1122 : i32 to index
        %get3A_1172 = arith.constant 16 : index
        %get3A_1173 = tpu.vector_load %arg7[%get3A_1171, %get3A_1172] {strides = array<i32>} : memref<256x128xf32, #tpu.memory_space<vmem>>, vector<16xf32>,
        %add3A_1174 = vector.broadcast %mul3A_1148 : i32 to vector<16xi32>
        %add3A_1175 = arith.addi %add3A_32, %add3A_1174 : vector<16xi32>
        %broadcast_in_dim3A_1176 = vector.broadcast %select_n3A_1164 : i32 to vector<16xi32>
        %get3A_1177 = arith.index_cast %add3A_1122 : i32 to index
        %get3A_1178 = arith.constant 32 : index
        %get3A_1179 = tpu.vector_load %arg7[%get3A_1177, %get3A_1178] {strides = array<i32>} : memref<256x128xf32, #tpu.memory_space<vmem>>, vector<16xf32>,
        %add3A_1180 = vector.broadcast %mul3A_1148 : i32 to vector<16xi32>
        %add3A_1181 = arith.addi %add3A_48, %add3A_1180 : vector<16xi32>
        %broadcast_in_dim3A_1182 = vector.broadcast %select_n3A_1164 : i32 to vector<16xi32>
        %get3A_1183 = arith.index_cast %add3A_1122 : i32 to index
        %get3A_1184 = arith.constant 48 : index
        %get3A_1185 = tpu.vector_load %arg7[%get3A_1183, %get3A_1184] {strides = array<i32>} : memref<256x128xf32, #tpu.memory_space<vmem>>, vector<16xf32>,
        %add3A_1186 = vector.broadcast %mul3A_1148 : i32 to vector<16xi32>
        %add3A_1187 = arith.addi %add3A_64, %add3A_1186 : vector<16xi32>
        %broadcast_in_dim3A_1188 = vector.broadcast %select_n3A_1164 : i32 to vector<16xi32>
        %mul3A_1189 = arith.constant 8 : i32
        %mul3A_1190 = arith.muli %mul3A_700, %mul3A_1189 : i32
        %add3A_1191 = arith.constant 7 : i32
        %add3A_1192 = arith.addi %mul3A_1190, %add3A_1191 : i32
        %jit3A_1193 = arith.constant 128 : i32
        %div3A_1194 = arith.divsi %add3A_1192, %jit3A_1193 : i32
        %sign3A_1195 = arith.constant 0 : i32
        %sign3A_1196 = arith.cmpi sgt, %add3A_1192, %sign3A_1195 : i32
        %sign3A_1197 = arith.extui %sign3A_1196 : i1 to i32
        %sign3A_1198 = arith.constant 0 : i32
        %sign3A_1199 = arith.cmpi slt, %add3A_1192, %sign3A_1198 : i32
        %sign3A_1200 = arith.extui %sign3A_1199 : i1 to i32
        %sign3A_1201 = arith.subi %sign3A_1197, %sign3A_1200 : i32
        %sign3A_1202 = arith.constant 0 : i32
        %sign3A_1203 = arith.cmpi sgt, %jit3A_1193, %sign3A_1202 : i32
        %sign3A_1204 = arith.extui %sign3A_1203 : i1 to i32
        %sign3A_1205 = arith.constant 0 : i32
        %sign3A_1206 = arith.cmpi slt, %jit3A_1193, %sign3A_1205 : i32
        %sign3A_1207 = arith.extui %sign3A_1206 : i1 to i32
        %sign3A_1208 = arith.subi %sign3A_1204, %sign3A_1207 : i32
        %ne3A_1209 = arith.cmpi ne, %sign3A_1201, %sign3A_1208 : i32
        %rem3A_1210 = arith.remsi %add3A_1192, %jit3A_1193 : i32
        %ne3A_1211 = arith.constant 0 : i32
        %ne3A_1212 = arith.cmpi ne, %rem3A_1210, %ne3A_1211 : i32
        %and3A_1213 = arith.andi %ne3A_1209, %ne3A_1212 : i1
        %sub3A_1214 = arith.constant 1 : i32
        %sub3A_1215 = arith.subi %div3A_1194, %sub3A_1214 : i32
        %select_n3A_1216 = arith.select %and3A_1213, %sub3A_1215, %div3A_1194 : i32
        %mul3A_1217 = arith.constant 8 : i32
        %mul3A_1218 = arith.muli %select_n3A_1216, %mul3A_1217 : i32
        %jit3A_1219 = arith.constant 128 : i32
        %eq3A_1220 = arith.constant 0 : i32
        %eq3A_1221 = arith.cmpi eq, %jit3A_1219, %eq3A_1220 : i32
        %jit3A_1222 = arith.constant 1 : i32
        %select_n3A_1223 = arith.select %eq3A_1221, %jit3A_1222, %jit3A_1219 : i32
        %rem3A_1224 = arith.remsi %add3A_1192, %select_n3A_1223 : i32
        %ne3A_1225 = arith.constant 0 : i32
        %ne3A_1226 = arith.cmpi ne, %rem3A_1224, %ne3A_1225 : i32
        %lt3A_1227 = arith.constant 0 : i32
        %lt3A_1228 = arith.cmpi slt, %rem3A_1224, %lt3A_1227 : i32
        %lt3A_1229 = arith.constant 0 : i32
        %lt3A_1230 = arith.cmpi slt, %select_n3A_1223, %lt3A_1229 : i32
        %ne3A_1231 = arith.xori %lt3A_1228, %lt3A_1230 : i1
        %and3A_1232 = arith.andi %ne3A_1231, %ne3A_1226 : i1
        %add3A_1233 = arith.addi %rem3A_1224, %select_n3A_1223 : i32
        %select_n3A_1234 = arith.select %and3A_1232, %add3A_1233, %rem3A_1224 : i32
        %get3A_1235 = arith.index_cast %add3A_1192 : i32 to index
        %get3A_1236 = arith.constant 0 : index
        %get3A_1237 = tpu.vector_load %arg7[%get3A_1235, %get3A_1236] {strides = array<i32>} : memref<256x128xf32, #tpu.memory_space<vmem>>, vector<16xf32>,
        %add3A_1238 = vector.broadcast %mul3A_1218 : i32 to vector<16xi32>
        %add3A_1239 = arith.addi %add3A_16, %add3A_1238 : vector<16xi32>
        %broadcast_in_dim3A_1240 = vector.broadcast %select_n3A_1234 : i32 to vector<16xi32>
        %get3A_1241 = arith.index_cast %add3A_1192 : i32 to index
        %get3A_1242 = arith.constant 16 : index
        %get3A_1243 = tpu.vector_load %arg7[%get3A_1241, %get3A_1242] {strides = array<i32>} : memref<256x128xf32, #tpu.memory_space<vmem>>, vector<16xf32>,
        %add3A_1244 = vector.broadcast %mul3A_1218 : i32 to vector<16xi32>
        %add3A_1245 = arith.addi %add3A_32, %add3A_1244 : vector<16xi32>
        %broadcast_in_dim3A_1246 = vector.broadcast %select_n3A_1234 : i32 to vector<16xi32>
        %get3A_1247 = arith.index_cast %add3A_1192 : i32 to index
        %get3A_1248 = arith.constant 32 : index
        %get3A_1249 = tpu.vector_load %arg7[%get3A_1247, %get3A_1248] {strides = array<i32>} : memref<256x128xf32, #tpu.memory_space<vmem>>, vector<16xf32>,
        %add3A_1250 = vector.broadcast %mul3A_1218 : i32 to vector<16xi32>
        %add3A_1251 = arith.addi %add3A_48, %add3A_1250 : vector<16xi32>
        %broadcast_in_dim3A_1252 = vector.broadcast %select_n3A_1234 : i32 to vector<16xi32>
        %get3A_1253 = arith.index_cast %add3A_1192 : i32 to index
        %get3A_1254 = arith.constant 48 : index
        %get3A_1255 = tpu.vector_load %arg7[%get3A_1253, %get3A_1254] {strides = array<i32>} : memref<256x128xf32, #tpu.memory_space<vmem>>, vector<16xf32>,
        %add3A_1256 = vector.broadcast %mul3A_1218 : i32 to vector<16xi32>
        %add3A_1257 = arith.addi %add3A_64, %add3A_1256 : vector<16xi32>
        %broadcast_in_dim3A_1258 = vector.broadcast %select_n3A_1234 : i32 to vector<16xi32>
        %mul3A_1259 = arith.constant 2 : i32
        %mul3A_1260 = arith.muli %mul3A_1259, %scan3A_698 : i32
        %add3A_1261 = arith.constant 1 : i32
        %add3A_1262 = arith.addi %mul3A_1260, %add3A_1261 : i32
        %mul3A_1263 = arith.constant 8 : i32
        %mul3A_1264 = arith.muli %add3A_1262, %mul3A_1263 : i32
        %add3A_1265 = arith.constant 0 : i32
        %add3A_1266 = arith.addi %mul3A_1264, %add3A_1265 : i32
        %jit3A_1267 = arith.constant 128 : i32
        %div3A_1268 = arith.divsi %add3A_1266, %jit3A_1267 : i32
        %sign3A_1269 = arith.constant 0 : i32
        %sign3A_1270 = arith.cmpi sgt, %add3A_1266, %sign3A_1269 : i32
        %sign3A_1271 = arith.extui %sign3A_1270 : i1 to i32
        %sign3A_1272 = arith.constant 0 : i32
        %sign3A_1273 = arith.cmpi slt, %add3A_1266, %sign3A_1272 : i32
        %sign3A_1274 = arith.extui %sign3A_1273 : i1 to i32
        %sign3A_1275 = arith.subi %sign3A_1271, %sign3A_1274 : i32
        %sign3A_1276 = arith.constant 0 : i32
        %sign3A_1277 = arith.cmpi sgt, %jit3A_1267, %sign3A_1276 : i32
        %sign3A_1278 = arith.extui %sign3A_1277 : i1 to i32
        %sign3A_1279 = arith.constant 0 : i32
        %sign3A_1280 = arith.cmpi slt, %jit3A_1267, %sign3A_1279 : i32
        %sign3A_1281 = arith.extui %sign3A_1280 : i1 to i32
        %sign3A_1282 = arith.subi %sign3A_1278, %sign3A_1281 : i32
        %ne3A_1283 = arith.cmpi ne, %sign3A_1275, %sign3A_1282 : i32
        %rem3A_1284 = arith.remsi %add3A_1266, %jit3A_1267 : i32
        %ne3A_1285 = arith.constant 0 : i32
        %ne3A_1286 = arith.cmpi ne, %rem3A_1284, %ne3A_1285 : i32
        %and3A_1287 = arith.andi %ne3A_1283, %ne3A_1286 : i1
        %sub3A_1288 = arith.constant 1 : i32
        %sub3A_1289 = arith.subi %div3A_1268, %sub3A_1288 : i32
        %select_n3A_1290 = arith.select %and3A_1287, %sub3A_1289, %div3A_1268 : i32
        %mul3A_1291 = arith.constant 8 : i32
        %mul3A_1292 = arith.muli %select_n3A_1290, %mul3A_1291 : i32
        %jit3A_1293 = arith.constant 128 : i32
        %eq3A_1294 = arith.constant 0 : i32
        %eq3A_1295 = arith.cmpi eq, %jit3A_1293, %eq3A_1294 : i32
        %jit3A_1296 = arith.constant 1 : i32
        %select_n3A_1297 = arith.select %eq3A_1295, %jit3A_1296, %jit3A_1293 : i32
        %rem3A_1298 = arith.remsi %add3A_1266, %select_n3A_1297 : i32
        %ne3A_1299 = arith.constant 0 : i32
        %ne3A_1300 = arith.cmpi ne, %rem3A_1298, %ne3A_1299 : i32
        %lt3A_1301 = arith.constant 0 : i32
        %lt3A_1302 = arith.cmpi slt, %rem3A_1298, %lt3A_1301 : i32
        %lt3A_1303 = arith.constant 0 : i32
        %lt3A_1304 = arith.cmpi slt, %select_n3A_1297, %lt3A_1303 : i32
        %ne3A_1305 = arith.xori %lt3A_1302, %lt3A_1304 : i1
        %and3A_1306 = arith.andi %ne3A_1305, %ne3A_1300 : i1
        %add3A_1307 = arith.addi %rem3A_1298, %select_n3A_1297 : i32
        %select_n3A_1308 = arith.select %and3A_1306, %add3A_1307, %rem3A_1298 : i32
        %get3A_1309 = arith.index_cast %add3A_1266 : i32 to index
        %get3A_1310 = arith.constant 0 : index
        %get3A_1311 = tpu.vector_load %arg7[%get3A_1309, %get3A_1310] {strides = array<i32>} : memref<256x128xf32, #tpu.memory_space<vmem>>, vector<16xf32>,
        %add3A_1312 = vector.broadcast %mul3A_1292 : i32 to vector<16xi32>
        %add3A_1313 = arith.addi %add3A_16, %add3A_1312 : vector<16xi32>
        %broadcast_in_dim3A_1314 = vector.broadcast %select_n3A_1308 : i32 to vector<16xi32>
        %get3A_1315 = arith.index_cast %add3A_1266 : i32 to index
        %get3A_1316 = arith.constant 16 : index
        %get3A_1317 = tpu.vector_load %arg7[%get3A_1315, %get3A_1316] {strides = array<i32>} : memref<256x128xf32, #tpu.memory_space<vmem>>, vector<16xf32>,
        %add3A_1318 = vector.broadcast %mul3A_1292 : i32 to vector<16xi32>
        %add3A_1319 = arith.addi %add3A_32, %add3A_1318 : vector<16xi32>
        %broadcast_in_dim3A_1320 = vector.broadcast %select_n3A_1308 : i32 to vector<16xi32>
        %get3A_1321 = arith.index_cast %add3A_1266 : i32 to index
        %get3A_1322 = arith.constant 32 : index
        %get3A_1323 = tpu.vector_load %arg7[%get3A_1321, %get3A_1322] {strides = array<i32>} : memref<256x128xf32, #tpu.memory_space<vmem>>, vector<16xf32>,
        %add3A_1324 = vector.broadcast %mul3A_1292 : i32 to vector<16xi32>
        %add3A_1325 = arith.addi %add3A_48, %add3A_1324 : vector<16xi32>
        %broadcast_in_dim3A_1326 = vector.broadcast %select_n3A_1308 : i32 to vector<16xi32>
        %get3A_1327 = arith.index_cast %add3A_1266 : i32 to index
        %get3A_1328 = arith.constant 48 : index
        %get3A_1329 = tpu.vector_load %arg7[%get3A_1327, %get3A_1328] {strides = array<i32>} : memref<256x128xf32, #tpu.memory_space<vmem>>, vector<16xf32>,
        %add3A_1330 = vector.broadcast %mul3A_1292 : i32 to vector<16xi32>
        %add3A_1331 = arith.addi %add3A_64, %add3A_1330 : vector<16xi32>
        %broadcast_in_dim3A_1332 = vector.broadcast %select_n3A_1308 : i32 to vector<16xi32>
        %mul3A_1333 = arith.constant 8 : i32
        %mul3A_1334 = arith.muli %add3A_1262, %mul3A_1333 : i32
        %add3A_1335 = arith.constant 1 : i32
        %add3A_1336 = arith.addi %mul3A_1334, %add3A_1335 : i32
        %jit3A_1337 = arith.constant 128 : i32
        %div3A_1338 = arith.divsi %add3A_1336, %jit3A_1337 : i32
        %sign3A_1339 = arith.constant 0 : i32
        %sign3A_1340 = arith.cmpi sgt, %add3A_1336, %sign3A_1339 : i32
        %sign3A_1341 = arith.extui %sign3A_1340 : i1 to i32
        %sign3A_1342 = arith.constant 0 : i32
        %sign3A_1343 = arith.cmpi slt, %add3A_1336, %sign3A_1342 : i32
        %sign3A_1344 = arith.extui %sign3A_1343 : i1 to i32
        %sign3A_1345 = arith.subi %sign3A_1341, %sign3A_1344 : i32
        %sign3A_1346 = arith.constant 0 : i32
        %sign3A_1347 = arith.cmpi sgt, %jit3A_1337, %sign3A_1346 : i32
        %sign3A_1348 = arith.extui %sign3A_1347 : i1 to i32
        %sign3A_1349 = arith.constant 0 : i32
        %sign3A_1350 = arith.cmpi slt, %jit3A_1337, %sign3A_1349 : i32
        %sign3A_1351 = arith.extui %sign3A_1350 : i1 to i32
        %sign3A_1352 = arith.subi %sign3A_1348, %sign3A_1351 : i32
        %ne3A_1353 = arith.cmpi ne, %sign3A_1345, %sign3A_1352 : i32
        %rem3A_1354 = arith.remsi %add3A_1336, %jit3A_1337 : i32
        %ne3A_1355 = arith.constant 0 : i32
        %ne3A_1356 = arith.cmpi ne, %rem3A_1354, %ne3A_1355 : i32
        %and3A_1357 = arith.andi %ne3A_1353, %ne3A_1356 : i1
        %sub3A_1358 = arith.constant 1 : i32
        %sub3A_1359 = arith.subi %div3A_1338, %sub3A_1358 : i32
        %select_n3A_1360 = arith.select %and3A_1357, %sub3A_1359, %div3A_1338 : i32
        %mul3A_1361 = arith.constant 8 : i32
        %mul3A_1362 = arith.muli %select_n3A_1360, %mul3A_1361 : i32
        %jit3A_1363 = arith.constant 128 : i32
        %eq3A_1364 = arith.constant 0 : i32
        %eq3A_1365 = arith.cmpi eq, %jit3A_1363, %eq3A_1364 : i32
        %jit3A_1366 = arith.constant 1 : i32
        %select_n3A_1367 = arith.select %eq3A_1365, %jit3A_1366, %jit3A_1363 : i32
        %rem3A_1368 = arith.remsi %add3A_1336, %select_n3A_1367 : i32
        %ne3A_1369 = arith.constant 0 : i32
        %ne3A_1370 = arith.cmpi ne, %rem3A_1368, %ne3A_1369 : i32
        %lt3A_1371 = arith.constant 0 : i32
        %lt3A_1372 = arith.cmpi slt, %rem3A_1368, %lt3A_1371 : i32
        %lt3A_1373 = arith.constant 0 : i32
        %lt3A_1374 = arith.cmpi slt, %select_n3A_1367, %lt3A_1373 : i32
        %ne3A_1375 = arith.xori %lt3A_1372, %lt3A_1374 : i1
        %and3A_1376 = arith.andi %ne3A_1375, %ne3A_1370 : i1
        %add3A_1377 = arith.addi %rem3A_1368, %select_n3A_1367 : i32
        %select_n3A_1378 = arith.select %and3A_1376, %add3A_1377, %rem3A_1368 : i32
        %get3A_1379 = arith.index_cast %add3A_1336 : i32 to index
        %get3A_1380 = arith.constant 0 : index
        %get3A_1381 = tpu.vector_load %arg7[%get3A_1379, %get3A_1380] {strides = array<i32>} : memref<256x128xf32, #tpu.memory_space<vmem>>, vector<16xf32>,
        %add3A_1382 = vector.broadcast %mul3A_1362 : i32 to vector<16xi32>
        %add3A_1383 = arith.addi %add3A_16, %add3A_1382 : vector<16xi32>
        %broadcast_in_dim3A_1384 = vector.broadcast %select_n3A_1378 : i32 to vector<16xi32>
        %get3A_1385 = arith.index_cast %add3A_1336 : i32 to index
        %get3A_1386 = arith.constant 16 : index
        %get3A_1387 = tpu.vector_load %arg7[%get3A_1385, %get3A_1386] {strides = array<i32>} : memref<256x128xf32, #tpu.memory_space<vmem>>, vector<16xf32>,
        %add3A_1388 = vector.broadcast %mul3A_1362 : i32 to vector<16xi32>
        %add3A_1389 = arith.addi %add3A_32, %add3A_1388 : vector<16xi32>
        %broadcast_in_dim3A_1390 = vector.broadcast %select_n3A_1378 : i32 to vector<16xi32>
        %get3A_1391 = arith.index_cast %add3A_1336 : i32 to index
        %get3A_1392 = arith.constant 32 : index
        %get3A_1393 = tpu.vector_load %arg7[%get3A_1391, %get3A_1392] {strides = array<i32>} : memref<256x128xf32, #tpu.memory_space<vmem>>, vector<16xf32>,
        %add3A_1394 = vector.broadcast %mul3A_1362 : i32 to vector<16xi32>
        %add3A_1395 = arith.addi %add3A_48, %add3A_1394 : vector<16xi32>
        %broadcast_in_dim3A_1396 = vector.broadcast %select_n3A_1378 : i32 to vector<16xi32>
        %get3A_1397 = arith.index_cast %add3A_1336 : i32 to index
        %get3A_1398 = arith.constant 48 : index
        %get3A_1399 = tpu.vector_load %arg7[%get3A_1397, %get3A_1398] {strides = array<i32>} : memref<256x128xf32, #tpu.memory_space<vmem>>, vector<16xf32>,
        %add3A_1400 = vector.broadcast %mul3A_1362 : i32 to vector<16xi32>
        %add3A_1401 = arith.addi %add3A_64, %add3A_1400 : vector<16xi32>
        %broadcast_in_dim3A_1402 = vector.broadcast %select_n3A_1378 : i32 to vector<16xi32>
        %mul3A_1403 = arith.constant 8 : i32
        %mul3A_1404 = arith.muli %add3A_1262, %mul3A_1403 : i32
        %add3A_1405 = arith.constant 2 : i32
        %add3A_1406 = arith.addi %mul3A_1404, %add3A_1405 : i32
        %jit3A_1407 = arith.constant 128 : i32
        %div3A_1408 = arith.divsi %add3A_1406, %jit3A_1407 : i32
        %sign3A_1409 = arith.constant 0 : i32
        %sign3A_1410 = arith.cmpi sgt, %add3A_1406, %sign3A_1409 : i32
        %sign3A_1411 = arith.extui %sign3A_1410 : i1 to i32
        %sign3A_1412 = arith.constant 0 : i32
        %sign3A_1413 = arith.cmpi slt, %add3A_1406, %sign3A_1412 : i32
        %sign3A_1414 = arith.extui %sign3A_1413 : i1 to i32
        %sign3A_1415 = arith.subi %sign3A_1411, %sign3A_1414 : i32
        %sign3A_1416 = arith.constant 0 : i32
        %sign3A_1417 = arith.cmpi sgt, %jit3A_1407, %sign3A_1416 : i32
        %sign3A_1418 = arith.extui %sign3A_1417 : i1 to i32
        %sign3A_1419 = arith.constant 0 : i32
        %sign3A_1420 = arith.cmpi slt, %jit3A_1407, %sign3A_1419 : i32
        %sign3A_1421 = arith.extui %sign3A_1420 : i1 to i32
        %sign3A_1422 = arith.subi %sign3A_1418, %sign3A_1421 : i32
        %ne3A_1423 = arith.cmpi ne, %sign3A_1415, %sign3A_1422 : i32
        %rem3A_1424 = arith.remsi %add3A_1406, %jit3A_1407 : i32
        %ne3A_1425 = arith.constant 0 : i32
        %ne3A_1426 = arith.cmpi ne, %rem3A_1424, %ne3A_1425 : i32
        %and3A_1427 = arith.andi %ne3A_1423, %ne3A_1426 : i1
        %sub3A_1428 = arith.constant 1 : i32
        %sub3A_1429 = arith.subi %div3A_1408, %sub3A_1428 : i32
        %select_n3A_1430 = arith.select %and3A_1427, %sub3A_1429, %div3A_1408 : i32
        %mul3A_1431 = arith.constant 8 : i32
        %mul3A_1432 = arith.muli %select_n3A_1430, %mul3A_1431 : i32
        %jit3A_1433 = arith.constant 128 : i32
        %eq3A_1434 = arith.constant 0 : i32
        %eq3A_1435 = arith.cmpi eq, %jit3A_1433, %eq3A_1434 : i32
        %jit3A_1436 = arith.constant 1 : i32
        %select_n3A_1437 = arith.select %eq3A_1435, %jit3A_1436, %jit3A_1433 : i32
        %rem3A_1438 = arith.remsi %add3A_1406, %select_n3A_1437 : i32
        %ne3A_1439 = arith.constant 0 : i32
        %ne3A_1440 = arith.cmpi ne, %rem3A_1438, %ne3A_1439 : i32
        %lt3A_1441 = arith.constant 0 : i32
        %lt3A_1442 = arith.cmpi slt, %rem3A_1438, %lt3A_1441 : i32
        %lt3A_1443 = arith.constant 0 : i32
        %lt3A_1444 = arith.cmpi slt, %select_n3A_1437, %lt3A_1443 : i32
        %ne3A_1445 = arith.xori %lt3A_1442, %lt3A_1444 : i1
        %and3A_1446 = arith.andi %ne3A_1445, %ne3A_1440 : i1
        %add3A_1447 = arith.addi %rem3A_1438, %select_n3A_1437 : i32
        %select_n3A_1448 = arith.select %and3A_1446, %add3A_1447, %rem3A_1438 : i32
        %get3A_1449 = arith.index_cast %add3A_1406 : i32 to index
        %get3A_1450 = arith.constant 0 : index
        %get3A_1451 = tpu.vector_load %arg7[%get3A_1449, %get3A_1450] {strides = array<i32>} : memref<256x128xf32, #tpu.memory_space<vmem>>, vector<16xf32>,
        %add3A_1452 = vector.broadcast %mul3A_1432 : i32 to vector<16xi32>
        %add3A_1453 = arith.addi %add3A_16, %add3A_1452 : vector<16xi32>
        %broadcast_in_dim3A_1454 = vector.broadcast %select_n3A_1448 : i32 to vector<16xi32>
        %get3A_1455 = arith.index_cast %add3A_1406 : i32 to index
        %get3A_1456 = arith.constant 16 : index
        %get3A_1457 = tpu.vector_load %arg7[%get3A_1455, %get3A_1456] {strides = array<i32>} : memref<256x128xf32, #tpu.memory_space<vmem>>, vector<16xf32>,
        %add3A_1458 = vector.broadcast %mul3A_1432 : i32 to vector<16xi32>
        %add3A_1459 = arith.addi %add3A_32, %add3A_1458 : vector<16xi32>
        %broadcast_in_dim3A_1460 = vector.broadcast %select_n3A_1448 : i32 to vector<16xi32>
        %get3A_1461 = arith.index_cast %add3A_1406 : i32 to index
        %get3A_1462 = arith.constant 32 : index
        %get3A_1463 = tpu.vector_load %arg7[%get3A_1461, %get3A_1462] {strides = array<i32>} : memref<256x128xf32, #tpu.memory_space<vmem>>, vector<16xf32>,
        %add3A_1464 = vector.broadcast %mul3A_1432 : i32 to vector<16xi32>
        %add3A_1465 = arith.addi %add3A_48, %add3A_1464 : vector<16xi32>
        %broadcast_in_dim3A_1466 = vector.broadcast %select_n3A_1448 : i32 to vector<16xi32>
        %get3A_1467 = arith.index_cast %add3A_1406 : i32 to index
        %get3A_1468 = arith.constant 48 : index
        %get3A_1469 = tpu.vector_load %arg7[%get3A_1467, %get3A_1468] {strides = array<i32>} : memref<256x128xf32, #tpu.memory_space<vmem>>, vector<16xf32>,
        %add3A_1470 = vector.broadcast %mul3A_1432 : i32 to vector<16xi32>
        %add3A_1471 = arith.addi %add3A_64, %add3A_1470 : vector<16xi32>
        %broadcast_in_dim3A_1472 = vector.broadcast %select_n3A_1448 : i32 to vector<16xi32>
        %mul3A_1473 = arith.constant 8 : i32
        %mul3A_1474 = arith.muli %add3A_1262, %mul3A_1473 : i32
        %add3A_1475 = arith.constant 3 : i32
        %add3A_1476 = arith.addi %mul3A_1474, %add3A_1475 : i32
        %jit3A_1477 = arith.constant 128 : i32
        %div3A_1478 = arith.divsi %add3A_1476, %jit3A_1477 : i32
        %sign3A_1479 = arith.constant 0 : i32
        %sign3A_1480 = arith.cmpi sgt, %add3A_1476, %sign3A_1479 : i32
        %sign3A_1481 = arith.extui %sign3A_1480 : i1 to i32
        %sign3A_1482 = arith.constant 0 : i32
        %sign3A_1483 = arith.cmpi slt, %add3A_1476, %sign3A_1482 : i32
        %sign3A_1484 = arith.extui %sign3A_1483 : i1 to i32
        %sign3A_1485 = arith.subi %sign3A_1481, %sign3A_1484 : i32
        %sign3A_1486 = arith.constant 0 : i32
        %sign3A_1487 = arith.cmpi sgt, %jit3A_1477, %sign3A_1486 : i32
        %sign3A_1488 = arith.extui %sign3A_1487 : i1 to i32
        %sign3A_1489 = arith.constant 0 : i32
        %sign3A_1490 = arith.cmpi slt, %jit3A_1477, %sign3A_1489 : i32
        %sign3A_1491 = arith.extui %sign3A_1490 : i1 to i32
        %sign3A_1492 = arith.subi %sign3A_1488, %sign3A_1491 : i32
        %ne3A_1493 = arith.cmpi ne, %sign3A_1485, %sign3A_1492 : i32
        %rem3A_1494 = arith.remsi %add3A_1476, %jit3A_1477 : i32
        %ne3A_1495 = arith.constant 0 : i32
        %ne3A_1496 = arith.cmpi ne, %rem3A_1494, %ne3A_1495 : i32
        %and3A_1497 = arith.andi %ne3A_1493, %ne3A_1496 : i1
        %sub3A_1498 = arith.constant 1 : i32
        %sub3A_1499 = arith.subi %div3A_1478, %sub3A_1498 : i32
        %select_n3A_1500 = arith.select %and3A_1497, %sub3A_1499, %div3A_1478 : i32
        %mul3A_1501 = arith.constant 8 : i32
        %mul3A_1502 = arith.muli %select_n3A_1500, %mul3A_1501 : i32
        %jit3A_1503 = arith.constant 128 : i32
        %eq3A_1504 = arith.constant 0 : i32
        %eq3A_1505 = arith.cmpi eq, %jit3A_1503, %eq3A_1504 : i32
        %jit3A_1506 = arith.constant 1 : i32
        %select_n3A_1507 = arith.select %eq3A_1505, %jit3A_1506, %jit3A_1503 : i32
        %rem3A_1508 = arith.remsi %add3A_1476, %select_n3A_1507 : i32
        %ne3A_1509 = arith.constant 0 : i32
        %ne3A_1510 = arith.cmpi ne, %rem3A_1508, %ne3A_1509 : i32
        %lt3A_1511 = arith.constant 0 : i32
        %lt3A_1512 = arith.cmpi slt, %rem3A_1508, %lt3A_1511 : i32
        %lt3A_1513 = arith.constant 0 : i32
        %lt3A_1514 = arith.cmpi slt, %select_n3A_1507, %lt3A_1513 : i32
        %ne3A_1515 = arith.xori %lt3A_1512, %lt3A_1514 : i1
        %and3A_1516 = arith.andi %ne3A_1515, %ne3A_1510 : i1
        %add3A_1517 = arith.addi %rem3A_1508, %select_n3A_1507 : i32
        %select_n3A_1518 = arith.select %and3A_1516, %add3A_1517, %rem3A_1508 : i32
        %get3A_1519 = arith.index_cast %add3A_1476 : i32 to index
        %get3A_1520 = arith.constant 0 : index
        %get3A_1521 = tpu.vector_load %arg7[%get3A_1519, %get3A_1520] {strides = array<i32>} : memref<256x128xf32, #tpu.memory_space<vmem>>, vector<16xf32>,
        %add3A_1522 = vector.broadcast %mul3A_1502 : i32 to vector<16xi32>
        %add3A_1523 = arith.addi %add3A_16, %add3A_1522 : vector<16xi32>
        %broadcast_in_dim3A_1524 = vector.broadcast %select_n3A_1518 : i32 to vector<16xi32>
        %get3A_1525 = arith.index_cast %add3A_1476 : i32 to index
        %get3A_1526 = arith.constant 16 : index
        %get3A_1527 = tpu.vector_load %arg7[%get3A_1525, %get3A_1526] {strides = array<i32>} : memref<256x128xf32, #tpu.memory_space<vmem>>, vector<16xf32>,
        %add3A_1528 = vector.broadcast %mul3A_1502 : i32 to vector<16xi32>
        %add3A_1529 = arith.addi %add3A_32, %add3A_1528 : vector<16xi32>
        %broadcast_in_dim3A_1530 = vector.broadcast %select_n3A_1518 : i32 to vector<16xi32>
        %get3A_1531 = arith.index_cast %add3A_1476 : i32 to index
        %get3A_1532 = arith.constant 32 : index
        %get3A_1533 = tpu.vector_load %arg7[%get3A_1531, %get3A_1532] {strides = array<i32>} : memref<256x128xf32, #tpu.memory_space<vmem>>, vector<16xf32>,
        %add3A_1534 = vector.broadcast %mul3A_1502 : i32 to vector<16xi32>
        %add3A_1535 = arith.addi %add3A_48, %add3A_1534 : vector<16xi32>
        %broadcast_in_dim3A_1536 = vector.broadcast %select_n3A_1518 : i32 to vector<16xi32>
        %get3A_1537 = arith.index_cast %add3A_1476 : i32 to index
        %get3A_1538 = arith.constant 48 : index
        %get3A_1539 = tpu.vector_load %arg7[%get3A_1537, %get3A_1538] {strides = array<i32>} : memref<256x128xf32, #tpu.memory_space<vmem>>, vector<16xf32>,
        %add3A_1540 = vector.broadcast %mul3A_1502 : i32 to vector<16xi32>
        %add3A_1541 = arith.addi %add3A_64, %add3A_1540 : vector<16xi32>
        %broadcast_in_dim3A_1542 = vector.broadcast %select_n3A_1518 : i32 to vector<16xi32>
        %mul3A_1543 = arith.constant 8 : i32
        %mul3A_1544 = arith.muli %add3A_1262, %mul3A_1543 : i32
        %add3A_1545 = arith.constant 4 : i32
        %add3A_1546 = arith.addi %mul3A_1544, %add3A_1545 : i32
        %jit3A_1547 = arith.constant 128 : i32
        %div3A_1548 = arith.divsi %add3A_1546, %jit3A_1547 : i32
        %sign3A_1549 = arith.constant 0 : i32
        %sign3A_1550 = arith.cmpi sgt, %add3A_1546, %sign3A_1549 : i32
        %sign3A_1551 = arith.extui %sign3A_1550 : i1 to i32
        %sign3A_1552 = arith.constant 0 : i32
        %sign3A_1553 = arith.cmpi slt, %add3A_1546, %sign3A_1552 : i32
        %sign3A_1554 = arith.extui %sign3A_1553 : i1 to i32
        %sign3A_1555 = arith.subi %sign3A_1551, %sign3A_1554 : i32
        %sign3A_1556 = arith.constant 0 : i32
        %sign3A_1557 = arith.cmpi sgt, %jit3A_1547, %sign3A_1556 : i32
        %sign3A_1558 = arith.extui %sign3A_1557 : i1 to i32
        %sign3A_1559 = arith.constant 0 : i32
        %sign3A_1560 = arith.cmpi slt, %jit3A_1547, %sign3A_1559 : i32
        %sign3A_1561 = arith.extui %sign3A_1560 : i1 to i32
        %sign3A_1562 = arith.subi %sign3A_1558, %sign3A_1561 : i32
        %ne3A_1563 = arith.cmpi ne, %sign3A_1555, %sign3A_1562 : i32
        %rem3A_1564 = arith.remsi %add3A_1546, %jit3A_1547 : i32
        %ne3A_1565 = arith.constant 0 : i32
        %ne3A_1566 = arith.cmpi ne, %rem3A_1564, %ne3A_1565 : i32
        %and3A_1567 = arith.andi %ne3A_1563, %ne3A_1566 : i1
        %sub3A_1568 = arith.constant 1 : i32
        %sub3A_1569 = arith.subi %div3A_1548, %sub3A_1568 : i32
        %select_n3A_1570 = arith.select %and3A_1567, %sub3A_1569, %div3A_1548 : i32
        %mul3A_1571 = arith.constant 8 : i32
        %mul3A_1572 = arith.muli %select_n3A_1570, %mul3A_1571 : i32
        %jit3A_1573 = arith.constant 128 : i32
        %eq3A_1574 = arith.constant 0 : i32
        %eq3A_1575 = arith.cmpi eq, %jit3A_1573, %eq3A_1574 : i32
        %jit3A_1576 = arith.constant 1 : i32
        %select_n3A_1577 = arith.select %eq3A_1575, %jit3A_1576, %jit3A_1573 : i32
        %rem3A_1578 = arith.remsi %add3A_1546, %select_n3A_1577 : i32
        %ne3A_1579 = arith.constant 0 : i32
        %ne3A_1580 = arith.cmpi ne, %rem3A_1578, %ne3A_1579 : i32
        %lt3A_1581 = arith.constant 0 : i32
        %lt3A_1582 = arith.cmpi slt, %rem3A_1578, %lt3A_1581 : i32
        %lt3A_1583 = arith.constant 0 : i32
        %lt3A_1584 = arith.cmpi slt, %select_n3A_1577, %lt3A_1583 : i32
        %ne3A_1585 = arith.xori %lt3A_1582, %lt3A_1584 : i1
        %and3A_1586 = arith.andi %ne3A_1585, %ne3A_1580 : i1
        %add3A_1587 = arith.addi %rem3A_1578, %select_n3A_1577 : i32
        %select_n3A_1588 = arith.select %and3A_1586, %add3A_1587, %rem3A_1578 : i32
        %get3A_1589 = arith.index_cast %add3A_1546 : i32 to index
        %get3A_1590 = arith.constant 0 : index
        %get3A_1591 = tpu.vector_load %arg7[%get3A_1589, %get3A_1590] {strides = array<i32>} : memref<256x128xf32, #tpu.memory_space<vmem>>, vector<16xf32>,
        %add3A_1592 = vector.broadcast %mul3A_1572 : i32 to vector<16xi32>
        %add3A_1593 = arith.addi %add3A_16, %add3A_1592 : vector<16xi32>
        %broadcast_in_dim3A_1594 = vector.broadcast %select_n3A_1588 : i32 to vector<16xi32>
        %get3A_1595 = arith.index_cast %add3A_1546 : i32 to index
        %get3A_1596 = arith.constant 16 : index
        %get3A_1597 = tpu.vector_load %arg7[%get3A_1595, %get3A_1596] {strides = array<i32>} : memref<256x128xf32, #tpu.memory_space<vmem>>, vector<16xf32>,
        %add3A_1598 = vector.broadcast %mul3A_1572 : i32 to vector<16xi32>
        %add3A_1599 = arith.addi %add3A_32, %add3A_1598 : vector<16xi32>
        %broadcast_in_dim3A_1600 = vector.broadcast %select_n3A_1588 : i32 to vector<16xi32>
        %get3A_1601 = arith.index_cast %add3A_1546 : i32 to index
        %get3A_1602 = arith.constant 32 : index
        %get3A_1603 = tpu.vector_load %arg7[%get3A_1601, %get3A_1602] {strides = array<i32>} : memref<256x128xf32, #tpu.memory_space<vmem>>, vector<16xf32>,
        %add3A_1604 = vector.broadcast %mul3A_1572 : i32 to vector<16xi32>
        %add3A_1605 = arith.addi %add3A_48, %add3A_1604 : vector<16xi32>
        %broadcast_in_dim3A_1606 = vector.broadcast %select_n3A_1588 : i32 to vector<16xi32>
        %get3A_1607 = arith.index_cast %add3A_1546 : i32 to index
        %get3A_1608 = arith.constant 48 : index
        %get3A_1609 = tpu.vector_load %arg7[%get3A_1607, %get3A_1608] {strides = array<i32>} : memref<256x128xf32, #tpu.memory_space<vmem>>, vector<16xf32>,
        %add3A_1610 = vector.broadcast %mul3A_1572 : i32 to vector<16xi32>
        %add3A_1611 = arith.addi %add3A_64, %add3A_1610 : vector<16xi32>
        %broadcast_in_dim3A_1612 = vector.broadcast %select_n3A_1588 : i32 to vector<16xi32>
        %mul3A_1613 = arith.constant 8 : i32
        %mul3A_1614 = arith.muli %add3A_1262, %mul3A_1613 : i32
        %add3A_1615 = arith.constant 5 : i32
        %add3A_1616 = arith.addi %mul3A_1614, %add3A_1615 : i32
        %jit3A_1617 = arith.constant 128 : i32
        %div3A_1618 = arith.divsi %add3A_1616, %jit3A_1617 : i32
        %sign3A_1619 = arith.constant 0 : i32
        %sign3A_1620 = arith.cmpi sgt, %add3A_1616, %sign3A_1619 : i32
        %sign3A_1621 = arith.extui %sign3A_1620 : i1 to i32
        %sign3A_1622 = arith.constant 0 : i32
        %sign3A_1623 = arith.cmpi slt, %add3A_1616, %sign3A_1622 : i32
        %sign3A_1624 = arith.extui %sign3A_1623 : i1 to i32
        %sign3A_1625 = arith.subi %sign3A_1621, %sign3A_1624 : i32
        %sign3A_1626 = arith.constant 0 : i32
        %sign3A_1627 = arith.cmpi sgt, %jit3A_1617, %sign3A_1626 : i32
        %sign3A_1628 = arith.extui %sign3A_1627 : i1 to i32
        %sign3A_1629 = arith.constant 0 : i32
        %sign3A_1630 = arith.cmpi slt, %jit3A_1617, %sign3A_1629 : i32
        %sign3A_1631 = arith.extui %sign3A_1630 : i1 to i32
        %sign3A_1632 = arith.subi %sign3A_1628, %sign3A_1631 : i32
        %ne3A_1633 = arith.cmpi ne, %sign3A_1625, %sign3A_1632 : i32
        %rem3A_1634 = arith.remsi %add3A_1616, %jit3A_1617 : i32
        %ne3A_1635 = arith.constant 0 : i32
        %ne3A_1636 = arith.cmpi ne, %rem3A_1634, %ne3A_1635 : i32
        %and3A_1637 = arith.andi %ne3A_1633, %ne3A_1636 : i1
        %sub3A_1638 = arith.constant 1 : i32
        %sub3A_1639 = arith.subi %div3A_1618, %sub3A_1638 : i32
        %select_n3A_1640 = arith.select %and3A_1637, %sub3A_1639, %div3A_1618 : i32
        %mul3A_1641 = arith.constant 8 : i32
        %mul3A_1642 = arith.muli %select_n3A_1640, %mul3A_1641 : i32
        %jit3A_1643 = arith.constant 128 : i32
        %eq3A_1644 = arith.constant 0 : i32
        %eq3A_1645 = arith.cmpi eq, %jit3A_1643, %eq3A_1644 : i32
        %jit3A_1646 = arith.constant 1 : i32
        %select_n3A_1647 = arith.select %eq3A_1645, %jit3A_1646, %jit3A_1643 : i32
        %rem3A_1648 = arith.remsi %add3A_1616, %select_n3A_1647 : i32
        %ne3A_1649 = arith.constant 0 : i32
        %ne3A_1650 = arith.cmpi ne, %rem3A_1648, %ne3A_1649 : i32
        %lt3A_1651 = arith.constant 0 : i32
        %lt3A_1652 = arith.cmpi slt, %rem3A_1648, %lt3A_1651 : i32
        %lt3A_1653 = arith.constant 0 : i32
        %lt3A_1654 = arith.cmpi slt, %select_n3A_1647, %lt3A_1653 : i32
        %ne3A_1655 = arith.xori %lt3A_1652, %lt3A_1654 : i1
        %and3A_1656 = arith.andi %ne3A_1655, %ne3A_1650 : i1
        %add3A_1657 = arith.addi %rem3A_1648, %select_n3A_1647 : i32
        %select_n3A_1658 = arith.select %and3A_1656, %add3A_1657, %rem3A_1648 : i32
        %get3A_1659 = arith.index_cast %add3A_1616 : i32 to index
        %get3A_1660 = arith.constant 0 : index
        %get3A_1661 = tpu.vector_load %arg7[%get3A_1659, %get3A_1660] {strides = array<i32>} : memref<256x128xf32, #tpu.memory_space<vmem>>, vector<16xf32>,
        %add3A_1662 = vector.broadcast %mul3A_1642 : i32 to vector<16xi32>
        %add3A_1663 = arith.addi %add3A_16, %add3A_1662 : vector<16xi32>
        %broadcast_in_dim3A_1664 = vector.broadcast %select_n3A_1658 : i32 to vector<16xi32>
        %get3A_1665 = arith.index_cast %add3A_1616 : i32 to index
        %get3A_1666 = arith.constant 16 : index
        %get3A_1667 = tpu.vector_load %arg7[%get3A_1665, %get3A_1666] {strides = array<i32>} : memref<256x128xf32, #tpu.memory_space<vmem>>, vector<16xf32>,
        %add3A_1668 = vector.broadcast %mul3A_1642 : i32 to vector<16xi32>
        %add3A_1669 = arith.addi %add3A_32, %add3A_1668 : vector<16xi32>
        %broadcast_in_dim3A_1670 = vector.broadcast %select_n3A_1658 : i32 to vector<16xi32>
        %get3A_1671 = arith.index_cast %add3A_1616 : i32 to index
        %get3A_1672 = arith.constant 32 : index
        %get3A_1673 = tpu.vector_load %arg7[%get3A_1671, %get3A_1672] {strides = array<i32>} : memref<256x128xf32, #tpu.memory_space<vmem>>, vector<16xf32>,
        %add3A_1674 = vector.broadcast %mul3A_1642 : i32 to vector<16xi32>
        %add3A_1675 = arith.addi %add3A_48, %add3A_1674 : vector<16xi32>
        %broadcast_in_dim3A_1676 = vector.broadcast %select_n3A_1658 : i32 to vector<16xi32>
        %get3A_1677 = arith.index_cast %add3A_1616 : i32 to index
        %get3A_1678 = arith.constant 48 : index
        %get3A_1679 = tpu.vector_load %arg7[%get3A_1677, %get3A_1678] {strides = array<i32>} : memref<256x128xf32, #tpu.memory_space<vmem>>, vector<16xf32>,
        %add3A_1680 = vector.broadcast %mul3A_1642 : i32 to vector<16xi32>
        %add3A_1681 = arith.addi %add3A_64, %add3A_1680 : vector<16xi32>
        %broadcast_in_dim3A_1682 = vector.broadcast %select_n3A_1658 : i32 to vector<16xi32>
        %mul3A_1683 = arith.constant 8 : i32
        %mul3A_1684 = arith.muli %add3A_1262, %mul3A_1683 : i32
        %add3A_1685 = arith.constant 6 : i32
        %add3A_1686 = arith.addi %mul3A_1684, %add3A_1685 : i32
        %jit3A_1687 = arith.constant 128 : i32
        %div3A_1688 = arith.divsi %add3A_1686, %jit3A_1687 : i32
        %sign3A_1689 = arith.constant 0 : i32
        %sign3A_1690 = arith.cmpi sgt, %add3A_1686, %sign3A_1689 : i32
        %sign3A_1691 = arith.extui %sign3A_1690 : i1 to i32
        %sign3A_1692 = arith.constant 0 : i32
        %sign3A_1693 = arith.cmpi slt, %add3A_1686, %sign3A_1692 : i32
        %sign3A_1694 = arith.extui %sign3A_1693 : i1 to i32
        %sign3A_1695 = arith.subi %sign3A_1691, %sign3A_1694 : i32
        %sign3A_1696 = arith.constant 0 : i32
        %sign3A_1697 = arith.cmpi sgt, %jit3A_1687, %sign3A_1696 : i32
        %sign3A_1698 = arith.extui %sign3A_1697 : i1 to i32
        %sign3A_1699 = arith.constant 0 : i32
        %sign3A_1700 = arith.cmpi slt, %jit3A_1687, %sign3A_1699 : i32
        %sign3A_1701 = arith.extui %sign3A_1700 : i1 to i32
        %sign3A_1702 = arith.subi %sign3A_1698, %sign3A_1701 : i32
        %ne3A_1703 = arith.cmpi ne, %sign3A_1695, %sign3A_1702 : i32
        %rem3A_1704 = arith.remsi %add3A_1686, %jit3A_1687 : i32
        %ne3A_1705 = arith.constant 0 : i32
        %ne3A_1706 = arith.cmpi ne, %rem3A_1704, %ne3A_1705 : i32
        %and3A_1707 = arith.andi %ne3A_1703, %ne3A_1706 : i1
        %sub3A_1708 = arith.constant 1 : i32
        %sub3A_1709 = arith.subi %div3A_1688, %sub3A_1708 : i32
        %select_n3A_1710 = arith.select %and3A_1707, %sub3A_1709, %div3A_1688 : i32
        %mul3A_1711 = arith.constant 8 : i32
        %mul3A_1712 = arith.muli %select_n3A_1710, %mul3A_1711 : i32
        %jit3A_1713 = arith.constant 128 : i32
        %eq3A_1714 = arith.constant 0 : i32
        %eq3A_1715 = arith.cmpi eq, %jit3A_1713, %eq3A_1714 : i32
        %jit3A_1716 = arith.constant 1 : i32
        %select_n3A_1717 = arith.select %eq3A_1715, %jit3A_1716, %jit3A_1713 : i32
        %rem3A_1718 = arith.remsi %add3A_1686, %select_n3A_1717 : i32
        %ne3A_1719 = arith.constant 0 : i32
        %ne3A_1720 = arith.cmpi ne, %rem3A_1718, %ne3A_1719 : i32
        %lt3A_1721 = arith.constant 0 : i32
        %lt3A_1722 = arith.cmpi slt, %rem3A_1718, %lt3A_1721 : i32
        %lt3A_1723 = arith.constant 0 : i32
        %lt3A_1724 = arith.cmpi slt, %select_n3A_1717, %lt3A_1723 : i32
        %ne3A_1725 = arith.xori %lt3A_1722, %lt3A_1724 : i1
        %and3A_1726 = arith.andi %ne3A_1725, %ne3A_1720 : i1
        %add3A_1727 = arith.addi %rem3A_1718, %select_n3A_1717 : i32
        %select_n3A_1728 = arith.select %and3A_1726, %add3A_1727, %rem3A_1718 : i32
        %get3A_1729 = arith.index_cast %add3A_1686 : i32 to index
        %get3A_1730 = arith.constant 0 : index
        %get3A_1731 = tpu.vector_load %arg7[%get3A_1729, %get3A_1730] {strides = array<i32>} : memref<256x128xf32, #tpu.memory_space<vmem>>, vector<16xf32>,
        %add3A_1732 = vector.broadcast %mul3A_1712 : i32 to vector<16xi32>
        %add3A_1733 = arith.addi %add3A_16, %add3A_1732 : vector<16xi32>
        %broadcast_in_dim3A_1734 = vector.broadcast %select_n3A_1728 : i32 to vector<16xi32>
        %get3A_1735 = arith.index_cast %add3A_1686 : i32 to index
        %get3A_1736 = arith.constant 16 : index
        %get3A_1737 = tpu.vector_load %arg7[%get3A_1735, %get3A_1736] {strides = array<i32>} : memref<256x128xf32, #tpu.memory_space<vmem>>, vector<16xf32>,
        %add3A_1738 = vector.broadcast %mul3A_1712 : i32 to vector<16xi32>
        %add3A_1739 = arith.addi %add3A_32, %add3A_1738 : vector<16xi32>
        %broadcast_in_dim3A_1740 = vector.broadcast %select_n3A_1728 : i32 to vector<16xi32>
        %get3A_1741 = arith.index_cast %add3A_1686 : i32 to index
        %get3A_1742 = arith.constant 32 : index
        %get3A_1743 = tpu.vector_load %arg7[%get3A_1741, %get3A_1742] {strides = array<i32>} : memref<256x128xf32, #tpu.memory_space<vmem>>, vector<16xf32>,
        %add3A_1744 = vector.broadcast %mul3A_1712 : i32 to vector<16xi32>
        %add3A_1745 = arith.addi %add3A_48, %add3A_1744 : vector<16xi32>
        %broadcast_in_dim3A_1746 = vector.broadcast %select_n3A_1728 : i32 to vector<16xi32>
        %get3A_1747 = arith.index_cast %add3A_1686 : i32 to index
        %get3A_1748 = arith.constant 48 : index
        %get3A_1749 = tpu.vector_load %arg7[%get3A_1747, %get3A_1748] {strides = array<i32>} : memref<256x128xf32, #tpu.memory_space<vmem>>, vector<16xf32>,
        %add3A_1750 = vector.broadcast %mul3A_1712 : i32 to vector<16xi32>
        %add3A_1751 = arith.addi %add3A_64, %add3A_1750 : vector<16xi32>
        %broadcast_in_dim3A_1752 = vector.broadcast %select_n3A_1728 : i32 to vector<16xi32>
        %mul3A_1753 = arith.constant 8 : i32
        %mul3A_1754 = arith.muli %add3A_1262, %mul3A_1753 : i32
        %add3A_1755 = arith.constant 7 : i32
        %add3A_1756 = arith.addi %mul3A_1754, %add3A_1755 : i32
        %jit3A_1757 = arith.constant 128 : i32
        %div3A_1758 = arith.divsi %add3A_1756, %jit3A_1757 : i32
        %sign3A_1759 = arith.constant 0 : i32
        %sign3A_1760 = arith.cmpi sgt, %add3A_1756, %sign3A_1759 : i32
        %sign3A_1761 = arith.extui %sign3A_1760 : i1 to i32
        %sign3A_1762 = arith.constant 0 : i32
        %sign3A_1763 = arith.cmpi slt, %add3A_1756, %sign3A_1762 : i32
        %sign3A_1764 = arith.extui %sign3A_1763 : i1 to i32
        %sign3A_1765 = arith.subi %sign3A_1761, %sign3A_1764 : i32
        %sign3A_1766 = arith.constant 0 : i32
        %sign3A_1767 = arith.cmpi sgt, %jit3A_1757, %sign3A_1766 : i32
        %sign3A_1768 = arith.extui %sign3A_1767 : i1 to i32
        %sign3A_1769 = arith.constant 0 : i32
        %sign3A_1770 = arith.cmpi slt, %jit3A_1757, %sign3A_1769 : i32
        %sign3A_1771 = arith.extui %sign3A_1770 : i1 to i32
        %sign3A_1772 = arith.subi %sign3A_1768, %sign3A_1771 : i32
        %ne3A_1773 = arith.cmpi ne, %sign3A_1765, %sign3A_1772 : i32
        %rem3A_1774 = arith.remsi %add3A_1756, %jit3A_1757 : i32
        %ne3A_1775 = arith.constant 0 : i32
        %ne3A_1776 = arith.cmpi ne, %rem3A_1774, %ne3A_1775 : i32
        %and3A_1777 = arith.andi %ne3A_1773, %ne3A_1776 : i1
        %sub3A_1778 = arith.constant 1 : i32
        %sub3A_1779 = arith.subi %div3A_1758, %sub3A_1778 : i32
        %select_n3A_1780 = arith.select %and3A_1777, %sub3A_1779, %div3A_1758 : i32
        %mul3A_1781 = arith.constant 8 : i32
        %mul3A_1782 = arith.muli %select_n3A_1780, %mul3A_1781 : i32
        %jit3A_1783 = arith.constant 128 : i32
        %eq3A_1784 = arith.constant 0 : i32
        %eq3A_1785 = arith.cmpi eq, %jit3A_1783, %eq3A_1784 : i32
        %jit3A_1786 = arith.constant 1 : i32
        %select_n3A_1787 = arith.select %eq3A_1785, %jit3A_1786, %jit3A_1783 : i32
        %rem3A_1788 = arith.remsi %add3A_1756, %select_n3A_1787 : i32
        %ne3A_1789 = arith.constant 0 : i32
        %ne3A_1790 = arith.cmpi ne, %rem3A_1788, %ne3A_1789 : i32
        %lt3A_1791 = arith.constant 0 : i32
        %lt3A_1792 = arith.cmpi slt, %rem3A_1788, %lt3A_1791 : i32
        %lt3A_1793 = arith.constant 0 : i32
        %lt3A_1794 = arith.cmpi slt, %select_n3A_1787, %lt3A_1793 : i32
        %ne3A_1795 = arith.xori %lt3A_1792, %lt3A_1794 : i1
        %and3A_1796 = arith.andi %ne3A_1795, %ne3A_1790 : i1
        %add3A_1797 = arith.addi %rem3A_1788, %select_n3A_1787 : i32
        %select_n3A_1798 = arith.select %and3A_1796, %add3A_1797, %rem3A_1788 : i32
        %get3A_1799 = arith.index_cast %add3A_1756 : i32 to index
        %get3A_1800 = arith.constant 0 : index
        %get3A_1801 = tpu.vector_load %arg7[%get3A_1799, %get3A_1800] {strides = array<i32>} : memref<256x128xf32, #tpu.memory_space<vmem>>, vector<16xf32>,
        %add3A_1802 = vector.broadcast %mul3A_1782 : i32 to vector<16xi32>
        %add3A_1803 = arith.addi %add3A_16, %add3A_1802 : vector<16xi32>
        %broadcast_in_dim3A_1804 = vector.broadcast %select_n3A_1798 : i32 to vector<16xi32>
        %get3A_1805 = arith.index_cast %add3A_1756 : i32 to index
        %get3A_1806 = arith.constant 16 : index
        %get3A_1807 = tpu.vector_load %arg7[%get3A_1805, %get3A_1806] {strides = array<i32>} : memref<256x128xf32, #tpu.memory_space<vmem>>, vector<16xf32>,
        %add3A_1808 = vector.broadcast %mul3A_1782 : i32 to vector<16xi32>
        %add3A_1809 = arith.addi %add3A_32, %add3A_1808 : vector<16xi32>
        %broadcast_in_dim3A_1810 = vector.broadcast %select_n3A_1798 : i32 to vector<16xi32>
        %get3A_1811 = arith.index_cast %add3A_1756 : i32 to index
        %get3A_1812 = arith.constant 32 : index
        %get3A_1813 = tpu.vector_load %arg7[%get3A_1811, %get3A_1812] {strides = array<i32>} : memref<256x128xf32, #tpu.memory_space<vmem>>, vector<16xf32>,
        %add3A_1814 = vector.broadcast %mul3A_1782 : i32 to vector<16xi32>
        %add3A_1815 = arith.addi %add3A_48, %add3A_1814 : vector<16xi32>
        %broadcast_in_dim3A_1816 = vector.broadcast %select_n3A_1798 : i32 to vector<16xi32>
        %get3A_1817 = arith.index_cast %add3A_1756 : i32 to index
        %get3A_1818 = arith.constant 48 : index
        %get3A_1819 = tpu.vector_load %arg7[%get3A_1817, %get3A_1818] {strides = array<i32>} : memref<256x128xf32, #tpu.memory_space<vmem>>, vector<16xf32>,
        %add3A_1820 = vector.broadcast %mul3A_1782 : i32 to vector<16xi32>
        %add3A_1821 = arith.addi %add3A_64, %add3A_1820 : vector<16xi32>
        %broadcast_in_dim3A_1822 = vector.broadcast %select_n3A_1798 : i32 to vector<16xi32>
        tpu.vector_store_idx %arg9[%add3A_750, %broadcast_in_dim3A], %get3A_748 : memref<128x129xf32, #tpu.memory_space<vmem>>[vector<16xi32>, vector<16xi32>], vector<16xf32>,
        tpu.vector_store_idx %arg9[%add3A_755, %broadcast_in_dim3A_756], %get3A_753 : memref<128x129xf32, #tpu.memory_space<vmem>>[vector<16xi32>, vector<16xi32>], vector<16xf32>,
        tpu.vector_store_idx %arg9[%add3A_761, %broadcast_in_dim3A_762], %get3A_759 : memref<128x129xf32, #tpu.memory_space<vmem>>[vector<16xi32>, vector<16xi32>], vector<16xf32>,
        tpu.vector_store_idx %arg9[%add3A_767, %broadcast_in_dim3A_768], %get3A_765 : memref<128x129xf32, #tpu.memory_space<vmem>>[vector<16xi32>, vector<16xi32>], vector<16xf32>,
        tpu.vector_store_idx %arg9[%add3A_819, %broadcast_in_dim3A_820], %get3A_817 : memref<128x129xf32, #tpu.memory_space<vmem>>[vector<16xi32>, vector<16xi32>], vector<16xf32>,
        tpu.vector_store_idx %arg9[%add3A_825, %broadcast_in_dim3A_826], %get3A_823 : memref<128x129xf32, #tpu.memory_space<vmem>>[vector<16xi32>, vector<16xi32>], vector<16xf32>,
        tpu.vector_store_idx %arg9[%add3A_831, %broadcast_in_dim3A_832], %get3A_829 : memref<128x129xf32, #tpu.memory_space<vmem>>[vector<16xi32>, vector<16xi32>], vector<16xf32>,
        tpu.vector_store_idx %arg9[%add3A_837, %broadcast_in_dim3A_838], %get3A_835 : memref<128x129xf32, #tpu.memory_space<vmem>>[vector<16xi32>, vector<16xi32>], vector<16xf32>,
        tpu.vector_store_idx %arg9[%add3A_889, %broadcast_in_dim3A_890], %get3A_887 : memref<128x129xf32, #tpu.memory_space<vmem>>[vector<16xi32>, vector<16xi32>], vector<16xf32>,
        tpu.vector_store_idx %arg9[%add3A_895, %broadcast_in_dim3A_896], %get3A_893 : memref<128x129xf32, #tpu.memory_space<vmem>>[vector<16xi32>, vector<16xi32>], vector<16xf32>,
        tpu.vector_store_idx %arg9[%add3A_901, %broadcast_in_dim3A_902], %get3A_899 : memref<128x129xf32, #tpu.memory_space<vmem>>[vector<16xi32>, vector<16xi32>], vector<16xf32>,
        tpu.vector_store_idx %arg9[%add3A_907, %broadcast_in_dim3A_908], %get3A_905 : memref<128x129xf32, #tpu.memory_space<vmem>>[vector<16xi32>, vector<16xi32>], vector<16xf32>,
        tpu.vector_store_idx %arg9[%add3A_959, %broadcast_in_dim3A_960], %get3A_957 : memref<128x129xf32, #tpu.memory_space<vmem>>[vector<16xi32>, vector<16xi32>], vector<16xf32>,
        tpu.vector_store_idx %arg9[%add3A_965, %broadcast_in_dim3A_966], %get3A_963 : memref<128x129xf32, #tpu.memory_space<vmem>>[vector<16xi32>, vector<16xi32>], vector<16xf32>,
        tpu.vector_store_idx %arg9[%add3A_971, %broadcast_in_dim3A_972], %get3A_969 : memref<128x129xf32, #tpu.memory_space<vmem>>[vector<16xi32>, vector<16xi32>], vector<16xf32>,
        tpu.vector_store_idx %arg9[%add3A_977, %broadcast_in_dim3A_978], %get3A_975 : memref<128x129xf32, #tpu.memory_space<vmem>>[vector<16xi32>, vector<16xi32>], vector<16xf32>,
        tpu.vector_store_idx %arg9[%add3A_1029, %broadcast_in_dim3A_1030], %get3A_1027 : memref<128x129xf32, #tpu.memory_space<vmem>>[vector<16xi32>, vector<16xi32>], vector<16xf32>,
        tpu.vector_store_idx %arg9[%add3A_1035, %broadcast_in_dim3A_1036], %get3A_1033 : memref<128x129xf32, #tpu.memory_space<vmem>>[vector<16xi32>, vector<16xi32>], vector<16xf32>,
        tpu.vector_store_idx %arg9[%add3A_1041, %broadcast_in_dim3A_1042], %get3A_1039 : memref<128x129xf32, #tpu.memory_space<vmem>>[vector<16xi32>, vector<16xi32>], vector<16xf32>,
        tpu.vector_store_idx %arg9[%add3A_1047, %broadcast_in_dim3A_1048], %get3A_1045 : memref<128x129xf32, #tpu.memory_space<vmem>>[vector<16xi32>, vector<16xi32>], vector<16xf32>,
        tpu.vector_store_idx %arg9[%add3A_1099, %broadcast_in_dim3A_1100], %get3A_1097 : memref<128x129xf32, #tpu.memory_space<vmem>>[vector<16xi32>, vector<16xi32>], vector<16xf32>,
        tpu.vector_store_idx %arg9[%add3A_1105, %broadcast_in_dim3A_1106], %get3A_1103 : memref<128x129xf32, #tpu.memory_space<vmem>>[vector<16xi32>, vector<16xi32>], vector<16xf32>,
        tpu.vector_store_idx %arg9[%add3A_1111, %broadcast_in_dim3A_1112], %get3A_1109 : memref<128x129xf32, #tpu.memory_space<vmem>>[vector<16xi32>, vector<16xi32>], vector<16xf32>,
        tpu.vector_store_idx %arg9[%add3A_1117, %broadcast_in_dim3A_1118], %get3A_1115 : memref<128x129xf32, #tpu.memory_space<vmem>>[vector<16xi32>, vector<16xi32>], vector<16xf32>,
        tpu.vector_store_idx %arg9[%add3A_1169, %broadcast_in_dim3A_1170], %get3A_1167 : memref<128x129xf32, #tpu.memory_space<vmem>>[vector<16xi32>, vector<16xi32>], vector<16xf32>,
        tpu.vector_store_idx %arg9[%add3A_1175, %broadcast_in_dim3A_1176], %get3A_1173 : memref<128x129xf32, #tpu.memory_space<vmem>>[vector<16xi32>, vector<16xi32>], vector<16xf32>,
        tpu.vector_store_idx %arg9[%add3A_1181, %broadcast_in_dim3A_1182], %get3A_1179 : memref<128x129xf32, #tpu.memory_space<vmem>>[vector<16xi32>, vector<16xi32>], vector<16xf32>,
        tpu.vector_store_idx %arg9[%add3A_1187, %broadcast_in_dim3A_1188], %get3A_1185 : memref<128x129xf32, #tpu.memory_space<vmem>>[vector<16xi32>, vector<16xi32>], vector<16xf32>,
        tpu.vector_store_idx %arg9[%add3A_1239, %broadcast_in_dim3A_1240], %get3A_1237 : memref<128x129xf32, #tpu.memory_space<vmem>>[vector<16xi32>, vector<16xi32>], vector<16xf32>,
        tpu.vector_store_idx %arg9[%add3A_1245, %broadcast_in_dim3A_1246], %get3A_1243 : memref<128x129xf32, #tpu.memory_space<vmem>>[vector<16xi32>, vector<16xi32>], vector<16xf32>,
        tpu.vector_store_idx %arg9[%add3A_1251, %broadcast_in_dim3A_1252], %get3A_1249 : memref<128x129xf32, #tpu.memory_space<vmem>>[vector<16xi32>, vector<16xi32>], vector<16xf32>,
        tpu.vector_store_idx %arg9[%add3A_1257, %broadcast_in_dim3A_1258], %get3A_1255 : memref<128x129xf32, #tpu.memory_space<vmem>>[vector<16xi32>, vector<16xi32>], vector<16xf32>,
        tpu.vector_store_idx %arg9[%add3A_1313, %broadcast_in_dim3A_1314], %get3A_1311 : memref<128x129xf32, #tpu.memory_space<vmem>>[vector<16xi32>, vector<16xi32>], vector<16xf32>,
        tpu.vector_store_idx %arg9[%add3A_1319, %broadcast_in_dim3A_1320], %get3A_1317 : memref<128x129xf32, #tpu.memory_space<vmem>>[vector<16xi32>, vector<16xi32>], vector<16xf32>,
        tpu.vector_store_idx %arg9[%add3A_1325, %broadcast_in_dim3A_1326], %get3A_1323 : memref<128x129xf32, #tpu.memory_space<vmem>>[vector<16xi32>, vector<16xi32>], vector<16xf32>,
        tpu.vector_store_idx %arg9[%add3A_1331, %broadcast_in_dim3A_1332], %get3A_1329 : memref<128x129xf32, #tpu.memory_space<vmem>>[vector<16xi32>, vector<16xi32>], vector<16xf32>,
        tpu.vector_store_idx %arg9[%add3A_1383, %broadcast_in_dim3A_1384], %get3A_1381 : memref<128x129xf32, #tpu.memory_space<vmem>>[vector<16xi32>, vector<16xi32>], vector<16xf32>,
        tpu.vector_store_idx %arg9[%add3A_1389, %broadcast_in_dim3A_1390], %get3A_1387 : memref<128x129xf32, #tpu.memory_space<vmem>>[vector<16xi32>, vector<16xi32>], vector<16xf32>,
        tpu.vector_store_idx %arg9[%add3A_1395, %broadcast_in_dim3A_1396], %get3A_1393 : memref<128x129xf32, #tpu.memory_space<vmem>>[vector<16xi32>, vector<16xi32>], vector<16xf32>,
        tpu.vector_store_idx %arg9[%add3A_1401, %broadcast_in_dim3A_1402], %get3A_1399 : memref<128x129xf32, #tpu.memory_space<vmem>>[vector<16xi32>, vector<16xi32>], vector<16xf32>,
        tpu.vector_store_idx %arg9[%add3A_1453, %broadcast_in_dim3A_1454], %get3A_1451 : memref<128x129xf32, #tpu.memory_space<vmem>>[vector<16xi32>, vector<16xi32>], vector<16xf32>,
        tpu.vector_store_idx %arg9[%add3A_1459, %broadcast_in_dim3A_1460], %get3A_1457 : memref<128x129xf32, #tpu.memory_space<vmem>>[vector<16xi32>, vector<16xi32>], vector<16xf32>,
        tpu.vector_store_idx %arg9[%add3A_1465, %broadcast_in_dim3A_1466], %get3A_1463 : memref<128x129xf32, #tpu.memory_space<vmem>>[vector<16xi32>, vector<16xi32>], vector<16xf32>,
        tpu.vector_store_idx %arg9[%add3A_1471, %broadcast_in_dim3A_1472], %get3A_1469 : memref<128x129xf32, #tpu.memory_space<vmem>>[vector<16xi32>, vector<16xi32>], vector<16xf32>,
        tpu.vector_store_idx %arg9[%add3A_1523, %broadcast_in_dim3A_1524], %get3A_1521 : memref<128x129xf32, #tpu.memory_space<vmem>>[vector<16xi32>, vector<16xi32>], vector<16xf32>,
        tpu.vector_store_idx %arg9[%add3A_1529, %broadcast_in_dim3A_1530], %get3A_1527 : memref<128x129xf32, #tpu.memory_space<vmem>>[vector<16xi32>, vector<16xi32>], vector<16xf32>,
        tpu.vector_store_idx %arg9[%add3A_1535, %broadcast_in_dim3A_1536], %get3A_1533 : memref<128x129xf32, #tpu.memory_space<vmem>>[vector<16xi32>, vector<16xi32>], vector<16xf32>,
        tpu.vector_store_idx %arg9[%add3A_1541, %broadcast_in_dim3A_1542], %get3A_1539 : memref<128x129xf32, #tpu.memory_space<vmem>>[vector<16xi32>, vector<16xi32>], vector<16xf32>,
        tpu.vector_store_idx %arg9[%add3A_1593, %broadcast_in_dim3A_1594], %get3A_1591 : memref<128x129xf32, #tpu.memory_space<vmem>>[vector<16xi32>, vector<16xi32>], vector<16xf32>,
        tpu.vector_store_idx %arg9[%add3A_1599, %broadcast_in_dim3A_1600], %get3A_1597 : memref<128x129xf32, #tpu.memory_space<vmem>>[vector<16xi32>, vector<16xi32>], vector<16xf32>,
        tpu.vector_store_idx %arg9[%add3A_1605, %broadcast_in_dim3A_1606], %get3A_1603 : memref<128x129xf32, #tpu.memory_space<vmem>>[vector<16xi32>, vector<16xi32>], vector<16xf32>,
        tpu.vector_store_idx %arg9[%add3A_1611, %broadcast_in_dim3A_1612], %get3A_1609 : memref<128x129xf32, #tpu.memory_space<vmem>>[vector<16xi32>, vector<16xi32>], vector<16xf32>,
        tpu.vector_store_idx %arg9[%add3A_1663, %broadcast_in_dim3A_1664], %get3A_1661 : memref<128x129xf32, #tpu.memory_space<vmem>>[vector<16xi32>, vector<16xi32>], vector<16xf32>,
        tpu.vector_store_idx %arg9[%add3A_1669, %broadcast_in_dim3A_1670], %get3A_1667 : memref<128x129xf32, #tpu.memory_space<vmem>>[vector<16xi32>, vector<16xi32>], vector<16xf32>,
        tpu.vector_store_idx %arg9[%add3A_1675, %broadcast_in_dim3A_1676], %get3A_1673 : memref<128x129xf32, #tpu.memory_space<vmem>>[vector<16xi32>, vector<16xi32>], vector<16xf32>,
        tpu.vector_store_idx %arg9[%add3A_1681, %broadcast_in_dim3A_1682], %get3A_1679 : memref<128x129xf32, #tpu.memory_space<vmem>>[vector<16xi32>, vector<16xi32>], vector<16xf32>,
        tpu.vector_store_idx %arg9[%add3A_1733, %broadcast_in_dim3A_1734], %get3A_1731 : memref<128x129xf32, #tpu.memory_space<vmem>>[vector<16xi32>, vector<16xi32>], vector<16xf32>,
        tpu.vector_store_idx %arg9[%add3A_1739, %broadcast_in_dim3A_1740], %get3A_1737 : memref<128x129xf32, #tpu.memory_space<vmem>>[vector<16xi32>, vector<16xi32>], vector<16xf32>,
        tpu.vector_store_idx %arg9[%add3A_1745, %broadcast_in_dim3A_1746], %get3A_1743 : memref<128x129xf32, #tpu.memory_space<vmem>>[vector<16xi32>, vector<16xi32>], vector<16xf32>,
        tpu.vector_store_idx %arg9[%add3A_1751, %broadcast_in_dim3A_1752], %get3A_1749 : memref<128x129xf32, #tpu.memory_space<vmem>>[vector<16xi32>, vector<16xi32>], vector<16xf32>,
        tpu.vector_store_idx %arg9[%add3A_1803, %broadcast_in_dim3A_1804], %get3A_1801 : memref<128x129xf32, #tpu.memory_space<vmem>>[vector<16xi32>, vector<16xi32>], vector<16xf32>,
        tpu.vector_store_idx %arg9[%add3A_1809, %broadcast_in_dim3A_1810], %get3A_1807 : memref<128x129xf32, #tpu.memory_space<vmem>>[vector<16xi32>, vector<16xi32>], vector<16xf32>,
        tpu.vector_store_idx %arg9[%add3A_1815, %broadcast_in_dim3A_1816], %get3A_1813 : memref<128x129xf32, #tpu.memory_space<vmem>>[vector<16xi32>, vector<16xi32>], vector<16xf32>,
        tpu.vector_store_idx %arg9[%add3A_1821, %broadcast_in_dim3A_1822], %get3A_1819 : memref<128x129xf32, #tpu.memory_space<vmem>>[vector<16xi32>, vector<16xi32>], vector<16xf32>,
      }
      %scan3A_518 = arith.constant 16 : i32
      %mul3A_519 = arith.constant 2 : i32
      %mul3A_520 = arith.muli %add3A_286, %mul3A_519 : i32
      %add3A_521 = arith.addi %mul3A_2, %mul3A_520 : i32
      %jit3A_522 = arith.constant 128 : i32
      %div3A_523 = arith.divsi %add3A_521, %jit3A_522 : i32
      %sign3A_524 = arith.constant 0 : i32
      %sign3A_525 = arith.cmpi sgt, %add3A_521, %sign3A_524 : i32
      %sign3A_526 = arith.extui %sign3A_525 : i1 to i32
      %sign3A_527 = arith.constant 0 : i32
      %sign3A_528 = arith.cmpi slt, %add3A_521, %sign3A_527 : i32
      %sign3A_529 = arith.extui %sign3A_528 : i1 to i32
      %sign3A_530 = arith.subi %sign3A_526, %sign3A_529 : i32
      %sign3A_531 = arith.constant 0 : i32
      %sign3A_532 = arith.cmpi sgt, %jit3A_522, %sign3A_531 : i32
      %sign3A_533 = arith.extui %sign3A_532 : i1 to i32
      %sign3A_534 = arith.constant 0 : i32
      %sign3A_535 = arith.cmpi slt, %jit3A_522, %sign3A_534 : i32
      %sign3A_536 = arith.extui %sign3A_535 : i1 to i32
      %sign3A_537 = arith.subi %sign3A_533, %sign3A_536 : i32
      %ne3A_538 = arith.cmpi ne, %sign3A_530, %sign3A_537 : i32
      %rem3A_539 = arith.remsi %add3A_521, %jit3A_522 : i32
      %ne3A_540 = arith.constant 0 : i32
      %ne3A_541 = arith.cmpi ne, %rem3A_539, %ne3A_540 : i32
      %and3A_542 = arith.andi %ne3A_538, %ne3A_541 : i1
      %sub3A_543 = arith.constant 1 : i32
      %sub3A_544 = arith.subi %div3A_523, %sub3A_543 : i32
      %select_n3A_545 = arith.select %and3A_542, %sub3A_544, %div3A_523 : i32
      %jit3A_546 = arith.constant 128 : i32
      %eq3A_547 = arith.constant 0 : i32
      %eq3A_548 = arith.cmpi eq, %jit3A_546, %eq3A_547 : i32
      %jit3A_549 = arith.constant 1 : i32
      %select_n3A_550 = arith.select %eq3A_548, %jit3A_549, %jit3A_546 : i32
      %rem3A_551 = arith.remsi %add3A_521, %select_n3A_550 : i32
      %ne3A_552 = arith.constant 0 : i32
      %ne3A_553 = arith.cmpi ne, %rem3A_551, %ne3A_552 : i32
      %lt3A_554 = arith.constant 0 : i32
      %lt3A_555 = arith.cmpi slt, %rem3A_551, %lt3A_554 : i32
      %lt3A_556 = arith.constant 0 : i32
      %lt3A_557 = arith.cmpi slt, %select_n3A_550, %lt3A_556 : i32
      %ne3A_558 = arith.xori %lt3A_555, %lt3A_557 : i1
      %and3A_559 = arith.andi %ne3A_558, %ne3A_553 : i1
      %add3A_560 = arith.addi %rem3A_551, %select_n3A_550 : i32
      %select_n3A_561 = arith.select %and3A_559, %add3A_560, %rem3A_551 : i32
      %mul3A_562 = arith.constant 1024 : i32
      %mul3A_563 = arith.muli %select_n3A_545, %mul3A_562 : i32
      %add3A_564 = arith.constant 0 : i32
      %add3A_565 = arith.addi %mul3A_563, %add3A_564 : i32
      %add3A_566 = arith.addi %add3A_565, %select_n3A_561 : i32
      %mul3A_567 = arith.constant 8 : i32
      %mul3A_568 = arith.muli %add3A_566, %mul3A_567 : i32
      %dma_start3A_569 = arith.constant 0 : i32
      %dma_start3A_570 = arith.constant 0 : i32
      %dma_start3A_571 = tpu.memref_slice %arg9[%dma_start3A_569, %dma_start3A_570] : memref<128x129xf32, #tpu.memory_space<vmem>> -> memref<16x128xf32, #tpu.memory_space<vmem>>
      %dma_start3A_572 = arith.constant 0 : i32
      %dma_start3A_573 = tpu.memref_slice %arg4[%mul3A_568, %dma_start3A_572] : memref<409600x128xf32, #tpu.memory_space<hbm>> -> memref<16x128xf32, #tpu.memory_space<hbm>>
      %dma_start3A_574 = arith.constant 0 : i32
      %dma_start3A_575 = tpu.memref_slice %arg4[%mul3A_568, %dma_start3A_574] : memref<409600x128xf32, #tpu.memory_space<hbm>> -> memref<16x128xf32, #tpu.memory_space<hbm>>
      %dma_start3A_576 = arith.constant 0 : i32
      %dma_start3A_577 = arith.constant 0 : i32
      %dma_start3A_578 = tpu.memref_slice %arg9[%dma_start3A_576, %dma_start3A_577] : memref<128x129xf32, #tpu.memory_space<vmem>> -> memref<16x128xf32, #tpu.memory_space<vmem>>
      tpu.enqueue_dma source(%dma_start3A_578 : memref<16x128xf32, #tpu.memory_space<vmem>>) target(%dma_start3A_575 : memref<16x128xf32, #tpu.memory_space<hbm>>) target_semaphore(%arg13 : memref<!tpu.dma_semaphore, #tpu.memory_space<semaphore_mem>>)
      %mul3A_579 = arith.constant 1024 : i32
      %mul3A_580 = arith.muli %select_n3A_545, %mul3A_579 : i32
      %add3A_581 = arith.constant 128 : i32
      %add3A_582 = arith.addi %mul3A_580, %add3A_581 : i32
      %add3A_583 = arith.addi %add3A_582, %select_n3A_561 : i32
      %mul3A_584 = arith.constant 8 : i32
      %mul3A_585 = arith.muli %add3A_583, %mul3A_584 : i32
      %dma_start3A_586 = arith.constant 16 : i32
      %dma_start3A_587 = arith.constant 0 : i32
      %dma_start3A_588 = tpu.memref_slice %arg9[%dma_start3A_586, %dma_start3A_587] : memref<128x129xf32, #tpu.memory_space<vmem>> -> memref<16x128xf32, #tpu.memory_space<vmem>>
      %dma_start3A_589 = arith.constant 0 : i32
      %dma_start3A_590 = tpu.memref_slice %arg4[%mul3A_585, %dma_start3A_589] : memref<409600x128xf32, #tpu.memory_space<hbm>> -> memref<16x128xf32, #tpu.memory_space<hbm>>
      %dma_start3A_591 = arith.constant 0 : i32
      %dma_start3A_592 = tpu.memref_slice %arg4[%mul3A_585, %dma_start3A_591] : memref<409600x128xf32, #tpu.memory_space<hbm>> -> memref<16x128xf32, #tpu.memory_space<hbm>>
      %dma_start3A_593 = arith.constant 16 : i32
      %dma_start3A_594 = arith.constant 0 : i32
      %dma_start3A_595 = tpu.memref_slice %arg9[%dma_start3A_593, %dma_start3A_594] : memref<128x129xf32, #tpu.memory_space<vmem>> -> memref<16x128xf32, #tpu.memory_space<vmem>>
      tpu.enqueue_dma source(%dma_start3A_595 : memref<16x128xf32, #tpu.memory_space<vmem>>) target(%dma_start3A_592 : memref<16x128xf32, #tpu.memory_space<hbm>>) target_semaphore(%arg13 : memref<!tpu.dma_semaphore, #tpu.memory_space<semaphore_mem>>)
      %mul3A_596 = arith.constant 1024 : i32
      %mul3A_597 = arith.muli %select_n3A_545, %mul3A_596 : i32
      %add3A_598 = arith.constant 256 : i32
      %add3A_599 = arith.addi %mul3A_597, %add3A_598 : i32
      %add3A_600 = arith.addi %add3A_599, %select_n3A_561 : i32
      %mul3A_601 = arith.constant 8 : i32
      %mul3A_602 = arith.muli %add3A_600, %mul3A_601 : i32
      %dma_start3A_603 = arith.constant 32 : i32
      %dma_start3A_604 = arith.constant 0 : i32
      %dma_start3A_605 = tpu.memref_slice %arg9[%dma_start3A_603, %dma_start3A_604] : memref<128x129xf32, #tpu.memory_space<vmem>> -> memref<16x128xf32, #tpu.memory_space<vmem>>
      %dma_start3A_606 = arith.constant 0 : i32
      %dma_start3A_607 = tpu.memref_slice %arg4[%mul3A_602, %dma_start3A_606] : memref<409600x128xf32, #tpu.memory_space<hbm>> -> memref<16x128xf32, #tpu.memory_space<hbm>>
      %dma_start3A_608 = arith.constant 0 : i32
      %dma_start3A_609 = tpu.memref_slice %arg4[%mul3A_602, %dma_start3A_608] : memref<409600x128xf32, #tpu.memory_space<hbm>> -> memref<16x128xf32, #tpu.memory_space<hbm>>
      %dma_start3A_610 = arith.constant 32 : i32
      %dma_start3A_611 = arith.constant 0 : i32
      %dma_start3A_612 = tpu.memref_slice %arg9[%dma_start3A_610, %dma_start3A_611] : memref<128x129xf32, #tpu.memory_space<vmem>> -> memref<16x128xf32, #tpu.memory_space<vmem>>
      tpu.enqueue_dma source(%dma_start3A_612 : memref<16x128xf32, #tpu.memory_space<vmem>>) target(%dma_start3A_609 : memref<16x128xf32, #tpu.memory_space<hbm>>) target_semaphore(%arg13 : memref<!tpu.dma_semaphore, #tpu.memory_space<semaphore_mem>>)
      %mul3A_613 = arith.constant 1024 : i32
      %mul3A_614 = arith.muli %select_n3A_545, %mul3A_613 : i32
      %add3A_615 = arith.constant 384 : i32
      %add3A_616 = arith.addi %mul3A_614, %add3A_615 : i32
      %add3A_617 = arith.addi %add3A_616, %select_n3A_561 : i32
      %mul3A_618 = arith.constant 8 : i32
      %mul3A_619 = arith.muli %add3A_617, %mul3A_618 : i32
      %dma_start3A_620 = arith.constant 48 : i32
      %dma_start3A_621 = arith.constant 0 : i32
      %dma_start3A_622 = tpu.memref_slice %arg9[%dma_start3A_620, %dma_start3A_621] : memref<128x129xf32, #tpu.memory_space<vmem>> -> memref<16x128xf32, #tpu.memory_space<vmem>>
      %dma_start3A_623 = arith.constant 0 : i32
      %dma_start3A_624 = tpu.memref_slice %arg4[%mul3A_619, %dma_start3A_623] : memref<409600x128xf32, #tpu.memory_space<hbm>> -> memref<16x128xf32, #tpu.memory_space<hbm>>
      %dma_start3A_625 = arith.constant 0 : i32
      %dma_start3A_626 = tpu.memref_slice %arg4[%mul3A_619, %dma_start3A_625] : memref<409600x128xf32, #tpu.memory_space<hbm>> -> memref<16x128xf32, #tpu.memory_space<hbm>>
      %dma_start3A_627 = arith.constant 48 : i32
      %dma_start3A_628 = arith.constant 0 : i32
      %dma_start3A_629 = tpu.memref_slice %arg9[%dma_start3A_627, %dma_start3A_628] : memref<128x129xf32, #tpu.memory_space<vmem>> -> memref<16x128xf32, #tpu.memory_space<vmem>>
      tpu.enqueue_dma source(%dma_start3A_629 : memref<16x128xf32, #tpu.memory_space<vmem>>) target(%dma_start3A_626 : memref<16x128xf32, #tpu.memory_space<hbm>>) target_semaphore(%arg13 : memref<!tpu.dma_semaphore, #tpu.memory_space<semaphore_mem>>)
      %mul3A_630 = arith.constant 1024 : i32
      %mul3A_631 = arith.muli %select_n3A_545, %mul3A_630 : i32
      %add3A_632 = arith.constant 512 : i32
      %add3A_633 = arith.addi %mul3A_631, %add3A_632 : i32
      %add3A_634 = arith.addi %add3A_633, %select_n3A_561 : i32
      %mul3A_635 = arith.constant 8 : i32
      %mul3A_636 = arith.muli %add3A_634, %mul3A_635 : i32
      %dma_start3A_637 = arith.constant 64 : i32
      %dma_start3A_638 = arith.constant 0 : i32
      %dma_start3A_639 = tpu.memref_slice %arg9[%dma_start3A_637, %dma_start3A_638] : memref<128x129xf32, #tpu.memory_space<vmem>> -> memref<16x128xf32, #tpu.memory_space<vmem>>
      %dma_start3A_640 = arith.constant 0 : i32
      %dma_start3A_641 = tpu.memref_slice %arg4[%mul3A_636, %dma_start3A_640] : memref<409600x128xf32, #tpu.memory_space<hbm>> -> memref<16x128xf32, #tpu.memory_space<hbm>>
      %dma_start3A_642 = arith.constant 0 : i32
      %dma_start3A_643 = tpu.memref_slice %arg4[%mul3A_636, %dma_start3A_642] : memref<409600x128xf32, #tpu.memory_space<hbm>> -> memref<16x128xf32, #tpu.memory_space<hbm>>
      %dma_start3A_644 = arith.constant 64 : i32
      %dma_start3A_645 = arith.constant 0 : i32
      %dma_start3A_646 = tpu.memref_slice %arg9[%dma_start3A_644, %dma_start3A_645] : memref<128x129xf32, #tpu.memory_space<vmem>> -> memref<16x128xf32, #tpu.memory_space<vmem>>
      tpu.enqueue_dma source(%dma_start3A_646 : memref<16x128xf32, #tpu.memory_space<vmem>>) target(%dma_start3A_643 : memref<16x128xf32, #tpu.memory_space<hbm>>) target_semaphore(%arg13 : memref<!tpu.dma_semaphore, #tpu.memory_space<semaphore_mem>>)
      %mul3A_647 = arith.constant 1024 : i32
      %mul3A_648 = arith.muli %select_n3A_545, %mul3A_647 : i32
      %add3A_649 = arith.constant 640 : i32
      %add3A_650 = arith.addi %mul3A_648, %add3A_649 : i32
      %add3A_651 = arith.addi %add3A_650, %select_n3A_561 : i32
      %mul3A_652 = arith.constant 8 : i32
      %mul3A_653 = arith.muli %add3A_651, %mul3A_652 : i32
      %dma_start3A_654 = arith.constant 80 : i32
      %dma_start3A_655 = arith.constant 0 : i32
      %dma_start3A_656 = tpu.memref_slice %arg9[%dma_start3A_654, %dma_start3A_655] : memref<128x129xf32, #tpu.memory_space<vmem>> -> memref<16x128xf32, #tpu.memory_space<vmem>>
      %dma_start3A_657 = arith.constant 0 : i32
      %dma_start3A_658 = tpu.memref_slice %arg4[%mul3A_653, %dma_start3A_657] : memref<409600x128xf32, #tpu.memory_space<hbm>> -> memref<16x128xf32, #tpu.memory_space<hbm>>
      %dma_start3A_659 = arith.constant 0 : i32
      %dma_start3A_660 = tpu.memref_slice %arg4[%mul3A_653, %dma_start3A_659] : memref<409600x128xf32, #tpu.memory_space<hbm>> -> memref<16x128xf32, #tpu.memory_space<hbm>>
      %dma_start3A_661 = arith.constant 80 : i32
      %dma_start3A_662 = arith.constant 0 : i32
      %dma_start3A_663 = tpu.memref_slice %arg9[%dma_start3A_661, %dma_start3A_662] : memref<128x129xf32, #tpu.memory_space<vmem>> -> memref<16x128xf32, #tpu.memory_space<vmem>>
      tpu.enqueue_dma source(%dma_start3A_663 : memref<16x128xf32, #tpu.memory_space<vmem>>) target(%dma_start3A_660 : memref<16x128xf32, #tpu.memory_space<hbm>>) target_semaphore(%arg13 : memref<!tpu.dma_semaphore, #tpu.memory_space<semaphore_mem>>)
      %mul3A_664 = arith.constant 1024 : i32
      %mul3A_665 = arith.muli %select_n3A_545, %mul3A_664 : i32
      %add3A_666 = arith.constant 768 : i32
      %add3A_667 = arith.addi %mul3A_665, %add3A_666 : i32
      %add3A_668 = arith.addi %add3A_667, %select_n3A_561 : i32
      %mul3A_669 = arith.constant 8 : i32
      %mul3A_670 = arith.muli %add3A_668, %mul3A_669 : i32
      %dma_start3A_671 = arith.constant 96 : i32
      %dma_start3A_672 = arith.constant 0 : i32
      %dma_start3A_673 = tpu.memref_slice %arg9[%dma_start3A_671, %dma_start3A_672] : memref<128x129xf32, #tpu.memory_space<vmem>> -> memref<16x128xf32, #tpu.memory_space<vmem>>
      %dma_start3A_674 = arith.constant 0 : i32
      %dma_start3A_675 = tpu.memref_slice %arg4[%mul3A_670, %dma_start3A_674] : memref<409600x128xf32, #tpu.memory_space<hbm>> -> memref<16x128xf32, #tpu.memory_space<hbm>>
      %dma_start3A_676 = arith.constant 0 : i32
      %dma_start3A_677 = tpu.memref_slice %arg4[%mul3A_670, %dma_start3A_676] : memref<409600x128xf32, #tpu.memory_space<hbm>> -> memref<16x128xf32, #tpu.memory_space<hbm>>
      %dma_start3A_678 = arith.constant 96 : i32
      %dma_start3A_679 = arith.constant 0 : i32
      %dma_start3A_680 = tpu.memref_slice %arg9[%dma_start3A_678, %dma_start3A_679] : memref<128x129xf32, #tpu.memory_space<vmem>> -> memref<16x128xf32, #tpu.memory_space<vmem>>
      tpu.enqueue_dma source(%dma_start3A_680 : memref<16x128xf32, #tpu.memory_space<vmem>>) target(%dma_start3A_677 : memref<16x128xf32, #tpu.memory_space<hbm>>) target_semaphore(%arg13 : memref<!tpu.dma_semaphore, #tpu.memory_space<semaphore_mem>>)
      %mul3A_681 = arith.constant 1024 : i32
      %mul3A_682 = arith.muli %select_n3A_545, %mul3A_681 : i32
      %add3A_683 = arith.constant 896 : i32
      %add3A_684 = arith.addi %mul3A_682, %add3A_683 : i32
      %add3A_685 = arith.addi %add3A_684, %select_n3A_561 : i32
      %mul3A_686 = arith.constant 8 : i32
      %mul3A_687 = arith.muli %add3A_685, %mul3A_686 : i32
      %dma_start3A_688 = arith.constant 112 : i32
      %dma_start3A_689 = arith.constant 0 : i32
      %dma_start3A_690 = tpu.memref_slice %arg9[%dma_start3A_688, %dma_start3A_689] : memref<128x129xf32, #tpu.memory_space<vmem>> -> memref<16x128xf32, #tpu.memory_space<vmem>>
      %dma_start3A_691 = arith.constant 0 : i32
      %dma_start3A_692 = tpu.memref_slice %arg4[%mul3A_687, %dma_start3A_691] : memref<409600x128xf32, #tpu.memory_space<hbm>> -> memref<16x128xf32, #tpu.memory_space<hbm>>
      %dma_start3A_693 = arith.constant 0 : i32
      %dma_start3A_694 = tpu.memref_slice %arg4[%mul3A_687, %dma_start3A_693] : memref<409600x128xf32, #tpu.memory_space<hbm>> -> memref<16x128xf32, #tpu.memory_space<hbm>>
      %dma_start3A_695 = arith.constant 112 : i32
      %dma_start3A_696 = arith.constant 0 : i32
      %dma_start3A_697 = tpu.memref_slice %arg9[%dma_start3A_695, %dma_start3A_696] : memref<128x129xf32, #tpu.memory_space<vmem>> -> memref<16x128xf32, #tpu.memory_space<vmem>>
      tpu.enqueue_dma source(%dma_start3A_697 : memref<16x128xf32, #tpu.memory_space<vmem>>) target(%dma_start3A_694 : memref<16x128xf32, #tpu.memory_space<hbm>>) target_semaphore(%arg13 : memref<!tpu.dma_semaphore, #tpu.memory_space<semaphore_mem>>)
    }
    %scan3A_88 = arith.constant 50 : i32
    %dma_wait3A = arith.constant 0 : i32
    %dma_wait3A_89 = arith.constant 0 : i32
    %dma_wait3A_90 = tpu.memref_slice %arg8[%dma_wait3A, %dma_wait3A_89] : memref<128x129xf32, #tpu.memory_space<vmem>> -> memref<16x128xf32, #tpu.memory_space<vmem>>
    %dma_wait3A_91 = arith.constant 0 : i32
    %dma_wait3A_92 = arith.constant 0 : i32
    %dma_wait3A_93 = tpu.memref_slice %arg4[%dma_wait3A_91, %dma_wait3A_92] : memref<409600x128xf32, #tpu.memory_space<hbm>> -> memref<16x128xf32, #tpu.memory_space<hbm>>
    %dma_wait3A_94 = arith.constant 0 : i32
    %dma_wait3A_95 = arith.constant 0 : i32
    %dma_wait3A_96 = tpu.memref_slice %arg4[%dma_wait3A_94, %dma_wait3A_95] : memref<409600x128xf32, #tpu.memory_space<hbm>> -> memref<16x128xf32, #tpu.memory_space<hbm>>
    %dma_wait3A_97 = arith.constant 0 : i32
    %dma_wait3A_98 = arith.constant 0 : i32
    %dma_wait3A_99 = tpu.memref_slice %arg8[%dma_wait3A_97, %dma_wait3A_98] : memref<128x129xf32, #tpu.memory_space<vmem>> -> memref<16x128xf32, #tpu.memory_space<vmem>>
    tpu.wait_dma2 semaphore(%arg12 : memref<!tpu.dma_semaphore, #tpu.memory_space<semaphore_mem>>) src(%dma_wait3A_99 : memref<16x128xf32, #tpu.memory_space<vmem>>) dst(%dma_wait3A_96 : memref<16x128xf32, #tpu.memory_space<hbm>>)
    %dma_wait3A_100 = arith.constant 16 : i32
    %dma_wait3A_101 = arith.constant 0 : i32
    %dma_wait3A_102 = tpu.memref_slice %arg8[%dma_wait3A_100, %dma_wait3A_101] : memref<128x129xf32, #tpu.memory_space<vmem>> -> memref<16x128xf32, #tpu.memory_space<vmem>>
    %dma_wait3A_103 = arith.constant 0 : i32
    %dma_wait3A_104 = arith.constant 0 : i32
    %dma_wait3A_105 = tpu.memref_slice %arg4[%dma_wait3A_103, %dma_wait3A_104] : memref<409600x128xf32, #tpu.memory_space<hbm>> -> memref<16x128xf32, #tpu.memory_space<hbm>>
    %dma_wait3A_106 = arith.constant 0 : i32
    %dma_wait3A_107 = arith.constant 0 : i32
    %dma_wait3A_108 = tpu.memref_slice %arg4[%dma_wait3A_106, %dma_wait3A_107] : memref<409600x128xf32, #tpu.memory_space<hbm>> -> memref<16x128xf32, #tpu.memory_space<hbm>>
    %dma_wait3A_109 = arith.constant 16 : i32
    %dma_wait3A_110 = arith.constant 0 : i32
    %dma_wait3A_111 = tpu.memref_slice %arg8[%dma_wait3A_109, %dma_wait3A_110] : memref<128x129xf32, #tpu.memory_space<vmem>> -> memref<16x128xf32, #tpu.memory_space<vmem>>
    tpu.wait_dma2 semaphore(%arg12 : memref<!tpu.dma_semaphore, #tpu.memory_space<semaphore_mem>>) src(%dma_wait3A_111 : memref<16x128xf32, #tpu.memory_space<vmem>>) dst(%dma_wait3A_108 : memref<16x128xf32, #tpu.memory_space<hbm>>)
    %dma_wait3A_112 = arith.constant 32 : i32
    %dma_wait3A_113 = arith.constant 0 : i32
    %dma_wait3A_114 = tpu.memref_slice %arg8[%dma_wait3A_112, %dma_wait3A_113] : memref<128x129xf32, #tpu.memory_space<vmem>> -> memref<16x128xf32, #tpu.memory_space<vmem>>
    %dma_wait3A_115 = arith.constant 0 : i32
    %dma_wait3A_116 = arith.constant 0 : i32
    %dma_wait3A_117 = tpu.memref_slice %arg4[%dma_wait3A_115, %dma_wait3A_116] : memref<409600x128xf32, #tpu.memory_space<hbm>> -> memref<16x128xf32, #tpu.memory_space<hbm>>
    %dma_wait3A_118 = arith.constant 0 : i32
    %dma_wait3A_119 = arith.constant 0 : i32
    %dma_wait3A_120 = tpu.memref_slice %arg4[%dma_wait3A_118, %dma_wait3A_119] : memref<409600x128xf32, #tpu.memory_space<hbm>> -> memref<16x128xf32, #tpu.memory_space<hbm>>
    %dma_wait3A_121 = arith.constant 32 : i32
    %dma_wait3A_122 = arith.constant 0 : i32
    %dma_wait3A_123 = tpu.memref_slice %arg8[%dma_wait3A_121, %dma_wait3A_122] : memref<128x129xf32, #tpu.memory_space<vmem>> -> memref<16x128xf32, #tpu.memory_space<vmem>>
    tpu.wait_dma2 semaphore(%arg12 : memref<!tpu.dma_semaphore, #tpu.memory_space<semaphore_mem>>) src(%dma_wait3A_123 : memref<16x128xf32, #tpu.memory_space<vmem>>) dst(%dma_wait3A_120 : memref<16x128xf32, #tpu.memory_space<hbm>>)
    %dma_wait3A_124 = arith.constant 48 : i32
    %dma_wait3A_125 = arith.constant 0 : i32
    %dma_wait3A_126 = tpu.memref_slice %arg8[%dma_wait3A_124, %dma_wait3A_125] : memref<128x129xf32, #tpu.memory_space<vmem>> -> memref<16x128xf32, #tpu.memory_space<vmem>>
    %dma_wait3A_127 = arith.constant 0 : i32
    %dma_wait3A_128 = arith.constant 0 : i32
    %dma_wait3A_129 = tpu.memref_slice %arg4[%dma_wait3A_127, %dma_wait3A_128] : memref<409600x128xf32, #tpu.memory_space<hbm>> -> memref<16x128xf32, #tpu.memory_space<hbm>>
    %dma_wait3A_130 = arith.constant 0 : i32
    %dma_wait3A_131 = arith.constant 0 : i32
    %dma_wait3A_132 = tpu.memref_slice %arg4[%dma_wait3A_130, %dma_wait3A_131] : memref<409600x128xf32, #tpu.memory_space<hbm>> -> memref<16x128xf32, #tpu.memory_space<hbm>>
    %dma_wait3A_133 = arith.constant 48 : i32
    %dma_wait3A_134 = arith.constant 0 : i32
    %dma_wait3A_135 = tpu.memref_slice %arg8[%dma_wait3A_133, %dma_wait3A_134] : memref<128x129xf32, #tpu.memory_space<vmem>> -> memref<16x128xf32, #tpu.memory_space<vmem>>
    tpu.wait_dma2 semaphore(%arg12 : memref<!tpu.dma_semaphore, #tpu.memory_space<semaphore_mem>>) src(%dma_wait3A_135 : memref<16x128xf32, #tpu.memory_space<vmem>>) dst(%dma_wait3A_132 : memref<16x128xf32, #tpu.memory_space<hbm>>)
    %dma_wait3A_136 = arith.constant 64 : i32
    %dma_wait3A_137 = arith.constant 0 : i32
    %dma_wait3A_138 = tpu.memref_slice %arg8[%dma_wait3A_136, %dma_wait3A_137] : memref<128x129xf32, #tpu.memory_space<vmem>> -> memref<16x128xf32, #tpu.memory_space<vmem>>
    %dma_wait3A_139 = arith.constant 0 : i32
    %dma_wait3A_140 = arith.constant 0 : i32
    %dma_wait3A_141 = tpu.memref_slice %arg4[%dma_wait3A_139, %dma_wait3A_140] : memref<409600x128xf32, #tpu.memory_space<hbm>> -> memref<16x128xf32, #tpu.memory_space<hbm>>
    %dma_wait3A_142 = arith.constant 0 : i32
    %dma_wait3A_143 = arith.constant 0 : i32
    %dma_wait3A_144 = tpu.memref_slice %arg4[%dma_wait3A_142, %dma_wait3A_143] : memref<409600x128xf32, #tpu.memory_space<hbm>> -> memref<16x128xf32, #tpu.memory_space<hbm>>
    %dma_wait3A_145 = arith.constant 64 : i32
    %dma_wait3A_146 = arith.constant 0 : i32
    %dma_wait3A_147 = tpu.memref_slice %arg8[%dma_wait3A_145, %dma_wait3A_146] : memref<128x129xf32, #tpu.memory_space<vmem>> -> memref<16x128xf32, #tpu.memory_space<vmem>>
    tpu.wait_dma2 semaphore(%arg12 : memref<!tpu.dma_semaphore, #tpu.memory_space<semaphore_mem>>) src(%dma_wait3A_147 : memref<16x128xf32, #tpu.memory_space<vmem>>) dst(%dma_wait3A_144 : memref<16x128xf32, #tpu.memory_space<hbm>>)
    %dma_wait3A_148 = arith.constant 80 : i32
    %dma_wait3A_149 = arith.constant 0 : i32
    %dma_wait3A_150 = tpu.memref_slice %arg8[%dma_wait3A_148, %dma_wait3A_149] : memref<128x129xf32, #tpu.memory_space<vmem>> -> memref<16x128xf32, #tpu.memory_space<vmem>>
    %dma_wait3A_151 = arith.constant 0 : i32
    %dma_wait3A_152 = arith.constant 0 : i32
    %dma_wait3A_153 = tpu.memref_slice %arg4[%dma_wait3A_151, %dma_wait3A_152] : memref<409600x128xf32, #tpu.memory_space<hbm>> -> memref<16x128xf32, #tpu.memory_space<hbm>>
    %dma_wait3A_154 = arith.constant 0 : i32
    %dma_wait3A_155 = arith.constant 0 : i32
    %dma_wait3A_156 = tpu.memref_slice %arg4[%dma_wait3A_154, %dma_wait3A_155] : memref<409600x128xf32, #tpu.memory_space<hbm>> -> memref<16x128xf32, #tpu.memory_space<hbm>>
    %dma_wait3A_157 = arith.constant 80 : i32
    %dma_wait3A_158 = arith.constant 0 : i32
    %dma_wait3A_159 = tpu.memref_slice %arg8[%dma_wait3A_157, %dma_wait3A_158] : memref<128x129xf32, #tpu.memory_space<vmem>> -> memref<16x128xf32, #tpu.memory_space<vmem>>
    tpu.wait_dma2 semaphore(%arg12 : memref<!tpu.dma_semaphore, #tpu.memory_space<semaphore_mem>>) src(%dma_wait3A_159 : memref<16x128xf32, #tpu.memory_space<vmem>>) dst(%dma_wait3A_156 : memref<16x128xf32, #tpu.memory_space<hbm>>)
    %dma_wait3A_160 = arith.constant 96 : i32
    %dma_wait3A_161 = arith.constant 0 : i32
    %dma_wait3A_162 = tpu.memref_slice %arg8[%dma_wait3A_160, %dma_wait3A_161] : memref<128x129xf32, #tpu.memory_space<vmem>> -> memref<16x128xf32, #tpu.memory_space<vmem>>
    %dma_wait3A_163 = arith.constant 0 : i32
    %dma_wait3A_164 = arith.constant 0 : i32
    %dma_wait3A_165 = tpu.memref_slice %arg4[%dma_wait3A_163, %dma_wait3A_164] : memref<409600x128xf32, #tpu.memory_space<hbm>> -> memref<16x128xf32, #tpu.memory_space<hbm>>
    %dma_wait3A_166 = arith.constant 0 : i32
    %dma_wait3A_167 = arith.constant 0 : i32
    %dma_wait3A_168 = tpu.memref_slice %arg4[%dma_wait3A_166, %dma_wait3A_167] : memref<409600x128xf32, #tpu.memory_space<hbm>> -> memref<16x128xf32, #tpu.memory_space<hbm>>
    %dma_wait3A_169 = arith.constant 96 : i32
    %dma_wait3A_170 = arith.constant 0 : i32
    %dma_wait3A_171 = tpu.memref_slice %arg8[%dma_wait3A_169, %dma_wait3A_170] : memref<128x129xf32, #tpu.memory_space<vmem>> -> memref<16x128xf32, #tpu.memory_space<vmem>>
    tpu.wait_dma2 semaphore(%arg12 : memref<!tpu.dma_semaphore, #tpu.memory_space<semaphore_mem>>) src(%dma_wait3A_171 : memref<16x128xf32, #tpu.memory_space<vmem>>) dst(%dma_wait3A_168 : memref<16x128xf32, #tpu.memory_space<hbm>>)
    %dma_wait3A_172 = arith.constant 112 : i32
    %dma_wait3A_173 = arith.constant 0 : i32
    %dma_wait3A_174 = tpu.memref_slice %arg8[%dma_wait3A_172, %dma_wait3A_173] : memref<128x129xf32, #tpu.memory_space<vmem>> -> memref<16x128xf32, #tpu.memory_space<vmem>>
    %dma_wait3A_175 = arith.constant 0 : i32
    %dma_wait3A_176 = arith.constant 0 : i32
    %dma_wait3A_177 = tpu.memref_slice %arg4[%dma_wait3A_175, %dma_wait3A_176] : memref<409600x128xf32, #tpu.memory_space<hbm>> -> memref<16x128xf32, #tpu.memory_space<hbm>>
    %dma_wait3A_178 = arith.constant 0 : i32
    %dma_wait3A_179 = arith.constant 0 : i32
    %dma_wait3A_180 = tpu.memref_slice %arg4[%dma_wait3A_178, %dma_wait3A_179] : memref<409600x128xf32, #tpu.memory_space<hbm>> -> memref<16x128xf32, #tpu.memory_space<hbm>>
    %dma_wait3A_181 = arith.constant 112 : i32
    %dma_wait3A_182 = arith.constant 0 : i32
    %dma_wait3A_183 = tpu.memref_slice %arg8[%dma_wait3A_181, %dma_wait3A_182] : memref<128x129xf32, #tpu.memory_space<vmem>> -> memref<16x128xf32, #tpu.memory_space<vmem>>
    tpu.wait_dma2 semaphore(%arg12 : memref<!tpu.dma_semaphore, #tpu.memory_space<semaphore_mem>>) src(%dma_wait3A_183 : memref<16x128xf32, #tpu.memory_space<vmem>>) dst(%dma_wait3A_180 : memref<16x128xf32, #tpu.memory_space<hbm>>)
    %dma_wait3A_184 = arith.constant 0 : i32
    %dma_wait3A_185 = arith.constant 0 : i32
    %dma_wait3A_186 = tpu.memref_slice %arg9[%dma_wait3A_184, %dma_wait3A_185] : memref<128x129xf32, #tpu.memory_space<vmem>> -> memref<16x128xf32, #tpu.memory_space<vmem>>
    %dma_wait3A_187 = arith.constant 0 : i32
    %dma_wait3A_188 = arith.constant 0 : i32
    %dma_wait3A_189 = tpu.memref_slice %arg4[%dma_wait3A_187, %dma_wait3A_188] : memref<409600x128xf32, #tpu.memory_space<hbm>> -> memref<16x128xf32, #tpu.memory_space<hbm>>
    %dma_wait3A_190 = arith.constant 0 : i32
    %dma_wait3A_191 = arith.constant 0 : i32
    %dma_wait3A_192 = tpu.memref_slice %arg4[%dma_wait3A_190, %dma_wait3A_191] : memref<409600x128xf32, #tpu.memory_space<hbm>> -> memref<16x128xf32, #tpu.memory_space<hbm>>
    %dma_wait3A_193 = arith.constant 0 : i32
    %dma_wait3A_194 = arith.constant 0 : i32
    %dma_wait3A_195 = tpu.memref_slice %arg9[%dma_wait3A_193, %dma_wait3A_194] : memref<128x129xf32, #tpu.memory_space<vmem>> -> memref<16x128xf32, #tpu.memory_space<vmem>>
    tpu.wait_dma2 semaphore(%arg13 : memref<!tpu.dma_semaphore, #tpu.memory_space<semaphore_mem>>) src(%dma_wait3A_195 : memref<16x128xf32, #tpu.memory_space<vmem>>) dst(%dma_wait3A_192 : memref<16x128xf32, #tpu.memory_space<hbm>>)
    %dma_wait3A_196 = arith.constant 16 : i32
    %dma_wait3A_197 = arith.constant 0 : i32
    %dma_wait3A_198 = tpu.memref_slice %arg9[%dma_wait3A_196, %dma_wait3A_197] : memref<128x129xf32, #tpu.memory_space<vmem>> -> memref<16x128xf32, #tpu.memory_space<vmem>>
    %dma_wait3A_199 = arith.constant 0 : i32
    %dma_wait3A_200 = arith.constant 0 : i32
    %dma_wait3A_201 = tpu.memref_slice %arg4[%dma_wait3A_199, %dma_wait3A_200] : memref<409600x128xf32, #tpu.memory_space<hbm>> -> memref<16x128xf32, #tpu.memory_space<hbm>>
    %dma_wait3A_202 = arith.constant 0 : i32
    %dma_wait3A_203 = arith.constant 0 : i32
    %dma_wait3A_204 = tpu.memref_slice %arg4[%dma_wait3A_202, %dma_wait3A_203] : memref<409600x128xf32, #tpu.memory_space<hbm>> -> memref<16x128xf32, #tpu.memory_space<hbm>>
    %dma_wait3A_205 = arith.constant 16 : i32
    %dma_wait3A_206 = arith.constant 0 : i32
    %dma_wait3A_207 = tpu.memref_slice %arg9[%dma_wait3A_205, %dma_wait3A_206] : memref<128x129xf32, #tpu.memory_space<vmem>> -> memref<16x128xf32, #tpu.memory_space<vmem>>
    tpu.wait_dma2 semaphore(%arg13 : memref<!tpu.dma_semaphore, #tpu.memory_space<semaphore_mem>>) src(%dma_wait3A_207 : memref<16x128xf32, #tpu.memory_space<vmem>>) dst(%dma_wait3A_204 : memref<16x128xf32, #tpu.memory_space<hbm>>)
    %dma_wait3A_208 = arith.constant 32 : i32
    %dma_wait3A_209 = arith.constant 0 : i32
    %dma_wait3A_210 = tpu.memref_slice %arg9[%dma_wait3A_208, %dma_wait3A_209] : memref<128x129xf32, #tpu.memory_space<vmem>> -> memref<16x128xf32, #tpu.memory_space<vmem>>
    %dma_wait3A_211 = arith.constant 0 : i32
    %dma_wait3A_212 = arith.constant 0 : i32
    %dma_wait3A_213 = tpu.memref_slice %arg4[%dma_wait3A_211, %dma_wait3A_212] : memref<409600x128xf32, #tpu.memory_space<hbm>> -> memref<16x128xf32, #tpu.memory_space<hbm>>
    %dma_wait3A_214 = arith.constant 0 : i32
    %dma_wait3A_215 = arith.constant 0 : i32
    %dma_wait3A_216 = tpu.memref_slice %arg4[%dma_wait3A_214, %dma_wait3A_215] : memref<409600x128xf32, #tpu.memory_space<hbm>> -> memref<16x128xf32, #tpu.memory_space<hbm>>
    %dma_wait3A_217 = arith.constant 32 : i32
    %dma_wait3A_218 = arith.constant 0 : i32
    %dma_wait3A_219 = tpu.memref_slice %arg9[%dma_wait3A_217, %dma_wait3A_218] : memref<128x129xf32, #tpu.memory_space<vmem>> -> memref<16x128xf32, #tpu.memory_space<vmem>>
    tpu.wait_dma2 semaphore(%arg13 : memref<!tpu.dma_semaphore, #tpu.memory_space<semaphore_mem>>) src(%dma_wait3A_219 : memref<16x128xf32, #tpu.memory_space<vmem>>) dst(%dma_wait3A_216 : memref<16x128xf32, #tpu.memory_space<hbm>>)
    %dma_wait3A_220 = arith.constant 48 : i32
    %dma_wait3A_221 = arith.constant 0 : i32
    %dma_wait3A_222 = tpu.memref_slice %arg9[%dma_wait3A_220, %dma_wait3A_221] : memref<128x129xf32, #tpu.memory_space<vmem>> -> memref<16x128xf32, #tpu.memory_space<vmem>>
    %dma_wait3A_223 = arith.constant 0 : i32
    %dma_wait3A_224 = arith.constant 0 : i32
    %dma_wait3A_225 = tpu.memref_slice %arg4[%dma_wait3A_223, %dma_wait3A_224] : memref<409600x128xf32, #tpu.memory_space<hbm>> -> memref<16x128xf32, #tpu.memory_space<hbm>>
    %dma_wait3A_226 = arith.constant 0 : i32
    %dma_wait3A_227 = arith.constant 0 : i32
    %dma_wait3A_228 = tpu.memref_slice %arg4[%dma_wait3A_226, %dma_wait3A_227] : memref<409600x128xf32, #tpu.memory_space<hbm>> -> memref<16x128xf32, #tpu.memory_space<hbm>>
    %dma_wait3A_229 = arith.constant 48 : i32
    %dma_wait3A_230 = arith.constant 0 : i32
    %dma_wait3A_231 = tpu.memref_slice %arg9[%dma_wait3A_229, %dma_wait3A_230] : memref<128x129xf32, #tpu.memory_space<vmem>> -> memref<16x128xf32, #tpu.memory_space<vmem>>
    tpu.wait_dma2 semaphore(%arg13 : memref<!tpu.dma_semaphore, #tpu.memory_space<semaphore_mem>>) src(%dma_wait3A_231 : memref<16x128xf32, #tpu.memory_space<vmem>>) dst(%dma_wait3A_228 : memref<16x128xf32, #tpu.memory_space<hbm>>)
    %dma_wait3A_232 = arith.constant 64 : i32
    %dma_wait3A_233 = arith.constant 0 : i32
    %dma_wait3A_234 = tpu.memref_slice %arg9[%dma_wait3A_232, %dma_wait3A_233] : memref<128x129xf32, #tpu.memory_space<vmem>> -> memref<16x128xf32, #tpu.memory_space<vmem>>
    %dma_wait3A_235 = arith.constant 0 : i32
    %dma_wait3A_236 = arith.constant 0 : i32
    %dma_wait3A_237 = tpu.memref_slice %arg4[%dma_wait3A_235, %dma_wait3A_236] : memref<409600x128xf32, #tpu.memory_space<hbm>> -> memref<16x128xf32, #tpu.memory_space<hbm>>
    %dma_wait3A_238 = arith.constant 0 : i32
    %dma_wait3A_239 = arith.constant 0 : i32
    %dma_wait3A_240 = tpu.memref_slice %arg4[%dma_wait3A_238, %dma_wait3A_239] : memref<409600x128xf32, #tpu.memory_space<hbm>> -> memref<16x128xf32, #tpu.memory_space<hbm>>
    %dma_wait3A_241 = arith.constant 64 : i32
    %dma_wait3A_242 = arith.constant 0 : i32
    %dma_wait3A_243 = tpu.memref_slice %arg9[%dma_wait3A_241, %dma_wait3A_242] : memref<128x129xf32, #tpu.memory_space<vmem>> -> memref<16x128xf32, #tpu.memory_space<vmem>>
    tpu.wait_dma2 semaphore(%arg13 : memref<!tpu.dma_semaphore, #tpu.memory_space<semaphore_mem>>) src(%dma_wait3A_243 : memref<16x128xf32, #tpu.memory_space<vmem>>) dst(%dma_wait3A_240 : memref<16x128xf32, #tpu.memory_space<hbm>>)
    %dma_wait3A_244 = arith.constant 80 : i32
    %dma_wait3A_245 = arith.constant 0 : i32
    %dma_wait3A_246 = tpu.memref_slice %arg9[%dma_wait3A_244, %dma_wait3A_245] : memref<128x129xf32, #tpu.memory_space<vmem>> -> memref<16x128xf32, #tpu.memory_space<vmem>>
    %dma_wait3A_247 = arith.constant 0 : i32
    %dma_wait3A_248 = arith.constant 0 : i32
    %dma_wait3A_249 = tpu.memref_slice %arg4[%dma_wait3A_247, %dma_wait3A_248] : memref<409600x128xf32, #tpu.memory_space<hbm>> -> memref<16x128xf32, #tpu.memory_space<hbm>>
    %dma_wait3A_250 = arith.constant 0 : i32
    %dma_wait3A_251 = arith.constant 0 : i32
    %dma_wait3A_252 = tpu.memref_slice %arg4[%dma_wait3A_250, %dma_wait3A_251] : memref<409600x128xf32, #tpu.memory_space<hbm>> -> memref<16x128xf32, #tpu.memory_space<hbm>>
    %dma_wait3A_253 = arith.constant 80 : i32
    %dma_wait3A_254 = arith.constant 0 : i32
    %dma_wait3A_255 = tpu.memref_slice %arg9[%dma_wait3A_253, %dma_wait3A_254] : memref<128x129xf32, #tpu.memory_space<vmem>> -> memref<16x128xf32, #tpu.memory_space<vmem>>
    tpu.wait_dma2 semaphore(%arg13 : memref<!tpu.dma_semaphore, #tpu.memory_space<semaphore_mem>>) src(%dma_wait3A_255 : memref<16x128xf32, #tpu.memory_space<vmem>>) dst(%dma_wait3A_252 : memref<16x128xf32, #tpu.memory_space<hbm>>)
    %dma_wait3A_256 = arith.constant 96 : i32
    %dma_wait3A_257 = arith.constant 0 : i32
    %dma_wait3A_258 = tpu.memref_slice %arg9[%dma_wait3A_256, %dma_wait3A_257] : memref<128x129xf32, #tpu.memory_space<vmem>> -> memref<16x128xf32, #tpu.memory_space<vmem>>
    %dma_wait3A_259 = arith.constant 0 : i32
    %dma_wait3A_260 = arith.constant 0 : i32
    %dma_wait3A_261 = tpu.memref_slice %arg4[%dma_wait3A_259, %dma_wait3A_260] : memref<409600x128xf32, #tpu.memory_space<hbm>> -> memref<16x128xf32, #tpu.memory_space<hbm>>
    %dma_wait3A_262 = arith.constant 0 : i32
    %dma_wait3A_263 = arith.constant 0 : i32
    %dma_wait3A_264 = tpu.memref_slice %arg4[%dma_wait3A_262, %dma_wait3A_263] : memref<409600x128xf32, #tpu.memory_space<hbm>> -> memref<16x128xf32, #tpu.memory_space<hbm>>
    %dma_wait3A_265 = arith.constant 96 : i32
    %dma_wait3A_266 = arith.constant 0 : i32
    %dma_wait3A_267 = tpu.memref_slice %arg9[%dma_wait3A_265, %dma_wait3A_266] : memref<128x129xf32, #tpu.memory_space<vmem>> -> memref<16x128xf32, #tpu.memory_space<vmem>>
    tpu.wait_dma2 semaphore(%arg13 : memref<!tpu.dma_semaphore, #tpu.memory_space<semaphore_mem>>) src(%dma_wait3A_267 : memref<16x128xf32, #tpu.memory_space<vmem>>) dst(%dma_wait3A_264 : memref<16x128xf32, #tpu.memory_space<hbm>>)
    %dma_wait3A_268 = arith.constant 112 : i32
    %dma_wait3A_269 = arith.constant 0 : i32
    %dma_wait3A_270 = tpu.memref_slice %arg9[%dma_wait3A_268, %dma_wait3A_269] : memref<128x129xf32, #tpu.memory_space<vmem>> -> memref<16x128xf32, #tpu.memory_space<vmem>>
    %dma_wait3A_271 = arith.constant 0 : i32
    %dma_wait3A_272 = arith.constant 0 : i32
    %dma_wait3A_273 = tpu.memref_slice %arg4[%dma_wait3A_271, %dma_wait3A_272] : memref<409600x128xf32, #tpu.memory_space<hbm>> -> memref<16x128xf32, #tpu.memory_space<hbm>>
    %dma_wait3A_274 = arith.constant 0 : i32
    %dma_wait3A_275 = arith.constant 0 : i32
    %dma_wait3A_276 = tpu.memref_slice %arg4[%dma_wait3A_274, %dma_wait3A_275] : memref<409600x128xf32, #tpu.memory_space<hbm>> -> memref<16x128xf32, #tpu.memory_space<hbm>>
    %dma_wait3A_277 = arith.constant 112 : i32
    %dma_wait3A_278 = arith.constant 0 : i32
    %dma_wait3A_279 = tpu.memref_slice %arg9[%dma_wait3A_277, %dma_wait3A_278] : memref<128x129xf32, #tpu.memory_space<vmem>> -> memref<16x128xf32, #tpu.memory_space<vmem>>
    tpu.wait_dma2 semaphore(%arg13 : memref<!tpu.dma_semaphore, #tpu.memory_space<semaphore_mem>>) src(%dma_wait3A_279 : memref<16x128xf32, #tpu.memory_space<vmem>>) dst(%dma_wait3A_276 : memref<16x128xf32, #tpu.memory_space<hbm>>)
    return
  }
}

</mosaic_0001>

<sc_bundles>
// kernel: kernel.3.cloned.1.call-start
scs
__scs_entry_jumppad:
0x0: {  	(pc) =	sbr.rel $0x88, $3  }
0x1: {  	(tag) =	ssettag $0x0;
	lr =	simm.s32 $0x1  }
0x2: {  	[smem:$0x3F9F] =	sst lr;
	_ =	strace $0xD0000000  }
0x3: {  	_ = 	snop  }
0x4: {  	_ = 	snop  }
0x5: {  	_ = 	snop  }
0x6: {  	_ = 	snop  }
0x7: {  	_ = 	snop  }
__scs_overlays_trampoline_lowered:
0x8: {  	[smem:$0x3FAE] =	sst s0  }
0x9: {  	[smem:$0x3FAF] =	sst s1  }
0xa: {  	[smem:$0x3FB0] =	sst s2  }
0xb: {  	[smem:$0x3FB1] =	sst s3  }
0xc: {  	[smem:$0x3FB2] =	sst s4  }
0xd: {  	[smem:$0x3FB3] =	sst s5  }
0xe: {  	[smem:$0x3FB4] =	sst s6  }
0xf: {  	[smem:$0x3FB5] =	sst s7  }
0x10: {  	[smem:$0x3FB6] =	sst s8  }
0x11: {  	[smem:$0x3FB7] =	sst s9;
	s0 =	simm.s32 @!p0 $0x0  }
0x12: {  	s1 =	sld [smem:$0x3F9D];
	s0 =	simm.s32 @p0 $0x1  }
0x13: {  	[smem:$0x3FB8] =	sst s0;
	s0 =	simm.s32 @!p1 $0x0  }
0x14: {  	s2 =	sld [smem:$0x3F9C];
	s0 =	simm.s32 @p1 $0x1  }
0x15: {  	[smem:$0x3FB9] =	sst s0;
	s0 =	simm.s32 @!p2 $0x0  }
0x16: {  	s3 =	sld [smem:$0x3FDB];
	s0 =	simm.s32 @p2 $0x1  }
0x17: {  	s4 =	simm.s32 $0x1BF5;
	[smem:$0x3FBB] =	sst s0  }
0x18: {  	s0 =	sld [smem:$0x3F9E];
	_ =	swait.ge [sflag:s4], $0x0  }
0x19: {  	s7 =	sld [smem:$0x3F9F]  }
0x1a: {  	s8 =	sadd.s32 $0xFFFFE003, lr  }
0x1b: {  	s9 =	sadd.s32 $0xFFFFFEF7, lr;
	s5 =	simm.s32 $0xFFFFFFFF;
	p2 =	slt.u32 s8, $0xFFFFF086  }
0x1c: {  	p1 =	slt.u32 s9, $0xF7A;
	s5 =	simm.s32 @!p2 $0x0  }
0x1d: {  	s5 =	simm.s32 @p1 $0x1;
	p0 =	seq.s32 s7, s2  }
0x1e: {  	s7 =	smul.u32 @!p0 $0xF7A, s2;
	p2 =	seq.s32 @!p0 s5, $0x0  }
0x1f: {  	s9 =	smul.u32 $0xF7A, s1;
	s8 =	simm.s32 @!p0 $0x1BF5;
	p2 =	por !p2, p0  }
0x20: {  	[sflag:s8] =	ssyncset.s32 @!p0 $0xFFFFF086;
	s6 =	sadd.s32 @!p0 s3, s7;
	s7 =	simm.s32 @!p0 $0x108  }
0x21: {  	s3 =	sadd.s32 s3, s9;
	s6 =	sadd.s32 @!p0 $0x88, s6;
	s7 =	simm.s32 @p2 $0x1082  }
0x22: {  	[simem:s7], [sflag:s8] =	dma.local @!p0 [hbm:s6], $0xF7A  }
0x23: {  	s9 =	sor.u32 $0xD0000000, s2;
	s6 =	simm.s32 $0x108;
	_ =	swait.ge @!p0 [sflag:s8], $0x0  }
0x24: {  	s3 =	sadd.s32 $0x88, s3;
	s6 =	simm.s32 @!p1 $0x1082;
	[sflag:s4] =	ssyncset.s32 $0xFFFFF086  }
0x25: {  	[simem:s6], [sflag:s4] =	dma.local [hbm:s3], $0xF7A  }
0x26: {  	[smem:$0x3F9F] =	sst s1;
	(tag) =	ssettag s2;
	_ =	strace s9  }
0x27: {  	s1 =	sld [smem:$0x3FAF]  }
0x28: {  	s2 =	sld [smem:$0x3FB0]  }
0x29: {  	s4 =	sld [smem:$0x3FB2]  }
0x2a: {  	p0 =	seq.s32 s5, $0x0;
	s5 =	sld [smem:$0x3FB3]  }
0x2b: {  	s6 =	sld [smem:$0x3FB4]  }
0x2c: {  	s7 =	sld [smem:$0x3FB5]  }
0x2d: {  	s3 =	simm.s32 $0x108;
	s8 =	sld [smem:$0x3FB6]  }
0x2e: {  	s3 =	simm.s32 @!p0 $0x1082;
	s9 =	sld [smem:$0x3FB7]  }
0x2f: {  	lr =	sadd.s32 s0, s3;
	s0 =	sld [smem:$0x3FAE]  }
0x30: {  	s3 =	sld [smem:$0x3FB1]  }
0x31: {  	[smem:$0x3FBA] =	sst s10  }
0x32: {  	s10 =	sld [smem:$0x3FB8];
	_ =	sdelay $0x3  }
0x33: {  	p0 =	seq.s32 s10, $0x1;
	s10 =	sld [smem:$0x3FBA];
	_ =	sdelay $0x3  }
0x34: {  	[smem:$0x3FBA] =	sst s10  }
0x35: {  	s10 =	sld [smem:$0x3FB9];
	_ =	sdelay $0x3  }
0x36: {  	p1 =	seq.s32 s10, $0x1;
	s10 =	sld [smem:$0x3FBA];
	_ =	sdelay $0x3  }
0x37: {  	[smem:$0x3FBA] =	sst s10  }
0x38: {  	s10 =	sld [smem:$0x3FBB]  }
0x39: {  	_ = 	snop;
	(pc) =	sbr.ind lr, $3  }
0x3a: {  	_ = 	snop  }
0x3b: {  	_ = 	snop  }
0x3c: {  	p2 =	seq.s32 s10, $0x1;
	s10 =	sld [smem:$0x3FBA]  }
0x3d: {  	_ =	shalt  }
0x3e: {  	_ =	shalt  }
0x3f: {  	_ =	shalt  }
0x40: {  	_ =	shalt  }
0x41: {  	_ =	shalt  }
0x42: {  	_ =	shalt  }
0x43: {  	_ =	shalt  }
0x44: {  	_ =	shalt  }
0x45: {  	_ =	shalt  }
0x46: {  	_ =	shalt  }
0x47: {  	_ =	shalt  }
0x48: {  	_ =	shalt  }
0x49: {  	_ =	shalt  }
0x4a: {  	_ =	shalt  }
0x4b: {  	_ =	shalt  }
0x4c: {  	_ =	shalt  }
0x4d: {  	_ =	shalt  }
0x4e: {  	_ =	shalt  }
0x4f: {  	_ =	shalt  }
0x50: {  	_ =	shalt  }
0x51: {  	_ =	shalt  }
0x52: {  	_ =	shalt  }
0x53: {  	_ =	shalt  }
0x54: {  	_ =	shalt  }
0x55: {  	_ =	shalt  }
0x56: {  	_ =	shalt  }
0x57: {  	_ =	shalt  }
0x58: {  	_ =	shalt  }
0x59: {  	_ =	shalt  }
0x5a: {  	_ =	shalt  }
0x5b: {  	_ =	shalt  }
0x5c: {  	_ =	shalt  }
0x5d: {  	_ =	shalt  }
0x5e: {  	_ =	shalt  }
0x5f: {  	_ =	shalt  }
0x60: {  	_ =	shalt  }
0x61: {  	_ =	shalt  }
0x62: {  	_ =	shalt  }
0x63: {  	_ =	shalt  }
0x64: {  	_ =	shalt  }
0x65: {  	_ =	shalt  }
0x66: {  	_ =	shalt  }
0x67: {  	_ =	shalt  }
0x68: {  	_ =	shalt  }
0x69: {  	_ =	shalt  }
0x6a: {  	_ =	shalt  }
0x6b: {  	_ =	shalt  }
0x6c: {  	_ =	shalt  }
0x6d: {  	_ =	shalt  }
0x6e: {  	_ =	shalt  }
0x6f: {  	_ =	shalt  }
0x70: {  	_ =	shalt  }
0x71: {  	_ =	shalt  }
0x72: {  	_ =	shalt  }
0x73: {  	_ =	shalt  }
0x74: {  	_ =	shalt  }
0x75: {  	_ =	shalt  }
0x76: {  	_ =	shalt  }
0x77: {  	_ =	shalt  }
0x78: {  	_ =	shalt  }
0x79: {  	_ =	shalt  }
0x7a: {  	_ =	shalt  }
0x7b: {  	_ =	shalt  }
0x7c: {  	_ =	shalt  }
0x7d: {  	_ =	shalt  }
0x7e: {  	_ =	shalt  }
0x7f: {  	_ =	shalt  }
0x80: {  	_ =	shalt  }
0x81: {  	_ =	shalt  }
0x82: {  	_ =	shalt  }
0x83: {  	_ =	shalt  }
0x84: {  	_ =	shalt  }
0x85: {  	_ =	shalt  }
0x86: {  	_ =	shalt  }
0x87: {  	_ =	shalt  }
.Lfunc_end0:
.L_simem_size_0:
called_computation_lowered:
.L_overlay_start_0:
0x88: {  	s2 =	sld [smem:$0x3FD9]  }
0x89: {  	s3 =	sld [smem:$0x3FFE];
	_ =	sdelay $0x1  }
0x8a: {  	s1 =	srdreg.scid  }
0x8b: {  	s0 =	sand.u32 $0x1, s1  }
0x8c: {  	s17 =	sshll.u32 s0, $0xA;
	s2 =	sadd.s32 s3, s2  }
0x8d: {  	s2 =	sadd.s32 s2, s17  }
0x8e: {  	[smem:$0x3FC6] =	sst s2  }
0x8f: {  	_ = 	snop  }
0x90: {  	s2 =	sld [smem:$0x3FD0];
	(tm) =	ssettm $0x1  }
0x91: {  	s18 =	sld [smem:$0x3FFB];
	_ =	sdelay $0x3  }
0x92: {  	_ =	strace s18  }
0x93: {  	s3 =	sld [smem:$0x3FFC];
	_ =	sdelay $0x3  }
0x94: {  	_ =	strace s3  }
0x95: {  	s3 =	sld [smem:$0x3FFD];
	_ =	sdelay $0x3  }
0x96: {  	_ =	strace s3  }
0x97: {  	_ =	strace $0x8FFFFFFF  }
0x98: {  	s19 =	sld [smem:$0x3FDB];
	_ =	sdelay $0x1  }
0x99: {  	s4 =	simm.s32 $_scs_section_size  }
0x9a: {  	s5 =	simm.s32 $_size__tile_overlayer_lowered;
	s6 =	simm.s32 $_tile_overlayer_lowered  }
0x9b: {  	s22 =	simm.s32 $0x1BFF;
	s21 =	sshll.u32 s6, $0x1;
	s3 =	sadd.s32 s4, s19  }
0x9c: {  	s7 =	simm.s32 $0x0;
	s20 =	sshll.u32 s5, $0x1;
	s5 =	sadd.s32 s21, s3  }
0x9d: {  	[timem:s7], [sflag:s22] =	dma.local [hbm:s5], s20  }
0x9e: {  	_ =	swait.ge [sflag:s22], s20  }
0x9f: {  	s4 =	ssub.s32 $0x0, s20;
	[sflag:s22] =	ssyncset.done $0x0  }
0xa0: {  	[sflag:s22] =	ssyncadd.s32 s4;
	_ =	sdelay $0x1  }
0xa1: {  	s23 =	simm.s32 $0x1B8B  }
0xa2: {  	_ =	swait.ge [sflag:s23], $0x1  }
0xa3: {  	[sflag:s23] =	ssyncset.done $0x0  }
0xa4: {  	s25 =	simm.s32 $0x1B8E;
	s24 =	sld [smem:$0x3FFE];
	[sflag:s23] =	ssyncadd.s32 $0xFFFFFFFF  }
0xa5: {  	s26 =	simm.s32 $execute0_lowered;
	[smem:$0x3FD2] =	sst s25  }
0xa6: {  	s5 =	sshll.u32 s26, $0x1;
	_ =	strace $0x80000046;
	[dreg:$0x1] =	wrdreg $0xFFFFFFFF  }
0xa7: {  	s28 =	simm.s32 $_size_execute0_lowered;
	s3 =	sadd.s32 s3, s5;
	[dreg:$0x0] =	wrdreg $0x0  }
0xa8: {  	s5 =	sshll.u32 s28, $0x1;
	[dreg:$0x2] =	wrdreg s3  }
0xa9: {  	[dreg:$0x3] =	wrdreg s5  }
0xaa: {  	[dreg:$0x4] =	wrdreg $0xC0  }
0xab: {  	_ =	task [dreg:s7], $0x5FFFF  }
0xac: {  	[dreg:$0x1] =	wrdreg $0xFFFFFFFF  }
0xad: {  	[dreg:$0x0] =	wrdreg $0x60  }
0xae: {  	[dreg:$0x2] =	wrdreg s24  }
0xaf: {  	[dreg:$0x3] =	wrdreg s2  }
0xb0: {  	[dreg:$0x4] =	wrdreg $0x9  }
0xb1: {  	_ =	task.clear_ibuf [dreg:s7], $0x5FFFF;
	_ =	strace $0x90000046  }
0xb2: {  	s29 =	simm.s32 $0x9;
	_ =	strace $0x80000048  }
0xb3: {  	_ =	swait.ge [sflag:s29], $0x1  }
0xb4: {  	[sflag:s29] =	ssyncadd.s32 $0xFFFFFFFF  }
0xb5: {  	_ =	strace $0x90000048  }
0xb6: {  	_ =	sfence  }
0xb7: {  	s30 =	sld [smem:$0x0];
	_ =	sdelay $0x2  }
0xb8: {  	s31 =	sshll.u32 s1, $0xD;
	s1 =	sshrl.u32 s1, $0x2  }
0xb9: {  	s3 =	sand.u32 $0x4000, s31;
	s1 =	sadd.s32 s1, s30  }
0xba: {  	s0 =	sor.u32 s3, s0;
	s1 =	sshll.u32 s1, $0x11  }
0xbb: {  	s0 =	sor.u32 s1, s0  }
0xbc: {  	s0 =	sadd.s32 $0x8F2B, s0  }
0xbd: {  	[sflag:s0] =	ssyncadd.remote.s32 $0x1  }
0xbe: {  	_ =	sfence.sel $0xFFFF  }
0xbf: {  	[dreg:$0x0] =	wrdreg $0xFFFFFFFF;
	(pc) =	sbr.abs _section_cstart, $3  }
0xc0: {  	[dreg:$0x1] =	wrdreg $0xFFFFFFFF  }
0xc1: {  	_ =	task.clear_ibuf [dreg:s7], $0x2FFFF;
	_ =	strace $0x9FFFFFFF  }
0xc2: {  	(tm) =	ssettm $0x7FFFFFFF  }
0xc3: {  	_ =	shalt  }
tec
execute0_lowered:
.L_overlay_start_1:
0x0: {  	(tag) =	ssettag $0x1  }
0x1: {  	v0 =	vimm.s32 $0xC38;
	vm14 =	vcmask $0x300;
	vm13 =	vcmask $0x704  }
0x2: {  	vm12 =	vcmask $0xB08;
	vm11 =	vcmask $0xF0C;
	vm10 =	vcmask $0x1310  }
0x3: {  	vm9 =	vcmask $0x1714;
	vm8 =	vcmask $0x1B18;
	vm7 =	vcmask $0x1F1C  }
0x4: {  	vm6 =	vcmask $0x2320;
	vm5 =	vcmask $0x2724;
	vm4 =	vcmask $0x2B28  }
0x5: {  	vm3 =	vcmask $0x2F2C;
	vm2 =	vcmask $0x3330;
	vm1 =	vcmask $0x3734  }
0x6: {  	vm0 =	vcmask $0x3B38;
	v1 =	vimm.s32 $0x0;
	v2 =	vimm.s32 $0x1D38  }
0x7: {  	v3 =	vimm.s32 $0x2E38;
	v4 =	vimm.s32 $0x3F38;
	v0 =	vsel vm14, $0x0, v0  }
0x8: {  	v32 =	vsel vm14, $0x3, v1;
	v2 =	vsel vm14, $0x1100, v2;
	v3 =	vsel vm14, $0x2200, v3  }
0x9: {  	v4 =	vsel vm14, $0x3300, v4;
	v0 =	vsel vm13, $0x88, v0;
	v2 =	vsel vm13, $0x1188, v2  }
0xa: {  	v3 =	vsel vm13, $0x2288, v3;
	v4 =	vsel vm13, $0x3388, v4;
	v0 =	vsel vm12, $0x110, v0  }
0xb: {  	v2 =	vsel vm12, $0x1210, v2;
	v3 =	vsel vm12, $0x2310, v3;
	v4 =	vsel vm12, $0x3410, v4  }
0xc: {  	v0 =	vsel vm11, $0x198, v0;
	v2 =	vsel vm11, $0x1298, v2;
	v3 =	vsel vm11, $0x2398, v3  }
0xd: {  	v4 =	vsel vm11, $0x3498, v4;
	v0 =	vsel vm10, $0x220, v0;
	v2 =	vsel vm10, $0x1320, v2  }
0xe: {  	v3 =	vsel vm10, $0x2420, v3;
	v4 =	vsel vm10, $0x3520, v4;
	v0 =	vsel vm9, $0x2A8, v0  }
0xf: {  	v2 =	vsel vm9, $0x13A8, v2;
	v3 =	vsel vm9, $0x24A8, v3;
	v4 =	vsel vm9, $0x35A8, v4  }
0x10: {  	s0 =	srdreg.scid;
	v0 =	vsel vm8, $0x330, v0;
	v2 =	vsel vm8, $0x1430, v2;
	v3 =	vsel vm8, $0x2530, v3  }
0x11: {  	s2 =	stileid.u32;
	s1 =	rddreg [dreg:$0x0];
	s16 =	simm.s32 $0x80;
	v4 =	vsel vm8, $0x3630, v4;
	v0 =	vsel vm7, $0x3B8, v0;
	v2 =	vsel vm7, $0x14B8, v2  }
0x12: {  	s19 =	simm.s32 $0x1;
	s22 =	simm.s32 $0x16400;
	s18 =	simm.s32 $0x1E7C0;
	v3 =	vsel vm7, $0x25B8, v3;
	v4 =	vsel vm7, $0x36B8, v4;
	v0 =	vsel vm6, $0x880, v0  }
0x13: {  	s14 =	simm.s32 $0x1E8D0;
	s15 =	simm.s32 $0x1E958;
	s20 =	simm.s32 $0x1E9E0;
	v2 =	vsel vm6, $0x1980, v2;
	v3 =	vsel vm6, $0x2A80, v3;
	v4 =	vsel vm6, $0x3B80, v4  }
0x14: {  	s21 =	simm.s32 $0x1EA68;
	s0 =	sand.u32 $0x1, s0;
	s3 =	sshll.u32 s2, $0x1;
	v0 =	vsel vm5, $0x908, v0;
	v2 =	vsel vm5, $0x1A08, v2;
	v3 =	vsel vm5, $0x2B08, v3  }
0x15: {  	s24 =	simm.s32 $0x0;
	s2 =	rddreg [dreg:$0x1];
	s5 =	sor.u32 s0, s3;
	v4 =	vsel vm5, $0x3C08, v4;
	v0 =	vsel vm4, $0x990, v0;
	v2 =	vsel vm4, $0x1A90, v2  }
0x16: {  	s3 =	simm.s32 $0x0;
	s0 =	ssub.s32 $0x2, s0;
	s8 =	sadd.s32 $0x8000, s2;
	v3 =	vsel vm4, $0x2B90, v3;
	v4 =	vsel vm4, $0x3C90, v4;
	v0 =	vsel vm3, $0xA18, v0  }
0x17: {  	s9 =	sadd.s32 $0xC000, s2;
	s10 =	sadd.s32 $0x10000, s2;
	s11 =	sadd.s32 $0x14000, s2;
	v2 =	vsel vm3, $0x1B18, v2;
	v3 =	vsel vm3, $0x2C18, v3;
	v0 =	vsel vm2, $0xAA0, v0  }
0x18: {  	s12 =	sadd.s32 $0x18000, s2;
	s13 =	sadd.s32 $0x1C000, s2;
	[smem:$0x7FF] =	sst s3;
	v4 =	vsel vm3, $0x3D18, v4;
	v2 =	vsel vm2, $0x1BA0, v2;
	v0 =	vsel vm1, $0xB28, v0  }
0x19: {  	s4 =	smul.u32 $0xC80, s5;
	s7 =	sshrl.u32 s0, $0x1;
	_ =	strace $0x80000047;
	v3 =	vsel vm2, $0x2CA0, v3;
	v2 =	vsel vm1, $0x1C28, v2;
	v0 =	vsel vm0, $0xBB0, v0  }
0x1a: {  	s5 =	smul.u32 $0xC8, s5;
	s0 =	ssub.s32 s0, s7;
	s7 =	sadd.s32 $0x4000, s2;
	v4 =	vsel vm2, $0x3DA0, v4;
	v3 =	vsel vm1, $0x2D28, v3;
	v1 =	vsel vm0, $0x1CB0, v2;
	[tilespmem:$0x1FFC0] =	vst v0  }
0x1b: {  	s6 =	sadd.s32 s4, s1;
	s4 =	sadd.s32 $0xF5BA00, s1;
	s0 =	smax.u32 s0, $0x1;
	v4 =	vsel vm1, $0x3E28, v4;
	v22 =	vsel vm0, $0x2DB0, v3;
	[tilespmem:$0x1FFD0] =	vst v1  }
0x1c: {  	s1 =	simm.s32 $0x2;
	s31 =	sadd.s32 $0xF42A00, s6;
	[dreg:$0x4] =	wrdreg s0;
	v25 =	vsel vm0, $0x3EB0, v4;
	[tilespmem:$0x1FFE0] =	vst v22  }
0x1d: {  	s0 =	simm.s32 $0x1A800;
	s6 =	simm.s32 $0x1E848;
	[dreg:$0x3] =	wrdreg s31;
	[tilespmem:$0x1FFF0] =	vst v25  }
.LBB2_1:
0x1e: {  	[dreg:$0x5] =	wrdreg s24  }
0x1f: {  	s17 =	rddreg [dreg:$0x3];
	s29 =	simm.s32 $0x5  }
0x20: {  	[tilespmem:s3], [sflag:$0x5] =	stream.linear.gather [hbm4b:s17+s3], $0x6400, $0x38;
	[tilespmem:$0x1EC00] =	vst v63  }
0x21: {  	_ =	swait.ge [sflag:s29], $0x6400  }
0x22: {  	[sflag:s29] =	ssyncset.done $0x0  }
0x23: {  	s30 =	simm.s32 $0x6400;
	[sflag:s29] =	ssyncadd.s32 $0xFFFF9C00  }
0x24: {  	[tilespmem:s30], [sflag:$0x1] =	stream.indirect.gather [hbm4b:s4+s16], $0x80, s3, s16, $0xb8;
	[tilespmem:$0x1EC00] =	vst v63  }
0x25: {  	s31 =	simm.s32 $0xA400;
	s23 =	simm.s32 $0x0  }
0x26: {  	[tilespmem:s31], [sflag:$0x1] =	stream.indirect.gather [hbm4b:s4+s16], $0x80, s16, s16, $0xb8;
	[tilespmem:$0x1EC00] =	vst v63  }
.LBB2_2:
0x27: {  	s25 =	sshll.u32 s23, $0x2  }
0x28: {  	_ =	swait.ge [sflag:s19], $0x8000;
	s24 =	sor.u32 $0x2, s25  }
0x29: {  	[sflag:s19] =	ssyncset.done $0x0;
	s26 =	sshll.u32 s24, $0x7  }
0x2a: {  	s17 =	simm.s32 $0xE400;
	[sflag:s19] =	ssyncadd.s32 $0xFFFF8000;
	s26 =	sand.u32 $0x3FFFFF00, s26  }
0x2b: {  	[tilespmem:s17], [sflag:$0x2] =	stream.indirect.gather [hbm4b:s4+s16], $0x80, s26, s16, $0xb8;
	[tilespmem:$0x1EC00] =	vst v63  }
0x2c: {  	s17 =	sshll.u32 s23, $0x9  }
0x2d: {  	s26 =	sand.u32 $0x3FFFFE00, s17  }
0x2e: {  	s31 =	simm.s32 $0x12400;
	p0 =	seq.s32 s23, $0x0;
	s28 =	sor.u32 $0x180, s26  }
0x2f: {  	[tilespmem:s31], [sflag:$0x2] =	stream.indirect.gather [hbm4b:s4+s16], $0x80, s28, s16, $0xb8;
	[tilespmem:$0x1EC00] =	vst v63  }
0x30: {  	s28 =	simm.s32 @!p0 $0x3  }
0x31: {  	_ =	swait.ge @!p0 [sflag:s28], $0x800  }
0x32: {  	[sflag:s28] =	ssyncset.done @!p0 $0x0  }
0x33: {  	[sflag:s28] =	ssyncadd.s32 @!p0 $0xFFFFF800  }
0x34: {  	_ =	swait.ge @!p0 [sflag:s28], $0x800  }
0x35: {  	[sflag:s28] =	ssyncset.done @!p0 $0x0  }
0x36: {  	[sflag:s28] =	ssyncadd.s32 @!p0 $0xFFFFF800  }
0x37: {  	_ =	swait.ge @!p0 [sflag:s28], $0x800  }
0x38: {  	[sflag:s28] =	ssyncset.done @!p0 $0x0  }
0x39: {  	[sflag:s28] =	ssyncadd.s32 @!p0 $0xFFFFF800  }
0x3a: {  	_ =	swait.ge @!p0 [sflag:s28], $0x800  }
0x3b: {  	[sflag:s28] =	ssyncset.done @!p0 $0x0  }
0x3c: {  	[sflag:s28] =	ssyncadd.s32 @!p0 $0xFFFFF800  }
0x3d: {  	_ =	swait.ge @!p0 [sflag:s28], $0x800  }
0x3e: {  	[sflag:s28] =	ssyncset.done @!p0 $0x0  }
0x3f: {  	[sflag:s28] =	ssyncadd.s32 @!p0 $0xFFFFF800  }
0x40: {  	_ =	swait.ge @!p0 [sflag:s28], $0x800  }
0x41: {  	[sflag:s28] =	ssyncset.done @!p0 $0x0  }
0x42: {  	[sflag:s28] =	ssyncadd.s32 @!p0 $0xFFFFF800  }
0x43: {  	_ =	swait.ge @!p0 [sflag:s28], $0x800  }
0x44: {  	[sflag:s28] =	ssyncset.done @!p0 $0x0  }
0x45: {  	[sflag:s28] =	ssyncadd.s32 @!p0 $0xFFFFF800  }
0x46: {  	_ =	swait.ge @!p0 [sflag:s28], $0x800  }
0x47: {  	s29 =	simm.s32 $0xF;
	[sflag:s28] =	ssyncset.done @!p0 $0x0  }
0x48: {  	s30 =	simm.s32 $0x6800;
	[sflag:s28] =	ssyncadd.s32 @!p0 $0xFFFFF800;
	s28 =	simm.s32 $0x0  }
.LBB2_3:
0x49: {  	v2 =	vld [tilespmem:s30+$0x190];
	_ =	sdelay $0x4  }
0x4a: {  	[tilespmem:$0x1FEF0] =	vst v2;
	v2 =	vld [tilespmem:s30+$0x1A0];
	_ =	sdelay $0x2  }
0x4b: {  	v4 =	vld [tilespmem:s30+$0xFFFFFC00]  }
0x4c: {  	v5 =	vld [tilespmem:s30+$0xFFFFFC10]  }
0x4d: {  	[tilespmem:$0x1FF00] =	vst v2;
	v2 =	vld [tilespmem:s30+$0x1B0]  }
0x4e: {  	v6 =	vld [tilespmem:s30+$0xFFFFFC20]  }
0x4f: {  	v7 =	vld [tilespmem:s30+$0xFFFFFC30]  }
0x50: {  	v8 =	vld [tilespmem:s30+$0xFFFFFC80]  }
0x51: {  	v9 =	vld [tilespmem:s30+$0xFFFFFC90]  }
0x52: {  	[tilespmem:$0x1FF10] =	vst v2;
	v2 =	vld [tilespmem:s30+$0x200]  }
0x53: {  	v11 =	vld [tilespmem:s30+$0xFFFFFCA0]  }
0x54: {  	v14 =	vld [tilespmem:s30+$0xFFFFFCB0]  }
0x55: {  	v19 =	vld [tilespmem:s30+$0xFFFFFD00]  }
0x56: {  	v63 =	vld [tilespmem:s30+$0xFFFFFD10]  }
0x57: {  	[tilespmem:$0x1FF20] =	vst v2;
	v2 =	vld [tilespmem:s30+$0x210]  }
0x58: {  	v62 =	vld [tilespmem:s30+$0xFFFFFD20]  }
0x59: {  	v61 =	vld [tilespmem:s30+$0xFFFFFD30]  }
0x5a: {  	v60 =	vld [tilespmem:s30+$0xFFFFFD80]  }
0x5b: {  	v59 =	vld [tilespmem:s30+$0xFFFFFD90]  }
0x5c: {  	[tilespmem:$0x1FF30] =	vst v2;
	v2 =	vld [tilespmem:s30+$0x220]  }
0x5d: {  	v58 =	vld [tilespmem:s30+$0xFFFFFDA0]  }
0x5e: {  	v57 =	vld [tilespmem:s30+$0xFFFFFDB0]  }
0x5f: {  	v56 =	vld [tilespmem:s30+$0xFFFFFE00]  }
0x60: {  	v55 =	vld [tilespmem:s30+$0xFFFFFE10]  }
0x61: {  	[tilespmem:$0x1FF40] =	vst v2;
	v2 =	vld [tilespmem:s30+$0x230]  }
0x62: {  	v54 =	vld [tilespmem:s30+$0xFFFFFE20]  }
0x63: {  	v53 =	vld [tilespmem:s30+$0xFFFFFE30]  }
0x64: {  	v52 =	vld [tilespmem:s30+$0xFFFFFE80]  }
0x65: {  	v51 =	vld [tilespmem:s30+$0xFFFFFE90]  }
0x66: {  	[tilespmem:$0x1FF50] =	vst v2;
	v2 =	vld [tilespmem:s30+$0x280]  }
0x67: {  	v50 =	vld [tilespmem:s30+$0xFFFFFEA0]  }
0x68: {  	v49 =	vld [tilespmem:s30+$0xFFFFFEB0]  }
0x69: {  	v48 =	vld [tilespmem:s30+$0xFFFFFF00]  }
0x6a: {  	v47 =	vld [tilespmem:s30+$0xFFFFFF10]  }
0x6b: {  	[tilespmem:$0x1FF60] =	vst v2;
	v2 =	vld [tilespmem:s30+$0x290]  }
0x6c: {  	v46 =	vld [tilespmem:s30+$0xFFFFFF20]  }
0x6d: {  	v45 =	vld [tilespmem:s30+$0xFFFFFF30]  }
0x6e: {  	v44 =	vld [tilespmem:s30+$0xFFFFFF80]  }
0x6f: {  	v43 =	vld [tilespmem:s30+$0xFFFFFF90]  }
0x70: {  	[tilespmem:$0x1FF70] =	vst v2;
	v2 =	vld [tilespmem:s30+$0x2A0]  }
0x71: {  	v42 =	vld [tilespmem:s30+$0xFFFFFFA0]  }
0x72: {  	v41 =	vld [tilespmem:s30+$0xFFFFFFB0]  }
0x73: {  	v40 =	vld [tilespmem:s30+$0x0]  }
0x74: {  	v39 =	vld [tilespmem:s30+$0x10]  }
0x75: {  	[tilespmem:$0x1FF80] =	vst v2;
	v2 =	vld [tilespmem:s30+$0x2B0]  }
0x76: {  	v38 =	vld [tilespmem:s30+$0x20]  }
0x77: {  	v37 =	vld [tilespmem:s30+$0x30]  }
0x78: {  	v36 =	vld [tilespmem:s30+$0x80]  }
0x79: {  	v35 =	vld [tilespmem:s30+$0x90]  }
0x7a: {  	[tilespmem:$0x1FF90] =	vst v2;
	v2 =	vld [tilespmem:s30+$0x300]  }
0x7b: {  	v34 =	vld [tilespmem:s30+$0xA0]  }
0x7c: {  	v33 =	vld [tilespmem:s30+$0xB0];
	s31 =	sadd.s32 $0xFFFFFFF1, s29;
	s17 =	sand.u32 $0x8, s28  }
0x7d: {  	v31 =	vld [tilespmem:s30+$0x100];
	s31 =	sand.u32 $0x70, s31;
	v10 =	vmov s17  }
0x7e: {  	v30 =	vld [tilespmem:s30+$0x110];
	v12 =	vmov s31;
	v10 =	vmul.u32 $0x88, v10  }
0x7f: {  	s31 =	sadd.s32 $0xFFFFFFF2, s29;
	v12 =	vshrl.u32 v12, $0x3;
	[tilespmem:$0x1FFA0] =	vst v2;
	v2 =	vld [tilespmem:s30+$0x320]  }
0x80: {  	v29 =	vld [tilespmem:s30+$0x120];
	s17 =	sand.u32 $0x70, s31;
	v17 =	vbroadcast v10, $0x0;
	v12 =	vshll.u32 v12, v32  }
0x81: {  	v28 =	vld [tilespmem:s30+$0x130];
	v15 =	vmov s17;
	v20 =	vbroadcast v12, $0x0  }
0x82: {  	v27 =	vld [tilespmem:s30+$0x180];
	v15 =	vshrl.u32 v15, $0x3;
	v18 =	vadd.s32 v0, v17  }
0x83: {  	s31 =	sadd.s32 $0xFFFFFFF3, s29;
	v10 =	vld [tilespmem:s30+$0x310];
	v15 =	vshll.u32 v15, v32;
	v21 =	vadd.s32 v1, v17;
	v0 =	vadd.s32 v18, v20  }
0x84: {  	s17 =	sand.u32 $0x70, s31;
	v12 =	vld [tilespmem:s30+$0x330];
	v24 =	vadd.s32 v22, v17;
	v1 =	vbroadcast v15, $0x0;
	[tilespmem:$0x1FFB0] =	vst v2;
	v2 =	vadd.s32 v21, v20  }
0x85: {  	v22 =	vadd.s32 v25, v17;
	v25 =	vmov s17;
	v17 =	vld [tilespmem:s30+$0x390];
	v13 =	vadd.s32 v24, v20  }
0x86: {  	v15 =	vld [tilespmem:s30+$0x380];
	v3 =	vadd.s32 v22, v20;
	v25 =	vshrl.u32 v25, $0x3;
	v16 =	vadd.s32 v18, v1  }
0x87: {  	s31 =	sadd.s32 $0xFFFFFFF4, s29;
	v23 =	vshll.u32 v25, v32;
	v25 =	vld [tilespmem:s30+$0x3B0];
	v26 =	vadd.s32 v21, v1;
	v16 =	vor.u32 $0x1, v16  }
0x88: {  	s17 =	sand.u32 $0x70, s31;
	v20 =	vld [tilespmem:s30+$0x3A0];
	[tilespmem:v0+s22+$0x0] =	vst.idx.msk $0xffff, v4;
	v0 =	vor.u32 $0x1, v26;
	v4 =	vbroadcast v23, $0x0;
	v23 =	vadd.s32 v24, v1  }
0x89: {  	v1 =	vadd.s32 v22, v1;
	[tilespmem:v2+s22+$0x0] =	vst.idx.msk $0xffff, v5;
	v2 =	vor.u32 $0x1, v23;
	v5 =	vmov s17  }
0x8a: {  	v1 =	vor.u32 $0x1, v1;
	[tilespmem:v13+s22+$0x0] =	vst.idx.msk $0xffff, v6;
	v5 =	vshrl.u32 v5, $0x3;
	v13 =	vadd.s32 v18, v4  }
0x8b: {  	s31 =	sadd.s32 $0xFFFFFFF5, s29;
	[tilespmem:v3+s22+$0x0] =	vst.idx.msk $0xffff, v7;
	v3 =	vor.u32 $0x2, v13;
	v5 =	vshll.u32 v5, v32;
	v13 =	vadd.s32 v21, v4  }
0x8c: {  	s17 =	sand.u32 $0x70, s31;
	[tilespmem:v16+s22+$0x0] =	vst.idx.msk $0xffff, v8;
	v6 =	vor.u32 $0x2, v13;
	v5 =	vbroadcast v5, $0x0;
	v16 =	vadd.s32 v24, v4  }
0x8d: {  	v4 =	vadd.s32 v22, v4;
	v13 =	vmov s17;
	[tilespmem:v0+s22+$0x0] =	vst.idx.msk $0xffff, v9;
	v0 =	vor.u32 $0x2, v16  }
0x8e: {  	v16 =	vshrl.u32 v13, $0x3;
	[tilespmem:v2+s22+$0x0] =	vst.idx.msk $0xffff, v11;
	v2 =	vor.u32 $0x2, v4;
	v9 =	vadd.s32 v18, v5  }
0x8f: {  	s31 =	sadd.s32 $0xFFFFFFF6, s29;
	v4 =	vshll.u32 v16, v32;
	v11 =	vadd.s32 v21, v5;
	[tilespmem:v1+s22+$0x0] =	vst.idx.msk $0xffff, v14;
	v1 =	vor.u32 $0x3, v9  }
0x90: {  	s17 =	sand.u32 $0x70, s31;
	v13 =	vadd.s32 v24, v5;
	v4 =	vbroadcast v4, $0x0;
	[tilespmem:v3+s22+$0x0] =	vst.idx.msk $0xffff, v19;
	v3 =	vor.u32 $0x3, v11  }
0x91: {  	v5 =	vadd.s32 v22, v5;
	v16 =	vmov s17;
	v14 =	vor.u32 $0x3, v13;
	[tilespmem:v6+s22+$0x0] =	vst.idx.msk $0xffff, v63  }
0x92: {  	v19 =	vshrl.u32 v16, $0x3;
	[tilespmem:v0+s22+$0x0] =	vst.idx.msk $0xffff, v62;
	v0 =	vor.u32 $0x3, v5;
	v62 =	vadd.s32 v18, v4  }
0x93: {  	s31 =	sadd.s32 $0xFFFFFFF7, s29;
	v63 =	vadd.s32 v21, v4;
	v5 =	vshll.u32 v19, v32;
	[tilespmem:v2+s22+$0x0] =	vst.idx.msk $0xffff, v61;
	v2 =	vor.u32 $0x4, v62  }
0x94: {  	s17 =	sand.u32 $0x70, s31;
	v9 =	vadd.s32 v24, v4;
	v5 =	vbroadcast v5, $0x0;
	[tilespmem:v1+s22+$0x0] =	vst.idx.msk $0xffff, v60;
	v1 =	vor.u32 $0x4, v63  }
0x95: {  	v7 =	vor.u32 $0x4, v9;
	v4 =	vadd.s32 v22, v4;
	[tilespmem:v3+s22+$0x0] =	vst.idx.msk $0xffff, v59;
	v3 =	vmov s17  }
0x96: {  	v4 =	vor.u32 $0x4, v4;
	v11 =	vadd.s32 v18, v5;
	[tilespmem:v14+s22+$0x0] =	vst.idx.msk $0xffff, v58;
	v3 =	vshrl.u32 v3, $0x3  }
0x97: {  	s31 =	sadd.s32 $0xFFFFFFF8, s29;
	v13 =	vadd.s32 v21, v5;
	[tilespmem:v0+s22+$0x0] =	vst.idx.msk $0xffff, v57;
	v0 =	vor.u32 $0x5, v11;
	v3 =	vshll.u32 v3, v32  }
0x98: {  	s17 =	sand.u32 $0x70, s31;
	v14 =	vadd.s32 v24, v5;
	[tilespmem:v2+s22+$0x0] =	vst.idx.msk $0xffff, v56;
	v2 =	vor.u32 $0x5, v13;
	v3 =	vbroadcast v3, $0x0  }
0x99: {  	v5 =	vadd.s32 v22, v5;
	v6 =	vor.u32 $0x5, v14;
	[tilespmem:v1+s22+$0x0] =	vst.idx.msk $0xffff, v55;
	v1 =	vmov s17  }
0x9a: {  	s31 =	sadd.s32 $0xFFFFFFF9, s29;
	v5 =	vor.u32 $0x5, v5;
	[tilespmem:v7+s22+$0x0] =	vst.idx.msk $0xffff, v54;
	v16 =	vadd.s32 v18, v3;
	v1 =	vshrl.u32 v1, $0x3  }
0x9b: {  	s17 =	sand.u32 $0x78, s31;
	s31 =	sadd.s32 $0xFFFFFFFA, s29;
	[tilespmem:v4+s22+$0x0] =	vst.idx.msk $0xffff, v53;
	v19 =	vor.u32 $0x6, v16;
	v53 =	vadd.s32 v21, v3;
	v1 =	vshll.u32 v1, v32  }
0x9c: {  	v54 =	vadd.s32 v24, v3;
	s31 =	sand.u32 $0x78, s31;
	[tilespmem:v0+s22+$0x0] =	vst.idx.msk $0xffff, v52;
	v0 =	vor.u32 $0x6, v53;
	v1 =	vbroadcast v1, $0x0  }
0x9d: {  	v7 =	vor.u32 $0x6, v54;
	v3 =	vadd.s32 v22, v3;
	v55 =	vmov s31;
	[tilespmem:v2+s22+$0x0] =	vst.idx.msk $0xffff, v51  }
0x9e: {  	v3 =	vor.u32 $0x6, v3;
	v2 =	vmov s17;
	[tilespmem:v6+s22+$0x0] =	vst.idx.msk $0xffff, v50;
	v56 =	vadd.s32 v18, v1  }
0x9f: {  	v58 =	vadd.s32 v21, v1;
	v2 =	vshrl.u32 v2, $0x3;
	[tilespmem:v5+s22+$0x0] =	vst.idx.msk $0xffff, v49;
	v57 =	vor.u32 $0x7, v56  }
0xa0: {  	v60 =	vadd.s32 v24, v1;
	v59 =	vor.u32 $0x7, v58;
	v2 =	vshll.u32 v2, v32;
	[tilespmem:v19+s22+$0x0] =	vst.idx.msk $0xffff, v48  }
0xa1: {  	v1 =	vadd.s32 v22, v1;
	v2 =	vbroadcast v2, $0x0;
	[tilespmem:v0+s22+$0x0] =	vst.idx.msk $0xffff, v47;
	v0 =	vor.u32 $0x7, v60  }
0xa2: {  	v6 =	vshrl.u32 v55, $0x3;
	v1 =	vor.u32 $0x7, v1;
	[tilespmem:v7+s22+$0x0] =	vst.idx.msk $0xffff, v46  }
0xa3: {  	s31 =	sadd.s32 $0xFFFFFFFB, s29;
	v6 =	vshll.u32 v6, v32;
	[tilespmem:v3+s22+$0x0] =	vst.idx.msk $0xffff, v45;
	v3 =	vadd.s32 v18, v2  }
0xa4: {  	s17 =	sand.u32 $0x78, s31;
	v6 =	vbroadcast v6, $0x0;
	v61 =	vadd.s32 v21, v2;
	[tilespmem:v57+s22+$0x0] =	vst.idx.msk $0xffff, v44  }
0xa5: {  	v62 =	vmov s17;
	v63 =	vadd.s32 v24, v2;
	[tilespmem:v59+s22+$0x0] =	vst.idx.msk $0xffff, v43  }
0xa6: {  	v4 =	vshrl.u32 v62, $0x3;
	[tilespmem:v0+s22+$0x0] =	vst.idx.msk $0xffff, v42;
	v0 =	vadd.s32 v22, v2;
	v2 =	vadd.s32 v18, v6  }
0xa7: {  	s31 =	sadd.s32 $0xFFFFFFFC, s29;
	v4 =	vshll.u32 v4, v32;
	[tilespmem:v1+s22+$0x0] =	vst.idx.msk $0xffff, v41;
	v1 =	vor.u32 $0x1, v2;
	v2 =	vadd.s32 v21, v6  }
0xa8: {  	s17 =	sand.u32 $0x78, s31;
	v4 =	vbroadcast v4, $0x0;
	[tilespmem:v3+s22+$0x0] =	vst.idx.msk $0xffff, v40;
	v2 =	vor.u32 $0x1, v2;
	v3 =	vadd.s32 v24, v6  }
0xa9: {  	v9 =	vmov s17;
	v6 =	vadd.s32 v22, v6;
	[tilespmem:v61+s22+$0x0] =	vst.idx.msk $0xffff, v39;
	v3 =	vor.u32 $0x1, v3  }
0xaa: {  	v5 =	vshrl.u32 v9, $0x3;
	v11 =	vadd.s32 v18, v4;
	v6 =	vor.u32 $0x1, v6;
	[tilespmem:v63+s22+$0x0] =	vst.idx.msk $0xffff, v38  }
0xab: {  	s31 =	sadd.s32 $0xFFFFFFFD, s29;
	v5 =	vshll.u32 v5, v32;
	v13 =	vadd.s32 v21, v4;
	[tilespmem:v0+s22+$0x0] =	vst.idx.msk $0xffff, v37;
	v0 =	vor.u32 $0x2, v11  }
0xac: {  	s17 =	sand.u32 $0x78, s31;
	v5 =	vbroadcast v5, $0x0;
	v14 =	vadd.s32 v24, v4;
	[tilespmem:v1+s22+$0x0] =	vst.idx.msk $0xffff, v36;
	v1 =	vor.u32 $0x2, v13  }
0xad: {  	v4 =	vadd.s32 v22, v4;
	v7 =	vor.u32 $0x2, v14;
	[tilespmem:v2+s22+$0x0] =	vst.idx.msk $0xffff, v35;
	v2 =	vmov s17  }
0xae: {  	v16 =	vadd.s32 v18, v5;
	[tilespmem:v3+s22+$0x0] =	vst.idx.msk $0xffff, v34;
	v3 =	vor.u32 $0x2, v4;
	v2 =	vshrl.u32 v2, $0x3  }
0xaf: {  	s31 =	sadd.s32 $0xFFFFFFFE, s29;
	v19 =	vadd.s32 v21, v5;
	v4 =	vor.u32 $0x3, v16;
	[tilespmem:v6+s22+$0x0] =	vst.idx.msk $0xffff, v33;
	v2 =	vshll.u32 v2, v32  }
0xb0: {  	v38 =	vld [tilespmem:$0x1FEF0];
	s17 =	sand.u32 $0x78, s31;
	v33 =	vadd.s32 v24, v5;
	[tilespmem:v0+s22+$0x0] =	vst.idx.msk $0xffff, v31;
	v0 =	vor.u32 $0x3, v19;
	v2 =	vbroadcast v2, $0x0  }
0xb1: {  	v39 =	vld [tilespmem:$0x1FF00];
	v5 =	vadd.s32 v22, v5;
	v6 =	vor.u32 $0x3, v33;
	[tilespmem:v1+s22+$0x0] =	vst.idx.msk $0xffff, v30;
	v1 =	vmov s17  }
0xb2: {  	v41 =	vld [tilespmem:$0x1FF10];
	v5 =	vor.u32 $0x3, v5;
	[tilespmem:v7+s22+$0x0] =	vst.idx.msk $0xffff, v29;
	v34 =	vadd.s32 v18, v2;
	v1 =	vshrl.u32 v1, $0x3  }
0xb3: {  	v44 =	vld [tilespmem:$0x1FF20];
	s31 =	sadd.s32 $0xFFFFFFFF, s29;
	v35 =	vadd.s32 v21, v2;
	[tilespmem:v3+s22+$0x0] =	vst.idx.msk $0xffff, v28;
	v3 =	vor.u32 $0x4, v34;
	v1 =	vshll.u32 v1, v32  }
0xb4: {  	v46 =	vld [tilespmem:$0x1FF30];
	s17 =	sand.u32 $0x78, s31;
	v37 =	vadd.s32 v24, v2;
	v36 =	vor.u32 $0x4, v35;
	[tilespmem:v4+s22+$0x0] =	vst.idx.msk $0xffff, v27;
	v1 =	vbroadcast v1, $0x0  }
0xb5: {  	v48 =	vld [tilespmem:$0x1FF40];
	v2 =	vadd.s32 v22, v2;
	v7 =	vor.u32 $0x4, v37;
	[tilespmem:v0+s22+$0x0] =	vst.idx.msk $0xffff, v38;
	v0 =	vmov s17  }
0xb6: {  	v50 =	vld [tilespmem:$0x1FF50];
	v2 =	vor.u32 $0x4, v2;
	[tilespmem:v6+s22+$0x0] =	vst.idx.msk $0xffff, v39;
	v40 =	vadd.s32 v18, v1;
	v0 =	vshrl.u32 v0, $0x3  }
0xb7: {  	v52 =	vld [tilespmem:$0x1FF60];
	v43 =	vadd.s32 v21, v1;
	[tilespmem:v5+s22+$0x0] =	vst.idx.msk $0xffff, v41;
	v42 =	vor.u32 $0x5, v40;
	v0 =	vshll.u32 v0, v32  }
0xb8: {  	v55 =	vld [tilespmem:$0x1FF70];
	s31 =	sand.u32 $0x78, s29;
	v45 =	vadd.s32 v24, v1;
	[tilespmem:v3+s22+$0x0] =	vst.idx.msk $0xffff, v44;
	v3 =	vor.u32 $0x5, v43;
	v0 =	vbroadcast v0, $0x0  }
0xb9: {  	v56 =	vld [tilespmem:$0x1FF80];
	v47 =	vmov s31;
	v1 =	vadd.s32 v22, v1;
	v6 =	vor.u32 $0x5, v45;
	[tilespmem:v36+s22+$0x0] =	vst.idx.msk $0xffff, v46  }
0xba: {  	v58 =	vld [tilespmem:$0x1FF90];
	v4 =	vshrl.u32 v47, $0x3;
	v1 =	vor.u32 $0x5, v1;
	[tilespmem:v7+s22+$0x0] =	vst.idx.msk $0xffff, v48;
	v49 =	vadd.s32 v18, v0  }
0xbb: {  	v60 =	vld [tilespmem:$0x1FFA0];
	v4 =	vshll.u32 v4, v32;
	v51 =	vadd.s32 v21, v0;
	[tilespmem:v2+s22+$0x0] =	vst.idx.msk $0xffff, v50;
	v2 =	vor.u32 $0x6, v49  }
0xbc: {  	v4 =	vbroadcast v4, $0x0;
	v54 =	vadd.s32 v24, v0;
	v53 =	vor.u32 $0x6, v51;
	[tilespmem:v42+s22+$0x0] =	vst.idx.msk $0xffff, v52  }
0xbd: {  	v63 =	vld [tilespmem:$0x1FFB0];
	v0 =	vadd.s32 v22, v0;
	[tilespmem:v3+s22+$0x0] =	vst.idx.msk $0xffff, v55;
	v3 =	vor.u32 $0x6, v54  }
0xbe: {  	v57 =	vadd.s32 v18, v4;
	v0 =	vor.u32 $0x6, v0;
	[tilespmem:v6+s22+$0x0] =	vst.idx.msk $0xffff, v56  }
0xbf: {  	v59 =	vadd.s32 v21, v4;
	[tilespmem:v1+s22+$0x0] =	vst.idx.msk $0xffff, v58;
	v1 =	vor.u32 $0x7, v57  }
0xc0: {  	v61 =	vadd.s32 v24, v4;
	[tilespmem:v2+s22+$0x0] =	vst.idx.msk $0xffff, v60;
	v2 =	vor.u32 $0x7, v59  }
0xc1: {  	v4 =	vadd.s32 v22, v4;
	v62 =	vor.u32 $0x7, v61;
	[tilespmem:v53+s22+$0x0] =	vst.idx.msk $0xffff, v10  }
0xc2: {  	p1 =	sne.s32 s29, $0xFF;
	[tilespmem:v3+s22+$0x0] =	vst.idx.msk $0xffff, v63;
	v3 =	vor.u32 $0x7, v4  }
.Ltmp0:
0xc3: {  	[tilespmem:v0+s22+$0x0] =	vst.idx.msk $0xffff, v12;
	(pc) =	sbr.rel @p1 .LBB2_3-.Ltmp0, $4  }
0xc4: {  	v22 =	vld [tilespmem:$0x1FFE0];
	[tilespmem:v1+s22+$0x0] =	vst.idx.msk $0xffff, v15  }
0xc5: {  	v0 =	vld [tilespmem:$0x1FFC0];
	[tilespmem:v2+s22+$0x0] =	vst.idx.msk $0xffff, v17  }
0xc6: {  	v1 =	vld [tilespmem:$0x1FFD0];
	[tilespmem:v62+s22+$0x0] =	vst.idx.msk $0xffff, v20  }
0xc7: {  	s28 =	sadd.s32 $0x1, s28;
	s30 =	sadd.s32 $0x800, s30;
	s29 =	sadd.s32 $0x10, s29;
	[tilespmem:v3+s22+$0x0] =	vst.idx.msk $0xffff, v25;
	v25 =	vld [tilespmem:$0x1FFF0]  }
0xc8: {  	p1 =	seq.s32 s23, $0x31  }
0xc9: {  	s17 =	sadd.s32 @!p1 $0x200, s26;
	s28 =	simm.s32 @!p1 $0x80;
	s29 =	simm.s32 @!p1 $0x6400  }
0xca: {  	[tilespmem:s29], [sflag:$0x1] =	stream.indirect.gather @!p1 [hbm4b:s4+s28], $0x80, s17, s28, $0xb8;
	[tilespmem:$0x1EC00] =	vst v63  }
0xcb: {  	s17 =	sadd.s32 @!p1 $0x280, s26;
	s26 =	simm.s32 @!p1 $0xA400  }
0xcc: {  	[tilespmem:s26], [sflag:$0x1] =	stream.indirect.gather @!p1 [hbm4b:s4+s28], $0x80, s17, s28, $0xb8;
	[tilespmem:$0x1EC00] =	vst v63  }
0xcd: {  	s26 =	sadd.s32 s5, s25  }
0xce: {  	s25 =	sshll.u32 s26, $0x3  }
0xcf: {  	s17 =	sand.u32 $0x7C, s26;
	s25 =	sand.u32 $0x3FFC00, s25  }
0xd0: {  	s17 =	sor.u32 s17, s25  }
0xd1: {  	s25 =	sshll.u32 s17, $0x7  }
0xd2: {  	s17 =	sadd.s32 s2, s25  }
0xd3: {  	[hbm4b:s17+s3] =	stream.linear.scatter [tilespmem:s22], [sflag:$0x3], $0x80, $0x38;
	[tilespmem:$0x1EC00] =	vst v63  }
0xd4: {  	s28 =	simm.s32 $0x16488;
	s29 =	sadd.s32 $0x10, s17  }
0xd5: {  	[hbm4b:s29+s3] =	stream.linear.scatter [tilespmem:s28], [sflag:$0x3], $0x80, $0x38;
	[tilespmem:$0x1EC00] =	vst v63  }
0xd6: {  	s30 =	sadd.s32 $0x20, s17;
	s28 =	simm.s32 $0x16510  }
0xd7: {  	[hbm4b:s30+s3] =	stream.linear.scatter [tilespmem:s28], [sflag:$0x3], $0x80, $0x38;
	[tilespmem:$0x1EC00] =	vst v63  }
0xd8: {  	s31 =	sadd.s32 $0x30, s17;
	s28 =	simm.s32 $0x16598  }
0xd9: {  	[hbm4b:s31+s3] =	stream.linear.scatter [tilespmem:s28], [sflag:$0x3], $0x80, $0x38;
	[tilespmem:$0x1EC00] =	vst v63  }
0xda: {  	s29 =	sadd.s32 $0x40, s17;
	s28 =	simm.s32 $0x16620  }
0xdb: {  	[hbm4b:s29+s3] =	stream.linear.scatter [tilespmem:s28], [sflag:$0x3], $0x80, $0x38;
	[tilespmem:$0x1EC00] =	vst v63  }
0xdc: {  	s30 =	sadd.s32 $0x50, s17;
	s28 =	simm.s32 $0x166A8  }
0xdd: {  	[hbm4b:s30+s3] =	stream.linear.scatter [tilespmem:s28], [sflag:$0x3], $0x80, $0x38;
	[tilespmem:$0x1EC00] =	vst v63  }
0xde: {  	s31 =	sadd.s32 $0x60, s17;
	s28 =	simm.s32 $0x16730  }
0xdf: {  	[hbm4b:s31+s3] =	stream.linear.scatter [tilespmem:s28], [sflag:$0x3], $0x80, $0x38;
	[tilespmem:$0x1EC00] =	vst v63  }
0xe0: {  	s29 =	sadd.s32 $0x70, s17;
	s28 =	simm.s32 $0x167B8  }
0xe1: {  	[hbm4b:s29+s3] =	stream.linear.scatter [tilespmem:s28], [sflag:$0x3], $0x80, $0x38;
	[tilespmem:$0x1EC00] =	vst v63  }
0xe2: {  	s30 =	sadd.s32 $0x80, s17;
	s28 =	simm.s32 $0x16840  }
0xe3: {  	[hbm4b:s30+s3] =	stream.linear.scatter [tilespmem:s28], [sflag:$0x3], $0x80, $0x38;
	[tilespmem:$0x1EC00] =	vst v63  }
0xe4: {  	s31 =	sadd.s32 $0x90, s17;
	s28 =	simm.s32 $0x168C8  }
0xe5: {  	[hbm4b:s31+s3] =	stream.linear.scatter [tilespmem:s28], [sflag:$0x3], $0x80, $0x38;
	[tilespmem:$0x1EC00] =	vst v63  }
0xe6: {  	s29 =	sadd.s32 $0xA0, s17;
	s28 =	simm.s32 $0x16950  }
0xe7: {  	[hbm4b:s29+s3] =	stream.linear.scatter [tilespmem:s28], [sflag:$0x3], $0x80, $0x38;
	[tilespmem:$0x1EC00] =	vst v63  }
0xe8: {  	s30 =	sadd.s32 $0xB0, s17;
	s28 =	simm.s32 $0x169D8  }
0xe9: {  	[hbm4b:s30+s3] =	stream.linear.scatter [tilespmem:s28], [sflag:$0x3], $0x80, $0x38;
	[tilespmem:$0x1EC00] =	vst v63  }
0xea: {  	s31 =	sadd.s32 $0xC0, s17;
	s28 =	simm.s32 $0x16A60  }
0xeb: {  	[hbm4b:s31+s3] =	stream.linear.scatter [tilespmem:s28], [sflag:$0x3], $0x80, $0x38;
	[tilespmem:$0x1EC00] =	vst v63  }
0xec: {  	s29 =	sadd.s32 $0xD0, s17;
	s28 =	simm.s32 $0x16AE8  }
0xed: {  	[hbm4b:s29+s3] =	stream.linear.scatter [tilespmem:s28], [sflag:$0x3], $0x80, $0x38;
	[tilespmem:$0x1EC00] =	vst v63  }
0xee: {  	s30 =	sadd.s32 $0xE0, s17;
	s28 =	simm.s32 $0x16B70  }
0xef: {  	[hbm4b:s30+s3] =	stream.linear.scatter [tilespmem:s28], [sflag:$0x3], $0x80, $0x38;
	[tilespmem:$0x1EC00] =	vst v63  }
0xf0: {  	s17 =	sadd.s32 $0xF0, s17;
	s31 =	simm.s32 $0x16BF8  }
0xf1: {  	[hbm4b:s17+s3] =	stream.linear.scatter [tilespmem:s31], [sflag:$0x3], $0x80, $0x38;
	[tilespmem:$0x1EC00] =	vst v63  }
0xf2: {  	s29 =	simm.s32 $0x16C80;
	s17 =	sadd.s32 s25, s7  }
0xf3: {  	[hbm4b:s17+s3] =	stream.linear.scatter [tilespmem:s29], [sflag:$0x3], $0x80, $0x38;
	[tilespmem:$0x1EC00] =	vst v63  }
0xf4: {  	s28 =	simm.s32 $0x16D08;
	s30 =	sadd.s32 $0x10, s17  }
0xf5: {  	[hbm4b:s30+s3] =	stream.linear.scatter [tilespmem:s28], [sflag:$0x3], $0x80, $0x38;
	[tilespmem:$0x1EC00] =	vst v63  }
0xf6: {  	s31 =	sadd.s32 $0x20, s17;
	s28 =	simm.s32 $0x16D90  }
0xf7: {  	[hbm4b:s31+s3] =	stream.linear.scatter [tilespmem:s28], [sflag:$0x3], $0x80, $0x38;
	[tilespmem:$0x1EC00] =	vst v63  }
0xf8: {  	s29 =	sadd.s32 $0x30, s17;
	s28 =	simm.s32 $0x16E18  }
0xf9: {  	[hbm4b:s29+s3] =	stream.linear.scatter [tilespmem:s28], [sflag:$0x3], $0x80, $0x38;
	[tilespmem:$0x1EC00] =	vst v63  }
0xfa: {  	s30 =	sadd.s32 $0x40, s17;
	s28 =	simm.s32 $0x16EA0  }
0xfb: {  	[hbm4b:s30+s3] =	stream.linear.scatter [tilespmem:s28], [sflag:$0x3], $0x80, $0x38;
	[tilespmem:$0x1EC00] =	vst v63  }
0xfc: {  	s31 =	sadd.s32 $0x50, s17;
	s28 =	simm.s32 $0x16F28  }
0xfd: {  	[hbm4b:s31+s3] =	stream.linear.scatter [tilespmem:s28], [sflag:$0x3], $0x80, $0x38;
	[tilespmem:$0x1EC00] =	vst v63  }
0xfe: {  	s29 =	sadd.s32 $0x60, s17;
	s28 =	simm.s32 $0x16FB0  }
0xff: {  	[hbm4b:s29+s3] =	stream.linear.scatter [tilespmem:s28], [sflag:$0x3], $0x80, $0x38;
	[tilespmem:$0x1EC00] =	vst v63  }
0x100: {  	s30 =	sadd.s32 $0x70, s17;
	s28 =	simm.s32 $0x17038  }
0x101: {  	[hbm4b:s30+s3] =	stream.linear.scatter [tilespmem:s28], [sflag:$0x3], $0x80, $0x38;
	[tilespmem:$0x1EC00] =	vst v63  }
0x102: {  	s31 =	sadd.s32 $0x80, s17;
	s28 =	simm.s32 $0x170C0  }
0x103: {  	[hbm4b:s31+s3] =	stream.linear.scatter [tilespmem:s28], [sflag:$0x3], $0x80, $0x38;
	[tilespmem:$0x1EC00] =	vst v63  }
0x104: {  	s29 =	sadd.s32 $0x90, s17;
	s28 =	simm.s32 $0x17148  }
0x105: {  	[hbm4b:s29+s3] =	stream.linear.scatter [tilespmem:s28], [sflag:$0x3], $0x80, $0x38;
	[tilespmem:$0x1EC00] =	vst v63  }
0x106: {  	s30 =	sadd.s32 $0xA0, s17;
	s28 =	simm.s32 $0x171D0  }
0x107: {  	[hbm4b:s30+s3] =	stream.linear.scatter [tilespmem:s28], [sflag:$0x3], $0x80, $0x38;
	[tilespmem:$0x1EC00] =	vst v63  }
0x108: {  	s31 =	sadd.s32 $0xB0, s17;
	s28 =	simm.s32 $0x17258  }
0x109: {  	[hbm4b:s31+s3] =	stream.linear.scatter [tilespmem:s28], [sflag:$0x3], $0x80, $0x38;
	[tilespmem:$0x1EC00] =	vst v63  }
0x10a: {  	s29 =	sadd.s32 $0xC0, s17;
	s28 =	simm.s32 $0x172E0  }
0x10b: {  	[hbm4b:s29+s3] =	stream.linear.scatter [tilespmem:s28], [sflag:$0x3], $0x80, $0x38;
	[tilespmem:$0x1EC00] =	vst v63  }
0x10c: {  	s30 =	sadd.s32 $0xD0, s17;
	s28 =	simm.s32 $0x17368  }
0x10d: {  	[hbm4b:s30+s3] =	stream.linear.scatter [tilespmem:s28], [sflag:$0x3], $0x80, $0x38;
	[tilespmem:$0x1EC00] =	vst v63  }
0x10e: {  	s31 =	sadd.s32 $0xE0, s17;
	s28 =	simm.s32 $0x173F0  }
0x10f: {  	[hbm4b:s31+s3] =	stream.linear.scatter [tilespmem:s28], [sflag:$0x3], $0x80, $0x38;
	[tilespmem:$0x1EC00] =	vst v63  }
0x110: {  	s17 =	sadd.s32 $0xF0, s17;
	s29 =	simm.s32 $0x17478  }
0x111: {  	[hbm4b:s17+s3] =	stream.linear.scatter [tilespmem:s29], [sflag:$0x3], $0x80, $0x38;
	[tilespmem:$0x1EC00] =	vst v63  }
0x112: {  	s30 =	simm.s32 $0x17500;
	s17 =	sadd.s32 s25, s8  }
0x113: {  	[hbm4b:s17+s3] =	stream.linear.scatter [tilespmem:s30], [sflag:$0x3], $0x80, $0x38;
	[tilespmem:$0x1EC00] =	vst v63  }
0x114: {  	s28 =	simm.s32 $0x17588;
	s31 =	sadd.s32 $0x10, s17  }
0x115: {  	[hbm4b:s31+s3] =	stream.linear.scatter [tilespmem:s28], [sflag:$0x3], $0x80, $0x38;
	[tilespmem:$0x1EC00] =	vst v63  }
0x116: {  	s29 =	sadd.s32 $0x20, s17;
	s28 =	simm.s32 $0x17610  }
0x117: {  	[hbm4b:s29+s3] =	stream.linear.scatter [tilespmem:s28], [sflag:$0x3], $0x80, $0x38;
	[tilespmem:$0x1EC00] =	vst v63  }
0x118: {  	s30 =	sadd.s32 $0x30, s17;
	s28 =	simm.s32 $0x17698  }
0x119: {  	[hbm4b:s30+s3] =	stream.linear.scatter [tilespmem:s28], [sflag:$0x3], $0x80, $0x38;
	[tilespmem:$0x1EC00] =	vst v63  }
0x11a: {  	s31 =	sadd.s32 $0x40, s17;
	s28 =	simm.s32 $0x17720  }
0x11b: {  	[hbm4b:s31+s3] =	stream.linear.scatter [tilespmem:s28], [sflag:$0x3], $0x80, $0x38;
	[tilespmem:$0x1EC00] =	vst v63  }
0x11c: {  	s29 =	sadd.s32 $0x50, s17;
	s28 =	simm.s32 $0x177A8  }
0x11d: {  	[hbm4b:s29+s3] =	stream.linear.scatter [tilespmem:s28], [sflag:$0x3], $0x80, $0x38;
	[tilespmem:$0x1EC00] =	vst v63  }
0x11e: {  	s30 =	sadd.s32 $0x60, s17;
	s28 =	simm.s32 $0x17830  }
0x11f: {  	[hbm4b:s30+s3] =	stream.linear.scatter [tilespmem:s28], [sflag:$0x3], $0x80, $0x38;
	[tilespmem:$0x1EC00] =	vst v63  }
0x120: {  	s31 =	sadd.s32 $0x70, s17;
	s28 =	simm.s32 $0x178B8  }
0x121: {  	[hbm4b:s31+s3] =	stream.linear.scatter [tilespmem:s28], [sflag:$0x3], $0x80, $0x38;
	[tilespmem:$0x1EC00] =	vst v63  }
0x122: {  	s29 =	sadd.s32 $0x80, s17;
	s28 =	simm.s32 $0x17940  }
0x123: {  	[hbm4b:s29+s3] =	stream.linear.scatter [tilespmem:s28], [sflag:$0x3], $0x80, $0x38;
	[tilespmem:$0x1EC00] =	vst v63  }
0x124: {  	s30 =	sadd.s32 $0x90, s17;
	s28 =	simm.s32 $0x179C8  }
0x125: {  	[hbm4b:s30+s3] =	stream.linear.scatter [tilespmem:s28], [sflag:$0x3], $0x80, $0x38;
	[tilespmem:$0x1EC00] =	vst v63  }
0x126: {  	s31 =	sadd.s32 $0xA0, s17;
	s28 =	simm.s32 $0x17A50  }
0x127: {  	[hbm4b:s31+s3] =	stream.linear.scatter [tilespmem:s28], [sflag:$0x3], $0x80, $0x38;
	[tilespmem:$0x1EC00] =	vst v63  }
0x128: {  	s29 =	sadd.s32 $0xB0, s17;
	s28 =	simm.s32 $0x17AD8  }
0x129: {  	[hbm4b:s29+s3] =	stream.linear.scatter [tilespmem:s28], [sflag:$0x3], $0x80, $0x38;
	[tilespmem:$0x1EC00] =	vst v63  }
0x12a: {  	s30 =	sadd.s32 $0xC0, s17;
	s28 =	simm.s32 $0x17B60  }
0x12b: {  	[hbm4b:s30+s3] =	stream.linear.scatter [tilespmem:s28], [sflag:$0x3], $0x80, $0x38;
	[tilespmem:$0x1EC00] =	vst v63  }
0x12c: {  	s31 =	sadd.s32 $0xD0, s17;
	s28 =	simm.s32 $0x17BE8  }
0x12d: {  	[hbm4b:s31+s3] =	stream.linear.scatter [tilespmem:s28], [sflag:$0x3], $0x80, $0x38;
	[tilespmem:$0x1EC00] =	vst v63  }
0x12e: {  	s29 =	sadd.s32 $0xE0, s17;
	s28 =	simm.s32 $0x17C70  }
0x12f: {  	[hbm4b:s29+s3] =	stream.linear.scatter [tilespmem:s28], [sflag:$0x3], $0x80, $0x38;
	[tilespmem:$0x1EC00] =	vst v63  }
0x130: {  	s17 =	sadd.s32 $0xF0, s17;
	s30 =	simm.s32 $0x17CF8  }
0x131: {  	[hbm4b:s17+s3] =	stream.linear.scatter [tilespmem:s30], [sflag:$0x3], $0x80, $0x38;
	[tilespmem:$0x1EC00] =	vst v63  }
0x132: {  	s31 =	simm.s32 $0x17D80;
	s17 =	sadd.s32 s25, s9  }
0x133: {  	[hbm4b:s17+s3] =	stream.linear.scatter [tilespmem:s31], [sflag:$0x3], $0x80, $0x38;
	[tilespmem:$0x1EC00] =	vst v63  }
0x134: {  	s28 =	simm.s32 $0x17E08;
	s29 =	sadd.s32 $0x10, s17  }
0x135: {  	[hbm4b:s29+s3] =	stream.linear.scatter [tilespmem:s28], [sflag:$0x3], $0x80, $0x38;
	[tilespmem:$0x1EC00] =	vst v63  }
0x136: {  	s30 =	sadd.s32 $0x20, s17;
	s28 =	simm.s32 $0x17E90  }
0x137: {  	[hbm4b:s30+s3] =	stream.linear.scatter [tilespmem:s28], [sflag:$0x3], $0x80, $0x38;
	[tilespmem:$0x1EC00] =	vst v63  }
0x138: {  	s31 =	sadd.s32 $0x30, s17;
	s28 =	simm.s32 $0x17F18  }
0x139: {  	[hbm4b:s31+s3] =	stream.linear.scatter [tilespmem:s28], [sflag:$0x3], $0x80, $0x38;
	[tilespmem:$0x1EC00] =	vst v63  }
0x13a: {  	s29 =	sadd.s32 $0x40, s17;
	s28 =	simm.s32 $0x17FA0  }
0x13b: {  	[hbm4b:s29+s3] =	stream.linear.scatter [tilespmem:s28], [sflag:$0x3], $0x80, $0x38;
	[tilespmem:$0x1EC00] =	vst v63  }
0x13c: {  	s30 =	sadd.s32 $0x50, s17;
	s28 =	simm.s32 $0x18028  }
0x13d: {  	[hbm4b:s30+s3] =	stream.linear.scatter [tilespmem:s28], [sflag:$0x3], $0x80, $0x38;
	[tilespmem:$0x1EC00] =	vst v63  }
0x13e: {  	s31 =	sadd.s32 $0x60, s17;
	s28 =	simm.s32 $0x180B0  }
0x13f: {  	[hbm4b:s31+s3] =	stream.linear.scatter [tilespmem:s28], [sflag:$0x3], $0x80, $0x38;
	[tilespmem:$0x1EC00] =	vst v63  }
0x140: {  	s29 =	sadd.s32 $0x70, s17;
	s28 =	simm.s32 $0x18138  }
0x141: {  	[hbm4b:s29+s3] =	stream.linear.scatter [tilespmem:s28], [sflag:$0x3], $0x80, $0x38;
	[tilespmem:$0x1EC00] =	vst v63  }
0x142: {  	s30 =	sadd.s32 $0x80, s17;
	s28 =	simm.s32 $0x181C0  }
0x143: {  	[hbm4b:s30+s3] =	stream.linear.scatter [tilespmem:s28], [sflag:$0x3], $0x80, $0x38;
	[tilespmem:$0x1EC00] =	vst v63  }
0x144: {  	s31 =	sadd.s32 $0x90, s17;
	s28 =	simm.s32 $0x18248  }
0x145: {  	[hbm4b:s31+s3] =	stream.linear.scatter [tilespmem:s28], [sflag:$0x3], $0x80, $0x38;
	[tilespmem:$0x1EC00] =	vst v63  }
0x146: {  	s29 =	sadd.s32 $0xA0, s17;
	s28 =	simm.s32 $0x182D0  }
0x147: {  	[hbm4b:s29+s3] =	stream.linear.scatter [tilespmem:s28], [sflag:$0x3], $0x80, $0x38;
	[tilespmem:$0x1EC00] =	vst v63  }
0x148: {  	s30 =	sadd.s32 $0xB0, s17;
	s28 =	simm.s32 $0x18358  }
0x149: {  	[hbm4b:s30+s3] =	stream.linear.scatter [tilespmem:s28], [sflag:$0x3], $0x80, $0x38;
	[tilespmem:$0x1EC00] =	vst v63  }
0x14a: {  	s31 =	sadd.s32 $0xC0, s17;
	s28 =	simm.s32 $0x183E0  }
0x14b: {  	[hbm4b:s31+s3] =	stream.linear.scatter [tilespmem:s28], [sflag:$0x3], $0x80, $0x38;
	[tilespmem:$0x1EC00] =	vst v63  }
0x14c: {  	s29 =	sadd.s32 $0xD0, s17;
	s28 =	simm.s32 $0x18468  }
0x14d: {  	[hbm4b:s29+s3] =	stream.linear.scatter [tilespmem:s28], [sflag:$0x3], $0x80, $0x38;
	[tilespmem:$0x1EC00] =	vst v63  }
0x14e: {  	s30 =	sadd.s32 $0xE0, s17;
	s28 =	simm.s32 $0x184F0  }
0x14f: {  	[hbm4b:s30+s3] =	stream.linear.scatter [tilespmem:s28], [sflag:$0x3], $0x80, $0x38;
	[tilespmem:$0x1EC00] =	vst v63  }
0x150: {  	s17 =	sadd.s32 $0xF0, s17;
	s31 =	simm.s32 $0x18578  }
0x151: {  	[hbm4b:s17+s3] =	stream.linear.scatter [tilespmem:s31], [sflag:$0x3], $0x80, $0x38;
	[tilespmem:$0x1EC00] =	vst v63  }
0x152: {  	s29 =	simm.s32 $0x18600;
	s17 =	sadd.s32 s25, s10  }
0x153: {  	[hbm4b:s17+s3] =	stream.linear.scatter [tilespmem:s29], [sflag:$0x3], $0x80, $0x38;
	[tilespmem:$0x1EC00] =	vst v63  }
0x154: {  	s28 =	simm.s32 $0x18688;
	s30 =	sadd.s32 $0x10, s17  }
0x155: {  	[hbm4b:s30+s3] =	stream.linear.scatter [tilespmem:s28], [sflag:$0x3], $0x80, $0x38;
	[tilespmem:$0x1EC00] =	vst v63  }
0x156: {  	s31 =	sadd.s32 $0x20, s17;
	s28 =	simm.s32 $0x18710  }
0x157: {  	[hbm4b:s31+s3] =	stream.linear.scatter [tilespmem:s28], [sflag:$0x3], $0x80, $0x38;
	[tilespmem:$0x1EC00] =	vst v63  }
0x158: {  	s29 =	sadd.s32 $0x30, s17;
	s28 =	simm.s32 $0x18798  }
0x159: {  	[hbm4b:s29+s3] =	stream.linear.scatter [tilespmem:s28], [sflag:$0x3], $0x80, $0x38;
	[tilespmem:$0x1EC00] =	vst v63  }
0x15a: {  	s30 =	sadd.s32 $0x40, s17;
	s28 =	simm.s32 $0x18820  }
0x15b: {  	[hbm4b:s30+s3] =	stream.linear.scatter [tilespmem:s28], [sflag:$0x3], $0x80, $0x38;
	[tilespmem:$0x1EC00] =	vst v63  }
0x15c: {  	s31 =	sadd.s32 $0x50, s17;
	s28 =	simm.s32 $0x188A8  }
0x15d: {  	[hbm4b:s31+s3] =	stream.linear.scatter [tilespmem:s28], [sflag:$0x3], $0x80, $0x38;
	[tilespmem:$0x1EC00] =	vst v63  }
0x15e: {  	s29 =	sadd.s32 $0x60, s17;
	s28 =	simm.s32 $0x18930  }
0x15f: {  	[hbm4b:s29+s3] =	stream.linear.scatter [tilespmem:s28], [sflag:$0x3], $0x80, $0x38;
	[tilespmem:$0x1EC00] =	vst v63  }
0x160: {  	s30 =	sadd.s32 $0x70, s17;
	s28 =	simm.s32 $0x189B8  }
0x161: {  	[hbm4b:s30+s3] =	stream.linear.scatter [tilespmem:s28], [sflag:$0x3], $0x80, $0x38;
	[tilespmem:$0x1EC00] =	vst v63  }
0x162: {  	s31 =	sadd.s32 $0x80, s17;
	s28 =	simm.s32 $0x18A40  }
0x163: {  	[hbm4b:s31+s3] =	stream.linear.scatter [tilespmem:s28], [sflag:$0x3], $0x80, $0x38;
	[tilespmem:$0x1EC00] =	vst v63  }
0x164: {  	s29 =	sadd.s32 $0x90, s17;
	s28 =	simm.s32 $0x18AC8  }
0x165: {  	[hbm4b:s29+s3] =	stream.linear.scatter [tilespmem:s28], [sflag:$0x3], $0x80, $0x38;
	[tilespmem:$0x1EC00] =	vst v63  }
0x166: {  	s30 =	sadd.s32 $0xA0, s17;
	s28 =	simm.s32 $0x18B50  }
0x167: {  	[hbm4b:s30+s3] =	stream.linear.scatter [tilespmem:s28], [sflag:$0x3], $0x80, $0x38;
	[tilespmem:$0x1EC00] =	vst v63  }
0x168: {  	s31 =	sadd.s32 $0xB0, s17;
	s28 =	simm.s32 $0x18BD8  }
0x169: {  	[hbm4b:s31+s3] =	stream.linear.scatter [tilespmem:s28], [sflag:$0x3], $0x80, $0x38;
	[tilespmem:$0x1EC00] =	vst v63  }
0x16a: {  	s29 =	sadd.s32 $0xC0, s17;
	s28 =	simm.s32 $0x18C60  }
0x16b: {  	[hbm4b:s29+s3] =	stream.linear.scatter [tilespmem:s28], [sflag:$0x3], $0x80, $0x38;
	[tilespmem:$0x1EC00] =	vst v63  }
0x16c: {  	s30 =	sadd.s32 $0xD0, s17;
	s28 =	simm.s32 $0x18CE8  }
0x16d: {  	[hbm4b:s30+s3] =	stream.linear.scatter [tilespmem:s28], [sflag:$0x3], $0x80, $0x38;
	[tilespmem:$0x1EC00] =	vst v63  }
0x16e: {  	s31 =	sadd.s32 $0xE0, s17;
	s28 =	simm.s32 $0x18D70  }
0x16f: {  	[hbm4b:s31+s3] =	stream.linear.scatter [tilespmem:s28], [sflag:$0x3], $0x80, $0x38;
	[tilespmem:$0x1EC00] =	vst v63  }
0x170: {  	s17 =	sadd.s32 $0xF0, s17;
	s29 =	simm.s32 $0x18DF8  }
0x171: {  	[hbm4b:s17+s3] =	stream.linear.scatter [tilespmem:s29], [sflag:$0x3], $0x80, $0x38;
	[tilespmem:$0x1EC00] =	vst v63  }
0x172: {  	s30 =	simm.s32 $0x18E80;
	s17 =	sadd.s32 s25, s11  }
0x173: {  	[hbm4b:s17+s3] =	stream.linear.scatter [tilespmem:s30], [sflag:$0x3], $0x80, $0x38;
	[tilespmem:$0x1EC00] =	vst v63  }
0x174: {  	s28 =	simm.s32 $0x18F08;
	s31 =	sadd.s32 $0x10, s17  }
0x175: {  	[hbm4b:s31+s3] =	stream.linear.scatter [tilespmem:s28], [sflag:$0x3], $0x80, $0x38;
	[tilespmem:$0x1EC00] =	vst v63  }
0x176: {  	s29 =	sadd.s32 $0x20, s17;
	s28 =	simm.s32 $0x18F90  }
0x177: {  	[hbm4b:s29+s3] =	stream.linear.scatter [tilespmem:s28], [sflag:$0x3], $0x80, $0x38;
	[tilespmem:$0x1EC00] =	vst v63  }
0x178: {  	s30 =	sadd.s32 $0x30, s17;
	s28 =	simm.s32 $0x19018  }
0x179: {  	[hbm4b:s30+s3] =	stream.linear.scatter [tilespmem:s28], [sflag:$0x3], $0x80, $0x38;
	[tilespmem:$0x1EC00] =	vst v63  }
0x17a: {  	s31 =	sadd.s32 $0x40, s17;
	s28 =	simm.s32 $0x190A0  }
0x17b: {  	[hbm4b:s31+s3] =	stream.linear.scatter [tilespmem:s28], [sflag:$0x3], $0x80, $0x38;
	[tilespmem:$0x1EC00] =	vst v63  }
0x17c: {  	s29 =	sadd.s32 $0x50, s17;
	s28 =	simm.s32 $0x19128  }
0x17d: {  	[hbm4b:s29+s3] =	stream.linear.scatter [tilespmem:s28], [sflag:$0x3], $0x80, $0x38;
	[tilespmem:$0x1EC00] =	vst v63  }
0x17e: {  	s30 =	sadd.s32 $0x60, s17;
	s28 =	simm.s32 $0x191B0  }
0x17f: {  	[hbm4b:s30+s3] =	stream.linear.scatter [tilespmem:s28], [sflag:$0x3], $0x80, $0x38;
	[tilespmem:$0x1EC00] =	vst v63  }
0x180: {  	s31 =	sadd.s32 $0x70, s17;
	s28 =	simm.s32 $0x19238  }
0x181: {  	[hbm4b:s31+s3] =	stream.linear.scatter [tilespmem:s28], [sflag:$0x3], $0x80, $0x38;
	[tilespmem:$0x1EC00] =	vst v63  }
0x182: {  	s29 =	sadd.s32 $0x80, s17;
	s28 =	simm.s32 $0x192C0  }
0x183: {  	[hbm4b:s29+s3] =	stream.linear.scatter [tilespmem:s28], [sflag:$0x3], $0x80, $0x38;
	[tilespmem:$0x1EC00] =	vst v63  }
0x184: {  	s30 =	sadd.s32 $0x90, s17;
	s28 =	simm.s32 $0x19348  }
0x185: {  	[hbm4b:s30+s3] =	stream.linear.scatter [tilespmem:s28], [sflag:$0x3], $0x80, $0x38;
	[tilespmem:$0x1EC00] =	vst v63  }
0x186: {  	s31 =	sadd.s32 $0xA0, s17;
	s28 =	simm.s32 $0x193D0  }
0x187: {  	[hbm4b:s31+s3] =	stream.linear.scatter [tilespmem:s28], [sflag:$0x3], $0x80, $0x38;
	[tilespmem:$0x1EC00] =	vst v63  }
0x188: {  	s29 =	sadd.s32 $0xB0, s17;
	s28 =	simm.s32 $0x19458  }
0x189: {  	[hbm4b:s29+s3] =	stream.linear.scatter [tilespmem:s28], [sflag:$0x3], $0x80, $0x38;
	[tilespmem:$0x1EC00] =	vst v63  }
0x18a: {  	s30 =	sadd.s32 $0xC0, s17;
	s28 =	simm.s32 $0x194E0  }
0x18b: {  	[hbm4b:s30+s3] =	stream.linear.scatter [tilespmem:s28], [sflag:$0x3], $0x80, $0x38;
	[tilespmem:$0x1EC00] =	vst v63  }
0x18c: {  	s31 =	sadd.s32 $0xD0, s17;
	s28 =	simm.s32 $0x19568  }
0x18d: {  	[hbm4b:s31+s3] =	stream.linear.scatter [tilespmem:s28], [sflag:$0x3], $0x80, $0x38;
	[tilespmem:$0x1EC00] =	vst v63  }
0x18e: {  	s29 =	sadd.s32 $0xE0, s17;
	s28 =	simm.s32 $0x195F0  }
0x18f: {  	[hbm4b:s29+s3] =	stream.linear.scatter [tilespmem:s28], [sflag:$0x3], $0x80, $0x38;
	[tilespmem:$0x1EC00] =	vst v63  }
0x190: {  	s17 =	sadd.s32 $0xF0, s17;
	s30 =	simm.s32 $0x19678  }
0x191: {  	[hbm4b:s17+s3] =	stream.linear.scatter [tilespmem:s30], [sflag:$0x3], $0x80, $0x38;
	[tilespmem:$0x1EC00] =	vst v63  }
0x192: {  	s31 =	simm.s32 $0x19700;
	s17 =	sadd.s32 s25, s12  }
0x193: {  	[hbm4b:s17+s3] =	stream.linear.scatter [tilespmem:s31], [sflag:$0x3], $0x80, $0x38;
	[tilespmem:$0x1EC00] =	vst v63  }
0x194: {  	s28 =	simm.s32 $0x19788;
	s29 =	sadd.s32 $0x10, s17  }
0x195: {  	[hbm4b:s29+s3] =	stream.linear.scatter [tilespmem:s28], [sflag:$0x3], $0x80, $0x38;
	[tilespmem:$0x1EC00] =	vst v63  }
0x196: {  	s30 =	sadd.s32 $0x20, s17;
	s28 =	simm.s32 $0x19810  }
0x197: {  	[hbm4b:s30+s3] =	stream.linear.scatter [tilespmem:s28], [sflag:$0x3], $0x80, $0x38;
	[tilespmem:$0x1EC00] =	vst v63  }
0x198: {  	s31 =	sadd.s32 $0x30, s17;
	s28 =	simm.s32 $0x19898  }
0x199: {  	[hbm4b:s31+s3] =	stream.linear.scatter [tilespmem:s28], [sflag:$0x3], $0x80, $0x38;
	[tilespmem:$0x1EC00] =	vst v63  }
0x19a: {  	s29 =	sadd.s32 $0x40, s17;
	s28 =	simm.s32 $0x19920  }
0x19b: {  	[hbm4b:s29+s3] =	stream.linear.scatter [tilespmem:s28], [sflag:$0x3], $0x80, $0x38;
	[tilespmem:$0x1EC00] =	vst v63  }
0x19c: {  	s30 =	sadd.s32 $0x50, s17;
	s28 =	simm.s32 $0x199A8  }
0x19d: {  	[hbm4b:s30+s3] =	stream.linear.scatter [tilespmem:s28], [sflag:$0x3], $0x80, $0x38;
	[tilespmem:$0x1EC00] =	vst v63  }
0x19e: {  	s31 =	sadd.s32 $0x60, s17;
	s28 =	simm.s32 $0x19A30  }
0x19f: {  	[hbm4b:s31+s3] =	stream.linear.scatter [tilespmem:s28], [sflag:$0x3], $0x80, $0x38;
	[tilespmem:$0x1EC00] =	vst v63  }
0x1a0: {  	s29 =	sadd.s32 $0x70, s17;
	s28 =	simm.s32 $0x19AB8  }
0x1a1: {  	[hbm4b:s29+s3] =	stream.linear.scatter [tilespmem:s28], [sflag:$0x3], $0x80, $0x38;
	[tilespmem:$0x1EC00] =	vst v63  }
0x1a2: {  	s30 =	sadd.s32 $0x80, s17;
	s28 =	simm.s32 $0x19B40  }
0x1a3: {  	[hbm4b:s30+s3] =	stream.linear.scatter [tilespmem:s28], [sflag:$0x3], $0x80, $0x38;
	[tilespmem:$0x1EC00] =	vst v63  }
0x1a4: {  	s31 =	sadd.s32 $0x90, s17;
	s28 =	simm.s32 $0x19BC8  }
0x1a5: {  	[hbm4b:s31+s3] =	stream.linear.scatter [tilespmem:s28], [sflag:$0x3], $0x80, $0x38;
	[tilespmem:$0x1EC00] =	vst v63  }
0x1a6: {  	s29 =	sadd.s32 $0xA0, s17;
	s28 =	simm.s32 $0x19C50  }
0x1a7: {  	[hbm4b:s29+s3] =	stream.linear.scatter [tilespmem:s28], [sflag:$0x3], $0x80, $0x38;
	[tilespmem:$0x1EC00] =	vst v63  }
0x1a8: {  	s30 =	sadd.s32 $0xB0, s17;
	s28 =	simm.s32 $0x19CD8  }
0x1a9: {  	[hbm4b:s30+s3] =	stream.linear.scatter [tilespmem:s28], [sflag:$0x3], $0x80, $0x38;
	[tilespmem:$0x1EC00] =	vst v63  }
0x1aa: {  	s31 =	sadd.s32 $0xC0, s17;
	s28 =	simm.s32 $0x19D60  }
0x1ab: {  	[hbm4b:s31+s3] =	stream.linear.scatter [tilespmem:s28], [sflag:$0x3], $0x80, $0x38;
	[tilespmem:$0x1EC00] =	vst v63  }
0x1ac: {  	s29 =	sadd.s32 $0xD0, s17;
	s28 =	simm.s32 $0x19DE8  }
0x1ad: {  	[hbm4b:s29+s3] =	stream.linear.scatter [tilespmem:s28], [sflag:$0x3], $0x80, $0x38;
	[tilespmem:$0x1EC00] =	vst v63  }
0x1ae: {  	s30 =	sadd.s32 $0xE0, s17;
	s28 =	simm.s32 $0x19E70  }
0x1af: {  	[hbm4b:s30+s3] =	stream.linear.scatter [tilespmem:s28], [sflag:$0x3], $0x80, $0x38;
	[tilespmem:$0x1EC00] =	vst v63  }
0x1b0: {  	s17 =	sadd.s32 $0xF0, s17;
	s31 =	simm.s32 $0x19EF8  }
0x1b1: {  	[hbm4b:s17+s3] =	stream.linear.scatter [tilespmem:s31], [sflag:$0x3], $0x80, $0x38;
	[tilespmem:$0x1EC00] =	vst v63  }
0x1b2: {  	s29 =	simm.s32 $0x19F80;
	s17 =	sadd.s32 s25, s13  }
0x1b3: {  	[hbm4b:s17+s3] =	stream.linear.scatter [tilespmem:s29], [sflag:$0x3], $0x80, $0x38;
	[tilespmem:$0x1EC00] =	vst v63  }
0x1b4: {  	s31 =	simm.s32 $0x1A008;
	s30 =	sadd.s32 $0x10, s17  }
0x1b5: {  	[hbm4b:s30+s3] =	stream.linear.scatter [tilespmem:s31], [sflag:$0x3], $0x80, $0x38;
	[tilespmem:$0x1EC00] =	vst v63  }
0x1b6: {  	s26 =	sadd.s32 $0x20, s17;
	s29 =	simm.s32 $0x1A090  }
0x1b7: {  	[hbm4b:s26+s3] =	stream.linear.scatter [tilespmem:s29], [sflag:$0x3], $0x80, $0x38;
	[tilespmem:$0x1EC00] =	vst v63  }
0x1b8: {  	s30 =	sadd.s32 $0x30, s17;
	s31 =	simm.s32 $0x1A118  }
0x1b9: {  	[hbm4b:s30+s3] =	stream.linear.scatter [tilespmem:s31], [sflag:$0x3], $0x80, $0x38;
	[tilespmem:$0x1EC00] =	vst v63  }
0x1ba: {  	s26 =	sadd.s32 $0x40, s17;
	s29 =	simm.s32 $0x1A1A0  }
0x1bb: {  	[hbm4b:s26+s3] =	stream.linear.scatter [tilespmem:s29], [sflag:$0x3], $0x80, $0x38;
	[tilespmem:$0x1EC00] =	vst v63  }
0x1bc: {  	s30 =	sadd.s32 $0x50, s17;
	s31 =	simm.s32 $0x1A228  }
0x1bd: {  	[hbm4b:s30+s3] =	stream.linear.scatter [tilespmem:s31], [sflag:$0x3], $0x80, $0x38;
	[tilespmem:$0x1EC00] =	vst v63  }
0x1be: {  	s26 =	sadd.s32 $0x60, s17;
	s29 =	simm.s32 $0x1A2B0  }
0x1bf: {  	[hbm4b:s26+s3] =	stream.linear.scatter [tilespmem:s29], [sflag:$0x3], $0x80, $0x38;
	[tilespmem:$0x1EC00] =	vst v63  }
0x1c0: {  	s30 =	sadd.s32 $0x70, s17;
	s31 =	simm.s32 $0x1A338  }
0x1c1: {  	[hbm4b:s30+s3] =	stream.linear.scatter [tilespmem:s31], [sflag:$0x3], $0x80, $0x38;
	[tilespmem:$0x1EC00] =	vst v63  }
0x1c2: {  	s26 =	sadd.s32 $0x80, s17;
	s29 =	simm.s32 $0x1A3C0  }
0x1c3: {  	[hbm4b:s26+s3] =	stream.linear.scatter [tilespmem:s29], [sflag:$0x3], $0x80, $0x38;
	[tilespmem:$0x1EC00] =	vst v63  }
0x1c4: {  	s30 =	sadd.s32 $0x90, s17;
	s31 =	simm.s32 $0x1A448  }
0x1c5: {  	[hbm4b:s30+s3] =	stream.linear.scatter [tilespmem:s31], [sflag:$0x3], $0x80, $0x38;
	[tilespmem:$0x1EC00] =	vst v63  }
0x1c6: {  	s26 =	sadd.s32 $0xA0, s17;
	s29 =	simm.s32 $0x1A4D0  }
0x1c7: {  	[hbm4b:s26+s3] =	stream.linear.scatter [tilespmem:s29], [sflag:$0x3], $0x80, $0x38;
	[tilespmem:$0x1EC00] =	vst v63  }
0x1c8: {  	s30 =	sadd.s32 $0xB0, s17;
	s31 =	simm.s32 $0x1A558  }
0x1c9: {  	[hbm4b:s30+s3] =	stream.linear.scatter [tilespmem:s31], [sflag:$0x3], $0x80, $0x38;
	[tilespmem:$0x1EC00] =	vst v63  }
0x1ca: {  	s26 =	sadd.s32 $0xC0, s17;
	s29 =	simm.s32 $0x1A5E0  }
0x1cb: {  	[hbm4b:s26+s3] =	stream.linear.scatter [tilespmem:s29], [sflag:$0x3], $0x80, $0x38;
	[tilespmem:$0x1EC00] =	vst v63  }
0x1cc: {  	s30 =	sadd.s32 $0xD0, s17;
	s31 =	simm.s32 $0x1A668  }
0x1cd: {  	[hbm4b:s30+s3] =	stream.linear.scatter [tilespmem:s31], [sflag:$0x3], $0x80, $0x38;
	[tilespmem:$0x1EC00] =	vst v63  }
0x1ce: {  	s29 =	sadd.s32 $0xE0, s17;
	s30 =	simm.s32 $0x1A6F0  }
0x1cf: {  	[hbm4b:s29+s3] =	stream.linear.scatter [tilespmem:s30], [sflag:$0x3], $0x80, $0x38;
	[tilespmem:$0x1EC00] =	vst v63  }
0x1d0: {  	s17 =	sadd.s32 $0xF0, s17;
	s31 =	simm.s32 $0x1A778  }
0x1d1: {  	[hbm4b:s17+s3] =	stream.linear.scatter [tilespmem:s31], [sflag:$0x3], $0x80, $0x38;
	[tilespmem:$0x1EC00] =	vst v63  }
0x1d2: {  	_ =	swait.ge [sflag:s1], $0x8000  }
0x1d3: {  	[sflag:s1] =	ssyncset.done $0x0  }
0x1d4: {  	s17 =	simm.s32 @!p0 $0x4;
	[sflag:s1] =	ssyncadd.s32 $0xFFFF8000  }
0x1d5: {  	_ =	swait.ge @!p0 [sflag:s17], $0x800  }
0x1d6: {  	[sflag:s17] =	ssyncset.done @!p0 $0x0  }
0x1d7: {  	[sflag:s17] =	ssyncadd.s32 @!p0 $0xFFFFF800  }
0x1d8: {  	_ =	swait.ge @!p0 [sflag:s17], $0x800  }
0x1d9: {  	[sflag:s17] =	ssyncset.done @!p0 $0x0  }
0x1da: {  	[sflag:s17] =	ssyncadd.s32 @!p0 $0xFFFFF800  }
0x1db: {  	_ =	swait.ge @!p0 [sflag:s17], $0x800  }
0x1dc: {  	[sflag:s17] =	ssyncset.done @!p0 $0x0  }
0x1dd: {  	[sflag:s17] =	ssyncadd.s32 @!p0 $0xFFFFF800  }
0x1de: {  	_ =	swait.ge @!p0 [sflag:s17], $0x800  }
0x1df: {  	[sflag:s17] =	ssyncset.done @!p0 $0x0  }
0x1e0: {  	[sflag:s17] =	ssyncadd.s32 @!p0 $0xFFFFF800  }
0x1e1: {  	_ =	swait.ge @!p0 [sflag:s17], $0x800  }
0x1e2: {  	[sflag:s17] =	ssyncset.done @!p0 $0x0  }
0x1e3: {  	[sflag:s17] =	ssyncadd.s32 @!p0 $0xFFFFF800  }
0x1e4: {  	_ =	swait.ge @!p0 [sflag:s17], $0x800  }
0x1e5: {  	[sflag:s17] =	ssyncset.done @!p0 $0x0  }
0x1e6: {  	[sflag:s17] =	ssyncadd.s32 @!p0 $0xFFFFF800  }
0x1e7: {  	_ =	swait.ge @!p0 [sflag:s17], $0x800  }
0x1e8: {  	[sflag:s17] =	ssyncset.done @!p0 $0x0  }
0x1e9: {  	[sflag:s17] =	ssyncadd.s32 @!p0 $0xFFFFF800  }
0x1ea: {  	_ =	swait.ge @!p0 [sflag:s17], $0x800  }
0x1eb: {  	s28 =	simm.s32 $0xE800;
	[sflag:s17] =	ssyncset.done @!p0 $0x0  }
0x1ec: {  	s25 =	simm.s32 $0x0;
	s26 =	simm.s32 $0xF;
	[sflag:s17] =	ssyncadd.s32 @!p0 $0xFFFFF800  }
.LBB2_5:
0x1ed: {  	v2 =	vld [tilespmem:s28+$0x190];
	_ =	sdelay $0x4  }
0x1ee: {  	[tilespmem:$0x1FE20] =	vst v2;
	v2 =	vld [tilespmem:s28+$0x1A0]  }
0x1ef: {  	v13 =	vld [tilespmem:s28+$0xFFFFFC00]  }
0x1f0: {  	v16 =	vld [tilespmem:s28+$0xFFFFFC10]  }
0x1f1: {  	v23 =	vld [tilespmem:s28+$0xFFFFFC20]  }
0x1f2: {  	v26 =	vld [tilespmem:s28+$0xFFFFFC30]  }
0x1f3: {  	[tilespmem:$0x1FE30] =	vst v2;
	v2 =	vld [tilespmem:s28+$0x1B0]  }
0x1f4: {  	v3 =	vld [tilespmem:s28+$0xFFFFFC80]  }
0x1f5: {  	v4 =	vld [tilespmem:s28+$0xFFFFFC90]  }
0x1f6: {  	v5 =	vld [tilespmem:s28+$0xFFFFFCA0]  }
0x1f7: {  	v6 =	vld [tilespmem:s28+$0xFFFFFCB0]  }
0x1f8: {  	[tilespmem:$0x1FE40] =	vst v2;
	v2 =	vld [tilespmem:s28+$0x200]  }
0x1f9: {  	v7 =	vld [tilespmem:s28+$0xFFFFFD00]  }
0x1fa: {  	v63 =	vld [tilespmem:s28+$0xFFFFFD10]  }
0x1fb: {  	v62 =	vld [tilespmem:s28+$0xFFFFFD20]  }
0x1fc: {  	v61 =	vld [tilespmem:s28+$0xFFFFFD30]  }
0x1fd: {  	[tilespmem:$0x1FE50] =	vst v2;
	v2 =	vld [tilespmem:s28+$0x210]  }
0x1fe: {  	v60 =	vld [tilespmem:s28+$0xFFFFFD80]  }
0x1ff: {  	v59 =	vld [tilespmem:s28+$0xFFFFFD90]  }
0x200: {  	v58 =	vld [tilespmem:s28+$0xFFFFFDA0]  }
0x201: {  	v57 =	vld [tilespmem:s28+$0xFFFFFDB0]  }
0x202: {  	[tilespmem:$0x1FE60] =	vst v2;
	v2 =	vld [tilespmem:s28+$0x220]  }
0x203: {  	v56 =	vld [tilespmem:s28+$0xFFFFFE00]  }
0x204: {  	v55 =	vld [tilespmem:s28+$0xFFFFFE10]  }
0x205: {  	v54 =	vld [tilespmem:s28+$0xFFFFFE20]  }
0x206: {  	v53 =	vld [tilespmem:s28+$0xFFFFFE30]  }
0x207: {  	[tilespmem:$0x1FE70] =	vst v2;
	v2 =	vld [tilespmem:s28+$0x230]  }
0x208: {  	v52 =	vld [tilespmem:s28+$0xFFFFFE80]  }
0x209: {  	v51 =	vld [tilespmem:s28+$0xFFFFFE90]  }
0x20a: {  	v50 =	vld [tilespmem:s28+$0xFFFFFEA0]  }
0x20b: {  	v49 =	vld [tilespmem:s28+$0xFFFFFEB0]  }
0x20c: {  	[tilespmem:$0x1FE80] =	vst v2;
	v2 =	vld [tilespmem:s28+$0x280]  }
0x20d: {  	v48 =	vld [tilespmem:s28+$0xFFFFFF00]  }
0x20e: {  	v47 =	vld [tilespmem:s28+$0xFFFFFF10]  }
0x20f: {  	v46 =	vld [tilespmem:s28+$0xFFFFFF20]  }
0x210: {  	v45 =	vld [tilespmem:s28+$0xFFFFFF30]  }
0x211: {  	[tilespmem:$0x1FE90] =	vst v2;
	v2 =	vld [tilespmem:s28+$0x290]  }
0x212: {  	v44 =	vld [tilespmem:s28+$0xFFFFFF80]  }
0x213: {  	v43 =	vld [tilespmem:s28+$0xFFFFFF90]  }
0x214: {  	v42 =	vld [tilespmem:s28+$0xFFFFFFA0]  }
0x215: {  	v41 =	vld [tilespmem:s28+$0xFFFFFFB0]  }
0x216: {  	[tilespmem:$0x1FEA0] =	vst v2;
	v2 =	vld [tilespmem:s28+$0x2A0]  }
0x217: {  	v40 =	vld [tilespmem:s28+$0x0]  }
0x218: {  	v39 =	vld [tilespmem:s28+$0x10]  }
0x219: {  	v38 =	vld [tilespmem:s28+$0x20]  }
0x21a: {  	v37 =	vld [tilespmem:s28+$0x30]  }
0x21b: {  	[tilespmem:$0x1FEB0] =	vst v2;
	v2 =	vld [tilespmem:s28+$0x2B0]  }
0x21c: {  	v36 =	vld [tilespmem:s28+$0x80]  }
0x21d: {  	v35 =	vld [tilespmem:s28+$0x90]  }
0x21e: {  	v34 =	vld [tilespmem:s28+$0xA0]  }
0x21f: {  	v33 =	vld [tilespmem:s28+$0xB0]  }
0x220: {  	s17 =	sadd.s32 $0xFFFFFFF1, s26;
	s29 =	sand.u32 $0x8, s25;
	[tilespmem:$0x1FEC0] =	vst v2;
	v2 =	vld [tilespmem:s28+$0x300]  }
0x221: {  	v8 =	vld [tilespmem:s28+$0x100];
	s17 =	sand.u32 $0x70, s17;
	v10 =	vmov s29  }
0x222: {  	v9 =	vld [tilespmem:s28+$0x110];
	v12 =	vmov s17;
	v10 =	vmul.u32 $0x88, v10  }
0x223: {  	v11 =	vld [tilespmem:s28+$0x120];
	s31 =	sadd.s32 $0xFFFFFFF2, s26;
	v12 =	vshrl.u32 v12, $0x3  }
0x224: {  	v14 =	vld [tilespmem:s28+$0x130];
	s17 =	sand.u32 $0x70, s31;
	v17 =	vbroadcast v10, $0x0;
	v12 =	vshll.u32 v12, v32  }
0x225: {  	v15 =	vmov s17;
	v20 =	vbroadcast v12, $0x0;
	[tilespmem:$0x1FED0] =	vst v2;
	v2 =	vld [tilespmem:s28+$0x320]  }
0x226: {  	v19 =	vld [tilespmem:s28+$0x180];
	v15 =	vshrl.u32 v15, $0x3;
	v18 =	vadd.s32 v0, v17  }
0x227: {  	s29 =	sadd.s32 $0xFFFFFFF3, s26;
	v10 =	vld [tilespmem:s28+$0x310];
	v15 =	vshll.u32 v15, v32;
	v21 =	vadd.s32 v1, v17;
	v0 =	vadd.s32 v18, v20  }
0x228: {  	s17 =	sand.u32 $0x70, s29;
	v12 =	vld [tilespmem:s28+$0x330];
	v27 =	vbroadcast v15, $0x0;
	v24 =	vadd.s32 v22, v17;
	v1 =	vadd.s32 v21, v20  }
0x229: {  	v15 =	vld [tilespmem:s28+$0x380];
	v22 =	vadd.s32 v25, v17;
	v25 =	vmov s17;
	v28 =	vadd.s32 v24, v20  }
0x22a: {  	v17 =	vld [tilespmem:s28+$0x390];
	v25 =	vshrl.u32 v25, $0x3;
	v29 =	vadd.s32 v18, v27;
	[tilespmem:$0x1FEE0] =	vst v2;
	v2 =	vadd.s32 v22, v20  }
0x22b: {  	s30 =	sadd.s32 $0xFFFFFFF4, s26;
	v30 =	vshll.u32 v25, v32;
	v25 =	vld [tilespmem:s28+$0x3B0];
	v31 =	vadd.s32 v21, v27;
	v29 =	vor.u32 $0x1, v29  }
0x22c: {  	s17 =	sand.u32 $0x70, s30;
	v20 =	vld [tilespmem:s28+$0x3A0];
	[tilespmem:v0+s0+$0x0] =	vst.idx.msk $0xffff, v13;
	v0 =	vor.u32 $0x1, v31;
	v13 =	vbroadcast v30, $0x0;
	v30 =	vadd.s32 v24, v27  }
0x22d: {  	v31 =	vadd.s32 v22, v27;
	v27 =	vmov s17;
	[tilespmem:v1+s0+$0x0] =	vst.idx.msk $0xffff, v16;
	v1 =	vor.u32 $0x1, v30  }
0x22e: {  	v16 =	vor.u32 $0x1, v31;
	[tilespmem:v28+s0+$0x0] =	vst.idx.msk $0xffff, v23;
	v23 =	vshrl.u32 v27, $0x3;
	v27 =	vadd.s32 v18, v13  }
0x22f: {  	s31 =	sadd.s32 $0xFFFFFFF5, s26;
	v23 =	vshll.u32 v23, v32;
	[tilespmem:v2+s0+$0x0] =	vst.idx.msk $0xffff, v26;
	v2 =	vor.u32 $0x2, v27;
	v26 =	vadd.s32 v21, v13  }
0x230: {  	s17 =	sand.u32 $0x70, s31;
	v23 =	vbroadcast v23, $0x0;
	[tilespmem:v29+s0+$0x0] =	vst.idx.msk $0xffff, v3;
	v3 =	vor.u32 $0x2, v26;
	v26 =	vadd.s32 v24, v13  }
0x231: {  	v28 =	vadd.s32 v22, v13;
	v29 =	vmov s17;
	[tilespmem:v0+s0+$0x0] =	vst.idx.msk $0xffff, v4;
	v0 =	vor.u32 $0x2, v26  }
0x232: {  	v31 =	vadd.s32 v18, v23;
	v30 =	vshrl.u32 v29, $0x3;
	[tilespmem:v1+s0+$0x0] =	vst.idx.msk $0xffff, v5;
	v1 =	vor.u32 $0x2, v28  }
0x233: {  	s29 =	sadd.s32 $0xFFFFFFF6, s26;
	v13 =	vadd.s32 v21, v23;
	v5 =	vor.u32 $0x3, v31;
	v4 =	vshll.u32 v30, v32;
	[tilespmem:v16+s0+$0x0] =	vst.idx.msk $0xffff, v6  }
0x234: {  	s17 =	sand.u32 $0x70, s29;
	v4 =	vbroadcast v4, $0x0;
	v16 =	vadd.s32 v24, v23;
	[tilespmem:v2+s0+$0x0] =	vst.idx.msk $0xffff, v7;
	v2 =	vor.u32 $0x3, v13  }
0x235: {  	v29 =	vmov s17;
	v28 =	vadd.s32 v22, v23;
	[tilespmem:v3+s0+$0x0] =	vst.idx.msk $0xffff, v63;
	v3 =	vor.u32 $0x3, v16  }
0x236: {  	v30 =	vshrl.u32 v29, $0x3;
	v31 =	vadd.s32 v18, v4;
	[tilespmem:v0+s0+$0x0] =	vst.idx.msk $0xffff, v62;
	v0 =	vor.u32 $0x3, v28  }
0x237: {  	s30 =	sadd.s32 $0xFFFFFFF7, s26;
	v6 =	vshll.u32 v30, v32;
	v62 =	vadd.s32 v21, v4;
	[tilespmem:v1+s0+$0x0] =	vst.idx.msk $0xffff, v61;
	v1 =	vor.u32 $0x4, v31  }
0x238: {  	s17 =	sand.u32 $0x70, s30;
	v6 =	vbroadcast v6, $0x0;
	v13 =	vadd.s32 v24, v4;
	v63 =	vor.u32 $0x4, v62;
	[tilespmem:v5+s0+$0x0] =	vst.idx.msk $0xffff, v60  }
0x239: {  	v7 =	vor.u32 $0x4, v13;
	v4 =	vadd.s32 v22, v4;
	[tilespmem:v2+s0+$0x0] =	vst.idx.msk $0xffff, v59;
	v2 =	vmov s17  }
0x23a: {  	v16 =	vadd.s32 v18, v6;
	[tilespmem:v3+s0+$0x0] =	vst.idx.msk $0xffff, v58;
	v3 =	vor.u32 $0x4, v4;
	v2 =	vshrl.u32 v2, $0x3  }
0x23b: {  	s31 =	sadd.s32 $0xFFFFFFF8, s26;
	v28 =	vadd.s32 v21, v6;
	[tilespmem:v0+s0+$0x0] =	vst.idx.msk $0xffff, v57;
	v0 =	vor.u32 $0x5, v16;
	v2 =	vshll.u32 v2, v32  }
0x23c: {  	v29 =	vadd.s32 v24, v6;
	s17 =	sand.u32 $0x70, s31;
	[tilespmem:v1+s0+$0x0] =	vst.idx.msk $0xffff, v56;
	v1 =	vor.u32 $0x5, v28;
	v2 =	vbroadcast v2, $0x0  }
0x23d: {  	v6 =	vadd.s32 v22, v6;
	v30 =	vmov s17;
	v4 =	vor.u32 $0x5, v29;
	[tilespmem:v63+s0+$0x0] =	vst.idx.msk $0xffff, v55  }
0x23e: {  	v6 =	vor.u32 $0x5, v6;
	v5 =	vshrl.u32 v30, $0x3;
	[tilespmem:v7+s0+$0x0] =	vst.idx.msk $0xffff, v54;
	v31 =	vadd.s32 v18, v2  }
0x23f: {  	s30 =	sadd.s32 $0xFFFFFFFA, s26;
	v5 =	vshll.u32 v5, v32;
	[tilespmem:v3+s0+$0x0] =	vst.idx.msk $0xffff, v53;
	v3 =	vor.u32 $0x6, v31;
	v53 =	vadd.s32 v21, v2  }
0x240: {  	s29 =	sadd.s32 $0xFFFFFFF9, s26;
	s31 =	sand.u32 $0x78, s30;
	v5 =	vbroadcast v5, $0x0;
	v54 =	vadd.s32 v24, v2;
	[tilespmem:v0+s0+$0x0] =	vst.idx.msk $0xffff, v52;
	v0 =	vor.u32 $0x6, v53  }
0x241: {  	s17 =	sand.u32 $0x78, s29;
	v55 =	vmov s31;
	v7 =	vor.u32 $0x6, v54;
	v2 =	vadd.s32 v22, v2;
	[tilespmem:v1+s0+$0x0] =	vst.idx.msk $0xffff, v51  }
0x242: {  	v56 =	vadd.s32 v18, v5;
	v2 =	vor.u32 $0x6, v2;
	v1 =	vmov s17;
	[tilespmem:v4+s0+$0x0] =	vst.idx.msk $0xffff, v50  }
0x243: {  	v58 =	vadd.s32 v21, v5;
	v57 =	vor.u32 $0x7, v56;
	v1 =	vshrl.u32 v1, $0x3;
	[tilespmem:v6+s0+$0x0] =	vst.idx.msk $0xffff, v49  }
0x244: {  	v59 =	vadd.s32 v24, v5;
	v1 =	vshll.u32 v1, v32;
	[tilespmem:v3+s0+$0x0] =	vst.idx.msk $0xffff, v48;
	v3 =	vor.u32 $0x7, v58  }
0x245: {  	v5 =	vadd.s32 v22, v5;
	v1 =	vbroadcast v1, $0x0;
	[tilespmem:v0+s0+$0x0] =	vst.idx.msk $0xffff, v47;
	v0 =	vor.u32 $0x7, v59  }
0x246: {  	v5 =	vor.u32 $0x7, v5;
	v4 =	vshrl.u32 v55, $0x3;
	[tilespmem:v7+s0+$0x0] =	vst.idx.msk $0xffff, v46  }
0x247: {  	s29 =	sadd.s32 $0xFFFFFFFB, s26;
	v4 =	vshll.u32 v4, v32;
	[tilespmem:v2+s0+$0x0] =	vst.idx.msk $0xffff, v45;
	v2 =	vadd.s32 v18, v1  }
0x248: {  	s17 =	sand.u32 $0x78, s29;
	v4 =	vbroadcast v4, $0x0;
	v60 =	vadd.s32 v21, v1;
	[tilespmem:v57+s0+$0x0] =	vst.idx.msk $0xffff, v44  }
0x249: {  	v61 =	vadd.s32 v24, v1;
	[tilespmem:v3+s0+$0x0] =	vst.idx.msk $0xffff, v43;
	v3 =	vmov s17  }
0x24a: {  	[tilespmem:v0+s0+$0x0] =	vst.idx.msk $0xffff, v42;
	v0 =	vadd.s32 v22, v1;
	v1 =	vadd.s32 v18, v4;
	v3 =	vshrl.u32 v3, $0x3  }
0x24b: {  	s30 =	sadd.s32 $0xFFFFFFFC, s26;
	v62 =	vadd.s32 v21, v4;
	[tilespmem:v5+s0+$0x0] =	vst.idx.msk $0xffff, v41;
	v1 =	vor.u32 $0x1, v1;
	v3 =	vshll.u32 v3, v32  }
0x24c: {  	v63 =	vadd.s32 v24, v4;
	s17 =	sand.u32 $0x78, s30;
	[tilespmem:v2+s0+$0x0] =	vst.idx.msk $0xffff, v40;
	v2 =	vor.u32 $0x1, v62;
	v3 =	vbroadcast v3, $0x0  }
0x24d: {  	v13 =	vmov s17;
	v4 =	vadd.s32 v22, v4;
	v5 =	vor.u32 $0x1, v63;
	[tilespmem:v60+s0+$0x0] =	vst.idx.msk $0xffff, v39  }
0x24e: {  	v4 =	vor.u32 $0x1, v4;
	v6 =	vshrl.u32 v13, $0x3;
	[tilespmem:v61+s0+$0x0] =	vst.idx.msk $0xffff, v38;
	v16 =	vadd.s32 v18, v3  }
0x24f: {  	s31 =	sadd.s32 $0xFFFFFFFD, s26;
	v6 =	vshll.u32 v6, v32;
	v28 =	vadd.s32 v21, v3;
	[tilespmem:v0+s0+$0x0] =	vst.idx.msk $0xffff, v37;
	v0 =	vor.u32 $0x2, v16  }
0x250: {  	s17 =	sand.u32 $0x78, s31;
	v6 =	vbroadcast v6, $0x0;
	v29 =	vadd.s32 v24, v3;
	[tilespmem:v1+s0+$0x0] =	vst.idx.msk $0xffff, v36;
	v1 =	vor.u32 $0x2, v28  }
0x251: {  	v3 =	vadd.s32 v22, v3;
	v7 =	vor.u32 $0x2, v29;
	[tilespmem:v2+s0+$0x0] =	vst.idx.msk $0xffff, v35;
	v2 =	vmov s17  }
0x252: {  	v3 =	vor.u32 $0x2, v3;
	v30 =	vadd.s32 v18, v6;
	[tilespmem:v5+s0+$0x0] =	vst.idx.msk $0xffff, v34;
	v2 =	vshrl.u32 v2, $0x3  }
0x253: {  	s29 =	sadd.s32 $0xFFFFFFFE, s26;
	v31 =	vor.u32 $0x3, v30;
	[tilespmem:v4+s0+$0x0] =	vst.idx.msk $0xffff, v33;
	v33 =	vadd.s32 v21, v6;
	v2 =	vshll.u32 v2, v32  }
0x254: {  	v39 =	vld [tilespmem:$0x1FE20];
	s17 =	sand.u32 $0x78, s29;
	v34 =	vadd.s32 v24, v6;
	[tilespmem:v0+s0+$0x0] =	vst.idx.msk $0xffff, v8;
	v0 =	vor.u32 $0x3, v33;
	v2 =	vbroadcast v2, $0x0  }
0x255: {  	v40 =	vld [tilespmem:$0x1FE30];
	v5 =	vor.u32 $0x3, v34;
	v6 =	vadd.s32 v22, v6;
	[tilespmem:v1+s0+$0x0] =	vst.idx.msk $0xffff, v9;
	v1 =	vmov s17  }
0x256: {  	v42 =	vld [tilespmem:$0x1FE40];
	v6 =	vor.u32 $0x3, v6;
	[tilespmem:v7+s0+$0x0] =	vst.idx.msk $0xffff, v11;
	v35 =	vadd.s32 v18, v2;
	v1 =	vshrl.u32 v1, $0x3  }
0x257: {  	v44 =	vld [tilespmem:$0x1FE50];
	s30 =	sadd.s32 $0xFFFFFFFF, s26;
	v36 =	vadd.s32 v21, v2;
	[tilespmem:v3+s0+$0x0] =	vst.idx.msk $0xffff, v14;
	v3 =	vor.u32 $0x4, v35;
	v1 =	vshll.u32 v1, v32  }
0x258: {  	v46 =	vld [tilespmem:$0x1FE60];
	s17 =	sand.u32 $0x78, s30;
	v38 =	vadd.s32 v24, v2;
	v37 =	vor.u32 $0x4, v36;
	[tilespmem:v31+s0+$0x0] =	vst.idx.msk $0xffff, v19;
	v1 =	vbroadcast v1, $0x0  }
0x259: {  	v48 =	vld [tilespmem:$0x1FE70];
	v2 =	vadd.s32 v22, v2;
	v7 =	vor.u32 $0x4, v38;
	[tilespmem:v0+s0+$0x0] =	vst.idx.msk $0xffff, v39;
	v0 =	vmov s17  }
0x25a: {  	v50 =	vld [tilespmem:$0x1FE80];
	v2 =	vor.u32 $0x4, v2;
	[tilespmem:v5+s0+$0x0] =	vst.idx.msk $0xffff, v40;
	v41 =	vadd.s32 v18, v1;
	v0 =	vshrl.u32 v0, $0x3  }
0x25b: {  	v52 =	vld [tilespmem:$0x1FE90];
	v43 =	vadd.s32 v21, v1;
	[tilespmem:v6+s0+$0x0] =	vst.idx.msk $0xffff, v42;
	v5 =	vor.u32 $0x5, v41;
	v0 =	vshll.u32 v0, v32  }
0x25c: {  	v55 =	vld [tilespmem:$0x1FEA0];
	s31 =	sand.u32 $0x78, s26;
	v45 =	vadd.s32 v24, v1;
	[tilespmem:v3+s0+$0x0] =	vst.idx.msk $0xffff, v44;
	v3 =	vor.u32 $0x5, v43;
	v0 =	vbroadcast v0, $0x0  }
0x25d: {  	v56 =	vld [tilespmem:$0x1FEB0];
	v47 =	vmov s31;
	v1 =	vadd.s32 v22, v1;
	v6 =	vor.u32 $0x5, v45;
	[tilespmem:v37+s0+$0x0] =	vst.idx.msk $0xffff, v46  }
0x25e: {  	v58 =	vld [tilespmem:$0x1FEC0];
	v4 =	vshrl.u32 v47, $0x3;
	v1 =	vor.u32 $0x5, v1;
	[tilespmem:v7+s0+$0x0] =	vst.idx.msk $0xffff, v48;
	v49 =	vadd.s32 v18, v0  }
0x25f: {  	v60 =	vld [tilespmem:$0x1FED0];
	v4 =	vshll.u32 v4, v32;
	v51 =	vadd.s32 v21, v0;
	[tilespmem:v2+s0+$0x0] =	vst.idx.msk $0xffff, v50;
	v2 =	vor.u32 $0x6, v49  }
0x260: {  	v4 =	vbroadcast v4, $0x0;
	v54 =	vadd.s32 v24, v0;
	v53 =	vor.u32 $0x6, v51;
	[tilespmem:v5+s0+$0x0] =	vst.idx.msk $0xffff, v52  }
0x261: {  	v63 =	vld [tilespmem:$0x1FEE0];
	v0 =	vadd.s32 v22, v0;
	[tilespmem:v3+s0+$0x0] =	vst.idx.msk $0xffff, v55;
	v3 =	vor.u32 $0x6, v54  }
0x262: {  	v57 =	vadd.s32 v18, v4;
	v0 =	vor.u32 $0x6, v0;
	[tilespmem:v6+s0+$0x0] =	vst.idx.msk $0xffff, v56  }
0x263: {  	v59 =	vadd.s32 v21, v4;
	[tilespmem:v1+s0+$0x0] =	vst.idx.msk $0xffff, v58;
	v1 =	vor.u32 $0x7, v57  }
0x264: {  	v61 =	vadd.s32 v24, v4;
	[tilespmem:v2+s0+$0x0] =	vst.idx.msk $0xffff, v60;
	v2 =	vor.u32 $0x7, v59  }
0x265: {  	v4 =	vadd.s32 v22, v4;
	v62 =	vor.u32 $0x7, v61;
	[tilespmem:v53+s0+$0x0] =	vst.idx.msk $0xffff, v10  }
0x266: {  	p0 =	sne.s32 s26, $0xFF;
	[tilespmem:v3+s0+$0x0] =	vst.idx.msk $0xffff, v63;
	v3 =	vor.u32 $0x7, v4  }
.Ltmp1:
0x267: {  	[tilespmem:v0+s0+$0x0] =	vst.idx.msk $0xffff, v12;
	(pc) =	sbr.rel @p0 .LBB2_5-.Ltmp1, $4  }
0x268: {  	v22 =	vld [tilespmem:$0x1FFE0];
	[tilespmem:v1+s0+$0x0] =	vst.idx.msk $0xffff, v15  }
0x269: {  	v0 =	vld [tilespmem:$0x1FFC0];
	[tilespmem:v2+s0+$0x0] =	vst.idx.msk $0xffff, v17  }
0x26a: {  	v1 =	vld [tilespmem:$0x1FFD0];
	[tilespmem:v62+s0+$0x0] =	vst.idx.msk $0xffff, v20  }
0x26b: {  	s25 =	sadd.s32 $0x1, s25;
	s28 =	sadd.s32 $0x800, s28;
	s26 =	sadd.s32 $0x10, s26;
	[tilespmem:v3+s0+$0x0] =	vst.idx.msk $0xffff, v25;
	v25 =	vld [tilespmem:$0x1FFF0]  }
0x26c: {  	s17 =	sadd.s32 s5, s24  }
0x26d: {  	s24 =	sshll.u32 s17, $0x3  }
0x26e: {  	s17 =	sand.u32 $0x7E, s17;
	s24 =	sand.u32 $0x3FFC00, s24  }
0x26f: {  	s17 =	sor.u32 s17, s24  }
0x270: {  	s24 =	sshll.u32 s17, $0x7  }
0x271: {  	s17 =	sadd.s32 s2, s24  }
0x272: {  	[hbm4b:s17+s3] =	stream.linear.scatter [tilespmem:s0], [sflag:$0x4], $0x80, $0x38;
	[tilespmem:$0x1EC00] =	vst v63  }
0x273: {  	s26 =	simm.s32 $0x1A888;
	s25 =	sadd.s32 $0x10, s17  }
0x274: {  	[hbm4b:s25+s3] =	stream.linear.scatter [tilespmem:s26], [sflag:$0x4], $0x80, $0x38;
	[tilespmem:$0x1EC00] =	vst v63  }
0x275: {  	s31 =	simm.s32 $0x1A910;
	s30 =	sadd.s32 $0x20, s17  }
0x276: {  	[hbm4b:s30+s3] =	stream.linear.scatter [tilespmem:s31], [sflag:$0x4], $0x80, $0x38;
	[tilespmem:$0x1EC00] =	vst v63  }
0x277: {  	s29 =	simm.s32 $0x1A998;
	s28 =	sadd.s32 $0x30, s17  }
0x278: {  	[hbm4b:s28+s3] =	stream.linear.scatter [tilespmem:s29], [sflag:$0x4], $0x80, $0x38;
	[tilespmem:$0x1EC00] =	vst v63  }
0x279: {  	s30 =	sadd.s32 $0x40, s17;
	s31 =	simm.s32 $0x1AA20  }
0x27a: {  	[hbm4b:s30+s3] =	stream.linear.scatter [tilespmem:s31], [sflag:$0x4], $0x80, $0x38;
	[tilespmem:$0x1EC00] =	vst v63  }
0x27b: {  	s28 =	sadd.s32 $0x50, s17;
	s29 =	simm.s32 $0x1AAA8  }
0x27c: {  	[hbm4b:s28+s3] =	stream.linear.scatter [tilespmem:s29], [sflag:$0x4], $0x80, $0x38;
	[tilespmem:$0x1EC00] =	vst v63  }
0x27d: {  	s30 =	sadd.s32 $0x60, s17;
	s31 =	simm.s32 $0x1AB30  }
0x27e: {  	[hbm4b:s30+s3] =	stream.linear.scatter [tilespmem:s31], [sflag:$0x4], $0x80, $0x38;
	[tilespmem:$0x1EC00] =	vst v63  }
0x27f: {  	s28 =	sadd.s32 $0x70, s17;
	s29 =	simm.s32 $0x1ABB8  }
0x280: {  	[hbm4b:s28+s3] =	stream.linear.scatter [tilespmem:s29], [sflag:$0x4], $0x80, $0x38;
	[tilespmem:$0x1EC00] =	vst v63  }
0x281: {  	s30 =	sadd.s32 $0x80, s17;
	s31 =	simm.s32 $0x1AC40  }
0x282: {  	[hbm4b:s30+s3] =	stream.linear.scatter [tilespmem:s31], [sflag:$0x4], $0x80, $0x38;
	[tilespmem:$0x1EC00] =	vst v63  }
0x283: {  	s28 =	sadd.s32 $0x90, s17;
	s29 =	simm.s32 $0x1ACC8  }
0x284: {  	[hbm4b:s28+s3] =	stream.linear.scatter [tilespmem:s29], [sflag:$0x4], $0x80, $0x38;
	[tilespmem:$0x1EC00] =	vst v63  }
0x285: {  	s30 =	sadd.s32 $0xA0, s17;
	s31 =	simm.s32 $0x1AD50  }
0x286: {  	[hbm4b:s30+s3] =	stream.linear.scatter [tilespmem:s31], [sflag:$0x4], $0x80, $0x38;
	[tilespmem:$0x1EC00] =	vst v63  }
0x287: {  	s28 =	sadd.s32 $0xB0, s17;
	s29 =	simm.s32 $0x1ADD8  }
0x288: {  	[hbm4b:s28+s3] =	stream.linear.scatter [tilespmem:s29], [sflag:$0x4], $0x80, $0x38;
	[tilespmem:$0x1EC00] =	vst v63  }
0x289: {  	s30 =	sadd.s32 $0xC0, s17;
	s31 =	simm.s32 $0x1AE60  }
0x28a: {  	[hbm4b:s30+s3] =	stream.linear.scatter [tilespmem:s31], [sflag:$0x4], $0x80, $0x38;
	[tilespmem:$0x1EC00] =	vst v63  }
0x28b: {  	s26 =	sadd.s32 $0xD0, s17;
	s28 =	simm.s32 $0x1AEE8  }
0x28c: {  	[hbm4b:s26+s3] =	stream.linear.scatter [tilespmem:s28], [sflag:$0x4], $0x80, $0x38;
	[tilespmem:$0x1EC00] =	vst v63  }
0x28d: {  	s29 =	sadd.s32 $0xE0, s17;
	s30 =	simm.s32 $0x1AF70  }
0x28e: {  	[hbm4b:s29+s3] =	stream.linear.scatter [tilespmem:s30], [sflag:$0x4], $0x80, $0x38;
	[tilespmem:$0x1EC00] =	vst v63  }
0x28f: {  	s17 =	sadd.s32 $0xF0, s17;
	s31 =	simm.s32 $0x1AFF8  }
0x290: {  	[hbm4b:s17+s3] =	stream.linear.scatter [tilespmem:s31], [sflag:$0x4], $0x80, $0x38;
	[tilespmem:$0x1EC00] =	vst v63  }
0x291: {  	s26 =	simm.s32 $0x1B080;
	s17 =	sadd.s32 s24, s7  }
0x292: {  	[hbm4b:s17+s3] =	stream.linear.scatter [tilespmem:s26], [sflag:$0x4], $0x80, $0x38;
	[tilespmem:$0x1EC00] =	vst v63  }
0x293: {  	s29 =	simm.s32 $0x1B108;
	s28 =	sadd.s32 $0x10, s17  }
0x294: {  	[hbm4b:s28+s3] =	stream.linear.scatter [tilespmem:s29], [sflag:$0x4], $0x80, $0x38;
	[tilespmem:$0x1EC00] =	vst v63  }
0x295: {  	s31 =	simm.s32 $0x1B190;
	s30 =	sadd.s32 $0x20, s17  }
0x296: {  	[hbm4b:s30+s3] =	stream.linear.scatter [tilespmem:s31], [sflag:$0x4], $0x80, $0x38;
	[tilespmem:$0x1EC00] =	vst v63  }
0x297: {  	s28 =	sadd.s32 $0x30, s17;
	s29 =	simm.s32 $0x1B218  }
0x298: {  	[hbm4b:s28+s3] =	stream.linear.scatter [tilespmem:s29], [sflag:$0x4], $0x80, $0x38;
	[tilespmem:$0x1EC00] =	vst v63  }
0x299: {  	s30 =	sadd.s32 $0x40, s17;
	s31 =	simm.s32 $0x1B2A0  }
0x29a: {  	[hbm4b:s30+s3] =	stream.linear.scatter [tilespmem:s31], [sflag:$0x4], $0x80, $0x38;
	[tilespmem:$0x1EC00] =	vst v63  }
0x29b: {  	s28 =	sadd.s32 $0x50, s17;
	s29 =	simm.s32 $0x1B328  }
0x29c: {  	[hbm4b:s28+s3] =	stream.linear.scatter [tilespmem:s29], [sflag:$0x4], $0x80, $0x38;
	[tilespmem:$0x1EC00] =	vst v63  }
0x29d: {  	s30 =	sadd.s32 $0x60, s17;
	s31 =	simm.s32 $0x1B3B0  }
0x29e: {  	[hbm4b:s30+s3] =	stream.linear.scatter [tilespmem:s31], [sflag:$0x4], $0x80, $0x38;
	[tilespmem:$0x1EC00] =	vst v63  }
0x29f: {  	s28 =	sadd.s32 $0x70, s17;
	s29 =	simm.s32 $0x1B438  }
0x2a0: {  	[hbm4b:s28+s3] =	stream.linear.scatter [tilespmem:s29], [sflag:$0x4], $0x80, $0x38;
	[tilespmem:$0x1EC00] =	vst v63  }
0x2a1: {  	s30 =	sadd.s32 $0x80, s17;
	s31 =	simm.s32 $0x1B4C0  }
0x2a2: {  	[hbm4b:s30+s3] =	stream.linear.scatter [tilespmem:s31], [sflag:$0x4], $0x80, $0x38;
	[tilespmem:$0x1EC00] =	vst v63  }
0x2a3: {  	s28 =	sadd.s32 $0x90, s17;
	s29 =	simm.s32 $0x1B548  }
0x2a4: {  	[hbm4b:s28+s3] =	stream.linear.scatter [tilespmem:s29], [sflag:$0x4], $0x80, $0x38;
	[tilespmem:$0x1EC00] =	vst v63  }
0x2a5: {  	s30 =	sadd.s32 $0xA0, s17;
	s31 =	simm.s32 $0x1B5D0  }
0x2a6: {  	[hbm4b:s30+s3] =	stream.linear.scatter [tilespmem:s31], [sflag:$0x4], $0x80, $0x38;
	[tilespmem:$0x1EC00] =	vst v63  }
0x2a7: {  	s28 =	sadd.s32 $0xB0, s17;
	s29 =	simm.s32 $0x1B658  }
0x2a8: {  	[hbm4b:s28+s3] =	stream.linear.scatter [tilespmem:s29], [sflag:$0x4], $0x80, $0x38;
	[tilespmem:$0x1EC00] =	vst v63  }
0x2a9: {  	s30 =	sadd.s32 $0xC0, s17;
	s31 =	simm.s32 $0x1B6E0  }
0x2aa: {  	[hbm4b:s30+s3] =	stream.linear.scatter [tilespmem:s31], [sflag:$0x4], $0x80, $0x38;
	[tilespmem:$0x1EC00] =	vst v63  }
0x2ab: {  	s26 =	sadd.s32 $0xD0, s17;
	s28 =	simm.s32 $0x1B768  }
0x2ac: {  	[hbm4b:s26+s3] =	stream.linear.scatter [tilespmem:s28], [sflag:$0x4], $0x80, $0x38;
	[tilespmem:$0x1EC00] =	vst v63  }
0x2ad: {  	s29 =	sadd.s32 $0xE0, s17;
	s30 =	simm.s32 $0x1B7F0  }
0x2ae: {  	[hbm4b:s29+s3] =	stream.linear.scatter [tilespmem:s30], [sflag:$0x4], $0x80, $0x38;
	[tilespmem:$0x1EC00] =	vst v63  }
0x2af: {  	s17 =	sadd.s32 $0xF0, s17;
	s31 =	simm.s32 $0x1B878  }
0x2b0: {  	[hbm4b:s17+s3] =	stream.linear.scatter [tilespmem:s31], [sflag:$0x4], $0x80, $0x38;
	[tilespmem:$0x1EC00] =	vst v63  }
0x2b1: {  	s26 =	simm.s32 $0x1B900;
	s17 =	sadd.s32 s24, s8  }
0x2b2: {  	[hbm4b:s17+s3] =	stream.linear.scatter [tilespmem:s26], [sflag:$0x4], $0x80, $0x38;
	[tilespmem:$0x1EC00] =	vst v63  }
0x2b3: {  	s29 =	simm.s32 $0x1B988;
	s28 =	sadd.s32 $0x10, s17  }
0x2b4: {  	[hbm4b:s28+s3] =	stream.linear.scatter [tilespmem:s29], [sflag:$0x4], $0x80, $0x38;
	[tilespmem:$0x1EC00] =	vst v63  }
0x2b5: {  	s31 =	simm.s32 $0x1BA10;
	s30 =	sadd.s32 $0x20, s17  }
0x2b6: {  	[hbm4b:s30+s3] =	stream.linear.scatter [tilespmem:s31], [sflag:$0x4], $0x80, $0x38;
	[tilespmem:$0x1EC00] =	vst v63  }
0x2b7: {  	s28 =	sadd.s32 $0x30, s17;
	s29 =	simm.s32 $0x1BA98  }
0x2b8: {  	[hbm4b:s28+s3] =	stream.linear.scatter [tilespmem:s29], [sflag:$0x4], $0x80, $0x38;
	[tilespmem:$0x1EC00] =	vst v63  }
0x2b9: {  	s30 =	sadd.s32 $0x40, s17;
	s31 =	simm.s32 $0x1BB20  }
0x2ba: {  	[hbm4b:s30+s3] =	stream.linear.scatter [tilespmem:s31], [sflag:$0x4], $0x80, $0x38;
	[tilespmem:$0x1EC00] =	vst v63  }
0x2bb: {  	s28 =	sadd.s32 $0x50, s17;
	s29 =	simm.s32 $0x1BBA8  }
0x2bc: {  	[hbm4b:s28+s3] =	stream.linear.scatter [tilespmem:s29], [sflag:$0x4], $0x80, $0x38;
	[tilespmem:$0x1EC00] =	vst v63  }
0x2bd: {  	s30 =	sadd.s32 $0x60, s17;
	s31 =	simm.s32 $0x1BC30  }
0x2be: {  	[hbm4b:s30+s3] =	stream.linear.scatter [tilespmem:s31], [sflag:$0x4], $0x80, $0x38;
	[tilespmem:$0x1EC00] =	vst v63  }
0x2bf: {  	s28 =	sadd.s32 $0x70, s17;
	s29 =	simm.s32 $0x1BCB8  }
0x2c0: {  	[hbm4b:s28+s3] =	stream.linear.scatter [tilespmem:s29], [sflag:$0x4], $0x80, $0x38;
	[tilespmem:$0x1EC00] =	vst v63  }
0x2c1: {  	s30 =	sadd.s32 $0x80, s17;
	s31 =	simm.s32 $0x1BD40  }
0x2c2: {  	[hbm4b:s30+s3] =	stream.linear.scatter [tilespmem:s31], [sflag:$0x4], $0x80, $0x38;
	[tilespmem:$0x1EC00] =	vst v63  }
0x2c3: {  	s28 =	sadd.s32 $0x90, s17;
	s29 =	simm.s32 $0x1BDC8  }
0x2c4: {  	[hbm4b:s28+s3] =	stream.linear.scatter [tilespmem:s29], [sflag:$0x4], $0x80, $0x38;
	[tilespmem:$0x1EC00] =	vst v63  }
0x2c5: {  	s30 =	sadd.s32 $0xA0, s17;
	s31 =	simm.s32 $0x1BE50  }
0x2c6: {  	[hbm4b:s30+s3] =	stream.linear.scatter [tilespmem:s31], [sflag:$0x4], $0x80, $0x38;
	[tilespmem:$0x1EC00] =	vst v63  }
0x2c7: {  	s28 =	sadd.s32 $0xB0, s17;
	s29 =	simm.s32 $0x1BED8  }
0x2c8: {  	[hbm4b:s28+s3] =	stream.linear.scatter [tilespmem:s29], [sflag:$0x4], $0x80, $0x38;
	[tilespmem:$0x1EC00] =	vst v63  }
0x2c9: {  	s30 =	sadd.s32 $0xC0, s17;
	s31 =	simm.s32 $0x1BF60  }
0x2ca: {  	[hbm4b:s30+s3] =	stream.linear.scatter [tilespmem:s31], [sflag:$0x4], $0x80, $0x38;
	[tilespmem:$0x1EC00] =	vst v63  }
0x2cb: {  	s26 =	sadd.s32 $0xD0, s17;
	s28 =	simm.s32 $0x1BFE8  }
0x2cc: {  	[hbm4b:s26+s3] =	stream.linear.scatter [tilespmem:s28], [sflag:$0x4], $0x80, $0x38;
	[tilespmem:$0x1EC00] =	vst v63  }
0x2cd: {  	s29 =	sadd.s32 $0xE0, s17;
	s30 =	simm.s32 $0x1C070  }
0x2ce: {  	[hbm4b:s29+s3] =	stream.linear.scatter [tilespmem:s30], [sflag:$0x4], $0x80, $0x38;
	[tilespmem:$0x1EC00] =	vst v63  }
0x2cf: {  	s17 =	sadd.s32 $0xF0, s17;
	s31 =	simm.s32 $0x1C0F8  }
0x2d0: {  	[hbm4b:s17+s3] =	stream.linear.scatter [tilespmem:s31], [sflag:$0x4], $0x80, $0x38;
	[tilespmem:$0x1EC00] =	vst v63  }
0x2d1: {  	s26 =	simm.s32 $0x1C180;
	s17 =	sadd.s32 s24, s9  }
0x2d2: {  	[hbm4b:s17+s3] =	stream.linear.scatter [tilespmem:s26], [sflag:$0x4], $0x80, $0x38;
	[tilespmem:$0x1EC00] =	vst v63  }
0x2d3: {  	s29 =	simm.s32 $0x1C208;
	s28 =	sadd.s32 $0x10, s17  }
0x2d4: {  	[hbm4b:s28+s3] =	stream.linear.scatter [tilespmem:s29], [sflag:$0x4], $0x80, $0x38;
	[tilespmem:$0x1EC00] =	vst v63  }
0x2d5: {  	s31 =	simm.s32 $0x1C290;
	s30 =	sadd.s32 $0x20, s17  }
0x2d6: {  	[hbm4b:s30+s3] =	stream.linear.scatter [tilespmem:s31], [sflag:$0x4], $0x80, $0x38;
	[tilespmem:$0x1EC00] =	vst v63  }
0x2d7: {  	s28 =	sadd.s32 $0x30, s17;
	s29 =	simm.s32 $0x1C318  }
0x2d8: {  	[hbm4b:s28+s3] =	stream.linear.scatter [tilespmem:s29], [sflag:$0x4], $0x80, $0x38;
	[tilespmem:$0x1EC00] =	vst v63  }
0x2d9: {  	s30 =	sadd.s32 $0x40, s17;
	s31 =	simm.s32 $0x1C3A0  }
0x2da: {  	[hbm4b:s30+s3] =	stream.linear.scatter [tilespmem:s31], [sflag:$0x4], $0x80, $0x38;
	[tilespmem:$0x1EC00] =	vst v63  }
0x2db: {  	s28 =	sadd.s32 $0x50, s17;
	s29 =	simm.s32 $0x1C428  }
0x2dc: {  	[hbm4b:s28+s3] =	stream.linear.scatter [tilespmem:s29], [sflag:$0x4], $0x80, $0x38;
	[tilespmem:$0x1EC00] =	vst v63  }
0x2dd: {  	s30 =	sadd.s32 $0x60, s17;
	s31 =	simm.s32 $0x1C4B0  }
0x2de: {  	[hbm4b:s30+s3] =	stream.linear.scatter [tilespmem:s31], [sflag:$0x4], $0x80, $0x38;
	[tilespmem:$0x1EC00] =	vst v63  }
0x2df: {  	s28 =	sadd.s32 $0x70, s17;
	s29 =	simm.s32 $0x1C538  }
0x2e0: {  	[hbm4b:s28+s3] =	stream.linear.scatter [tilespmem:s29], [sflag:$0x4], $0x80, $0x38;
	[tilespmem:$0x1EC00] =	vst v63  }
0x2e1: {  	s30 =	sadd.s32 $0x80, s17;
	s31 =	simm.s32 $0x1C5C0  }
0x2e2: {  	[hbm4b:s30+s3] =	stream.linear.scatter [tilespmem:s31], [sflag:$0x4], $0x80, $0x38;
	[tilespmem:$0x1EC00] =	vst v63  }
0x2e3: {  	s28 =	sadd.s32 $0x90, s17;
	s29 =	simm.s32 $0x1C648  }
0x2e4: {  	[hbm4b:s28+s3] =	stream.linear.scatter [tilespmem:s29], [sflag:$0x4], $0x80, $0x38;
	[tilespmem:$0x1EC00] =	vst v63  }
0x2e5: {  	s30 =	sadd.s32 $0xA0, s17;
	s31 =	simm.s32 $0x1C6D0  }
0x2e6: {  	[hbm4b:s30+s3] =	stream.linear.scatter [tilespmem:s31], [sflag:$0x4], $0x80, $0x38;
	[tilespmem:$0x1EC00] =	vst v63  }
0x2e7: {  	s28 =	sadd.s32 $0xB0, s17;
	s29 =	simm.s32 $0x1C758  }
0x2e8: {  	[hbm4b:s28+s3] =	stream.linear.scatter [tilespmem:s29], [sflag:$0x4], $0x80, $0x38;
	[tilespmem:$0x1EC00] =	vst v63  }
0x2e9: {  	s30 =	sadd.s32 $0xC0, s17;
	s31 =	simm.s32 $0x1C7E0  }
0x2ea: {  	[hbm4b:s30+s3] =	stream.linear.scatter [tilespmem:s31], [sflag:$0x4], $0x80, $0x38;
	[tilespmem:$0x1EC00] =	vst v63  }
0x2eb: {  	s26 =	sadd.s32 $0xD0, s17;
	s28 =	simm.s32 $0x1C868  }
0x2ec: {  	[hbm4b:s26+s3] =	stream.linear.scatter [tilespmem:s28], [sflag:$0x4], $0x80, $0x38;
	[tilespmem:$0x1EC00] =	vst v63  }
0x2ed: {  	s29 =	sadd.s32 $0xE0, s17;
	s30 =	simm.s32 $0x1C8F0  }
0x2ee: {  	[hbm4b:s29+s3] =	stream.linear.scatter [tilespmem:s30], [sflag:$0x4], $0x80, $0x38;
	[tilespmem:$0x1EC00] =	vst v63  }
0x2ef: {  	s17 =	sadd.s32 $0xF0, s17;
	s31 =	simm.s32 $0x1C978  }
0x2f0: {  	[hbm4b:s17+s3] =	stream.linear.scatter [tilespmem:s31], [sflag:$0x4], $0x80, $0x38;
	[tilespmem:$0x1EC00] =	vst v63  }
0x2f1: {  	s26 =	simm.s32 $0x1CA00;
	s17 =	sadd.s32 s24, s10  }
0x2f2: {  	[hbm4b:s17+s3] =	stream.linear.scatter [tilespmem:s26], [sflag:$0x4], $0x80, $0x38;
	[tilespmem:$0x1EC00] =	vst v63  }
0x2f3: {  	s29 =	simm.s32 $0x1CA88;
	s28 =	sadd.s32 $0x10, s17  }
0x2f4: {  	[hbm4b:s28+s3] =	stream.linear.scatter [tilespmem:s29], [sflag:$0x4], $0x80, $0x38;
	[tilespmem:$0x1EC00] =	vst v63  }
0x2f5: {  	s31 =	simm.s32 $0x1CB10;
	s30 =	sadd.s32 $0x20, s17  }
0x2f6: {  	[hbm4b:s30+s3] =	stream.linear.scatter [tilespmem:s31], [sflag:$0x4], $0x80, $0x38;
	[tilespmem:$0x1EC00] =	vst v63  }
0x2f7: {  	s28 =	sadd.s32 $0x30, s17;
	s29 =	simm.s32 $0x1CB98  }
0x2f8: {  	[hbm4b:s28+s3] =	stream.linear.scatter [tilespmem:s29], [sflag:$0x4], $0x80, $0x38;
	[tilespmem:$0x1EC00] =	vst v63  }
0x2f9: {  	s30 =	sadd.s32 $0x40, s17;
	s31 =	simm.s32 $0x1CC20  }
0x2fa: {  	[hbm4b:s30+s3] =	stream.linear.scatter [tilespmem:s31], [sflag:$0x4], $0x80, $0x38;
	[tilespmem:$0x1EC00] =	vst v63  }
0x2fb: {  	s28 =	sadd.s32 $0x50, s17;
	s29 =	simm.s32 $0x1CCA8  }
0x2fc: {  	[hbm4b:s28+s3] =	stream.linear.scatter [tilespmem:s29], [sflag:$0x4], $0x80, $0x38;
	[tilespmem:$0x1EC00] =	vst v63  }
0x2fd: {  	s30 =	sadd.s32 $0x60, s17;
	s31 =	simm.s32 $0x1CD30  }
0x2fe: {  	[hbm4b:s30+s3] =	stream.linear.scatter [tilespmem:s31], [sflag:$0x4], $0x80, $0x38;
	[tilespmem:$0x1EC00] =	vst v63  }
0x2ff: {  	s28 =	sadd.s32 $0x70, s17;
	s29 =	simm.s32 $0x1CDB8  }
0x300: {  	[hbm4b:s28+s3] =	stream.linear.scatter [tilespmem:s29], [sflag:$0x4], $0x80, $0x38;
	[tilespmem:$0x1EC00] =	vst v63  }
0x301: {  	s30 =	sadd.s32 $0x80, s17;
	s31 =	simm.s32 $0x1CE40  }
0x302: {  	[hbm4b:s30+s3] =	stream.linear.scatter [tilespmem:s31], [sflag:$0x4], $0x80, $0x38;
	[tilespmem:$0x1EC00] =	vst v63  }
0x303: {  	s28 =	sadd.s32 $0x90, s17;
	s29 =	simm.s32 $0x1CEC8  }
0x304: {  	[hbm4b:s28+s3] =	stream.linear.scatter [tilespmem:s29], [sflag:$0x4], $0x80, $0x38;
	[tilespmem:$0x1EC00] =	vst v63  }
0x305: {  	s30 =	sadd.s32 $0xA0, s17;
	s31 =	simm.s32 $0x1CF50  }
0x306: {  	[hbm4b:s30+s3] =	stream.linear.scatter [tilespmem:s31], [sflag:$0x4], $0x80, $0x38;
	[tilespmem:$0x1EC00] =	vst v63  }
0x307: {  	s28 =	sadd.s32 $0xB0, s17;
	s29 =	simm.s32 $0x1CFD8  }
0x308: {  	[hbm4b:s28+s3] =	stream.linear.scatter [tilespmem:s29], [sflag:$0x4], $0x80, $0x38;
	[tilespmem:$0x1EC00] =	vst v63  }
0x309: {  	s30 =	sadd.s32 $0xC0, s17;
	s31 =	simm.s32 $0x1D060  }
0x30a: {  	[hbm4b:s30+s3] =	stream.linear.scatter [tilespmem:s31], [sflag:$0x4], $0x80, $0x38;
	[tilespmem:$0x1EC00] =	vst v63  }
0x30b: {  	s26 =	sadd.s32 $0xD0, s17;
	s28 =	simm.s32 $0x1D0E8  }
0x30c: {  	[hbm4b:s26+s3] =	stream.linear.scatter [tilespmem:s28], [sflag:$0x4], $0x80, $0x38;
	[tilespmem:$0x1EC00] =	vst v63  }
0x30d: {  	s29 =	sadd.s32 $0xE0, s17;
	s30 =	simm.s32 $0x1D170  }
0x30e: {  	[hbm4b:s29+s3] =	stream.linear.scatter [tilespmem:s30], [sflag:$0x4], $0x80, $0x38;
	[tilespmem:$0x1EC00] =	vst v63  }
0x30f: {  	s17 =	sadd.s32 $0xF0, s17;
	s31 =	simm.s32 $0x1D1F8  }
0x310: {  	[hbm4b:s17+s3] =	stream.linear.scatter [tilespmem:s31], [sflag:$0x4], $0x80, $0x38;
	[tilespmem:$0x1EC00] =	vst v63  }
0x311: {  	s26 =	simm.s32 $0x1D280;
	s17 =	sadd.s32 s24, s11  }
0x312: {  	[hbm4b:s17+s3] =	stream.linear.scatter [tilespmem:s26], [sflag:$0x4], $0x80, $0x38;
	[tilespmem:$0x1EC00] =	vst v63  }
0x313: {  	s29 =	simm.s32 $0x1D308;
	s28 =	sadd.s32 $0x10, s17  }
0x314: {  	[hbm4b:s28+s3] =	stream.linear.scatter [tilespmem:s29], [sflag:$0x4], $0x80, $0x38;
	[tilespmem:$0x1EC00] =	vst v63  }
0x315: {  	s31 =	simm.s32 $0x1D390;
	s30 =	sadd.s32 $0x20, s17  }
0x316: {  	[hbm4b:s30+s3] =	stream.linear.scatter [tilespmem:s31], [sflag:$0x4], $0x80, $0x38;
	[tilespmem:$0x1EC00] =	vst v63  }
0x317: {  	s28 =	sadd.s32 $0x30, s17;
	s29 =	simm.s32 $0x1D418  }
0x318: {  	[hbm4b:s28+s3] =	stream.linear.scatter [tilespmem:s29], [sflag:$0x4], $0x80, $0x38;
	[tilespmem:$0x1EC00] =	vst v63  }
0x319: {  	s30 =	sadd.s32 $0x40, s17;
	s31 =	simm.s32 $0x1D4A0  }
0x31a: {  	[hbm4b:s30+s3] =	stream.linear.scatter [tilespmem:s31], [sflag:$0x4], $0x80, $0x38;
	[tilespmem:$0x1EC00] =	vst v63  }
0x31b: {  	s28 =	sadd.s32 $0x50, s17;
	s29 =	simm.s32 $0x1D528  }
0x31c: {  	[hbm4b:s28+s3] =	stream.linear.scatter [tilespmem:s29], [sflag:$0x4], $0x80, $0x38;
	[tilespmem:$0x1EC00] =	vst v63  }
0x31d: {  	s30 =	sadd.s32 $0x60, s17;
	s31 =	simm.s32 $0x1D5B0  }
0x31e: {  	[hbm4b:s30+s3] =	stream.linear.scatter [tilespmem:s31], [sflag:$0x4], $0x80, $0x38;
	[tilespmem:$0x1EC00] =	vst v63  }
0x31f: {  	s28 =	sadd.s32 $0x70, s17;
	s29 =	simm.s32 $0x1D638  }
0x320: {  	[hbm4b:s28+s3] =	stream.linear.scatter [tilespmem:s29], [sflag:$0x4], $0x80, $0x38;
	[tilespmem:$0x1EC00] =	vst v63  }
0x321: {  	s30 =	sadd.s32 $0x80, s17;
	s31 =	simm.s32 $0x1D6C0  }
0x322: {  	[hbm4b:s30+s3] =	stream.linear.scatter [tilespmem:s31], [sflag:$0x4], $0x80, $0x38;
	[tilespmem:$0x1EC00] =	vst v63  }
0x323: {  	s28 =	sadd.s32 $0x90, s17;
	s29 =	simm.s32 $0x1D748  }
0x324: {  	[hbm4b:s28+s3] =	stream.linear.scatter [tilespmem:s29], [sflag:$0x4], $0x80, $0x38;
	[tilespmem:$0x1EC00] =	vst v63  }
0x325: {  	s30 =	sadd.s32 $0xA0, s17;
	s31 =	simm.s32 $0x1D7D0  }
0x326: {  	[hbm4b:s30+s3] =	stream.linear.scatter [tilespmem:s31], [sflag:$0x4], $0x80, $0x38;
	[tilespmem:$0x1EC00] =	vst v63  }
0x327: {  	s28 =	sadd.s32 $0xB0, s17;
	s29 =	simm.s32 $0x1D858  }
0x328: {  	[hbm4b:s28+s3] =	stream.linear.scatter [tilespmem:s29], [sflag:$0x4], $0x80, $0x38;
	[tilespmem:$0x1EC00] =	vst v63  }
0x329: {  	s30 =	sadd.s32 $0xC0, s17;
	s31 =	simm.s32 $0x1D8E0  }
0x32a: {  	[hbm4b:s30+s3] =	stream.linear.scatter [tilespmem:s31], [sflag:$0x4], $0x80, $0x38;
	[tilespmem:$0x1EC00] =	vst v63  }
0x32b: {  	s28 =	sadd.s32 $0xD0, s17;
	s29 =	simm.s32 $0x1D968  }
0x32c: {  	[hbm4b:s28+s3] =	stream.linear.scatter [tilespmem:s29], [sflag:$0x4], $0x80, $0x38;
	[tilespmem:$0x1EC00] =	vst v63  }
0x32d: {  	s30 =	sadd.s32 $0xE0, s17;
	s31 =	simm.s32 $0x1D9F0  }
0x32e: {  	[hbm4b:s30+s3] =	stream.linear.scatter [tilespmem:s31], [sflag:$0x4], $0x80, $0x38;
	[tilespmem:$0x1EC00] =	vst v63  }
0x32f: {  	s17 =	sadd.s32 $0xF0, s17;
	s28 =	simm.s32 $0x1DA78  }
0x330: {  	[hbm4b:s17+s3] =	stream.linear.scatter [tilespmem:s28], [sflag:$0x4], $0x80, $0x38;
	[tilespmem:$0x1EC00] =	vst v63  }
0x331: {  	s29 =	simm.s32 $0x1DB00;
	s17 =	sadd.s32 s24, s12  }
0x332: {  	[hbm4b:s17+s3] =	stream.linear.scatter [tilespmem:s29], [sflag:$0x4], $0x80, $0x38;
	[tilespmem:$0x1EC00] =	vst v63  }
0x333: {  	s31 =	simm.s32 $0x1DB88;
	s30 =	sadd.s32 $0x10, s17  }
0x334: {  	[hbm4b:s30+s3] =	stream.linear.scatter [tilespmem:s31], [sflag:$0x4], $0x80, $0x38;
	[tilespmem:$0x1EC00] =	vst v63  }
0x335: {  	s28 =	sadd.s32 $0x20, s17;
	s29 =	simm.s32 $0x1DC10  }
0x336: {  	[hbm4b:s28+s3] =	stream.linear.scatter [tilespmem:s29], [sflag:$0x4], $0x80, $0x38;
	[tilespmem:$0x1EC00] =	vst v63  }
0x337: {  	s30 =	sadd.s32 $0x30, s17;
	s31 =	simm.s32 $0x1DC98  }
0x338: {  	[hbm4b:s30+s3] =	stream.linear.scatter [tilespmem:s31], [sflag:$0x4], $0x80, $0x38;
	[tilespmem:$0x1EC00] =	vst v63  }
0x339: {  	s28 =	sadd.s32 $0x40, s17;
	s29 =	simm.s32 $0x1DD20  }
0x33a: {  	[hbm4b:s28+s3] =	stream.linear.scatter [tilespmem:s29], [sflag:$0x4], $0x80, $0x38;
	[tilespmem:$0x1EC00] =	vst v63  }
0x33b: {  	s30 =	sadd.s32 $0x50, s17;
	s31 =	simm.s32 $0x1DDA8  }
0x33c: {  	[hbm4b:s30+s3] =	stream.linear.scatter [tilespmem:s31], [sflag:$0x4], $0x80, $0x38;
	[tilespmem:$0x1EC00] =	vst v63  }
0x33d: {  	s28 =	sadd.s32 $0x60, s17;
	s29 =	simm.s32 $0x1DE30  }
0x33e: {  	[hbm4b:s28+s3] =	stream.linear.scatter [tilespmem:s29], [sflag:$0x4], $0x80, $0x38;
	[tilespmem:$0x1EC00] =	vst v63  }
0x33f: {  	s30 =	sadd.s32 $0x70, s17;
	s31 =	simm.s32 $0x1DEB8  }
0x340: {  	[hbm4b:s30+s3] =	stream.linear.scatter [tilespmem:s31], [sflag:$0x4], $0x80, $0x38;
	[tilespmem:$0x1EC00] =	vst v63  }
0x341: {  	s28 =	sadd.s32 $0x80, s17;
	s29 =	simm.s32 $0x1DF40  }
0x342: {  	[hbm4b:s28+s3] =	stream.linear.scatter [tilespmem:s29], [sflag:$0x4], $0x80, $0x38;
	[tilespmem:$0x1EC00] =	vst v63  }
0x343: {  	s30 =	sadd.s32 $0x90, s17;
	s31 =	simm.s32 $0x1DFC8  }
0x344: {  	[hbm4b:s30+s3] =	stream.linear.scatter [tilespmem:s31], [sflag:$0x4], $0x80, $0x38;
	[tilespmem:$0x1EC00] =	vst v63  }
0x345: {  	s28 =	sadd.s32 $0xA0, s17;
	s29 =	simm.s32 $0x1E050  }
0x346: {  	[hbm4b:s28+s3] =	stream.linear.scatter [tilespmem:s29], [sflag:$0x4], $0x80, $0x38;
	[tilespmem:$0x1EC00] =	vst v63  }
0x347: {  	s30 =	sadd.s32 $0xB0, s17;
	s31 =	simm.s32 $0x1E0D8  }
0x348: {  	[hbm4b:s30+s3] =	stream.linear.scatter [tilespmem:s31], [sflag:$0x4], $0x80, $0x38;
	[tilespmem:$0x1EC00] =	vst v63  }
0x349: {  	s28 =	sadd.s32 $0xC0, s17;
	s29 =	simm.s32 $0x1E160  }
0x34a: {  	[hbm4b:s28+s3] =	stream.linear.scatter [tilespmem:s29], [sflag:$0x4], $0x80, $0x38;
	[tilespmem:$0x1EC00] =	vst v63  }
0x34b: {  	s30 =	sadd.s32 $0xD0, s17;
	s31 =	simm.s32 $0x1E1E8  }
0x34c: {  	[hbm4b:s30+s3] =	stream.linear.scatter [tilespmem:s31], [sflag:$0x4], $0x80, $0x38;
	[tilespmem:$0x1EC00] =	vst v63  }
0x34d: {  	s28 =	sadd.s32 $0xE0, s17;
	s29 =	simm.s32 $0x1E270  }
0x34e: {  	[hbm4b:s28+s3] =	stream.linear.scatter [tilespmem:s29], [sflag:$0x4], $0x80, $0x38;
	[tilespmem:$0x1EC00] =	vst v63  }
0x34f: {  	s17 =	sadd.s32 $0xF0, s17;
	s30 =	simm.s32 $0x1E2F8  }
0x350: {  	[hbm4b:s17+s3] =	stream.linear.scatter [tilespmem:s30], [sflag:$0x4], $0x80, $0x38;
	[tilespmem:$0x1EC00] =	vst v63  }
0x351: {  	s31 =	simm.s32 $0x1E380;
	s17 =	sadd.s32 s24, s13  }
0x352: {  	[hbm4b:s17+s3] =	stream.linear.scatter [tilespmem:s31], [sflag:$0x4], $0x80, $0x38;
	[tilespmem:$0x1EC00] =	vst v63  }
0x353: {  	s26 =	simm.s32 $0x1E408;
	s25 =	sadd.s32 $0x10, s17  }
0x354: {  	[hbm4b:s25+s3] =	stream.linear.scatter [tilespmem:s26], [sflag:$0x4], $0x80, $0x38;
	[tilespmem:$0x1EC00] =	vst v63  }
0x355: {  	s29 =	simm.s32 $0x1E490;
	s28 =	sadd.s32 $0x20, s17  }
0x356: {  	[hbm4b:s28+s3] =	stream.linear.scatter [tilespmem:s29], [sflag:$0x4], $0x80, $0x38;
	[tilespmem:$0x1EC00] =	vst v63  }
0x357: {  	s30 =	sadd.s32 $0x30, s17;
	s31 =	simm.s32 $0x1E518  }
0x358: {  	[hbm4b:s30+s3] =	stream.linear.scatter [tilespmem:s31], [sflag:$0x4], $0x80, $0x38;
	[tilespmem:$0x1EC00] =	vst v63  }
0x359: {  	s25 =	sadd.s32 $0x40, s17;
	s26 =	simm.s32 $0x1E5A0  }
0x35a: {  	[hbm4b:s25+s3] =	stream.linear.scatter [tilespmem:s26], [sflag:$0x4], $0x80, $0x38;
	[tilespmem:$0x1EC00] =	vst v63  }
0x35b: {  	s28 =	sadd.s32 $0x50, s17;
	s29 =	simm.s32 $0x1E628  }
0x35c: {  	[hbm4b:s28+s3] =	stream.linear.scatter [tilespmem:s29], [sflag:$0x4], $0x80, $0x38;
	[tilespmem:$0x1EC00] =	vst v63  }
0x35d: {  	s30 =	sadd.s32 $0x60, s17;
	s31 =	simm.s32 $0x1E6B0  }
0x35e: {  	[hbm4b:s30+s3] =	stream.linear.scatter [tilespmem:s31], [sflag:$0x4], $0x80, $0x38;
	[tilespmem:$0x1EC00] =	vst v63  }
0x35f: {  	s26 =	sadd.s32 $0x70, s17;
	s28 =	simm.s32 $0x1E738  }
0x360: {  	[hbm4b:s26+s3] =	stream.linear.scatter [tilespmem:s28], [sflag:$0x4], $0x80, $0x38;
	[tilespmem:$0x1EC00] =	vst v63  }
0x361: {  	s29 =	sadd.s32 $0x80, s17  }
0x362: {  	[hbm4b:s29+s3] =	stream.linear.scatter [tilespmem:s18], [sflag:$0x4], $0x80, $0x38;
	[tilespmem:$0x1EC00] =	vst v63  }
0x363: {  	s30 =	sadd.s32 $0x90, s17  }
0x364: {  	[hbm4b:s30+s3] =	stream.linear.scatter [tilespmem:s6], [sflag:$0x4], $0x80, $0x38;
	[tilespmem:$0x1EC00] =	vst v63  }
0x365: {  	s31 =	sadd.s32 $0xA0, s17  }
0x366: {  	[hbm4b:s31+s3] =	stream.linear.scatter [tilespmem:s14], [sflag:$0x4], $0x80, $0x38;
	[tilespmem:$0x1EC00] =	vst v63  }
0x367: {  	s25 =	sadd.s32 $0xB0, s17  }
0x368: {  	[hbm4b:s25+s3] =	stream.linear.scatter [tilespmem:s15], [sflag:$0x4], $0x80, $0x38;
	[tilespmem:$0x1EC00] =	vst v63  }
0x369: {  	s23 =	sadd.s32 $0x1, s23;
	s26 =	sadd.s32 $0xC0, s17  }
0x36a: {  	[hbm4b:s26+s3] =	stream.linear.scatter [tilespmem:s20], [sflag:$0x4], $0x80, $0x38;
	[tilespmem:$0x1EC00] =	vst v63  }
0x36b: {  	p0 =	sne.s32 s23, $0x32;
	s28 =	sadd.s32 $0xD0, s17  }
0x36c: {  	[hbm4b:s28+s3] =	stream.linear.scatter [tilespmem:s21], [sflag:$0x4], $0x80, $0x38;
	[tilespmem:$0x1EC00] =	vst v63  }
.Ltmp2:
0x36d: {  	_ = 	snop;
	(pc) =	sbr.rel @p0 .LBB2_2-.Ltmp2, $4  }
0x36e: {  	s29 =	sadd.s32 $0xE0, s17;
	s30 =	simm.s32 $0x1EAF0  }
0x36f: {  	[hbm4b:s29+s3] =	stream.linear.scatter [tilespmem:s30], [sflag:$0x4], $0x80, $0x38;
	[tilespmem:$0x1EC00] =	vst v63  }
0x370: {  	s17 =	sadd.s32 $0xF0, s17;
	s31 =	simm.s32 $0x1EB78  }
0x371: {  	[hbm4b:s17+s3] =	stream.linear.scatter [tilespmem:s31], [sflag:$0x4], $0x80, $0x38;
	[tilespmem:$0x1EC00] =	vst v63  }
0x372: {  	s17 =	simm.s32 $0x3  }
0x373: {  	_ =	swait.ge [sflag:s17], $0x800  }
0x374: {  	[sflag:s17] =	ssyncset.done $0x0  }
0x375: {  	[sflag:s17] =	ssyncadd.s32 $0xFFFFF800  }
0x376: {  	_ =	swait.ge [sflag:s17], $0x800  }
0x377: {  	[sflag:s17] =	ssyncset.done $0x0  }
0x378: {  	[sflag:s17] =	ssyncadd.s32 $0xFFFFF800  }
0x379: {  	_ =	swait.ge [sflag:s17], $0x800  }
0x37a: {  	[sflag:s17] =	ssyncset.done $0x0  }
0x37b: {  	[sflag:s17] =	ssyncadd.s32 $0xFFFFF800  }
0x37c: {  	_ =	swait.ge [sflag:s17], $0x800  }
0x37d: {  	[sflag:s17] =	ssyncset.done $0x0  }
0x37e: {  	[sflag:s17] =	ssyncadd.s32 $0xFFFFF800  }
0x37f: {  	_ =	swait.ge [sflag:s17], $0x800  }
0x380: {  	[sflag:s17] =	ssyncset.done $0x0  }
0x381: {  	[sflag:s17] =	ssyncadd.s32 $0xFFFFF800  }
0x382: {  	_ =	swait.ge [sflag:s17], $0x800  }
0x383: {  	[sflag:s17] =	ssyncset.done $0x0  }
0x384: {  	[sflag:s17] =	ssyncadd.s32 $0xFFFFF800  }
0x385: {  	_ =	swait.ge [sflag:s17], $0x800  }
0x386: {  	[sflag:s17] =	ssyncset.done $0x0  }
0x387: {  	[sflag:s17] =	ssyncadd.s32 $0xFFFFF800  }
0x388: {  	_ =	swait.ge [sflag:s17], $0x800  }
0x389: {  	[sflag:s17] =	ssyncset.done $0x0  }
0x38a: {  	s23 =	simm.s32 $0x4;
	[sflag:s17] =	ssyncadd.s32 $0xFFFFF800  }
0x38b: {  	_ =	swait.ge [sflag:s23], $0x800  }
0x38c: {  	[sflag:s23] =	ssyncset.done $0x0  }
0x38d: {  	[sflag:s23] =	ssyncadd.s32 $0xFFFFF800  }
0x38e: {  	_ =	swait.ge [sflag:s23], $0x800  }
0x38f: {  	[sflag:s23] =	ssyncset.done $0x0  }
0x390: {  	[sflag:s23] =	ssyncadd.s32 $0xFFFFF800  }
0x391: {  	_ =	swait.ge [sflag:s23], $0x800  }
0x392: {  	[sflag:s23] =	ssyncset.done $0x0  }
0x393: {  	[sflag:s23] =	ssyncadd.s32 $0xFFFFF800  }
0x394: {  	_ =	swait.ge [sflag:s23], $0x800  }
0x395: {  	[sflag:s23] =	ssyncset.done $0x0  }
0x396: {  	[sflag:s23] =	ssyncadd.s32 $0xFFFFF800  }
0x397: {  	_ =	swait.ge [sflag:s23], $0x800  }
0x398: {  	[sflag:s23] =	ssyncset.done $0x0  }
0x399: {  	[sflag:s23] =	ssyncadd.s32 $0xFFFFF800  }
0x39a: {  	_ =	swait.ge [sflag:s23], $0x800  }
0x39b: {  	[sflag:s23] =	ssyncset.done $0x0  }
0x39c: {  	[sflag:s23] =	ssyncadd.s32 $0xFFFFF800  }
0x39d: {  	_ =	swait.ge [sflag:s23], $0x800  }
0x39e: {  	[sflag:s23] =	ssyncset.done $0x0  }
0x39f: {  	[sflag:s23] =	ssyncadd.s32 $0xFFFFF800  }
0x3a0: {  	_ =	swait.ge [sflag:s23], $0x800  }
0x3a1: {  	s24 =	rddreg [dreg:$0x5]  }
0x3a2: {  	s31 =	rddreg [dreg:$0x4];
	s24 =	sadd.s32 $0x1, s24  }
0x3a3: {  	p0 =	sne.s32 s24, s31  }
.Ltmp3:
0x3a4: {  	_ = 	snop;
	(pc) =	sbr.rel @p0 .LBB2_1-.Ltmp3, $3  }
0x3a5: {  	_ =	sdelay $0x1  }
0x3a6: {  	[sflag:s23] =	ssyncset.done $0x0  }
0x3a7: {  	[sflag:s23] =	ssyncadd.s32 $0xFFFFF800  }
0x3a8: {  	_ =	sfence.sel $0x180000  }
0x3a9: {  	[bflag:$0x0] =	sbarrier.arrive $0xFFFF  }
0x3aa: {  	_ =	strace $0x90000047  }
0x3ab: {  	s0 =	stileid.u32;
	[bflag:$0x2] =	sbarrier.arrive $0xFFFF  }
0x3ac: {  	p0 =	sne.s32 s0, $0x0;
	s0 =	rddreg [dreg:$0x2]  }
0x3ad: {  	s0 =	sadd.s32 @!p0 $0x100000, s0  }
0x3ae: {  	[sflag:s0] =	ssyncadd.tile.s32 @!p0 $0x1;
	_ =	shalt  }
.Lfunc_end2:
_tile_overlayer_lowered:
.L_overlay_start_2:
0x3af: {  	(tag) =	ssettag $0x2  }
0x3b0: {  	s0 =	rddreg [dreg:$0x0];
	s2 =	stileid.u32  }
0x3b1: {  	s1 =	rddreg [dreg:$0x1];
	p0 =	sne.s32 s2, $0x0  }
0x3b2: {  	s3 =	rddreg [dreg:$0x2];
	[bflag:$0x3] =	sbarrier.arrive $0xFFFF;
	s2 =	simm.s32 @!p0 $0x1C05  }
0x3b3: {  	[timem:s3], [sflag:s2] =	dma.local @!p0 [hbm:s0], s1  }
0x3b4: {  	s0 =	simm.s32 @!p0 $0x5  }
0x3b5: {  	_ =	swait.ge @!p0 [sflag:s0], s1  }
0x3b6: {  	s1 =	ssub.s32 @!p0 $0x0, s1;
	[sflag:s0] =	ssyncset.done @!p0 $0x0  }
0x3b7: {  	[sflag:s0] =	ssyncadd.s32 @!p0 s1  }
0x3b8: {  	[bflag:$0x3] =	sbarrier.arrive $0xFFFF  }
0x3b9: {  	_ =	shalt  }

</sc_bundles>
